<compile_context>
chip_gen: v7x
topology: tpu7x:2x2x1
jax: 0.10.2.dev20260603
libtpu: 0.0.44.dev20260713+nightly
codegen_flags: <defaults>
</compile_context>

<pallas_src>
import functools

import jax
import jax.numpy as jnp
from jax import lax
from jax.experimental import pallas as pl
from jax.experimental.pallas import tpu as pltpu
from jax.experimental.pallas import tpu_sc as plsc

N = 10000
E = 320000
D = 128
NP = 10240
ZR = NP // 16
NC = 2
NS = 16
NW = NC * NS
EPW = E // NW
CH = 80
NCH = EPW // CH
CW = 16
NH = 5120
TR = 5760
TZR = TR // 16
ZCH = 72

_f32 = jnp.float32


def _enc_body(x, w0, b0, w1, b1, wa, wb, h_out, a_out, b_out):
    t = jnp.maximum(jnp.dot(x[...], w0[...], preferred_element_type=_f32) + b0[...], 0.0)
    h = jnp.dot(t, w1[...], preferred_element_type=_f32) + b1[...]
    h_out[...] = h
    a_out[...] = jnp.dot(h, wa[...], preferred_element_type=_f32)
    b_out[...] = jnp.dot(h, wb[...], preferred_element_type=_f32)


def _enc_call(x, w0, b0, w1, b1, wa, wb):
    blk = 1000
    grid = N // blk
    full = lambda r, c: pl.BlockSpec((r, c), lambda i: (0, 0))
    return pl.pallas_call(
        _enc_body,
        grid=(grid,),
        in_specs=[
            pl.BlockSpec((blk, D), lambda i: (i, 0)),
            full(D, D), full(1, D), full(D, D), full(1, D), full(D, D), full(D, D),
        ],
        out_specs=[pl.BlockSpec((blk, D), lambda i: (i, 0))] * 3,
        out_shape=[jax.ShapeDtypeStruct((N, D), _f32)] * 3,
    )(x, w0, b0, w1, b1, wa, wb)


def _gather_body(a_hbm, b_hbm, src_hbm, dst_hbm, g1_hbm, g2_hbm,
                 idx1a, idx1b, idx1c, idx2a, idx2b, idx2c,
                 buf1a, buf1b, buf1c, buf2a, buf2b, buf2c,
                 sem1a, sem1b, sem1c, sem2a, sem2b, sem2c):
    wid = lax.axis_index("s") * NC + lax.axis_index("c")
    idx1 = (idx1a, idx1b, idx1c)
    idx2 = (idx2a, idx2b, idx2c)
    buf1 = (buf1a, buf1b, buf1c)
    buf2 = (buf2a, buf2b, buf2c)
    sem1 = (sem1a, sem1b, sem1c)
    sem2 = (sem2a, sem2b, sem2c)

    def start(i, p):
        base = wid * EPW + i * CH
        pltpu.sync_copy(src_hbm.at[pl.ds(base, CH)], idx1[p])
        pltpu.sync_copy(dst_hbm.at[pl.ds(base, CH)], idx2[p])
        pltpu.async_copy(a_hbm.at[idx1[p]], buf1[p], sem1[p])
        pltpu.async_copy(b_hbm.at[idx2[p]], buf2[p], sem2[p])

    def finish(i, p):
        base = wid * EPW + i * CH
        pltpu.make_async_copy(a_hbm.at[idx1[p]], buf1[p], sem1[p]).wait()
        pltpu.make_async_copy(b_hbm.at[idx2[p]], buf2[p], sem2[p]).wait()
        pltpu.sync_copy(buf1[p], g1_hbm.at[pl.ds(base, CH)])
        pltpu.sync_copy(buf2[p], g2_hbm.at[pl.ds(base, CH)])

    start(0, 0)
    start(1, 1)
    start(2, 2)

    def body(j, carry):
        i = 3 * j
        finish(i, 0)
        start(i + 3, 0)
        finish(i + 1, 1)
        start(i + 4, 1)
        finish(i + 2, 2)
        start(i + 5, 2)
        return carry

    lax.fori_loop(0, (NCH - 5) // 3, body, 0)
    finish(NCH - 5, 0)
    start(NCH - 2, 0)
    finish(NCH - 4, 1)
    start(NCH - 1, 1)
    finish(NCH - 3, 2)
    finish(NCH - 2, 0)
    finish(NCH - 1, 1)


@functools.cache
def _make_gather():
    return pl.kernel(
        _gather_body,
        out_type=(jax.ShapeDtypeStruct((E, D), _f32),
                  jax.ShapeDtypeStruct((E, D), _f32)),
        mesh=plsc.VectorSubcoreMesh(core_axis_name="c", subcore_axis_name="s",
                                    num_cores=NC, num_subcores=NS),
        scratch_types=(
            [pltpu.VMEM((CH,), jnp.int32)] * 6
            + [pltpu.VMEM((CH, D), _f32)] * 6
            + [pltpu.SemaphoreType.DMA] * 6
        ),
    )


def _gather_call(a_proj, b_proj, src, dst):
    return _make_gather()(a_proj, b_proj, src, dst)


def _edge_body(g1, g2, ea, w0e, b0, w1, b1, out):
    u = (g1[...] + g2[...]
         + jnp.dot(ea[...], w0e[...], preferred_element_type=_f32) + b0[...])
    u = jnp.maximum(u, 0.0)
    v = jnp.dot(u, w1[...], preferred_element_type=_f32) + b1[...]
    out[...] = jnp.maximum(v, 0.0)


def _edge_call(g1, g2, ea, w0e, b0, w1, b1):
    blk = 4000
    grid = E // blk
    sd1 = ea.shape[1]
    full = lambda r, c: pl.BlockSpec((r, c), lambda i: (0, 0))
    return pl.pallas_call(
        _edge_body,
        grid=(grid,),
        in_specs=[
            pl.BlockSpec((blk, D), lambda i: (i, 0)),
            pl.BlockSpec((blk, D), lambda i: (i, 0)),
            pl.BlockSpec((blk, sd1), lambda i: (i, 0)),
            full(sd1, D), full(1, D), full(D, D), full(1, D),
        ],
        out_specs=pl.BlockSpec((blk, D), lambda i: (i, 0)),
        out_shape=jax.ShapeDtypeStruct((E, D), _f32),
    )(g1, g2, ea, w0e, b0, w1, b1)


def _scatter_body(v_hbm, dst_hbm, zrow_hbm, ones_hbm,
                  agg_out, cnt_out, idxa, idxb, bufa, bufb, obuf, vals_sh,
                  sema, semb):
    cid = lax.axis_index("c")
    sid = lax.axis_index("s")
    lo = cid * NH
    zn = TZR // ZCH
    ept = E // NS

    def zero_own_rows():
        pltpu.sync_copy(zrow_hbm, bufa.at[pl.ds(0, ZCH)])
        for j in range(zn):
            pltpu.sync_copy(bufa.at[pl.ds(0, ZCH)],
                            vals_sh.at[pl.ds(sid * TZR + j * ZCH, ZCH)])

    def drain_own_rows(out):
        for j in range(zn):
            pltpu.sync_copy(vals_sh.at[pl.ds(sid * TZR + j * ZCH, ZCH)],
                            bufa.at[pl.ds(0, ZCH)])
            pltpu.sync_copy(bufa.at[pl.ds(0, ZCH)],
                            out.at[cid, pl.ds(sid * TZR + j * ZCH, ZCH)])

    nchs = ept // CH
    idxs = (idxa, idxb)
    bufs = (bufa, bufb)
    sems = (sema, semb)

    def sweep(with_vals):
        def load(i, p):
            base = sid * ept + i * CH
            pltpu.sync_copy(dst_hbm.at[pl.ds(base, CH)], idxs[p])
            if with_vals:
                pltpu.sync_copy(v_hbm.at[pl.ds(base, CH)], bufs[p])

        def addstart(p):
            for k in range(CH // 16):
                w = idxs[p][pl.ds(16 * k, 16)] - lo
                ok = (w >= 0) & (w < NH)
                idxs[p][pl.ds(16 * k, 16)] = jnp.where(ok, w, NH)
            src = bufs[p] if with_vals else obuf
            pltpu.async_copy(src, vals_sh.at[idxs[p]], sems[p], add=True)

        def addwait(p):
            src = bufs[p] if with_vals else obuf
            pltpu.make_async_copy(src, vals_sh.at[idxs[p]], sems[p]).wait()

        load(0, 0)
        addstart(0)
        load(1, 1)
        addstart(1)

        def body(j, carry):
            i = 2 * j
            addwait(0)
            load(i + 2, 0)
            addstart(0)
            addwait(1)
            load(i + 3, 1)
            addstart(1)
            return carry

        lax.fori_loop(0, (nchs - 2) // 2, body, 0)
        addwait(0)
        addwait(1)

    zero_own_rows()
    plsc.subcore_barrier()
    sweep(True)
    plsc.subcore_barrier()
    drain_own_rows(agg_out)
    zero_own_rows()
    pltpu.sync_copy(ones_hbm, obuf)
    plsc.subcore_barrier()
    sweep(False)
    plsc.subcore_barrier()
    drain_own_rows(cnt_out)


@functools.cache
def _make_scatter():
    return pl.kernel(
        _scatter_body,
        out_type=(jax.ShapeDtypeStruct((NC, TR, D), _f32),
                  jax.ShapeDtypeStruct((NC, TR, D), _f32)),
        mesh=plsc.VectorSubcoreMesh(core_axis_name="c", subcore_axis_name="s",
                                    num_cores=NC, num_subcores=NS),
        scratch_types=[
            pltpu.VMEM((CH,), jnp.int32),
            pltpu.VMEM((CH,), jnp.int32),
            pltpu.VMEM((CH, D), _f32),
            pltpu.VMEM((CH, D), _f32),
            pltpu.VMEM((CH, D), _f32),
            pltpu.VMEM_SHARED((TR, D), _f32),
            pltpu.SemaphoreType.DMA,
            pltpu.SemaphoreType.DMA,
        ],
    )


def _scatter_call(v, dst, zrow, ones):
    return _make_scatter()(v, dst, zrow, ones)


def _node_body(h, aggp, cntp, w2, b2, nw0h, nw0e, nb0, nw1, nb1,
               dw0, db0, dw1, db1, out):
    agg = aggp[...]
    cnt = cntp[...][:, 0:1]
    mean = agg / jnp.maximum(cnt, 1.0)
    eagg = (jnp.dot(mean, w2[...], preferred_element_type=_f32)
            + b2[...] * (cnt > 0.0).astype(_f32))
    t = jnp.maximum(jnp.dot(h[...], nw0h[...], preferred_element_type=_f32)
                    + jnp.dot(eagg, nw0e[...], preferred_element_type=_f32)
                    + nb0[...], 0.0)
    h2 = jnp.dot(t, nw1[...], preferred_element_type=_f32) + nb1[...]
    o = jnp.maximum(jnp.dot(h2, dw0[...], preferred_element_type=_f32) + db0[...], 0.0)
    out[...] = jnp.dot(o, dw1[...], preferred_element_type=_f32) + db1[...]


def _node_call(h, aggp, cntp, w2, b2, nw0h, nw0e, nb0, nw1, nb1,
               dw0, db0, dw1, db1):
    blk = 1000
    grid = N // blk
    full = lambda r, c: pl.BlockSpec((r, c), lambda i: (0, 0))
    return pl.pallas_call(
        _node_body,
        grid=(grid,),
        in_specs=[
            pl.BlockSpec((blk, D), lambda i: (i, 0)),
            pl.BlockSpec((blk, D), lambda i: (i, 0)),
            pl.BlockSpec((blk, D), lambda i: (i, 0)),
            full(D, D), full(1, D), full(D, D), full(D, D), full(1, D),
            full(D, D), full(1, D), full(D, D), full(1, D), full(D, D), full(1, D),
        ],
        out_specs=pl.BlockSpec((blk, D), lambda i: (i, 0)),
        out_shape=jax.ShapeDtypeStruct((N, D), _f32),
    )(h, aggp, cntp, w2, b2, nw0h, nw0e, nb0, nw1, nb1, dw0, db0, dw1, db1)


def kernel(x, edge_index, edge_attr, pos,
           enc_W0, enc_b0, enc_W1, enc_b1,
           edge_W0, edge_b0, edge_W1, edge_b1, edge_W2, edge_b2,
           node_W0, node_b0, node_W1, node_b1,
           dec_W0, dec_b0, dec_W1, dec_b1):
    del pos
    sd1 = edge_attr.shape[1]
    src = edge_index[0].astype(jnp.int32)
    dst = edge_index[1].astype(jnp.int32)

    w0e = edge_W0[:sd1]
    wa = edge_W0[sd1:sd1 + D] + edge_W0[sd1 + 2 * D:]
    wb = edge_W0[sd1 + D:sd1 + 2 * D] - edge_W0[sd1 + 2 * D:]
    r = lambda b: b.reshape(1, D)

    h, a_proj, b_proj = _enc_call(x, enc_W0, r(enc_b0), enc_W1, r(enc_b1), wa, wb)

    g1, g2 = _gather_call(a_proj, b_proj, src, dst)

    v = _edge_call(g1, g2, edge_attr, w0e, r(edge_b0), edge_W1, r(edge_b1))

    zrow = jnp.zeros((ZCH, D), _f32)
    ones = jnp.ones((CH, D), _f32)
    aggp, cntp = _scatter_call(v, dst, zrow, ones)
    agg_lin = aggp[:, :NH].reshape(NC * NH, D)
    cnt_lin = cntp[:, :NH].reshape(NC * NH, D)

    return _node_call(h, agg_lin, cnt_lin, edge_W2, r(edge_b2),
                      node_W0[:D], node_W0[D:], r(node_b0),
                      node_W1, r(node_b1), dec_W0, r(dec_b0),
                      dec_W1, r(dec_b1))

# --- scband reference (transcript-rebuilt; emitter-appended) ---
"""Pipeline reference for scband-mp-gnn-29480655520367 (READ-ONLY COPY).

The authoritative reference and input builder live on the scoring server;
editing this copy changes nothing except your own understanding.
"""

import jax, jax.numpy as jnp
import numpy as np

N = 10000
E = 320000
D = 128
SD = 3


def _lin(key, fan_in, fan_out):
    kw, kb = jax.random.split(key)
    lim = 1.0 / np.sqrt(fan_in)
    W = jax.random.uniform(kw, (fan_in, fan_out), minval=-lim, maxval=lim, dtype=jnp.float32)
    b = jax.random.uniform(kb, (fan_out,), minval=-lim, maxval=lim, dtype=jnp.float32)
    return W, b


def setup_inputs(seed: int = 0) -> dict:
    key = jax.random.key(seed)
    ks = jax.random.split(key, 16)
    x = jax.random.normal(ks[0], (N, D), dtype=jnp.float32)
    edge_index = jax.random.randint(ks[1], (2, E), 0, N)
    edge_attr = jax.random.normal(ks[2], (E, SD + 1), dtype=jnp.float32)
    pos = jax.random.normal(ks[3], (N, SD), dtype=jnp.float32)
    enc_W0, enc_b0 = _lin(ks[4], D, D)
    enc_W1, enc_b1 = _lin(ks[5], D, D)
    edge_W0, edge_b0 = _lin(ks[6], 3 * D + SD + 1, D)
    edge_W1, edge_b1 = _lin(ks[7], D, D)
    edge_W2, edge_b2 = _lin(ks[8], D, D)
    node_W0, node_b0 = _lin(ks[9], 2 * D, D)
    node_W1, node_b1 = _lin(ks[10], D, D)
    dec_W0, dec_b0 = _lin(ks[11], D, D)
    dec_W1, dec_b1 = _lin(ks[12], D, D)
    return {
        'x': x, 'edge_index': edge_index, 'edge_attr': edge_attr, 'pos': pos,
        'enc_W0': enc_W0, 'enc_b0': enc_b0, 'enc_W1': enc_W1, 'enc_b1': enc_b1,
        'edge_W0': edge_W0, 'edge_b0': edge_b0, 'edge_W1': edge_W1, 'edge_b1': edge_b1,
        'edge_W2': edge_W2, 'edge_b2': edge_b2,
        'node_W0': node_W0, 'node_b0': node_b0, 'node_W1': node_W1, 'node_b1': node_b1,
        'dec_W0': dec_W0, 'dec_b0': dec_b0, 'dec_W1': dec_W1, 'dec_b1': dec_b1,
    }


def reference(x, edge_index, edge_attr, pos,
              enc_W0, enc_b0, enc_W1, enc_b1,
              edge_W0, edge_b0, edge_W1, edge_b1, edge_W2, edge_b2,
              node_W0, node_b0, node_W1, node_b1,
              dec_W0, dec_b0, dec_W1, dec_b1):
    act = jax.nn.relu
    # node encoder (2 layers, act after all but last)
    h = act(x @ enc_W0 + enc_b0)
    h = h @ enc_W1 + enc_b1
    # mp layer
    src = edge_index[0]
    dst = edge_index[1]
    x_nei = jnp.take(h, src, axis=0)
    x_own = jnp.take(h, dst, axis=0)
    ea = jnp.concatenate([edge_attr, x_nei, x_own, x_nei - x_own], axis=1)
    # edge MLP (3 layers)
    ea = act(ea @ edge_W0 + edge_b0)
    ea = act(ea @ edge_W1 + edge_b1)
    ea = ea @ edge_W2 + edge_b2
    # mean aggregation of edge features onto dst nodes (PyG aggr='mean', source_to_target)
    agg_sum = jax.ops.segment_sum(ea, dst, num_segments=N)
    cnt = jax.ops.segment_sum(jnp.ones((E, 1), dtype=ea.dtype), dst, num_segments=N)
    edge_agg = agg_sum / jnp.maximum(cnt, 1.0)
    # node updater (2 layers)
    h2 = jnp.concatenate([h, edge_agg], axis=1)
    h2 = act(h2 @ node_W0 + node_b0)
    h2 = h2 @ node_W1 + node_b1
    # node decoder (2 layers, act after all but last)
    out = act(h2 @ dec_W0 + dec_b0)
    out = out @ dec_W1 + dec_b1
    return out

if __name__ == "__main__":
    import jax
    _d = setup_inputs()
    print(jax.jit(kernel)(*tuple(_d.values())))

</pallas_src>

<mosaic_0001>
#map = affine_map<(d0, d1) -> (0, 0)>
#map1 = affine_map<(d0, d1) -> (0)>
module attributes {stable_mosaic.version = 14 : i64} {
  func.func @_gather_body(%arg0: i32, %arg1: i32, %arg2: memref<10000x128xf32, #tpu.memory_space<hbm>>, %arg3: memref<10000x128xf32, #tpu.memory_space<hbm>>, %arg4: memref<320000xi32, #tpu.memory_space<hbm>>, %arg5: memref<320000xi32, #tpu.memory_space<hbm>>, %arg6: memref<320000x128xf32, #tpu.memory_space<hbm>>, %arg7: memref<320000x128xf32, #tpu.memory_space<hbm>>, %arg8: memref<80xi32, #tpu.memory_space<vmem>>, %arg9: memref<80xi32, #tpu.memory_space<vmem>>, %arg10: memref<80xi32, #tpu.memory_space<vmem>>, %arg11: memref<80xi32, #tpu.memory_space<vmem>>, %arg12: memref<80xi32, #tpu.memory_space<vmem>>, %arg13: memref<80xi32, #tpu.memory_space<vmem>>, %arg14: memref<80x128xf32, #tpu.memory_space<vmem>>, %arg15: memref<80x128xf32, #tpu.memory_space<vmem>>, %arg16: memref<80x128xf32, #tpu.memory_space<vmem>>, %arg17: memref<80x128xf32, #tpu.memory_space<vmem>>, %arg18: memref<80x128xf32, #tpu.memory_space<vmem>>, %arg19: memref<80x128xf32, #tpu.memory_space<vmem>>, %arg20: memref<!tpu.dma_semaphore, #tpu.memory_space<semaphore_mem>>, %arg21: memref<!tpu.dma_semaphore, #tpu.memory_space<semaphore_mem>>, %arg22: memref<!tpu.dma_semaphore, #tpu.memory_space<semaphore_mem>>, %arg23: memref<!tpu.dma_semaphore, #tpu.memory_space<semaphore_mem>>, %arg24: memref<!tpu.dma_semaphore, #tpu.memory_space<semaphore_mem>>, %arg25: memref<!tpu.dma_semaphore, #tpu.memory_space<semaphore_mem>>) attributes {dimension_semantics = [#tpu.dimension_semantics<core_parallel>, #tpu.dimension_semantics<subcore_parallel>], iteration_bounds = array<i64: 2, 16>, scalar_prefetch = 0 : i64, scratch_operands = 18 : i64, tpu.core_type = #tpu.core_type<sc_vector_subcore>, window_params = [{transform_indices = #map}, {transform_indices = #map}, {transform_indices = #map1}, {transform_indices = #map1}, {transform_indices = #map}, {transform_indices = #map}]} {
    %mul3A = arith.constant 2 : i32
    %mul3A_0 = arith.muli %arg1, %mul3A : i32
    %add3A = arith.addi %mul3A_0, %arg0 : i32
    %mul3A_1 = arith.constant 10000 : i32
    %mul3A_2 = arith.muli %add3A, %mul3A_1 : i32
    %add3A_3 = arith.constant 0 : i32
    %add3A_4 = arith.addi %mul3A_2, %add3A_3 : i32
    "tpu.region"() ({
      %run_scoped3A = tpu.sem_alloc : memref<!tpu.dma_semaphore, #tpu.memory_space<semaphore_mem>>
      %dma_start3A_104 = tpu.memref_slice %arg4[%add3A_4] : memref<320000xi32, #tpu.memory_space<hbm>> -> memref<80xi32, #tpu.memory_space<hbm>>
      %dma_start3A_105 = tpu.memref_slice %arg4[%add3A_4] : memref<320000xi32, #tpu.memory_space<hbm>> -> memref<80xi32, #tpu.memory_space<hbm>>
      tpu.enqueue_dma source(%dma_start3A_105 : memref<80xi32, #tpu.memory_space<hbm>>) target(%arg8 : memref<80xi32, #tpu.memory_space<vmem>>) target_semaphore(%run_scoped3A : memref<!tpu.dma_semaphore, #tpu.memory_space<semaphore_mem>>)
      %dma_wait3A_106 = tpu.memref_slice %arg4[%add3A_4] : memref<320000xi32, #tpu.memory_space<hbm>> -> memref<80xi32, #tpu.memory_space<hbm>>
      %dma_wait3A_107 = tpu.memref_slice %arg4[%add3A_4] : memref<320000xi32, #tpu.memory_space<hbm>> -> memref<80xi32, #tpu.memory_space<hbm>>
      tpu.wait_dma2 semaphore(%run_scoped3A : memref<!tpu.dma_semaphore, #tpu.memory_space<semaphore_mem>>) src(%dma_wait3A_107 : memref<80xi32, #tpu.memory_space<hbm>>) dst(%arg8 : memref<80xi32, #tpu.memory_space<vmem>>)
      tpu.yield
    }) : () -> ()
    "tpu.region"() ({
      %run_scoped3A = tpu.sem_alloc : memref<!tpu.dma_semaphore, #tpu.memory_space<semaphore_mem>>
      %dma_start3A_104 = tpu.memref_slice %arg5[%add3A_4] : memref<320000xi32, #tpu.memory_space<hbm>> -> memref<80xi32, #tpu.memory_space<hbm>>
      %dma_start3A_105 = tpu.memref_slice %arg5[%add3A_4] : memref<320000xi32, #tpu.memory_space<hbm>> -> memref<80xi32, #tpu.memory_space<hbm>>
      tpu.enqueue_dma source(%dma_start3A_105 : memref<80xi32, #tpu.memory_space<hbm>>) target(%arg11 : memref<80xi32, #tpu.memory_space<vmem>>) target_semaphore(%run_scoped3A : memref<!tpu.dma_semaphore, #tpu.memory_space<semaphore_mem>>)
      %dma_wait3A_106 = tpu.memref_slice %arg5[%add3A_4] : memref<320000xi32, #tpu.memory_space<hbm>> -> memref<80xi32, #tpu.memory_space<hbm>>
      %dma_wait3A_107 = tpu.memref_slice %arg5[%add3A_4] : memref<320000xi32, #tpu.memory_space<hbm>> -> memref<80xi32, #tpu.memory_space<hbm>>
      tpu.wait_dma2 semaphore(%run_scoped3A : memref<!tpu.dma_semaphore, #tpu.memory_space<semaphore_mem>>) src(%dma_wait3A_107 : memref<80xi32, #tpu.memory_space<hbm>>) dst(%arg11 : memref<80xi32, #tpu.memory_space<vmem>>)
      tpu.yield
    }) : () -> ()
    %dma_start3A = arith.constant 0 : i32
    %dma_start3A_5 = arith.constant 0 : i32
    %dma_start3A_6 = tpu.memref_slice %arg2[%dma_start3A, %dma_start3A_5] : memref<10000x128xf32, #tpu.memory_space<hbm>> -> memref<10000x128xf32, #tpu.memory_space<hbm>>
    tpu.enqueue_indirect_dma source(%dma_start3A_6 : memref<10000x128xf32, #tpu.memory_space<hbm>>) target(%arg14 : memref<80x128xf32, #tpu.memory_space<vmem>>) offsets(%arg8 : memref<80xi32, #tpu.memory_space<vmem>>) semaphore(%arg20 : memref<!tpu.dma_semaphore, #tpu.memory_space<semaphore_mem>>)
    %dma_start3A_7 = arith.constant 0 : i32
    %dma_start3A_8 = arith.constant 0 : i32
    %dma_start3A_9 = tpu.memref_slice %arg3[%dma_start3A_7, %dma_start3A_8] : memref<10000x128xf32, #tpu.memory_space<hbm>> -> memref<10000x128xf32, #tpu.memory_space<hbm>>
    tpu.enqueue_indirect_dma source(%dma_start3A_9 : memref<10000x128xf32, #tpu.memory_space<hbm>>) target(%arg17 : memref<80x128xf32, #tpu.memory_space<vmem>>) offsets(%arg11 : memref<80xi32, #tpu.memory_space<vmem>>) semaphore(%arg23 : memref<!tpu.dma_semaphore, #tpu.memory_space<semaphore_mem>>)
    %mul3A_10 = arith.constant 10000 : i32
    %mul3A_11 = arith.muli %add3A, %mul3A_10 : i32
    %add3A_12 = arith.constant 80 : i32
    %add3A_13 = arith.addi %mul3A_11, %add3A_12 : i32
    "tpu.region"() ({
      %run_scoped3A = tpu.sem_alloc : memref<!tpu.dma_semaphore, #tpu.memory_space<semaphore_mem>>
      %dma_start3A_104 = tpu.memref_slice %arg4[%add3A_13] : memref<320000xi32, #tpu.memory_space<hbm>> -> memref<80xi32, #tpu.memory_space<hbm>>
      %dma_start3A_105 = tpu.memref_slice %arg4[%add3A_13] : memref<320000xi32, #tpu.memory_space<hbm>> -> memref<80xi32, #tpu.memory_space<hbm>>
      tpu.enqueue_dma source(%dma_start3A_105 : memref<80xi32, #tpu.memory_space<hbm>>) target(%arg9 : memref<80xi32, #tpu.memory_space<vmem>>) target_semaphore(%run_scoped3A : memref<!tpu.dma_semaphore, #tpu.memory_space<semaphore_mem>>)
      %dma_wait3A_106 = tpu.memref_slice %arg4[%add3A_13] : memref<320000xi32, #tpu.memory_space<hbm>> -> memref<80xi32, #tpu.memory_space<hbm>>
      %dma_wait3A_107 = tpu.memref_slice %arg4[%add3A_13] : memref<320000xi32, #tpu.memory_space<hbm>> -> memref<80xi32, #tpu.memory_space<hbm>>
      tpu.wait_dma2 semaphore(%run_scoped3A : memref<!tpu.dma_semaphore, #tpu.memory_space<semaphore_mem>>) src(%dma_wait3A_107 : memref<80xi32, #tpu.memory_space<hbm>>) dst(%arg9 : memref<80xi32, #tpu.memory_space<vmem>>)
      tpu.yield
    }) : () -> ()
    "tpu.region"() ({
      %run_scoped3A = tpu.sem_alloc : memref<!tpu.dma_semaphore, #tpu.memory_space<semaphore_mem>>
      %dma_start3A_104 = tpu.memref_slice %arg5[%add3A_13] : memref<320000xi32, #tpu.memory_space<hbm>> -> memref<80xi32, #tpu.memory_space<hbm>>
      %dma_start3A_105 = tpu.memref_slice %arg5[%add3A_13] : memref<320000xi32, #tpu.memory_space<hbm>> -> memref<80xi32, #tpu.memory_space<hbm>>
      tpu.enqueue_dma source(%dma_start3A_105 : memref<80xi32, #tpu.memory_space<hbm>>) target(%arg12 : memref<80xi32, #tpu.memory_space<vmem>>) target_semaphore(%run_scoped3A : memref<!tpu.dma_semaphore, #tpu.memory_space<semaphore_mem>>)
      %dma_wait3A_106 = tpu.memref_slice %arg5[%add3A_13] : memref<320000xi32, #tpu.memory_space<hbm>> -> memref<80xi32, #tpu.memory_space<hbm>>
      %dma_wait3A_107 = tpu.memref_slice %arg5[%add3A_13] : memref<320000xi32, #tpu.memory_space<hbm>> -> memref<80xi32, #tpu.memory_space<hbm>>
      tpu.wait_dma2 semaphore(%run_scoped3A : memref<!tpu.dma_semaphore, #tpu.memory_space<semaphore_mem>>) src(%dma_wait3A_107 : memref<80xi32, #tpu.memory_space<hbm>>) dst(%arg12 : memref<80xi32, #tpu.memory_space<vmem>>)
      tpu.yield
    }) : () -> ()
    %dma_start3A_14 = arith.constant 0 : i32
    %dma_start3A_15 = arith.constant 0 : i32
    %dma_start3A_16 = tpu.memref_slice %arg2[%dma_start3A_14, %dma_start3A_15] : memref<10000x128xf32, #tpu.memory_space<hbm>> -> memref<10000x128xf32, #tpu.memory_space<hbm>>
    tpu.enqueue_indirect_dma source(%dma_start3A_16 : memref<10000x128xf32, #tpu.memory_space<hbm>>) target(%arg15 : memref<80x128xf32, #tpu.memory_space<vmem>>) offsets(%arg9 : memref<80xi32, #tpu.memory_space<vmem>>) semaphore(%arg21 : memref<!tpu.dma_semaphore, #tpu.memory_space<semaphore_mem>>)
    %dma_start3A_17 = arith.constant 0 : i32
    %dma_start3A_18 = arith.constant 0 : i32
    %dma_start3A_19 = tpu.memref_slice %arg3[%dma_start3A_17, %dma_start3A_18] : memref<10000x128xf32, #tpu.memory_space<hbm>> -> memref<10000x128xf32, #tpu.memory_space<hbm>>
    tpu.enqueue_indirect_dma source(%dma_start3A_19 : memref<10000x128xf32, #tpu.memory_space<hbm>>) target(%arg18 : memref<80x128xf32, #tpu.memory_space<vmem>>) offsets(%arg12 : memref<80xi32, #tpu.memory_space<vmem>>) semaphore(%arg24 : memref<!tpu.dma_semaphore, #tpu.memory_space<semaphore_mem>>)
    %mul3A_20 = arith.constant 10000 : i32
    %mul3A_21 = arith.muli %add3A, %mul3A_20 : i32
    %add3A_22 = arith.constant 160 : i32
    %add3A_23 = arith.addi %mul3A_21, %add3A_22 : i32
    "tpu.region"() ({
      %run_scoped3A = tpu.sem_alloc : memref<!tpu.dma_semaphore, #tpu.memory_space<semaphore_mem>>
      %dma_start3A_104 = tpu.memref_slice %arg4[%add3A_23] : memref<320000xi32, #tpu.memory_space<hbm>> -> memref<80xi32, #tpu.memory_space<hbm>>
      %dma_start3A_105 = tpu.memref_slice %arg4[%add3A_23] : memref<320000xi32, #tpu.memory_space<hbm>> -> memref<80xi32, #tpu.memory_space<hbm>>
      tpu.enqueue_dma source(%dma_start3A_105 : memref<80xi32, #tpu.memory_space<hbm>>) target(%arg10 : memref<80xi32, #tpu.memory_space<vmem>>) target_semaphore(%run_scoped3A : memref<!tpu.dma_semaphore, #tpu.memory_space<semaphore_mem>>)
      %dma_wait3A_106 = tpu.memref_slice %arg4[%add3A_23] : memref<320000xi32, #tpu.memory_space<hbm>> -> memref<80xi32, #tpu.memory_space<hbm>>
      %dma_wait3A_107 = tpu.memref_slice %arg4[%add3A_23] : memref<320000xi32, #tpu.memory_space<hbm>> -> memref<80xi32, #tpu.memory_space<hbm>>
      tpu.wait_dma2 semaphore(%run_scoped3A : memref<!tpu.dma_semaphore, #tpu.memory_space<semaphore_mem>>) src(%dma_wait3A_107 : memref<80xi32, #tpu.memory_space<hbm>>) dst(%arg10 : memref<80xi32, #tpu.memory_space<vmem>>)
      tpu.yield
    }) : () -> ()
    "tpu.region"() ({
      %run_scoped3A = tpu.sem_alloc : memref<!tpu.dma_semaphore, #tpu.memory_space<semaphore_mem>>
      %dma_start3A_104 = tpu.memref_slice %arg5[%add3A_23] : memref<320000xi32, #tpu.memory_space<hbm>> -> memref<80xi32, #tpu.memory_space<hbm>>
      %dma_start3A_105 = tpu.memref_slice %arg5[%add3A_23] : memref<320000xi32, #tpu.memory_space<hbm>> -> memref<80xi32, #tpu.memory_space<hbm>>
      tpu.enqueue_dma source(%dma_start3A_105 : memref<80xi32, #tpu.memory_space<hbm>>) target(%arg13 : memref<80xi32, #tpu.memory_space<vmem>>) target_semaphore(%run_scoped3A : memref<!tpu.dma_semaphore, #tpu.memory_space<semaphore_mem>>)
      %dma_wait3A_106 = tpu.memref_slice %arg5[%add3A_23] : memref<320000xi32, #tpu.memory_space<hbm>> -> memref<80xi32, #tpu.memory_space<hbm>>
      %dma_wait3A_107 = tpu.memref_slice %arg5[%add3A_23] : memref<320000xi32, #tpu.memory_space<hbm>> -> memref<80xi32, #tpu.memory_space<hbm>>
      tpu.wait_dma2 semaphore(%run_scoped3A : memref<!tpu.dma_semaphore, #tpu.memory_space<semaphore_mem>>) src(%dma_wait3A_107 : memref<80xi32, #tpu.memory_space<hbm>>) dst(%arg13 : memref<80xi32, #tpu.memory_space<vmem>>)
      tpu.yield
    }) : () -> ()
    %dma_start3A_24 = arith.constant 0 : i32
    %dma_start3A_25 = arith.constant 0 : i32
    %dma_start3A_26 = tpu.memref_slice %arg2[%dma_start3A_24, %dma_start3A_25] : memref<10000x128xf32, #tpu.memory_space<hbm>> -> memref<10000x128xf32, #tpu.memory_space<hbm>>
    tpu.enqueue_indirect_dma source(%dma_start3A_26 : memref<10000x128xf32, #tpu.memory_space<hbm>>) target(%arg16 : memref<80x128xf32, #tpu.memory_space<vmem>>) offsets(%arg10 : memref<80xi32, #tpu.memory_space<vmem>>) semaphore(%arg22 : memref<!tpu.dma_semaphore, #tpu.memory_space<semaphore_mem>>)
    %dma_start3A_27 = arith.constant 0 : i32
    %dma_start3A_28 = arith.constant 0 : i32
    %dma_start3A_29 = tpu.memref_slice %arg3[%dma_start3A_27, %dma_start3A_28] : memref<10000x128xf32, #tpu.memory_space<hbm>> -> memref<10000x128xf32, #tpu.memory_space<hbm>>
    tpu.enqueue_indirect_dma source(%dma_start3A_29 : memref<10000x128xf32, #tpu.memory_space<hbm>>) target(%arg19 : memref<80x128xf32, #tpu.memory_space<vmem>>) offsets(%arg13 : memref<80xi32, #tpu.memory_space<vmem>>) semaphore(%arg25 : memref<!tpu.dma_semaphore, #tpu.memory_space<semaphore_mem>>)
    %scan3A = arith.constant 0 : i32
    %scan3A_30 = arith.constant 0 : i32
    %scan3A_31 = arith.constant 40 : i32
    %scan3A_32 = arith.addi %scan3A_30, %scan3A_31 : i32
    %scan3A_33 = arith.constant 1 : i32
    scf.for %scan3A_104 = %scan3A_30 to %scan3A_32 step %scan3A_33  : i32 {
      %mul3A_105 = arith.constant 3 : i32
      %mul3A_106 = arith.muli %mul3A_105, %scan3A_104 : i32
      %mul3A_107 = arith.constant 10000 : i32
      %mul3A_108 = arith.muli %add3A, %mul3A_107 : i32
      %mul3A_109 = arith.constant 80 : i32
      %mul3A_110 = arith.muli %mul3A_106, %mul3A_109 : i32
      %add3A_111 = arith.addi %mul3A_108, %mul3A_110 : i32
      %dma_wait3A_112 = arith.constant 0 : i32
      %dma_wait3A_113 = arith.constant 0 : i32
      %dma_wait3A_114 = tpu.memref_slice %arg2[%dma_wait3A_112, %dma_wait3A_113] : memref<10000x128xf32, #tpu.memory_space<hbm>> -> memref<10000x128xf32, #tpu.memory_space<hbm>>
      tpu.wait_indirect_dma semaphore(%arg20 : memref<!tpu.dma_semaphore, #tpu.memory_space<semaphore_mem>>) src(%dma_wait3A_114 : memref<10000x128xf32, #tpu.memory_space<hbm>>) dst(%arg14 : memref<80x128xf32, #tpu.memory_space<vmem>>)
      %dma_wait3A_115 = arith.constant 0 : i32
      %dma_wait3A_116 = arith.constant 0 : i32
      %dma_wait3A_117 = tpu.memref_slice %arg3[%dma_wait3A_115, %dma_wait3A_116] : memref<10000x128xf32, #tpu.memory_space<hbm>> -> memref<10000x128xf32, #tpu.memory_space<hbm>>
      tpu.wait_indirect_dma semaphore(%arg23 : memref<!tpu.dma_semaphore, #tpu.memory_space<semaphore_mem>>) src(%dma_wait3A_117 : memref<10000x128xf32, #tpu.memory_space<hbm>>) dst(%arg17 : memref<80x128xf32, #tpu.memory_space<vmem>>)
      "tpu.region"() ({
        %run_scoped3A = tpu.sem_alloc : memref<!tpu.dma_semaphore, #tpu.memory_space<semaphore_mem>>
        %dma_start3A_183 = arith.constant 0 : i32
        %dma_start3A_184 = tpu.memref_slice %arg6[%add3A_111, %dma_start3A_183] : memref<320000x128xf32, #tpu.memory_space<hbm>> -> memref<80x128xf32, #tpu.memory_space<hbm>>
        %dma_start3A_185 = arith.constant 0 : i32
        %dma_start3A_186 = tpu.memref_slice %arg6[%add3A_111, %dma_start3A_185] : memref<320000x128xf32, #tpu.memory_space<hbm>> -> memref<80x128xf32, #tpu.memory_space<hbm>>
        tpu.enqueue_dma source(%arg14 : memref<80x128xf32, #tpu.memory_space<vmem>>) target(%dma_start3A_186 : memref<80x128xf32, #tpu.memory_space<hbm>>) target_semaphore(%run_scoped3A : memref<!tpu.dma_semaphore, #tpu.memory_space<semaphore_mem>>)
        %dma_wait3A_187 = arith.constant 0 : i32
        %dma_wait3A_188 = tpu.memref_slice %arg6[%add3A_111, %dma_wait3A_187] : memref<320000x128xf32, #tpu.memory_space<hbm>> -> memref<80x128xf32, #tpu.memory_space<hbm>>
        %dma_wait3A_189 = arith.constant 0 : i32
        %dma_wait3A_190 = tpu.memref_slice %arg6[%add3A_111, %dma_wait3A_189] : memref<320000x128xf32, #tpu.memory_space<hbm>> -> memref<80x128xf32, #tpu.memory_space<hbm>>
        tpu.wait_dma2 semaphore(%run_scoped3A : memref<!tpu.dma_semaphore, #tpu.memory_space<semaphore_mem>>) src(%arg14 : memref<80x128xf32, #tpu.memory_space<vmem>>) dst(%dma_wait3A_190 : memref<80x128xf32, #tpu.memory_space<hbm>>)
        tpu.yield
      }) : () -> ()
      "tpu.region"() ({
        %run_scoped3A = tpu.sem_alloc : memref<!tpu.dma_semaphore, #tpu.memory_space<semaphore_mem>>
        %dma_start3A_183 = arith.constant 0 : i32
        %dma_start3A_184 = tpu.memref_slice %arg7[%add3A_111, %dma_start3A_183] : memref<320000x128xf32, #tpu.memory_space<hbm>> -> memref<80x128xf32, #tpu.memory_space<hbm>>
        %dma_start3A_185 = arith.constant 0 : i32
        %dma_start3A_186 = tpu.memref_slice %arg7[%add3A_111, %dma_start3A_185] : memref<320000x128xf32, #tpu.memory_space<hbm>> -> memref<80x128xf32, #tpu.memory_space<hbm>>
        tpu.enqueue_dma source(%arg17 : memref<80x128xf32, #tpu.memory_space<vmem>>) target(%dma_start3A_186 : memref<80x128xf32, #tpu.memory_space<hbm>>) target_semaphore(%run_scoped3A : memref<!tpu.dma_semaphore, #tpu.memory_space<semaphore_mem>>)
        %dma_wait3A_187 = arith.constant 0 : i32
        %dma_wait3A_188 = tpu.memref_slice %arg7[%add3A_111, %dma_wait3A_187] : memref<320000x128xf32, #tpu.memory_space<hbm>> -> memref<80x128xf32, #tpu.memory_space<hbm>>
        %dma_wait3A_189 = arith.constant 0 : i32
        %dma_wait3A_190 = tpu.memref_slice %arg7[%add3A_111, %dma_wait3A_189] : memref<320000x128xf32, #tpu.memory_space<hbm>> -> memref<80x128xf32, #tpu.memory_space<hbm>>
        tpu.wait_dma2 semaphore(%run_scoped3A : memref<!tpu.dma_semaphore, #tpu.memory_space<semaphore_mem>>) src(%arg17 : memref<80x128xf32, #tpu.memory_space<vmem>>) dst(%dma_wait3A_190 : memref<80x128xf32, #tpu.memory_space<hbm>>)
        tpu.yield
      }) : () -> ()
      %add3A_118 = arith.constant 3 : i32
      %add3A_119 = arith.addi %mul3A_106, %add3A_118 : i32
      %mul3A_120 = arith.constant 10000 : i32
      %mul3A_121 = arith.muli %add3A, %mul3A_120 : i32
      %mul3A_122 = arith.constant 80 : i32
      %mul3A_123 = arith.muli %add3A_119, %mul3A_122 : i32
      %add3A_124 = arith.addi %mul3A_121, %mul3A_123 : i32
      "tpu.region"() ({
        %run_scoped3A = tpu.sem_alloc : memref<!tpu.dma_semaphore, #tpu.memory_space<semaphore_mem>>
        %dma_start3A_183 = tpu.memref_slice %arg4[%add3A_124] : memref<320000xi32, #tpu.memory_space<hbm>> -> memref<80xi32, #tpu.memory_space<hbm>>
        %dma_start3A_184 = tpu.memref_slice %arg4[%add3A_124] : memref<320000xi32, #tpu.memory_space<hbm>> -> memref<80xi32, #tpu.memory_space<hbm>>
        tpu.enqueue_dma source(%dma_start3A_184 : memref<80xi32, #tpu.memory_space<hbm>>) target(%arg8 : memref<80xi32, #tpu.memory_space<vmem>>) target_semaphore(%run_scoped3A : memref<!tpu.dma_semaphore, #tpu.memory_space<semaphore_mem>>)
        %dma_wait3A_185 = tpu.memref_slice %arg4[%add3A_124] : memref<320000xi32, #tpu.memory_space<hbm>> -> memref<80xi32, #tpu.memory_space<hbm>>
        %dma_wait3A_186 = tpu.memref_slice %arg4[%add3A_124] : memref<320000xi32, #tpu.memory_space<hbm>> -> memref<80xi32, #tpu.memory_space<hbm>>
        tpu.wait_dma2 semaphore(%run_scoped3A : memref<!tpu.dma_semaphore, #tpu.memory_space<semaphore_mem>>) src(%dma_wait3A_186 : memref<80xi32, #tpu.memory_space<hbm>>) dst(%arg8 : memref<80xi32, #tpu.memory_space<vmem>>)
        tpu.yield
      }) : () -> ()
      "tpu.region"() ({
        %run_scoped3A = tpu.sem_alloc : memref<!tpu.dma_semaphore, #tpu.memory_space<semaphore_mem>>
        %dma_start3A_183 = tpu.memref_slice %arg5[%add3A_124] : memref<320000xi32, #tpu.memory_space<hbm>> -> memref<80xi32, #tpu.memory_space<hbm>>
        %dma_start3A_184 = tpu.memref_slice %arg5[%add3A_124] : memref<320000xi32, #tpu.memory_space<hbm>> -> memref<80xi32, #tpu.memory_space<hbm>>
        tpu.enqueue_dma source(%dma_start3A_184 : memref<80xi32, #tpu.memory_space<hbm>>) target(%arg11 : memref<80xi32, #tpu.memory_space<vmem>>) target_semaphore(%run_scoped3A : memref<!tpu.dma_semaphore, #tpu.memory_space<semaphore_mem>>)
        %dma_wait3A_185 = tpu.memref_slice %arg5[%add3A_124] : memref<320000xi32, #tpu.memory_space<hbm>> -> memref<80xi32, #tpu.memory_space<hbm>>
        %dma_wait3A_186 = tpu.memref_slice %arg5[%add3A_124] : memref<320000xi32, #tpu.memory_space<hbm>> -> memref<80xi32, #tpu.memory_space<hbm>>
        tpu.wait_dma2 semaphore(%run_scoped3A : memref<!tpu.dma_semaphore, #tpu.memory_space<semaphore_mem>>) src(%dma_wait3A_186 : memref<80xi32, #tpu.memory_space<hbm>>) dst(%arg11 : memref<80xi32, #tpu.memory_space<vmem>>)
        tpu.yield
      }) : () -> ()
      %dma_start3A_125 = arith.constant 0 : i32
      %dma_start3A_126 = arith.constant 0 : i32
      %dma_start3A_127 = tpu.memref_slice %arg2[%dma_start3A_125, %dma_start3A_126] : memref<10000x128xf32, #tpu.memory_space<hbm>> -> memref<10000x128xf32, #tpu.memory_space<hbm>>
      tpu.enqueue_indirect_dma source(%dma_start3A_127 : memref<10000x128xf32, #tpu.memory_space<hbm>>) target(%arg14 : memref<80x128xf32, #tpu.memory_space<vmem>>) offsets(%arg8 : memref<80xi32, #tpu.memory_space<vmem>>) semaphore(%arg20 : memref<!tpu.dma_semaphore, #tpu.memory_space<semaphore_mem>>)
      %dma_start3A_128 = arith.constant 0 : i32
      %dma_start3A_129 = arith.constant 0 : i32
      %dma_start3A_130 = tpu.memref_slice %arg3[%dma_start3A_128, %dma_start3A_129] : memref<10000x128xf32, #tpu.memory_space<hbm>> -> memref<10000x128xf32, #tpu.memory_space<hbm>>
      tpu.enqueue_indirect_dma source(%dma_start3A_130 : memref<10000x128xf32, #tpu.memory_space<hbm>>) target(%arg17 : memref<80x128xf32, #tpu.memory_space<vmem>>) offsets(%arg11 : memref<80xi32, #tpu.memory_space<vmem>>) semaphore(%arg23 : memref<!tpu.dma_semaphore, #tpu.memory_space<semaphore_mem>>)
      %add3A_131 = arith.constant 1 : i32
      %add3A_132 = arith.addi %mul3A_106, %add3A_131 : i32
      %mul3A_133 = arith.constant 10000 : i32
      %mul3A_134 = arith.muli %add3A, %mul3A_133 : i32
      %mul3A_135 = arith.constant 80 : i32
      %mul3A_136 = arith.muli %add3A_132, %mul3A_135 : i32
      %add3A_137 = arith.addi %mul3A_134, %mul3A_136 : i32
      %dma_wait3A_138 = arith.constant 0 : i32
      %dma_wait3A_139 = arith.constant 0 : i32
      %dma_wait3A_140 = tpu.memref_slice %arg2[%dma_wait3A_138, %dma_wait3A_139] : memref<10000x128xf32, #tpu.memory_space<hbm>> -> memref<10000x128xf32, #tpu.memory_space<hbm>>
      tpu.wait_indirect_dma semaphore(%arg21 : memref<!tpu.dma_semaphore, #tpu.memory_space<semaphore_mem>>) src(%dma_wait3A_140 : memref<10000x128xf32, #tpu.memory_space<hbm>>) dst(%arg15 : memref<80x128xf32, #tpu.memory_space<vmem>>)
      %dma_wait3A_141 = arith.constant 0 : i32
      %dma_wait3A_142 = arith.constant 0 : i32
      %dma_wait3A_143 = tpu.memref_slice %arg3[%dma_wait3A_141, %dma_wait3A_142] : memref<10000x128xf32, #tpu.memory_space<hbm>> -> memref<10000x128xf32, #tpu.memory_space<hbm>>
      tpu.wait_indirect_dma semaphore(%arg24 : memref<!tpu.dma_semaphore, #tpu.memory_space<semaphore_mem>>) src(%dma_wait3A_143 : memref<10000x128xf32, #tpu.memory_space<hbm>>) dst(%arg18 : memref<80x128xf32, #tpu.memory_space<vmem>>)
      "tpu.region"() ({
        %run_scoped3A = tpu.sem_alloc : memref<!tpu.dma_semaphore, #tpu.memory_space<semaphore_mem>>
        %dma_start3A_183 = arith.constant 0 : i32
        %dma_start3A_184 = tpu.memref_slice %arg6[%add3A_137, %dma_start3A_183] : memref<320000x128xf32, #tpu.memory_space<hbm>> -> memref<80x128xf32, #tpu.memory_space<hbm>>
        %dma_start3A_185 = arith.constant 0 : i32
        %dma_start3A_186 = tpu.memref_slice %arg6[%add3A_137, %dma_start3A_185] : memref<320000x128xf32, #tpu.memory_space<hbm>> -> memref<80x128xf32, #tpu.memory_space<hbm>>
        tpu.enqueue_dma source(%arg15 : memref<80x128xf32, #tpu.memory_space<vmem>>) target(%dma_start3A_186 : memref<80x128xf32, #tpu.memory_space<hbm>>) target_semaphore(%run_scoped3A : memref<!tpu.dma_semaphore, #tpu.memory_space<semaphore_mem>>)
        %dma_wait3A_187 = arith.constant 0 : i32
        %dma_wait3A_188 = tpu.memref_slice %arg6[%add3A_137, %dma_wait3A_187] : memref<320000x128xf32, #tpu.memory_space<hbm>> -> memref<80x128xf32, #tpu.memory_space<hbm>>
        %dma_wait3A_189 = arith.constant 0 : i32
        %dma_wait3A_190 = tpu.memref_slice %arg6[%add3A_137, %dma_wait3A_189] : memref<320000x128xf32, #tpu.memory_space<hbm>> -> memref<80x128xf32, #tpu.memory_space<hbm>>
        tpu.wait_dma2 semaphore(%run_scoped3A : memref<!tpu.dma_semaphore, #tpu.memory_space<semaphore_mem>>) src(%arg15 : memref<80x128xf32, #tpu.memory_space<vmem>>) dst(%dma_wait3A_190 : memref<80x128xf32, #tpu.memory_space<hbm>>)
        tpu.yield
      }) : () -> ()
      "tpu.region"() ({
        %run_scoped3A = tpu.sem_alloc : memref<!tpu.dma_semaphore, #tpu.memory_space<semaphore_mem>>
        %dma_start3A_183 = arith.constant 0 : i32
        %dma_start3A_184 = tpu.memref_slice %arg7[%add3A_137, %dma_start3A_183] : memref<320000x128xf32, #tpu.memory_space<hbm>> -> memref<80x128xf32, #tpu.memory_space<hbm>>
        %dma_start3A_185 = arith.constant 0 : i32
        %dma_start3A_186 = tpu.memref_slice %arg7[%add3A_137, %dma_start3A_185] : memref<320000x128xf32, #tpu.memory_space<hbm>> -> memref<80x128xf32, #tpu.memory_space<hbm>>
        tpu.enqueue_dma source(%arg18 : memref<80x128xf32, #tpu.memory_space<vmem>>) target(%dma_start3A_186 : memref<80x128xf32, #tpu.memory_space<hbm>>) target_semaphore(%run_scoped3A : memref<!tpu.dma_semaphore, #tpu.memory_space<semaphore_mem>>)
        %dma_wait3A_187 = arith.constant 0 : i32
        %dma_wait3A_188 = tpu.memref_slice %arg7[%add3A_137, %dma_wait3A_187] : memref<320000x128xf32, #tpu.memory_space<hbm>> -> memref<80x128xf32, #tpu.memory_space<hbm>>
        %dma_wait3A_189 = arith.constant 0 : i32
        %dma_wait3A_190 = tpu.memref_slice %arg7[%add3A_137, %dma_wait3A_189] : memref<320000x128xf32, #tpu.memory_space<hbm>> -> memref<80x128xf32, #tpu.memory_space<hbm>>
        tpu.wait_dma2 semaphore(%run_scoped3A : memref<!tpu.dma_semaphore, #tpu.memory_space<semaphore_mem>>) src(%arg18 : memref<80x128xf32, #tpu.memory_space<vmem>>) dst(%dma_wait3A_190 : memref<80x128xf32, #tpu.memory_space<hbm>>)
        tpu.yield
      }) : () -> ()
      %add3A_144 = arith.constant 4 : i32
      %add3A_145 = arith.addi %mul3A_106, %add3A_144 : i32
      %mul3A_146 = arith.constant 10000 : i32
      %mul3A_147 = arith.muli %add3A, %mul3A_146 : i32
      %mul3A_148 = arith.constant 80 : i32
      %mul3A_149 = arith.muli %add3A_145, %mul3A_148 : i32
      %add3A_150 = arith.addi %mul3A_147, %mul3A_149 : i32
      "tpu.region"() ({
        %run_scoped3A = tpu.sem_alloc : memref<!tpu.dma_semaphore, #tpu.memory_space<semaphore_mem>>
        %dma_start3A_183 = tpu.memref_slice %arg4[%add3A_150] : memref<320000xi32, #tpu.memory_space<hbm>> -> memref<80xi32, #tpu.memory_space<hbm>>
        %dma_start3A_184 = tpu.memref_slice %arg4[%add3A_150] : memref<320000xi32, #tpu.memory_space<hbm>> -> memref<80xi32, #tpu.memory_space<hbm>>
        tpu.enqueue_dma source(%dma_start3A_184 : memref<80xi32, #tpu.memory_space<hbm>>) target(%arg9 : memref<80xi32, #tpu.memory_space<vmem>>) target_semaphore(%run_scoped3A : memref<!tpu.dma_semaphore, #tpu.memory_space<semaphore_mem>>)
        %dma_wait3A_185 = tpu.memref_slice %arg4[%add3A_150] : memref<320000xi32, #tpu.memory_space<hbm>> -> memref<80xi32, #tpu.memory_space<hbm>>
        %dma_wait3A_186 = tpu.memref_slice %arg4[%add3A_150] : memref<320000xi32, #tpu.memory_space<hbm>> -> memref<80xi32, #tpu.memory_space<hbm>>
        tpu.wait_dma2 semaphore(%run_scoped3A : memref<!tpu.dma_semaphore, #tpu.memory_space<semaphore_mem>>) src(%dma_wait3A_186 : memref<80xi32, #tpu.memory_space<hbm>>) dst(%arg9 : memref<80xi32, #tpu.memory_space<vmem>>)
        tpu.yield
      }) : () -> ()
      "tpu.region"() ({
        %run_scoped3A = tpu.sem_alloc : memref<!tpu.dma_semaphore, #tpu.memory_space<semaphore_mem>>
        %dma_start3A_183 = tpu.memref_slice %arg5[%add3A_150] : memref<320000xi32, #tpu.memory_space<hbm>> -> memref<80xi32, #tpu.memory_space<hbm>>
        %dma_start3A_184 = tpu.memref_slice %arg5[%add3A_150] : memref<320000xi32, #tpu.memory_space<hbm>> -> memref<80xi32, #tpu.memory_space<hbm>>
        tpu.enqueue_dma source(%dma_start3A_184 : memref<80xi32, #tpu.memory_space<hbm>>) target(%arg12 : memref<80xi32, #tpu.memory_space<vmem>>) target_semaphore(%run_scoped3A : memref<!tpu.dma_semaphore, #tpu.memory_space<semaphore_mem>>)
        %dma_wait3A_185 = tpu.memref_slice %arg5[%add3A_150] : memref<320000xi32, #tpu.memory_space<hbm>> -> memref<80xi32, #tpu.memory_space<hbm>>
        %dma_wait3A_186 = tpu.memref_slice %arg5[%add3A_150] : memref<320000xi32, #tpu.memory_space<hbm>> -> memref<80xi32, #tpu.memory_space<hbm>>
        tpu.wait_dma2 semaphore(%run_scoped3A : memref<!tpu.dma_semaphore, #tpu.memory_space<semaphore_mem>>) src(%dma_wait3A_186 : memref<80xi32, #tpu.memory_space<hbm>>) dst(%arg12 : memref<80xi32, #tpu.memory_space<vmem>>)
        tpu.yield
      }) : () -> ()
      %dma_start3A_151 = arith.constant 0 : i32
      %dma_start3A_152 = arith.constant 0 : i32
      %dma_start3A_153 = tpu.memref_slice %arg2[%dma_start3A_151, %dma_start3A_152] : memref<10000x128xf32, #tpu.memory_space<hbm>> -> memref<10000x128xf32, #tpu.memory_space<hbm>>
      tpu.enqueue_indirect_dma source(%dma_start3A_153 : memref<10000x128xf32, #tpu.memory_space<hbm>>) target(%arg15 : memref<80x128xf32, #tpu.memory_space<vmem>>) offsets(%arg9 : memref<80xi32, #tpu.memory_space<vmem>>) semaphore(%arg21 : memref<!tpu.dma_semaphore, #tpu.memory_space<semaphore_mem>>)
      %dma_start3A_154 = arith.constant 0 : i32
      %dma_start3A_155 = arith.constant 0 : i32
      %dma_start3A_156 = tpu.memref_slice %arg3[%dma_start3A_154, %dma_start3A_155] : memref<10000x128xf32, #tpu.memory_space<hbm>> -> memref<10000x128xf32, #tpu.memory_space<hbm>>
      tpu.enqueue_indirect_dma source(%dma_start3A_156 : memref<10000x128xf32, #tpu.memory_space<hbm>>) target(%arg18 : memref<80x128xf32, #tpu.memory_space<vmem>>) offsets(%arg12 : memref<80xi32, #tpu.memory_space<vmem>>) semaphore(%arg24 : memref<!tpu.dma_semaphore, #tpu.memory_space<semaphore_mem>>)
      %add3A_157 = arith.constant 2 : i32
      %add3A_158 = arith.addi %mul3A_106, %add3A_157 : i32
      %mul3A_159 = arith.constant 10000 : i32
      %mul3A_160 = arith.muli %add3A, %mul3A_159 : i32
      %mul3A_161 = arith.constant 80 : i32
      %mul3A_162 = arith.muli %add3A_158, %mul3A_161 : i32
      %add3A_163 = arith.addi %mul3A_160, %mul3A_162 : i32
      %dma_wait3A_164 = arith.constant 0 : i32
      %dma_wait3A_165 = arith.constant 0 : i32
      %dma_wait3A_166 = tpu.memref_slice %arg2[%dma_wait3A_164, %dma_wait3A_165] : memref<10000x128xf32, #tpu.memory_space<hbm>> -> memref<10000x128xf32, #tpu.memory_space<hbm>>
      tpu.wait_indirect_dma semaphore(%arg22 : memref<!tpu.dma_semaphore, #tpu.memory_space<semaphore_mem>>) src(%dma_wait3A_166 : memref<10000x128xf32, #tpu.memory_space<hbm>>) dst(%arg16 : memref<80x128xf32, #tpu.memory_space<vmem>>)
      %dma_wait3A_167 = arith.constant 0 : i32
      %dma_wait3A_168 = arith.constant 0 : i32
      %dma_wait3A_169 = tpu.memref_slice %arg3[%dma_wait3A_167, %dma_wait3A_168] : memref<10000x128xf32, #tpu.memory_space<hbm>> -> memref<10000x128xf32, #tpu.memory_space<hbm>>
      tpu.wait_indirect_dma semaphore(%arg25 : memref<!tpu.dma_semaphore, #tpu.memory_space<semaphore_mem>>) src(%dma_wait3A_169 : memref<10000x128xf32, #tpu.memory_space<hbm>>) dst(%arg19 : memref<80x128xf32, #tpu.memory_space<vmem>>)
      "tpu.region"() ({
        %run_scoped3A = tpu.sem_alloc : memref<!tpu.dma_semaphore, #tpu.memory_space<semaphore_mem>>
        %dma_start3A_183 = arith.constant 0 : i32
        %dma_start3A_184 = tpu.memref_slice %arg6[%add3A_163, %dma_start3A_183] : memref<320000x128xf32, #tpu.memory_space<hbm>> -> memref<80x128xf32, #tpu.memory_space<hbm>>
        %dma_start3A_185 = arith.constant 0 : i32
        %dma_start3A_186 = tpu.memref_slice %arg6[%add3A_163, %dma_start3A_185] : memref<320000x128xf32, #tpu.memory_space<hbm>> -> memref<80x128xf32, #tpu.memory_space<hbm>>
        tpu.enqueue_dma source(%arg16 : memref<80x128xf32, #tpu.memory_space<vmem>>) target(%dma_start3A_186 : memref<80x128xf32, #tpu.memory_space<hbm>>) target_semaphore(%run_scoped3A : memref<!tpu.dma_semaphore, #tpu.memory_space<semaphore_mem>>)
        %dma_wait3A_187 = arith.constant 0 : i32
        %dma_wait3A_188 = tpu.memref_slice %arg6[%add3A_163, %dma_wait3A_187] : memref<320000x128xf32, #tpu.memory_space<hbm>> -> memref<80x128xf32, #tpu.memory_space<hbm>>
        %dma_wait3A_189 = arith.constant 0 : i32
        %dma_wait3A_190 = tpu.memref_slice %arg6[%add3A_163, %dma_wait3A_189] : memref<320000x128xf32, #tpu.memory_space<hbm>> -> memref<80x128xf32, #tpu.memory_space<hbm>>
        tpu.wait_dma2 semaphore(%run_scoped3A : memref<!tpu.dma_semaphore, #tpu.memory_space<semaphore_mem>>) src(%arg16 : memref<80x128xf32, #tpu.memory_space<vmem>>) dst(%dma_wait3A_190 : memref<80x128xf32, #tpu.memory_space<hbm>>)
        tpu.yield
      }) : () -> ()
      "tpu.region"() ({
        %run_scoped3A = tpu.sem_alloc : memref<!tpu.dma_semaphore, #tpu.memory_space<semaphore_mem>>
        %dma_start3A_183 = arith.constant 0 : i32
        %dma_start3A_184 = tpu.memref_slice %arg7[%add3A_163, %dma_start3A_183] : memref<320000x128xf32, #tpu.memory_space<hbm>> -> memref<80x128xf32, #tpu.memory_space<hbm>>
        %dma_start3A_185 = arith.constant 0 : i32
        %dma_start3A_186 = tpu.memref_slice %arg7[%add3A_163, %dma_start3A_185] : memref<320000x128xf32, #tpu.memory_space<hbm>> -> memref<80x128xf32, #tpu.memory_space<hbm>>
        tpu.enqueue_dma source(%arg19 : memref<80x128xf32, #tpu.memory_space<vmem>>) target(%dma_start3A_186 : memref<80x128xf32, #tpu.memory_space<hbm>>) target_semaphore(%run_scoped3A : memref<!tpu.dma_semaphore, #tpu.memory_space<semaphore_mem>>)
        %dma_wait3A_187 = arith.constant 0 : i32
        %dma_wait3A_188 = tpu.memref_slice %arg7[%add3A_163, %dma_wait3A_187] : memref<320000x128xf32, #tpu.memory_space<hbm>> -> memref<80x128xf32, #tpu.memory_space<hbm>>
        %dma_wait3A_189 = arith.constant 0 : i32
        %dma_wait3A_190 = tpu.memref_slice %arg7[%add3A_163, %dma_wait3A_189] : memref<320000x128xf32, #tpu.memory_space<hbm>> -> memref<80x128xf32, #tpu.memory_space<hbm>>
        tpu.wait_dma2 semaphore(%run_scoped3A : memref<!tpu.dma_semaphore, #tpu.memory_space<semaphore_mem>>) src(%arg19 : memref<80x128xf32, #tpu.memory_space<vmem>>) dst(%dma_wait3A_190 : memref<80x128xf32, #tpu.memory_space<hbm>>)
        tpu.yield
      }) : () -> ()
      %add3A_170 = arith.constant 5 : i32
      %add3A_171 = arith.addi %mul3A_106, %add3A_170 : i32
      %mul3A_172 = arith.constant 10000 : i32
      %mul3A_173 = arith.muli %add3A, %mul3A_172 : i32
      %mul3A_174 = arith.constant 80 : i32
      %mul3A_175 = arith.muli %add3A_171, %mul3A_174 : i32
      %add3A_176 = arith.addi %mul3A_173, %mul3A_175 : i32
      "tpu.region"() ({
        %run_scoped3A = tpu.sem_alloc : memref<!tpu.dma_semaphore, #tpu.memory_space<semaphore_mem>>
        %dma_start3A_183 = tpu.memref_slice %arg4[%add3A_176] : memref<320000xi32, #tpu.memory_space<hbm>> -> memref<80xi32, #tpu.memory_space<hbm>>
        %dma_start3A_184 = tpu.memref_slice %arg4[%add3A_176] : memref<320000xi32, #tpu.memory_space<hbm>> -> memref<80xi32, #tpu.memory_space<hbm>>
        tpu.enqueue_dma source(%dma_start3A_184 : memref<80xi32, #tpu.memory_space<hbm>>) target(%arg10 : memref<80xi32, #tpu.memory_space<vmem>>) target_semaphore(%run_scoped3A : memref<!tpu.dma_semaphore, #tpu.memory_space<semaphore_mem>>)
        %dma_wait3A_185 = tpu.memref_slice %arg4[%add3A_176] : memref<320000xi32, #tpu.memory_space<hbm>> -> memref<80xi32, #tpu.memory_space<hbm>>
        %dma_wait3A_186 = tpu.memref_slice %arg4[%add3A_176] : memref<320000xi32, #tpu.memory_space<hbm>> -> memref<80xi32, #tpu.memory_space<hbm>>
        tpu.wait_dma2 semaphore(%run_scoped3A : memref<!tpu.dma_semaphore, #tpu.memory_space<semaphore_mem>>) src(%dma_wait3A_186 : memref<80xi32, #tpu.memory_space<hbm>>) dst(%arg10 : memref<80xi32, #tpu.memory_space<vmem>>)
        tpu.yield
      }) : () -> ()
      "tpu.region"() ({
        %run_scoped3A = tpu.sem_alloc : memref<!tpu.dma_semaphore, #tpu.memory_space<semaphore_mem>>
        %dma_start3A_183 = tpu.memref_slice %arg5[%add3A_176] : memref<320000xi32, #tpu.memory_space<hbm>> -> memref<80xi32, #tpu.memory_space<hbm>>
        %dma_start3A_184 = tpu.memref_slice %arg5[%add3A_176] : memref<320000xi32, #tpu.memory_space<hbm>> -> memref<80xi32, #tpu.memory_space<hbm>>
        tpu.enqueue_dma source(%dma_start3A_184 : memref<80xi32, #tpu.memory_space<hbm>>) target(%arg13 : memref<80xi32, #tpu.memory_space<vmem>>) target_semaphore(%run_scoped3A : memref<!tpu.dma_semaphore, #tpu.memory_space<semaphore_mem>>)
        %dma_wait3A_185 = tpu.memref_slice %arg5[%add3A_176] : memref<320000xi32, #tpu.memory_space<hbm>> -> memref<80xi32, #tpu.memory_space<hbm>>
        %dma_wait3A_186 = tpu.memref_slice %arg5[%add3A_176] : memref<320000xi32, #tpu.memory_space<hbm>> -> memref<80xi32, #tpu.memory_space<hbm>>
        tpu.wait_dma2 semaphore(%run_scoped3A : memref<!tpu.dma_semaphore, #tpu.memory_space<semaphore_mem>>) src(%dma_wait3A_186 : memref<80xi32, #tpu.memory_space<hbm>>) dst(%arg13 : memref<80xi32, #tpu.memory_space<vmem>>)
        tpu.yield
      }) : () -> ()
      %dma_start3A_177 = arith.constant 0 : i32
      %dma_start3A_178 = arith.constant 0 : i32
      %dma_start3A_179 = tpu.memref_slice %arg2[%dma_start3A_177, %dma_start3A_178] : memref<10000x128xf32, #tpu.memory_space<hbm>> -> memref<10000x128xf32, #tpu.memory_space<hbm>>
      tpu.enqueue_indirect_dma source(%dma_start3A_179 : memref<10000x128xf32, #tpu.memory_space<hbm>>) target(%arg16 : memref<80x128xf32, #tpu.memory_space<vmem>>) offsets(%arg10 : memref<80xi32, #tpu.memory_space<vmem>>) semaphore(%arg22 : memref<!tpu.dma_semaphore, #tpu.memory_space<semaphore_mem>>)
      %dma_start3A_180 = arith.constant 0 : i32
      %dma_start3A_181 = arith.constant 0 : i32
      %dma_start3A_182 = tpu.memref_slice %arg3[%dma_start3A_180, %dma_start3A_181] : memref<10000x128xf32, #tpu.memory_space<hbm>> -> memref<10000x128xf32, #tpu.memory_space<hbm>>
      tpu.enqueue_indirect_dma source(%dma_start3A_182 : memref<10000x128xf32, #tpu.memory_space<hbm>>) target(%arg19 : memref<80x128xf32, #tpu.memory_space<vmem>>) offsets(%arg13 : memref<80xi32, #tpu.memory_space<vmem>>) semaphore(%arg25 : memref<!tpu.dma_semaphore, #tpu.memory_space<semaphore_mem>>)
    }
    %scan3A_34 = arith.constant 40 : i32
    %mul3A_35 = arith.constant 10000 : i32
    %mul3A_36 = arith.muli %add3A, %mul3A_35 : i32
    %add3A_37 = arith.constant 9600 : i32
    %add3A_38 = arith.addi %mul3A_36, %add3A_37 : i32
    %dma_wait3A = arith.constant 0 : i32
    %dma_wait3A_39 = arith.constant 0 : i32
    %dma_wait3A_40 = tpu.memref_slice %arg2[%dma_wait3A, %dma_wait3A_39] : memref<10000x128xf32, #tpu.memory_space<hbm>> -> memref<10000x128xf32, #tpu.memory_space<hbm>>
    tpu.wait_indirect_dma semaphore(%arg20 : memref<!tpu.dma_semaphore, #tpu.memory_space<semaphore_mem>>) src(%dma_wait3A_40 : memref<10000x128xf32, #tpu.memory_space<hbm>>) dst(%arg14 : memref<80x128xf32, #tpu.memory_space<vmem>>)
    %dma_wait3A_41 = arith.constant 0 : i32
    %dma_wait3A_42 = arith.constant 0 : i32
    %dma_wait3A_43 = tpu.memref_slice %arg3[%dma_wait3A_41, %dma_wait3A_42] : memref<10000x128xf32, #tpu.memory_space<hbm>> -> memref<10000x128xf32, #tpu.memory_space<hbm>>
    tpu.wait_indirect_dma semaphore(%arg23 : memref<!tpu.dma_semaphore, #tpu.memory_space<semaphore_mem>>) src(%dma_wait3A_43 : memref<10000x128xf32, #tpu.memory_space<hbm>>) dst(%arg17 : memref<80x128xf32, #tpu.memory_space<vmem>>)
    "tpu.region"() ({
      %run_scoped3A = tpu.sem_alloc : memref<!tpu.dma_semaphore, #tpu.memory_space<semaphore_mem>>
      %dma_start3A_104 = arith.constant 0 : i32
      %dma_start3A_105 = tpu.memref_slice %arg6[%add3A_38, %dma_start3A_104] : memref<320000x128xf32, #tpu.memory_space<hbm>> -> memref<80x128xf32, #tpu.memory_space<hbm>>
      %dma_start3A_106 = arith.constant 0 : i32
      %dma_start3A_107 = tpu.memref_slice %arg6[%add3A_38, %dma_start3A_106] : memref<320000x128xf32, #tpu.memory_space<hbm>> -> memref<80x128xf32, #tpu.memory_space<hbm>>
      tpu.enqueue_dma source(%arg14 : memref<80x128xf32, #tpu.memory_space<vmem>>) target(%dma_start3A_107 : memref<80x128xf32, #tpu.memory_space<hbm>>) target_semaphore(%run_scoped3A : memref<!tpu.dma_semaphore, #tpu.memory_space<semaphore_mem>>)
      %dma_wait3A_108 = arith.constant 0 : i32
      %dma_wait3A_109 = tpu.memref_slice %arg6[%add3A_38, %dma_wait3A_108] : memref<320000x128xf32, #tpu.memory_space<hbm>> -> memref<80x128xf32, #tpu.memory_space<hbm>>
      %dma_wait3A_110 = arith.constant 0 : i32
      %dma_wait3A_111 = tpu.memref_slice %arg6[%add3A_38, %dma_wait3A_110] : memref<320000x128xf32, #tpu.memory_space<hbm>> -> memref<80x128xf32, #tpu.memory_space<hbm>>
      tpu.wait_dma2 semaphore(%run_scoped3A : memref<!tpu.dma_semaphore, #tpu.memory_space<semaphore_mem>>) src(%arg14 : memref<80x128xf32, #tpu.memory_space<vmem>>) dst(%dma_wait3A_111 : memref<80x128xf32, #tpu.memory_space<hbm>>)
      tpu.yield
    }) : () -> ()
    "tpu.region"() ({
      %run_scoped3A = tpu.sem_alloc : memref<!tpu.dma_semaphore, #tpu.memory_space<semaphore_mem>>
      %dma_start3A_104 = arith.constant 0 : i32
      %dma_start3A_105 = tpu.memref_slice %arg7[%add3A_38, %dma_start3A_104] : memref<320000x128xf32, #tpu.memory_space<hbm>> -> memref<80x128xf32, #tpu.memory_space<hbm>>
      %dma_start3A_106 = arith.constant 0 : i32
      %dma_start3A_107 = tpu.memref_slice %arg7[%add3A_38, %dma_start3A_106] : memref<320000x128xf32, #tpu.memory_space<hbm>> -> memref<80x128xf32, #tpu.memory_space<hbm>>
      tpu.enqueue_dma source(%arg17 : memref<80x128xf32, #tpu.memory_space<vmem>>) target(%dma_start3A_107 : memref<80x128xf32, #tpu.memory_space<hbm>>) target_semaphore(%run_scoped3A : memref<!tpu.dma_semaphore, #tpu.memory_space<semaphore_mem>>)
      %dma_wait3A_108 = arith.constant 0 : i32
      %dma_wait3A_109 = tpu.memref_slice %arg7[%add3A_38, %dma_wait3A_108] : memref<320000x128xf32, #tpu.memory_space<hbm>> -> memref<80x128xf32, #tpu.memory_space<hbm>>
      %dma_wait3A_110 = arith.constant 0 : i32
      %dma_wait3A_111 = tpu.memref_slice %arg7[%add3A_38, %dma_wait3A_110] : memref<320000x128xf32, #tpu.memory_space<hbm>> -> memref<80x128xf32, #tpu.memory_space<hbm>>
      tpu.wait_dma2 semaphore(%run_scoped3A : memref<!tpu.dma_semaphore, #tpu.memory_space<semaphore_mem>>) src(%arg17 : memref<80x128xf32, #tpu.memory_space<vmem>>) dst(%dma_wait3A_111 : memref<80x128xf32, #tpu.memory_space<hbm>>)
      tpu.yield
    }) : () -> ()
    %mul3A_44 = arith.constant 10000 : i32
    %mul3A_45 = arith.muli %add3A, %mul3A_44 : i32
    %add3A_46 = arith.constant 9840 : i32
    %add3A_47 = arith.addi %mul3A_45, %add3A_46 : i32
    "tpu.region"() ({
      %run_scoped3A = tpu.sem_alloc : memref<!tpu.dma_semaphore, #tpu.memory_space<semaphore_mem>>
      %dma_start3A_104 = tpu.memref_slice %arg4[%add3A_47] : memref<320000xi32, #tpu.memory_space<hbm>> -> memref<80xi32, #tpu.memory_space<hbm>>
      %dma_start3A_105 = tpu.memref_slice %arg4[%add3A_47] : memref<320000xi32, #tpu.memory_space<hbm>> -> memref<80xi32, #tpu.memory_space<hbm>>
      tpu.enqueue_dma source(%dma_start3A_105 : memref<80xi32, #tpu.memory_space<hbm>>) target(%arg8 : memref<80xi32, #tpu.memory_space<vmem>>) target_semaphore(%run_scoped3A : memref<!tpu.dma_semaphore, #tpu.memory_space<semaphore_mem>>)
      %dma_wait3A_106 = tpu.memref_slice %arg4[%add3A_47] : memref<320000xi32, #tpu.memory_space<hbm>> -> memref<80xi32, #tpu.memory_space<hbm>>
      %dma_wait3A_107 = tpu.memref_slice %arg4[%add3A_47] : memref<320000xi32, #tpu.memory_space<hbm>> -> memref<80xi32, #tpu.memory_space<hbm>>
      tpu.wait_dma2 semaphore(%run_scoped3A : memref<!tpu.dma_semaphore, #tpu.memory_space<semaphore_mem>>) src(%dma_wait3A_107 : memref<80xi32, #tpu.memory_space<hbm>>) dst(%arg8 : memref<80xi32, #tpu.memory_space<vmem>>)
      tpu.yield
    }) : () -> ()
    "tpu.region"() ({
      %run_scoped3A = tpu.sem_alloc : memref<!tpu.dma_semaphore, #tpu.memory_space<semaphore_mem>>
      %dma_start3A_104 = tpu.memref_slice %arg5[%add3A_47] : memref<320000xi32, #tpu.memory_space<hbm>> -> memref<80xi32, #tpu.memory_space<hbm>>
      %dma_start3A_105 = tpu.memref_slice %arg5[%add3A_47] : memref<320000xi32, #tpu.memory_space<hbm>> -> memref<80xi32, #tpu.memory_space<hbm>>
      tpu.enqueue_dma source(%dma_start3A_105 : memref<80xi32, #tpu.memory_space<hbm>>) target(%arg11 : memref<80xi32, #tpu.memory_space<vmem>>) target_semaphore(%run_scoped3A : memref<!tpu.dma_semaphore, #tpu.memory_space<semaphore_mem>>)
      %dma_wait3A_106 = tpu.memref_slice %arg5[%add3A_47] : memref<320000xi32, #tpu.memory_space<hbm>> -> memref<80xi32, #tpu.memory_space<hbm>>
      %dma_wait3A_107 = tpu.memref_slice %arg5[%add3A_47] : memref<320000xi32, #tpu.memory_space<hbm>> -> memref<80xi32, #tpu.memory_space<hbm>>
      tpu.wait_dma2 semaphore(%run_scoped3A : memref<!tpu.dma_semaphore, #tpu.memory_space<semaphore_mem>>) src(%dma_wait3A_107 : memref<80xi32, #tpu.memory_space<hbm>>) dst(%arg11 : memref<80xi32, #tpu.memory_space<vmem>>)
      tpu.yield
    }) : () -> ()
    %dma_start3A_48 = arith.constant 0 : i32
    %dma_start3A_49 = arith.constant 0 : i32
    %dma_start3A_50 = tpu.memref_slice %arg2[%dma_start3A_48, %dma_start3A_49] : memref<10000x128xf32, #tpu.memory_space<hbm>> -> memref<10000x128xf32, #tpu.memory_space<hbm>>
    tpu.enqueue_indirect_dma source(%dma_start3A_50 : memref<10000x128xf32, #tpu.memory_space<hbm>>) target(%arg14 : memref<80x128xf32, #tpu.memory_space<vmem>>) offsets(%arg8 : memref<80xi32, #tpu.memory_space<vmem>>) semaphore(%arg20 : memref<!tpu.dma_semaphore, #tpu.memory_space<semaphore_mem>>)
    %dma_start3A_51 = arith.constant 0 : i32
    %dma_start3A_52 = arith.constant 0 : i32
    %dma_start3A_53 = tpu.memref_slice %arg3[%dma_start3A_51, %dma_start3A_52] : memref<10000x128xf32, #tpu.memory_space<hbm>> -> memref<10000x128xf32, #tpu.memory_space<hbm>>
    tpu.enqueue_indirect_dma source(%dma_start3A_53 : memref<10000x128xf32, #tpu.memory_space<hbm>>) target(%arg17 : memref<80x128xf32, #tpu.memory_space<vmem>>) offsets(%arg11 : memref<80xi32, #tpu.memory_space<vmem>>) semaphore(%arg23 : memref<!tpu.dma_semaphore, #tpu.memory_space<semaphore_mem>>)
    %mul3A_54 = arith.constant 10000 : i32
    %mul3A_55 = arith.muli %add3A, %mul3A_54 : i32
    %add3A_56 = arith.constant 9680 : i32
    %add3A_57 = arith.addi %mul3A_55, %add3A_56 : i32
    %dma_wait3A_58 = arith.constant 0 : i32
    %dma_wait3A_59 = arith.constant 0 : i32
    %dma_wait3A_60 = tpu.memref_slice %arg2[%dma_wait3A_58, %dma_wait3A_59] : memref<10000x128xf32, #tpu.memory_space<hbm>> -> memref<10000x128xf32, #tpu.memory_space<hbm>>
    tpu.wait_indirect_dma semaphore(%arg21 : memref<!tpu.dma_semaphore, #tpu.memory_space<semaphore_mem>>) src(%dma_wait3A_60 : memref<10000x128xf32, #tpu.memory_space<hbm>>) dst(%arg15 : memref<80x128xf32, #tpu.memory_space<vmem>>)
    %dma_wait3A_61 = arith.constant 0 : i32
    %dma_wait3A_62 = arith.constant 0 : i32
    %dma_wait3A_63 = tpu.memref_slice %arg3[%dma_wait3A_61, %dma_wait3A_62] : memref<10000x128xf32, #tpu.memory_space<hbm>> -> memref<10000x128xf32, #tpu.memory_space<hbm>>
    tpu.wait_indirect_dma semaphore(%arg24 : memref<!tpu.dma_semaphore, #tpu.memory_space<semaphore_mem>>) src(%dma_wait3A_63 : memref<10000x128xf32, #tpu.memory_space<hbm>>) dst(%arg18 : memref<80x128xf32, #tpu.memory_space<vmem>>)
    "tpu.region"() ({
      %run_scoped3A = tpu.sem_alloc : memref<!tpu.dma_semaphore, #tpu.memory_space<semaphore_mem>>
      %dma_start3A_104 = arith.constant 0 : i32
      %dma_start3A_105 = tpu.memref_slice %arg6[%add3A_57, %dma_start3A_104] : memref<320000x128xf32, #tpu.memory_space<hbm>> -> memref<80x128xf32, #tpu.memory_space<hbm>>
      %dma_start3A_106 = arith.constant 0 : i32
      %dma_start3A_107 = tpu.memref_slice %arg6[%add3A_57, %dma_start3A_106] : memref<320000x128xf32, #tpu.memory_space<hbm>> -> memref<80x128xf32, #tpu.memory_space<hbm>>
      tpu.enqueue_dma source(%arg15 : memref<80x128xf32, #tpu.memory_space<vmem>>) target(%dma_start3A_107 : memref<80x128xf32, #tpu.memory_space<hbm>>) target_semaphore(%run_scoped3A : memref<!tpu.dma_semaphore, #tpu.memory_space<semaphore_mem>>)
      %dma_wait3A_108 = arith.constant 0 : i32
      %dma_wait3A_109 = tpu.memref_slice %arg6[%add3A_57, %dma_wait3A_108] : memref<320000x128xf32, #tpu.memory_space<hbm>> -> memref<80x128xf32, #tpu.memory_space<hbm>>
      %dma_wait3A_110 = arith.constant 0 : i32
      %dma_wait3A_111 = tpu.memref_slice %arg6[%add3A_57, %dma_wait3A_110] : memref<320000x128xf32, #tpu.memory_space<hbm>> -> memref<80x128xf32, #tpu.memory_space<hbm>>
      tpu.wait_dma2 semaphore(%run_scoped3A : memref<!tpu.dma_semaphore, #tpu.memory_space<semaphore_mem>>) src(%arg15 : memref<80x128xf32, #tpu.memory_space<vmem>>) dst(%dma_wait3A_111 : memref<80x128xf32, #tpu.memory_space<hbm>>)
      tpu.yield
    }) : () -> ()
    "tpu.region"() ({
      %run_scoped3A = tpu.sem_alloc : memref<!tpu.dma_semaphore, #tpu.memory_space<semaphore_mem>>
      %dma_start3A_104 = arith.constant 0 : i32
      %dma_start3A_105 = tpu.memref_slice %arg7[%add3A_57, %dma_start3A_104] : memref<320000x128xf32, #tpu.memory_space<hbm>> -> memref<80x128xf32, #tpu.memory_space<hbm>>
      %dma_start3A_106 = arith.constant 0 : i32
      %dma_start3A_107 = tpu.memref_slice %arg7[%add3A_57, %dma_start3A_106] : memref<320000x128xf32, #tpu.memory_space<hbm>> -> memref<80x128xf32, #tpu.memory_space<hbm>>
      tpu.enqueue_dma source(%arg18 : memref<80x128xf32, #tpu.memory_space<vmem>>) target(%dma_start3A_107 : memref<80x128xf32, #tpu.memory_space<hbm>>) target_semaphore(%run_scoped3A : memref<!tpu.dma_semaphore, #tpu.memory_space<semaphore_mem>>)
      %dma_wait3A_108 = arith.constant 0 : i32
      %dma_wait3A_109 = tpu.memref_slice %arg7[%add3A_57, %dma_wait3A_108] : memref<320000x128xf32, #tpu.memory_space<hbm>> -> memref<80x128xf32, #tpu.memory_space<hbm>>
      %dma_wait3A_110 = arith.constant 0 : i32
      %dma_wait3A_111 = tpu.memref_slice %arg7[%add3A_57, %dma_wait3A_110] : memref<320000x128xf32, #tpu.memory_space<hbm>> -> memref<80x128xf32, #tpu.memory_space<hbm>>
      tpu.wait_dma2 semaphore(%run_scoped3A : memref<!tpu.dma_semaphore, #tpu.memory_space<semaphore_mem>>) src(%arg18 : memref<80x128xf32, #tpu.memory_space<vmem>>) dst(%dma_wait3A_111 : memref<80x128xf32, #tpu.memory_space<hbm>>)
      tpu.yield
    }) : () -> ()
    %mul3A_64 = arith.constant 10000 : i32
    %mul3A_65 = arith.muli %add3A, %mul3A_64 : i32
    %add3A_66 = arith.constant 9920 : i32
    %add3A_67 = arith.addi %mul3A_65, %add3A_66 : i32
    "tpu.region"() ({
      %run_scoped3A = tpu.sem_alloc : memref<!tpu.dma_semaphore, #tpu.memory_space<semaphore_mem>>
      %dma_start3A_104 = tpu.memref_slice %arg4[%add3A_67] : memref<320000xi32, #tpu.memory_space<hbm>> -> memref<80xi32, #tpu.memory_space<hbm>>
      %dma_start3A_105 = tpu.memref_slice %arg4[%add3A_67] : memref<320000xi32, #tpu.memory_space<hbm>> -> memref<80xi32, #tpu.memory_space<hbm>>
      tpu.enqueue_dma source(%dma_start3A_105 : memref<80xi32, #tpu.memory_space<hbm>>) target(%arg9 : memref<80xi32, #tpu.memory_space<vmem>>) target_semaphore(%run_scoped3A : memref<!tpu.dma_semaphore, #tpu.memory_space<semaphore_mem>>)
      %dma_wait3A_106 = tpu.memref_slice %arg4[%add3A_67] : memref<320000xi32, #tpu.memory_space<hbm>> -> memref<80xi32, #tpu.memory_space<hbm>>
      %dma_wait3A_107 = tpu.memref_slice %arg4[%add3A_67] : memref<320000xi32, #tpu.memory_space<hbm>> -> memref<80xi32, #tpu.memory_space<hbm>>
      tpu.wait_dma2 semaphore(%run_scoped3A : memref<!tpu.dma_semaphore, #tpu.memory_space<semaphore_mem>>) src(%dma_wait3A_107 : memref<80xi32, #tpu.memory_space<hbm>>) dst(%arg9 : memref<80xi32, #tpu.memory_space<vmem>>)
      tpu.yield
    }) : () -> ()
    "tpu.region"() ({
      %run_scoped3A = tpu.sem_alloc : memref<!tpu.dma_semaphore, #tpu.memory_space<semaphore_mem>>
      %dma_start3A_104 = tpu.memref_slice %arg5[%add3A_67] : memref<320000xi32, #tpu.memory_space<hbm>> -> memref<80xi32, #tpu.memory_space<hbm>>
      %dma_start3A_105 = tpu.memref_slice %arg5[%add3A_67] : memref<320000xi32, #tpu.memory_space<hbm>> -> memref<80xi32, #tpu.memory_space<hbm>>
      tpu.enqueue_dma source(%dma_start3A_105 : memref<80xi32, #tpu.memory_space<hbm>>) target(%arg12 : memref<80xi32, #tpu.memory_space<vmem>>) target_semaphore(%run_scoped3A : memref<!tpu.dma_semaphore, #tpu.memory_space<semaphore_mem>>)
      %dma_wait3A_106 = tpu.memref_slice %arg5[%add3A_67] : memref<320000xi32, #tpu.memory_space<hbm>> -> memref<80xi32, #tpu.memory_space<hbm>>
      %dma_wait3A_107 = tpu.memref_slice %arg5[%add3A_67] : memref<320000xi32, #tpu.memory_space<hbm>> -> memref<80xi32, #tpu.memory_space<hbm>>
      tpu.wait_dma2 semaphore(%run_scoped3A : memref<!tpu.dma_semaphore, #tpu.memory_space<semaphore_mem>>) src(%dma_wait3A_107 : memref<80xi32, #tpu.memory_space<hbm>>) dst(%arg12 : memref<80xi32, #tpu.memory_space<vmem>>)
      tpu.yield
    }) : () -> ()
    %dma_start3A_68 = arith.constant 0 : i32
    %dma_start3A_69 = arith.constant 0 : i32
    %dma_start3A_70 = tpu.memref_slice %arg2[%dma_start3A_68, %dma_start3A_69] : memref<10000x128xf32, #tpu.memory_space<hbm>> -> memref<10000x128xf32, #tpu.memory_space<hbm>>
    tpu.enqueue_indirect_dma source(%dma_start3A_70 : memref<10000x128xf32, #tpu.memory_space<hbm>>) target(%arg15 : memref<80x128xf32, #tpu.memory_space<vmem>>) offsets(%arg9 : memref<80xi32, #tpu.memory_space<vmem>>) semaphore(%arg21 : memref<!tpu.dma_semaphore, #tpu.memory_space<semaphore_mem>>)
    %dma_start3A_71 = arith.constant 0 : i32
    %dma_start3A_72 = arith.constant 0 : i32
    %dma_start3A_73 = tpu.memref_slice %arg3[%dma_start3A_71, %dma_start3A_72] : memref<10000x128xf32, #tpu.memory_space<hbm>> -> memref<10000x128xf32, #tpu.memory_space<hbm>>
    tpu.enqueue_indirect_dma source(%dma_start3A_73 : memref<10000x128xf32, #tpu.memory_space<hbm>>) target(%arg18 : memref<80x128xf32, #tpu.memory_space<vmem>>) offsets(%arg12 : memref<80xi32, #tpu.memory_space<vmem>>) semaphore(%arg24 : memref<!tpu.dma_semaphore, #tpu.memory_space<semaphore_mem>>)
    %mul3A_74 = arith.constant 10000 : i32
    %mul3A_75 = arith.muli %add3A, %mul3A_74 : i32
    %add3A_76 = arith.constant 9760 : i32
    %add3A_77 = arith.addi %mul3A_75, %add3A_76 : i32
    %dma_wait3A_78 = arith.constant 0 : i32
    %dma_wait3A_79 = arith.constant 0 : i32
    %dma_wait3A_80 = tpu.memref_slice %arg2[%dma_wait3A_78, %dma_wait3A_79] : memref<10000x128xf32, #tpu.memory_space<hbm>> -> memref<10000x128xf32, #tpu.memory_space<hbm>>
    tpu.wait_indirect_dma semaphore(%arg22 : memref<!tpu.dma_semaphore, #tpu.memory_space<semaphore_mem>>) src(%dma_wait3A_80 : memref<10000x128xf32, #tpu.memory_space<hbm>>) dst(%arg16 : memref<80x128xf32, #tpu.memory_space<vmem>>)
    %dma_wait3A_81 = arith.constant 0 : i32
    %dma_wait3A_82 = arith.constant 0 : i32
    %dma_wait3A_83 = tpu.memref_slice %arg3[%dma_wait3A_81, %dma_wait3A_82] : memref<10000x128xf32, #tpu.memory_space<hbm>> -> memref<10000x128xf32, #tpu.memory_space<hbm>>
    tpu.wait_indirect_dma semaphore(%arg25 : memref<!tpu.dma_semaphore, #tpu.memory_space<semaphore_mem>>) src(%dma_wait3A_83 : memref<10000x128xf32, #tpu.memory_space<hbm>>) dst(%arg19 : memref<80x128xf32, #tpu.memory_space<vmem>>)
    "tpu.region"() ({
      %run_scoped3A = tpu.sem_alloc : memref<!tpu.dma_semaphore, #tpu.memory_space<semaphore_mem>>
      %dma_start3A_104 = arith.constant 0 : i32
      %dma_start3A_105 = tpu.memref_slice %arg6[%add3A_77, %dma_start3A_104] : memref<320000x128xf32, #tpu.memory_space<hbm>> -> memref<80x128xf32, #tpu.memory_space<hbm>>
      %dma_start3A_106 = arith.constant 0 : i32
      %dma_start3A_107 = tpu.memref_slice %arg6[%add3A_77, %dma_start3A_106] : memref<320000x128xf32, #tpu.memory_space<hbm>> -> memref<80x128xf32, #tpu.memory_space<hbm>>
      tpu.enqueue_dma source(%arg16 : memref<80x128xf32, #tpu.memory_space<vmem>>) target(%dma_start3A_107 : memref<80x128xf32, #tpu.memory_space<hbm>>) target_semaphore(%run_scoped3A : memref<!tpu.dma_semaphore, #tpu.memory_space<semaphore_mem>>)
      %dma_wait3A_108 = arith.constant 0 : i32
      %dma_wait3A_109 = tpu.memref_slice %arg6[%add3A_77, %dma_wait3A_108] : memref<320000x128xf32, #tpu.memory_space<hbm>> -> memref<80x128xf32, #tpu.memory_space<hbm>>
      %dma_wait3A_110 = arith.constant 0 : i32
      %dma_wait3A_111 = tpu.memref_slice %arg6[%add3A_77, %dma_wait3A_110] : memref<320000x128xf32, #tpu.memory_space<hbm>> -> memref<80x128xf32, #tpu.memory_space<hbm>>
      tpu.wait_dma2 semaphore(%run_scoped3A : memref<!tpu.dma_semaphore, #tpu.memory_space<semaphore_mem>>) src(%arg16 : memref<80x128xf32, #tpu.memory_space<vmem>>) dst(%dma_wait3A_111 : memref<80x128xf32, #tpu.memory_space<hbm>>)
      tpu.yield
    }) : () -> ()
    "tpu.region"() ({
      %run_scoped3A = tpu.sem_alloc : memref<!tpu.dma_semaphore, #tpu.memory_space<semaphore_mem>>
      %dma_start3A_104 = arith.constant 0 : i32
      %dma_start3A_105 = tpu.memref_slice %arg7[%add3A_77, %dma_start3A_104] : memref<320000x128xf32, #tpu.memory_space<hbm>> -> memref<80x128xf32, #tpu.memory_space<hbm>>
      %dma_start3A_106 = arith.constant 0 : i32
      %dma_start3A_107 = tpu.memref_slice %arg7[%add3A_77, %dma_start3A_106] : memref<320000x128xf32, #tpu.memory_space<hbm>> -> memref<80x128xf32, #tpu.memory_space<hbm>>
      tpu.enqueue_dma source(%arg19 : memref<80x128xf32, #tpu.memory_space<vmem>>) target(%dma_start3A_107 : memref<80x128xf32, #tpu.memory_space<hbm>>) target_semaphore(%run_scoped3A : memref<!tpu.dma_semaphore, #tpu.memory_space<semaphore_mem>>)
      %dma_wait3A_108 = arith.constant 0 : i32
      %dma_wait3A_109 = tpu.memref_slice %arg7[%add3A_77, %dma_wait3A_108] : memref<320000x128xf32, #tpu.memory_space<hbm>> -> memref<80x128xf32, #tpu.memory_space<hbm>>
      %dma_wait3A_110 = arith.constant 0 : i32
      %dma_wait3A_111 = tpu.memref_slice %arg7[%add3A_77, %dma_wait3A_110] : memref<320000x128xf32, #tpu.memory_space<hbm>> -> memref<80x128xf32, #tpu.memory_space<hbm>>
      tpu.wait_dma2 semaphore(%run_scoped3A : memref<!tpu.dma_semaphore, #tpu.memory_space<semaphore_mem>>) src(%arg19 : memref<80x128xf32, #tpu.memory_space<vmem>>) dst(%dma_wait3A_111 : memref<80x128xf32, #tpu.memory_space<hbm>>)
      tpu.yield
    }) : () -> ()
    %mul3A_84 = arith.constant 10000 : i32
    %mul3A_85 = arith.muli %add3A, %mul3A_84 : i32
    %add3A_86 = arith.constant 9840 : i32
    %add3A_87 = arith.addi %mul3A_85, %add3A_86 : i32
    %dma_wait3A_88 = arith.constant 0 : i32
    %dma_wait3A_89 = arith.constant 0 : i32
    %dma_wait3A_90 = tpu.memref_slice %arg2[%dma_wait3A_88, %dma_wait3A_89] : memref<10000x128xf32, #tpu.memory_space<hbm>> -> memref<10000x128xf32, #tpu.memory_space<hbm>>
    tpu.wait_indirect_dma semaphore(%arg20 : memref<!tpu.dma_semaphore, #tpu.memory_space<semaphore_mem>>) src(%dma_wait3A_90 : memref<10000x128xf32, #tpu.memory_space<hbm>>) dst(%arg14 : memref<80x128xf32, #tpu.memory_space<vmem>>)
    %dma_wait3A_91 = arith.constant 0 : i32
    %dma_wait3A_92 = arith.constant 0 : i32
    %dma_wait3A_93 = tpu.memref_slice %arg3[%dma_wait3A_91, %dma_wait3A_92] : memref<10000x128xf32, #tpu.memory_space<hbm>> -> memref<10000x128xf32, #tpu.memory_space<hbm>>
    tpu.wait_indirect_dma semaphore(%arg23 : memref<!tpu.dma_semaphore, #tpu.memory_space<semaphore_mem>>) src(%dma_wait3A_93 : memref<10000x128xf32, #tpu.memory_space<hbm>>) dst(%arg17 : memref<80x128xf32, #tpu.memory_space<vmem>>)
    "tpu.region"() ({
      %run_scoped3A = tpu.sem_alloc : memref<!tpu.dma_semaphore, #tpu.memory_space<semaphore_mem>>
      %dma_start3A_104 = arith.constant 0 : i32
      %dma_start3A_105 = tpu.memref_slice %arg6[%add3A_87, %dma_start3A_104] : memref<320000x128xf32, #tpu.memory_space<hbm>> -> memref<80x128xf32, #tpu.memory_space<hbm>>
      %dma_start3A_106 = arith.constant 0 : i32
      %dma_start3A_107 = tpu.memref_slice %arg6[%add3A_87, %dma_start3A_106] : memref<320000x128xf32, #tpu.memory_space<hbm>> -> memref<80x128xf32, #tpu.memory_space<hbm>>
      tpu.enqueue_dma source(%arg14 : memref<80x128xf32, #tpu.memory_space<vmem>>) target(%dma_start3A_107 : memref<80x128xf32, #tpu.memory_space<hbm>>) target_semaphore(%run_scoped3A : memref<!tpu.dma_semaphore, #tpu.memory_space<semaphore_mem>>)
      %dma_wait3A_108 = arith.constant 0 : i32
      %dma_wait3A_109 = tpu.memref_slice %arg6[%add3A_87, %dma_wait3A_108] : memref<320000x128xf32, #tpu.memory_space<hbm>> -> memref<80x128xf32, #tpu.memory_space<hbm>>
      %dma_wait3A_110 = arith.constant 0 : i32
      %dma_wait3A_111 = tpu.memref_slice %arg6[%add3A_87, %dma_wait3A_110] : memref<320000x128xf32, #tpu.memory_space<hbm>> -> memref<80x128xf32, #tpu.memory_space<hbm>>
      tpu.wait_dma2 semaphore(%run_scoped3A : memref<!tpu.dma_semaphore, #tpu.memory_space<semaphore_mem>>) src(%arg14 : memref<80x128xf32, #tpu.memory_space<vmem>>) dst(%dma_wait3A_111 : memref<80x128xf32, #tpu.memory_space<hbm>>)
      tpu.yield
    }) : () -> ()
    "tpu.region"() ({
      %run_scoped3A = tpu.sem_alloc : memref<!tpu.dma_semaphore, #tpu.memory_space<semaphore_mem>>
      %dma_start3A_104 = arith.constant 0 : i32
      %dma_start3A_105 = tpu.memref_slice %arg7[%add3A_87, %dma_start3A_104] : memref<320000x128xf32, #tpu.memory_space<hbm>> -> memref<80x128xf32, #tpu.memory_space<hbm>>
      %dma_start3A_106 = arith.constant 0 : i32
      %dma_start3A_107 = tpu.memref_slice %arg7[%add3A_87, %dma_start3A_106] : memref<320000x128xf32, #tpu.memory_space<hbm>> -> memref<80x128xf32, #tpu.memory_space<hbm>>
      tpu.enqueue_dma source(%arg17 : memref<80x128xf32, #tpu.memory_space<vmem>>) target(%dma_start3A_107 : memref<80x128xf32, #tpu.memory_space<hbm>>) target_semaphore(%run_scoped3A : memref<!tpu.dma_semaphore, #tpu.memory_space<semaphore_mem>>)
      %dma_wait3A_108 = arith.constant 0 : i32
      %dma_wait3A_109 = tpu.memref_slice %arg7[%add3A_87, %dma_wait3A_108] : memref<320000x128xf32, #tpu.memory_space<hbm>> -> memref<80x128xf32, #tpu.memory_space<hbm>>
      %dma_wait3A_110 = arith.constant 0 : i32
      %dma_wait3A_111 = tpu.memref_slice %arg7[%add3A_87, %dma_wait3A_110] : memref<320000x128xf32, #tpu.memory_space<hbm>> -> memref<80x128xf32, #tpu.memory_space<hbm>>
      tpu.wait_dma2 semaphore(%run_scoped3A : memref<!tpu.dma_semaphore, #tpu.memory_space<semaphore_mem>>) src(%arg17 : memref<80x128xf32, #tpu.memory_space<vmem>>) dst(%dma_wait3A_111 : memref<80x128xf32, #tpu.memory_space<hbm>>)
      tpu.yield
    }) : () -> ()
    %mul3A_94 = arith.constant 10000 : i32
    %mul3A_95 = arith.muli %add3A, %mul3A_94 : i32
    %add3A_96 = arith.constant 9920 : i32
    %add3A_97 = arith.addi %mul3A_95, %add3A_96 : i32
    %dma_wait3A_98 = arith.constant 0 : i32
    %dma_wait3A_99 = arith.constant 0 : i32
    %dma_wait3A_100 = tpu.memref_slice %arg2[%dma_wait3A_98, %dma_wait3A_99] : memref<10000x128xf32, #tpu.memory_space<hbm>> -> memref<10000x128xf32, #tpu.memory_space<hbm>>
    tpu.wait_indirect_dma semaphore(%arg21 : memref<!tpu.dma_semaphore, #tpu.memory_space<semaphore_mem>>) src(%dma_wait3A_100 : memref<10000x128xf32, #tpu.memory_space<hbm>>) dst(%arg15 : memref<80x128xf32, #tpu.memory_space<vmem>>)
    %dma_wait3A_101 = arith.constant 0 : i32
    %dma_wait3A_102 = arith.constant 0 : i32
    %dma_wait3A_103 = tpu.memref_slice %arg3[%dma_wait3A_101, %dma_wait3A_102] : memref<10000x128xf32, #tpu.memory_space<hbm>> -> memref<10000x128xf32, #tpu.memory_space<hbm>>
    tpu.wait_indirect_dma semaphore(%arg24 : memref<!tpu.dma_semaphore, #tpu.memory_space<semaphore_mem>>) src(%dma_wait3A_103 : memref<10000x128xf32, #tpu.memory_space<hbm>>) dst(%arg18 : memref<80x128xf32, #tpu.memory_space<vmem>>)
    "tpu.region"() ({
      %run_scoped3A = tpu.sem_alloc : memref<!tpu.dma_semaphore, #tpu.memory_space<semaphore_mem>>
      %dma_start3A_104 = arith.constant 0 : i32
      %dma_start3A_105 = tpu.memref_slice %arg6[%add3A_97, %dma_start3A_104] : memref<320000x128xf32, #tpu.memory_space<hbm>> -> memref<80x128xf32, #tpu.memory_space<hbm>>
      %dma_start3A_106 = arith.constant 0 : i32
      %dma_start3A_107 = tpu.memref_slice %arg6[%add3A_97, %dma_start3A_106] : memref<320000x128xf32, #tpu.memory_space<hbm>> -> memref<80x128xf32, #tpu.memory_space<hbm>>
      tpu.enqueue_dma source(%arg15 : memref<80x128xf32, #tpu.memory_space<vmem>>) target(%dma_start3A_107 : memref<80x128xf32, #tpu.memory_space<hbm>>) target_semaphore(%run_scoped3A : memref<!tpu.dma_semaphore, #tpu.memory_space<semaphore_mem>>)
      %dma_wait3A_108 = arith.constant 0 : i32
      %dma_wait3A_109 = tpu.memref_slice %arg6[%add3A_97, %dma_wait3A_108] : memref<320000x128xf32, #tpu.memory_space<hbm>> -> memref<80x128xf32, #tpu.memory_space<hbm>>
      %dma_wait3A_110 = arith.constant 0 : i32
      %dma_wait3A_111 = tpu.memref_slice %arg6[%add3A_97, %dma_wait3A_110] : memref<320000x128xf32, #tpu.memory_space<hbm>> -> memref<80x128xf32, #tpu.memory_space<hbm>>
      tpu.wait_dma2 semaphore(%run_scoped3A : memref<!tpu.dma_semaphore, #tpu.memory_space<semaphore_mem>>) src(%arg15 : memref<80x128xf32, #tpu.memory_space<vmem>>) dst(%dma_wait3A_111 : memref<80x128xf32, #tpu.memory_space<hbm>>)
      tpu.yield
    }) : () -> ()
    "tpu.region"() ({
      %run_scoped3A = tpu.sem_alloc : memref<!tpu.dma_semaphore, #tpu.memory_space<semaphore_mem>>
      %dma_start3A_104 = arith.constant 0 : i32
      %dma_start3A_105 = tpu.memref_slice %arg7[%add3A_97, %dma_start3A_104] : memref<320000x128xf32, #tpu.memory_space<hbm>> -> memref<80x128xf32, #tpu.memory_space<hbm>>
      %dma_start3A_106 = arith.constant 0 : i32
      %dma_start3A_107 = tpu.memref_slice %arg7[%add3A_97, %dma_start3A_106] : memref<320000x128xf32, #tpu.memory_space<hbm>> -> memref<80x128xf32, #tpu.memory_space<hbm>>
      tpu.enqueue_dma source(%arg18 : memref<80x128xf32, #tpu.memory_space<vmem>>) target(%dma_start3A_107 : memref<80x128xf32, #tpu.memory_space<hbm>>) target_semaphore(%run_scoped3A : memref<!tpu.dma_semaphore, #tpu.memory_space<semaphore_mem>>)
      %dma_wait3A_108 = arith.constant 0 : i32
      %dma_wait3A_109 = tpu.memref_slice %arg7[%add3A_97, %dma_wait3A_108] : memref<320000x128xf32, #tpu.memory_space<hbm>> -> memref<80x128xf32, #tpu.memory_space<hbm>>
      %dma_wait3A_110 = arith.constant 0 : i32
      %dma_wait3A_111 = tpu.memref_slice %arg7[%add3A_97, %dma_wait3A_110] : memref<320000x128xf32, #tpu.memory_space<hbm>> -> memref<80x128xf32, #tpu.memory_space<hbm>>
      tpu.wait_dma2 semaphore(%run_scoped3A : memref<!tpu.dma_semaphore, #tpu.memory_space<semaphore_mem>>) src(%arg18 : memref<80x128xf32, #tpu.memory_space<vmem>>) dst(%dma_wait3A_111 : memref<80x128xf32, #tpu.memory_space<hbm>>)
      tpu.yield
    }) : () -> ()
    return
  }
}

#map = affine_map<(d0, d1) -> (0, 0)>
#map1 = affine_map<(d0, d1) -> (0)>
#map2 = affine_map<(d0, d1) -> (0, 0, 0)>
module attributes {stable_mosaic.version = 14 : i64} {
  func.func @_scatter_body(%arg0: i32, %arg1: i32, %arg2: memref<320000x128xf32, #tpu.memory_space<hbm>>, %arg3: memref<320000xi32, #tpu.memory_space<hbm>>, %arg4: memref<72x128xf32, #tpu.memory_space<hbm>>, %arg5: memref<80x128xf32, #tpu.memory_space<hbm>>, %arg6: memref<2x5760x128xf32, #tpu.memory_space<hbm>>, %arg7: memref<2x5760x128xf32, #tpu.memory_space<hbm>>, %arg8: memref<80xi32, #tpu.memory_space<vmem>>, %arg9: memref<80xi32, #tpu.memory_space<vmem>>, %arg10: memref<80x128xf32, #tpu.memory_space<vmem>>, %arg11: memref<80x128xf32, #tpu.memory_space<vmem>>, %arg12: memref<80x128xf32, #tpu.memory_space<vmem>>, %arg13: memref<5760x128xf32, #tpu.memory_space<vmem_shared>>, %arg14: memref<!tpu.dma_semaphore, #tpu.memory_space<semaphore_mem>>, %arg15: memref<!tpu.dma_semaphore, #tpu.memory_space<semaphore_mem>>) attributes {dimension_semantics = [#tpu.dimension_semantics<core_parallel>, #tpu.dimension_semantics<subcore_parallel>], iteration_bounds = array<i64: 2, 16>, scalar_prefetch = 0 : i64, scratch_operands = 8 : i64, tpu.core_type = #tpu.core_type<sc_vector_subcore>, window_params = [{transform_indices = #map}, {transform_indices = #map1}, {transform_indices = #map}, {transform_indices = #map}, {transform_indices = #map2}, {transform_indices = #map2}]} {
    %mul3A = arith.constant 5120 : i32
    %mul3A_0 = arith.muli %arg0, %mul3A : i32
    "tpu.region"() ({
      %run_scoped3A = tpu.sem_alloc : memref<!tpu.dma_semaphore, #tpu.memory_space<semaphore_mem>>
      %dma_start3A_543 = arith.constant 0 : i32
      %dma_start3A_544 = arith.constant 0 : i32
      %dma_start3A_545 = tpu.memref_slice %arg10[%dma_start3A_543, %dma_start3A_544] : memref<80x128xf32, #tpu.memory_space<vmem>> -> memref<72x128xf32, #tpu.memory_space<vmem>>
      %dma_start3A_546 = arith.constant 0 : i32
      %dma_start3A_547 = arith.constant 0 : i32
      %dma_start3A_548 = tpu.memref_slice %arg10[%dma_start3A_546, %dma_start3A_547] : memref<80x128xf32, #tpu.memory_space<vmem>> -> memref<72x128xf32, #tpu.memory_space<vmem>>
      tpu.enqueue_dma source(%arg4 : memref<72x128xf32, #tpu.memory_space<hbm>>) target(%dma_start3A_548 : memref<72x128xf32, #tpu.memory_space<vmem>>) target_semaphore(%run_scoped3A : memref<!tpu.dma_semaphore, #tpu.memory_space<semaphore_mem>>)
      %dma_wait3A_549 = arith.constant 0 : i32
      %dma_wait3A_550 = arith.constant 0 : i32
      %dma_wait3A_551 = tpu.memref_slice %arg10[%dma_wait3A_549, %dma_wait3A_550] : memref<80x128xf32, #tpu.memory_space<vmem>> -> memref<72x128xf32, #tpu.memory_space<vmem>>
      %dma_wait3A_552 = arith.constant 0 : i32
      %dma_wait3A_553 = arith.constant 0 : i32
      %dma_wait3A_554 = tpu.memref_slice %arg10[%dma_wait3A_552, %dma_wait3A_553] : memref<80x128xf32, #tpu.memory_space<vmem>> -> memref<72x128xf32, #tpu.memory_space<vmem>>
      tpu.wait_dma2 semaphore(%run_scoped3A : memref<!tpu.dma_semaphore, #tpu.memory_space<semaphore_mem>>) src(%arg4 : memref<72x128xf32, #tpu.memory_space<hbm>>) dst(%dma_wait3A_554 : memref<72x128xf32, #tpu.memory_space<vmem>>)
      tpu.yield
    }) : () -> ()
    %mul3A_1 = arith.constant 360 : i32
    %mul3A_2 = arith.muli %arg1, %mul3A_1 : i32
    %add3A = arith.constant 0 : i32
    %add3A_3 = arith.addi %mul3A_2, %add3A : i32
    "tpu.region"() ({
      %run_scoped3A = tpu.sem_alloc : memref<!tpu.dma_semaphore, #tpu.memory_space<semaphore_mem>>
      %dma_start3A_543 = arith.constant 0 : i32
      %dma_start3A_544 = arith.constant 0 : i32
      %dma_start3A_545 = tpu.memref_slice %arg10[%dma_start3A_543, %dma_start3A_544] : memref<80x128xf32, #tpu.memory_space<vmem>> -> memref<72x128xf32, #tpu.memory_space<vmem>>
      %dma_start3A_546 = arith.constant 0 : i32
      %dma_start3A_547 = tpu.memref_slice %arg13[%add3A_3, %dma_start3A_546] : memref<5760x128xf32, #tpu.memory_space<vmem_shared>> -> memref<72x128xf32, #tpu.memory_space<vmem_shared>>
      %dma_start3A_548 = arith.constant 0 : i32
      %dma_start3A_549 = tpu.memref_slice %arg13[%add3A_3, %dma_start3A_548] : memref<5760x128xf32, #tpu.memory_space<vmem_shared>> -> memref<72x128xf32, #tpu.memory_space<vmem_shared>>
      %dma_start3A_550 = arith.constant 0 : i32
      %dma_start3A_551 = arith.constant 0 : i32
      %dma_start3A_552 = tpu.memref_slice %arg10[%dma_start3A_550, %dma_start3A_551] : memref<80x128xf32, #tpu.memory_space<vmem>> -> memref<72x128xf32, #tpu.memory_space<vmem>>
      tpu.enqueue_dma source(%dma_start3A_552 : memref<72x128xf32, #tpu.memory_space<vmem>>) target(%dma_start3A_549 : memref<72x128xf32, #tpu.memory_space<vmem_shared>>) target_semaphore(%run_scoped3A : memref<!tpu.dma_semaphore, #tpu.memory_space<semaphore_mem>>)
      %dma_wait3A_553 = arith.constant 0 : i32
      %dma_wait3A_554 = arith.constant 0 : i32
      %dma_wait3A_555 = tpu.memref_slice %arg10[%dma_wait3A_553, %dma_wait3A_554] : memref<80x128xf32, #tpu.memory_space<vmem>> -> memref<72x128xf32, #tpu.memory_space<vmem>>
      %dma_wait3A_556 = arith.constant 0 : i32
      %dma_wait3A_557 = tpu.memref_slice %arg13[%add3A_3, %dma_wait3A_556] : memref<5760x128xf32, #tpu.memory_space<vmem_shared>> -> memref<72x128xf32, #tpu.memory_space<vmem_shared>>
      %dma_wait3A_558 = arith.constant 0 : i32
      %dma_wait3A_559 = tpu.memref_slice %arg13[%add3A_3, %dma_wait3A_558] : memref<5760x128xf32, #tpu.memory_space<vmem_shared>> -> memref<72x128xf32, #tpu.memory_space<vmem_shared>>
      %dma_wait3A_560 = arith.constant 0 : i32
      %dma_wait3A_561 = arith.constant 0 : i32
      %dma_wait3A_562 = tpu.memref_slice %arg10[%dma_wait3A_560, %dma_wait3A_561] : memref<80x128xf32, #tpu.memory_space<vmem>> -> memref<72x128xf32, #tpu.memory_space<vmem>>
      tpu.wait_dma2 semaphore(%run_scoped3A : memref<!tpu.dma_semaphore, #tpu.memory_space<semaphore_mem>>) src(%dma_wait3A_562 : memref<72x128xf32, #tpu.memory_space<vmem>>) dst(%dma_wait3A_559 : memref<72x128xf32, #tpu.memory_space<vmem_shared>>)
      tpu.yield
    }) : () -> ()
    %mul3A_4 = arith.constant 360 : i32
    %mul3A_5 = arith.muli %arg1, %mul3A_4 : i32
    %add3A_6 = arith.constant 72 : i32
    %add3A_7 = arith.addi %mul3A_5, %add3A_6 : i32
    "tpu.region"() ({
      %run_scoped3A = tpu.sem_alloc : memref<!tpu.dma_semaphore, #tpu.memory_space<semaphore_mem>>
      %dma_start3A_543 = arith.constant 0 : i32
      %dma_start3A_544 = arith.constant 0 : i32
      %dma_start3A_545 = tpu.memref_slice %arg10[%dma_start3A_543, %dma_start3A_544] : memref<80x128xf32, #tpu.memory_space<vmem>> -> memref<72x128xf32, #tpu.memory_space<vmem>>
      %dma_start3A_546 = arith.constant 0 : i32
      %dma_start3A_547 = tpu.memref_slice %arg13[%add3A_7, %dma_start3A_546] : memref<5760x128xf32, #tpu.memory_space<vmem_shared>> -> memref<72x128xf32, #tpu.memory_space<vmem_shared>>
      %dma_start3A_548 = arith.constant 0 : i32
      %dma_start3A_549 = tpu.memref_slice %arg13[%add3A_7, %dma_start3A_548] : memref<5760x128xf32, #tpu.memory_space<vmem_shared>> -> memref<72x128xf32, #tpu.memory_space<vmem_shared>>
      %dma_start3A_550 = arith.constant 0 : i32
      %dma_start3A_551 = arith.constant 0 : i32
      %dma_start3A_552 = tpu.memref_slice %arg10[%dma_start3A_550, %dma_start3A_551] : memref<80x128xf32, #tpu.memory_space<vmem>> -> memref<72x128xf32, #tpu.memory_space<vmem>>
      tpu.enqueue_dma source(%dma_start3A_552 : memref<72x128xf32, #tpu.memory_space<vmem>>) target(%dma_start3A_549 : memref<72x128xf32, #tpu.memory_space<vmem_shared>>) target_semaphore(%run_scoped3A : memref<!tpu.dma_semaphore, #tpu.memory_space<semaphore_mem>>)
      %dma_wait3A_553 = arith.constant 0 : i32
      %dma_wait3A_554 = arith.constant 0 : i32
      %dma_wait3A_555 = tpu.memref_slice %arg10[%dma_wait3A_553, %dma_wait3A_554] : memref<80x128xf32, #tpu.memory_space<vmem>> -> memref<72x128xf32, #tpu.memory_space<vmem>>
      %dma_wait3A_556 = arith.constant 0 : i32
      %dma_wait3A_557 = tpu.memref_slice %arg13[%add3A_7, %dma_wait3A_556] : memref<5760x128xf32, #tpu.memory_space<vmem_shared>> -> memref<72x128xf32, #tpu.memory_space<vmem_shared>>
      %dma_wait3A_558 = arith.constant 0 : i32
      %dma_wait3A_559 = tpu.memref_slice %arg13[%add3A_7, %dma_wait3A_558] : memref<5760x128xf32, #tpu.memory_space<vmem_shared>> -> memref<72x128xf32, #tpu.memory_space<vmem_shared>>
      %dma_wait3A_560 = arith.constant 0 : i32
      %dma_wait3A_561 = arith.constant 0 : i32
      %dma_wait3A_562 = tpu.memref_slice %arg10[%dma_wait3A_560, %dma_wait3A_561] : memref<80x128xf32, #tpu.memory_space<vmem>> -> memref<72x128xf32, #tpu.memory_space<vmem>>
      tpu.wait_dma2 semaphore(%run_scoped3A : memref<!tpu.dma_semaphore, #tpu.memory_space<semaphore_mem>>) src(%dma_wait3A_562 : memref<72x128xf32, #tpu.memory_space<vmem>>) dst(%dma_wait3A_559 : memref<72x128xf32, #tpu.memory_space<vmem_shared>>)
      tpu.yield
    }) : () -> ()
    %mul3A_8 = arith.constant 360 : i32
    %mul3A_9 = arith.muli %arg1, %mul3A_8 : i32
    %add3A_10 = arith.constant 144 : i32
    %add3A_11 = arith.addi %mul3A_9, %add3A_10 : i32
    "tpu.region"() ({
      %run_scoped3A = tpu.sem_alloc : memref<!tpu.dma_semaphore, #tpu.memory_space<semaphore_mem>>
      %dma_start3A_543 = arith.constant 0 : i32
      %dma_start3A_544 = arith.constant 0 : i32
      %dma_start3A_545 = tpu.memref_slice %arg10[%dma_start3A_543, %dma_start3A_544] : memref<80x128xf32, #tpu.memory_space<vmem>> -> memref<72x128xf32, #tpu.memory_space<vmem>>
      %dma_start3A_546 = arith.constant 0 : i32
      %dma_start3A_547 = tpu.memref_slice %arg13[%add3A_11, %dma_start3A_546] : memref<5760x128xf32, #tpu.memory_space<vmem_shared>> -> memref<72x128xf32, #tpu.memory_space<vmem_shared>>
      %dma_start3A_548 = arith.constant 0 : i32
      %dma_start3A_549 = tpu.memref_slice %arg13[%add3A_11, %dma_start3A_548] : memref<5760x128xf32, #tpu.memory_space<vmem_shared>> -> memref<72x128xf32, #tpu.memory_space<vmem_shared>>
      %dma_start3A_550 = arith.constant 0 : i32
      %dma_start3A_551 = arith.constant 0 : i32
      %dma_start3A_552 = tpu.memref_slice %arg10[%dma_start3A_550, %dma_start3A_551] : memref<80x128xf32, #tpu.memory_space<vmem>> -> memref<72x128xf32, #tpu.memory_space<vmem>>
      tpu.enqueue_dma source(%dma_start3A_552 : memref<72x128xf32, #tpu.memory_space<vmem>>) target(%dma_start3A_549 : memref<72x128xf32, #tpu.memory_space<vmem_shared>>) target_semaphore(%run_scoped3A : memref<!tpu.dma_semaphore, #tpu.memory_space<semaphore_mem>>)
      %dma_wait3A_553 = arith.constant 0 : i32
      %dma_wait3A_554 = arith.constant 0 : i32
      %dma_wait3A_555 = tpu.memref_slice %arg10[%dma_wait3A_553, %dma_wait3A_554] : memref<80x128xf32, #tpu.memory_space<vmem>> -> memref<72x128xf32, #tpu.memory_space<vmem>>
      %dma_wait3A_556 = arith.constant 0 : i32
      %dma_wait3A_557 = tpu.memref_slice %arg13[%add3A_11, %dma_wait3A_556] : memref<5760x128xf32, #tpu.memory_space<vmem_shared>> -> memref<72x128xf32, #tpu.memory_space<vmem_shared>>
      %dma_wait3A_558 = arith.constant 0 : i32
      %dma_wait3A_559 = tpu.memref_slice %arg13[%add3A_11, %dma_wait3A_558] : memref<5760x128xf32, #tpu.memory_space<vmem_shared>> -> memref<72x128xf32, #tpu.memory_space<vmem_shared>>
      %dma_wait3A_560 = arith.constant 0 : i32
      %dma_wait3A_561 = arith.constant 0 : i32
      %dma_wait3A_562 = tpu.memref_slice %arg10[%dma_wait3A_560, %dma_wait3A_561] : memref<80x128xf32, #tpu.memory_space<vmem>> -> memref<72x128xf32, #tpu.memory_space<vmem>>
      tpu.wait_dma2 semaphore(%run_scoped3A : memref<!tpu.dma_semaphore, #tpu.memory_space<semaphore_mem>>) src(%dma_wait3A_562 : memref<72x128xf32, #tpu.memory_space<vmem>>) dst(%dma_wait3A_559 : memref<72x128xf32, #tpu.memory_space<vmem_shared>>)
      tpu.yield
    }) : () -> ()
    %mul3A_12 = arith.constant 360 : i32
    %mul3A_13 = arith.muli %arg1, %mul3A_12 : i32
    %add3A_14 = arith.constant 216 : i32
    %add3A_15 = arith.addi %mul3A_13, %add3A_14 : i32
    "tpu.region"() ({
      %run_scoped3A = tpu.sem_alloc : memref<!tpu.dma_semaphore, #tpu.memory_space<semaphore_mem>>
      %dma_start3A_543 = arith.constant 0 : i32
      %dma_start3A_544 = arith.constant 0 : i32
      %dma_start3A_545 = tpu.memref_slice %arg10[%dma_start3A_543, %dma_start3A_544] : memref<80x128xf32, #tpu.memory_space<vmem>> -> memref<72x128xf32, #tpu.memory_space<vmem>>
      %dma_start3A_546 = arith.constant 0 : i32
      %dma_start3A_547 = tpu.memref_slice %arg13[%add3A_15, %dma_start3A_546] : memref<5760x128xf32, #tpu.memory_space<vmem_shared>> -> memref<72x128xf32, #tpu.memory_space<vmem_shared>>
      %dma_start3A_548 = arith.constant 0 : i32
      %dma_start3A_549 = tpu.memref_slice %arg13[%add3A_15, %dma_start3A_548] : memref<5760x128xf32, #tpu.memory_space<vmem_shared>> -> memref<72x128xf32, #tpu.memory_space<vmem_shared>>
      %dma_start3A_550 = arith.constant 0 : i32
      %dma_start3A_551 = arith.constant 0 : i32
      %dma_start3A_552 = tpu.memref_slice %arg10[%dma_start3A_550, %dma_start3A_551] : memref<80x128xf32, #tpu.memory_space<vmem>> -> memref<72x128xf32, #tpu.memory_space<vmem>>
      tpu.enqueue_dma source(%dma_start3A_552 : memref<72x128xf32, #tpu.memory_space<vmem>>) target(%dma_start3A_549 : memref<72x128xf32, #tpu.memory_space<vmem_shared>>) target_semaphore(%run_scoped3A : memref<!tpu.dma_semaphore, #tpu.memory_space<semaphore_mem>>)
      %dma_wait3A_553 = arith.constant 0 : i32
      %dma_wait3A_554 = arith.constant 0 : i32
      %dma_wait3A_555 = tpu.memref_slice %arg10[%dma_wait3A_553, %dma_wait3A_554] : memref<80x128xf32, #tpu.memory_space<vmem>> -> memref<72x128xf32, #tpu.memory_space<vmem>>
      %dma_wait3A_556 = arith.constant 0 : i32
      %dma_wait3A_557 = tpu.memref_slice %arg13[%add3A_15, %dma_wait3A_556] : memref<5760x128xf32, #tpu.memory_space<vmem_shared>> -> memref<72x128xf32, #tpu.memory_space<vmem_shared>>
      %dma_wait3A_558 = arith.constant 0 : i32
      %dma_wait3A_559 = tpu.memref_slice %arg13[%add3A_15, %dma_wait3A_558] : memref<5760x128xf32, #tpu.memory_space<vmem_shared>> -> memref<72x128xf32, #tpu.memory_space<vmem_shared>>
      %dma_wait3A_560 = arith.constant 0 : i32
      %dma_wait3A_561 = arith.constant 0 : i32
      %dma_wait3A_562 = tpu.memref_slice %arg10[%dma_wait3A_560, %dma_wait3A_561] : memref<80x128xf32, #tpu.memory_space<vmem>> -> memref<72x128xf32, #tpu.memory_space<vmem>>
      tpu.wait_dma2 semaphore(%run_scoped3A : memref<!tpu.dma_semaphore, #tpu.memory_space<semaphore_mem>>) src(%dma_wait3A_562 : memref<72x128xf32, #tpu.memory_space<vmem>>) dst(%dma_wait3A_559 : memref<72x128xf32, #tpu.memory_space<vmem_shared>>)
      tpu.yield
    }) : () -> ()
    %mul3A_16 = arith.constant 360 : i32
    %mul3A_17 = arith.muli %arg1, %mul3A_16 : i32
    %add3A_18 = arith.constant 288 : i32
    %add3A_19 = arith.addi %mul3A_17, %add3A_18 : i32
    "tpu.region"() ({
      %run_scoped3A = tpu.sem_alloc : memref<!tpu.dma_semaphore, #tpu.memory_space<semaphore_mem>>
      %dma_start3A_543 = arith.constant 0 : i32
      %dma_start3A_544 = arith.constant 0 : i32
      %dma_start3A_545 = tpu.memref_slice %arg10[%dma_start3A_543, %dma_start3A_544] : memref<80x128xf32, #tpu.memory_space<vmem>> -> memref<72x128xf32, #tpu.memory_space<vmem>>
      %dma_start3A_546 = arith.constant 0 : i32
      %dma_start3A_547 = tpu.memref_slice %arg13[%add3A_19, %dma_start3A_546] : memref<5760x128xf32, #tpu.memory_space<vmem_shared>> -> memref<72x128xf32, #tpu.memory_space<vmem_shared>>
      %dma_start3A_548 = arith.constant 0 : i32
      %dma_start3A_549 = tpu.memref_slice %arg13[%add3A_19, %dma_start3A_548] : memref<5760x128xf32, #tpu.memory_space<vmem_shared>> -> memref<72x128xf32, #tpu.memory_space<vmem_shared>>
      %dma_start3A_550 = arith.constant 0 : i32
      %dma_start3A_551 = arith.constant 0 : i32
      %dma_start3A_552 = tpu.memref_slice %arg10[%dma_start3A_550, %dma_start3A_551] : memref<80x128xf32, #tpu.memory_space<vmem>> -> memref<72x128xf32, #tpu.memory_space<vmem>>
      tpu.enqueue_dma source(%dma_start3A_552 : memref<72x128xf32, #tpu.memory_space<vmem>>) target(%dma_start3A_549 : memref<72x128xf32, #tpu.memory_space<vmem_shared>>) target_semaphore(%run_scoped3A : memref<!tpu.dma_semaphore, #tpu.memory_space<semaphore_mem>>)
      %dma_wait3A_553 = arith.constant 0 : i32
      %dma_wait3A_554 = arith.constant 0 : i32
      %dma_wait3A_555 = tpu.memref_slice %arg10[%dma_wait3A_553, %dma_wait3A_554] : memref<80x128xf32, #tpu.memory_space<vmem>> -> memref<72x128xf32, #tpu.memory_space<vmem>>
      %dma_wait3A_556 = arith.constant 0 : i32
      %dma_wait3A_557 = tpu.memref_slice %arg13[%add3A_19, %dma_wait3A_556] : memref<5760x128xf32, #tpu.memory_space<vmem_shared>> -> memref<72x128xf32, #tpu.memory_space<vmem_shared>>
      %dma_wait3A_558 = arith.constant 0 : i32
      %dma_wait3A_559 = tpu.memref_slice %arg13[%add3A_19, %dma_wait3A_558] : memref<5760x128xf32, #tpu.memory_space<vmem_shared>> -> memref<72x128xf32, #tpu.memory_space<vmem_shared>>
      %dma_wait3A_560 = arith.constant 0 : i32
      %dma_wait3A_561 = arith.constant 0 : i32
      %dma_wait3A_562 = tpu.memref_slice %arg10[%dma_wait3A_560, %dma_wait3A_561] : memref<80x128xf32, #tpu.memory_space<vmem>> -> memref<72x128xf32, #tpu.memory_space<vmem>>
      tpu.wait_dma2 semaphore(%run_scoped3A : memref<!tpu.dma_semaphore, #tpu.memory_space<semaphore_mem>>) src(%dma_wait3A_562 : memref<72x128xf32, #tpu.memory_space<vmem>>) dst(%dma_wait3A_559 : memref<72x128xf32, #tpu.memory_space<vmem_shared>>)
      tpu.yield
    }) : () -> ()
    %barrier3A = arith.constant 0 : index
    tpu.barrier barrier_id(%barrier3A)
    %mul3A_20 = arith.constant 20000 : i32
    %mul3A_21 = arith.muli %arg1, %mul3A_20 : i32
    %add3A_22 = arith.constant 0 : i32
    %add3A_23 = arith.addi %mul3A_21, %add3A_22 : i32
    "tpu.region"() ({
      %run_scoped3A = tpu.sem_alloc : memref<!tpu.dma_semaphore, #tpu.memory_space<semaphore_mem>>
      %dma_start3A_543 = tpu.memref_slice %arg3[%add3A_23] : memref<320000xi32, #tpu.memory_space<hbm>> -> memref<80xi32, #tpu.memory_space<hbm>>
      %dma_start3A_544 = tpu.memref_slice %arg3[%add3A_23] : memref<320000xi32, #tpu.memory_space<hbm>> -> memref<80xi32, #tpu.memory_space<hbm>>
      tpu.enqueue_dma source(%dma_start3A_544 : memref<80xi32, #tpu.memory_space<hbm>>) target(%arg8 : memref<80xi32, #tpu.memory_space<vmem>>) target_semaphore(%run_scoped3A : memref<!tpu.dma_semaphore, #tpu.memory_space<semaphore_mem>>)
      %dma_wait3A_545 = tpu.memref_slice %arg3[%add3A_23] : memref<320000xi32, #tpu.memory_space<hbm>> -> memref<80xi32, #tpu.memory_space<hbm>>
      %dma_wait3A_546 = tpu.memref_slice %arg3[%add3A_23] : memref<320000xi32, #tpu.memory_space<hbm>> -> memref<80xi32, #tpu.memory_space<hbm>>
      tpu.wait_dma2 semaphore(%run_scoped3A : memref<!tpu.dma_semaphore, #tpu.memory_space<semaphore_mem>>) src(%dma_wait3A_546 : memref<80xi32, #tpu.memory_space<hbm>>) dst(%arg8 : memref<80xi32, #tpu.memory_space<vmem>>)
      tpu.yield
    }) : () -> ()
    "tpu.region"() ({
      %run_scoped3A = tpu.sem_alloc : memref<!tpu.dma_semaphore, #tpu.memory_space<semaphore_mem>>
      %dma_start3A_543 = arith.constant 0 : i32
      %dma_start3A_544 = tpu.memref_slice %arg2[%add3A_23, %dma_start3A_543] : memref<320000x128xf32, #tpu.memory_space<hbm>> -> memref<80x128xf32, #tpu.memory_space<hbm>>
      %dma_start3A_545 = arith.constant 0 : i32
      %dma_start3A_546 = tpu.memref_slice %arg2[%add3A_23, %dma_start3A_545] : memref<320000x128xf32, #tpu.memory_space<hbm>> -> memref<80x128xf32, #tpu.memory_space<hbm>>
      tpu.enqueue_dma source(%dma_start3A_546 : memref<80x128xf32, #tpu.memory_space<hbm>>) target(%arg10 : memref<80x128xf32, #tpu.memory_space<vmem>>) target_semaphore(%run_scoped3A : memref<!tpu.dma_semaphore, #tpu.memory_space<semaphore_mem>>)
      %dma_wait3A_547 = arith.constant 0 : i32
      %dma_wait3A_548 = tpu.memref_slice %arg2[%add3A_23, %dma_wait3A_547] : memref<320000x128xf32, #tpu.memory_space<hbm>> -> memref<80x128xf32, #tpu.memory_space<hbm>>
      %dma_wait3A_549 = arith.constant 0 : i32
      %dma_wait3A_550 = tpu.memref_slice %arg2[%add3A_23, %dma_wait3A_549] : memref<320000x128xf32, #tpu.memory_space<hbm>> -> memref<80x128xf32, #tpu.memory_space<hbm>>
      tpu.wait_dma2 semaphore(%run_scoped3A : memref<!tpu.dma_semaphore, #tpu.memory_space<semaphore_mem>>) src(%dma_wait3A_550 : memref<80x128xf32, #tpu.memory_space<hbm>>) dst(%arg10 : memref<80x128xf32, #tpu.memory_space<vmem>>)
      tpu.yield
    }) : () -> ()
    %get3A = arith.constant 0 : index
    %get3A_24 = tpu.vector_load %arg8[%get3A] {strides = array<i32>} : memref<80xi32, #tpu.memory_space<vmem>>, vector<16xi32>,
    %get3A_25 = vector.shape_cast %get3A_24 : vector<16xi32> to vector<16xi32>
    %sub3A = vector.broadcast %mul3A_0 : i32 to vector<16xi32>
    %sub3A_26 = arith.subi %get3A_25, %sub3A : vector<16xi32>
    %ge3A = arith.constant 0 : i32
    %ge3A_27 = vector.broadcast %ge3A : i32 to vector<16xi32>
    %ge3A_28 = arith.cmpi sge, %sub3A_26, %ge3A_27 : vector<16xi32>
    %lt3A = arith.constant 5120 : i32
    %lt3A_29 = vector.broadcast %lt3A : i32 to vector<16xi32>
    %lt3A_30 = arith.cmpi slt, %sub3A_26, %lt3A_29 : vector<16xi32>
    %and3A = arith.andi %ge3A_28, %lt3A_30 : vector<16xi1>
    %jit3A = arith.constant 5120 : i32
    %broadcast_in_dim3A = vector.broadcast %jit3A : i32 to vector<16xi32>
    %select_n3A = arith.select %and3A, %sub3A_26, %broadcast_in_dim3A : vector<16xi1>, vector<16xi32>
    %swap3A = arith.constant 0 : index
    %swap3A_31 = tpu.vector_load %arg8[%swap3A] {strides = array<i32>} : memref<80xi32, #tpu.memory_space<vmem>>, vector<16xi32>,
    %swap3A_32 = vector.shape_cast %swap3A_31 : vector<16xi32> to vector<16xi32>
    %swap3A_33 = vector.shape_cast %select_n3A : vector<16xi32> to vector<16xi32>
    tpu.vector_store %arg8[%swap3A], %swap3A_33 {strides = array<i32>} : memref<80xi32, #tpu.memory_space<vmem>>, vector<16xi32>,
    %get3A_34 = arith.constant 16 : index
    %get3A_35 = tpu.vector_load %arg8[%get3A_34] {strides = array<i32>} : memref<80xi32, #tpu.memory_space<vmem>>, vector<16xi32>,
    %get3A_36 = vector.shape_cast %get3A_35 : vector<16xi32> to vector<16xi32>
    %sub3A_37 = vector.broadcast %mul3A_0 : i32 to vector<16xi32>
    %sub3A_38 = arith.subi %get3A_36, %sub3A_37 : vector<16xi32>
    %ge3A_39 = arith.constant 0 : i32
    %ge3A_40 = vector.broadcast %ge3A_39 : i32 to vector<16xi32>
    %ge3A_41 = arith.cmpi sge, %sub3A_38, %ge3A_40 : vector<16xi32>
    %lt3A_42 = arith.constant 5120 : i32
    %lt3A_43 = vector.broadcast %lt3A_42 : i32 to vector<16xi32>
    %lt3A_44 = arith.cmpi slt, %sub3A_38, %lt3A_43 : vector<16xi32>
    %and3A_45 = arith.andi %ge3A_41, %lt3A_44 : vector<16xi1>
    %jit3A_46 = arith.constant 5120 : i32
    %broadcast_in_dim3A_47 = vector.broadcast %jit3A_46 : i32 to vector<16xi32>
    %select_n3A_48 = arith.select %and3A_45, %sub3A_38, %broadcast_in_dim3A_47 : vector<16xi1>, vector<16xi32>
    %swap3A_49 = arith.constant 16 : index
    %swap3A_50 = tpu.vector_load %arg8[%swap3A_49] {strides = array<i32>} : memref<80xi32, #tpu.memory_space<vmem>>, vector<16xi32>,
    %swap3A_51 = vector.shape_cast %swap3A_50 : vector<16xi32> to vector<16xi32>
    %swap3A_52 = vector.shape_cast %select_n3A_48 : vector<16xi32> to vector<16xi32>
    tpu.vector_store %arg8[%swap3A_49], %swap3A_52 {strides = array<i32>} : memref<80xi32, #tpu.memory_space<vmem>>, vector<16xi32>,
    %get3A_53 = arith.constant 32 : index
    %get3A_54 = tpu.vector_load %arg8[%get3A_53] {strides = array<i32>} : memref<80xi32, #tpu.memory_space<vmem>>, vector<16xi32>,
    %get3A_55 = vector.shape_cast %get3A_54 : vector<16xi32> to vector<16xi32>
    %sub3A_56 = vector.broadcast %mul3A_0 : i32 to vector<16xi32>
    %sub3A_57 = arith.subi %get3A_55, %sub3A_56 : vector<16xi32>
    %ge3A_58 = arith.constant 0 : i32
    %ge3A_59 = vector.broadcast %ge3A_58 : i32 to vector<16xi32>
    %ge3A_60 = arith.cmpi sge, %sub3A_57, %ge3A_59 : vector<16xi32>
    %lt3A_61 = arith.constant 5120 : i32
    %lt3A_62 = vector.broadcast %lt3A_61 : i32 to vector<16xi32>
    %lt3A_63 = arith.cmpi slt, %sub3A_57, %lt3A_62 : vector<16xi32>
    %and3A_64 = arith.andi %ge3A_60, %lt3A_63 : vector<16xi1>
    %jit3A_65 = arith.constant 5120 : i32
    %broadcast_in_dim3A_66 = vector.broadcast %jit3A_65 : i32 to vector<16xi32>
    %select_n3A_67 = arith.select %and3A_64, %sub3A_57, %broadcast_in_dim3A_66 : vector<16xi1>, vector<16xi32>
    %swap3A_68 = arith.constant 32 : index
    %swap3A_69 = tpu.vector_load %arg8[%swap3A_68] {strides = array<i32>} : memref<80xi32, #tpu.memory_space<vmem>>, vector<16xi32>,
    %swap3A_70 = vector.shape_cast %swap3A_69 : vector<16xi32> to vector<16xi32>
    %swap3A_71 = vector.shape_cast %select_n3A_67 : vector<16xi32> to vector<16xi32>
    tpu.vector_store %arg8[%swap3A_68], %swap3A_71 {strides = array<i32>} : memref<80xi32, #tpu.memory_space<vmem>>, vector<16xi32>,
    %get3A_72 = arith.constant 48 : index
    %get3A_73 = tpu.vector_load %arg8[%get3A_72] {strides = array<i32>} : memref<80xi32, #tpu.memory_space<vmem>>, vector<16xi32>,
    %get3A_74 = vector.shape_cast %get3A_73 : vector<16xi32> to vector<16xi32>
    %sub3A_75 = vector.broadcast %mul3A_0 : i32 to vector<16xi32>
    %sub3A_76 = arith.subi %get3A_74, %sub3A_75 : vector<16xi32>
    %ge3A_77 = arith.constant 0 : i32
    %ge3A_78 = vector.broadcast %ge3A_77 : i32 to vector<16xi32>
    %ge3A_79 = arith.cmpi sge, %sub3A_76, %ge3A_78 : vector<16xi32>
    %lt3A_80 = arith.constant 5120 : i32
    %lt3A_81 = vector.broadcast %lt3A_80 : i32 to vector<16xi32>
    %lt3A_82 = arith.cmpi slt, %sub3A_76, %lt3A_81 : vector<16xi32>
    %and3A_83 = arith.andi %ge3A_79, %lt3A_82 : vector<16xi1>
    %jit3A_84 = arith.constant 5120 : i32
    %broadcast_in_dim3A_85 = vector.broadcast %jit3A_84 : i32 to vector<16xi32>
    %select_n3A_86 = arith.select %and3A_83, %sub3A_76, %broadcast_in_dim3A_85 : vector<16xi1>, vector<16xi32>
    %swap3A_87 = arith.constant 48 : index
    %swap3A_88 = tpu.vector_load %arg8[%swap3A_87] {strides = array<i32>} : memref<80xi32, #tpu.memory_space<vmem>>, vector<16xi32>,
    %swap3A_89 = vector.shape_cast %swap3A_88 : vector<16xi32> to vector<16xi32>
    %swap3A_90 = vector.shape_cast %select_n3A_86 : vector<16xi32> to vector<16xi32>
    tpu.vector_store %arg8[%swap3A_87], %swap3A_90 {strides = array<i32>} : memref<80xi32, #tpu.memory_space<vmem>>, vector<16xi32>,
    %get3A_91 = arith.constant 64 : index
    %get3A_92 = tpu.vector_load %arg8[%get3A_91] {strides = array<i32>} : memref<80xi32, #tpu.memory_space<vmem>>, vector<16xi32>,
    %get3A_93 = vector.shape_cast %get3A_92 : vector<16xi32> to vector<16xi32>
    %sub3A_94 = vector.broadcast %mul3A_0 : i32 to vector<16xi32>
    %sub3A_95 = arith.subi %get3A_93, %sub3A_94 : vector<16xi32>
    %ge3A_96 = arith.constant 0 : i32
    %ge3A_97 = vector.broadcast %ge3A_96 : i32 to vector<16xi32>
    %ge3A_98 = arith.cmpi sge, %sub3A_95, %ge3A_97 : vector<16xi32>
    %lt3A_99 = arith.constant 5120 : i32
    %lt3A_100 = vector.broadcast %lt3A_99 : i32 to vector<16xi32>
    %lt3A_101 = arith.cmpi slt, %sub3A_95, %lt3A_100 : vector<16xi32>
    %and3A_102 = arith.andi %ge3A_98, %lt3A_101 : vector<16xi1>
    %jit3A_103 = arith.constant 5120 : i32
    %broadcast_in_dim3A_104 = vector.broadcast %jit3A_103 : i32 to vector<16xi32>
    %select_n3A_105 = arith.select %and3A_102, %sub3A_95, %broadcast_in_dim3A_104 : vector<16xi1>, vector<16xi32>
    %swap3A_106 = arith.constant 64 : index
    %swap3A_107 = tpu.vector_load %arg8[%swap3A_106] {strides = array<i32>} : memref<80xi32, #tpu.memory_space<vmem>>, vector<16xi32>,
    %swap3A_108 = vector.shape_cast %swap3A_107 : vector<16xi32> to vector<16xi32>
    %swap3A_109 = vector.shape_cast %select_n3A_105 : vector<16xi32> to vector<16xi32>
    tpu.vector_store %arg8[%swap3A_106], %swap3A_109 {strides = array<i32>} : memref<80xi32, #tpu.memory_space<vmem>>, vector<16xi32>,
    %dma_start3A = arith.constant 0 : i32
    %dma_start3A_110 = arith.constant 0 : i32
    %dma_start3A_111 = tpu.memref_slice %arg13[%dma_start3A, %dma_start3A_110] : memref<5760x128xf32, #tpu.memory_space<vmem_shared>> -> memref<5760x128xf32, #tpu.memory_space<vmem_shared>>
    tpu.enqueue_indirect_dma source(%arg10 : memref<80x128xf32, #tpu.memory_space<vmem>>) target(%dma_start3A_111 : memref<5760x128xf32, #tpu.memory_space<vmem_shared>>) offsets(%arg8 : memref<80xi32, #tpu.memory_space<vmem>>) semaphore(%arg14 : memref<!tpu.dma_semaphore, #tpu.memory_space<semaphore_mem>>) {add = true}
    %mul3A_112 = arith.constant 20000 : i32
    %mul3A_113 = arith.muli %arg1, %mul3A_112 : i32
    %add3A_114 = arith.constant 80 : i32
    %add3A_115 = arith.addi %mul3A_113, %add3A_114 : i32
    "tpu.region"() ({
      %run_scoped3A = tpu.sem_alloc : memref<!tpu.dma_semaphore, #tpu.memory_space<semaphore_mem>>
      %dma_start3A_543 = tpu.memref_slice %arg3[%add3A_115] : memref<320000xi32, #tpu.memory_space<hbm>> -> memref<80xi32, #tpu.memory_space<hbm>>
      %dma_start3A_544 = tpu.memref_slice %arg3[%add3A_115] : memref<320000xi32, #tpu.memory_space<hbm>> -> memref<80xi32, #tpu.memory_space<hbm>>
      tpu.enqueue_dma source(%dma_start3A_544 : memref<80xi32, #tpu.memory_space<hbm>>) target(%arg9 : memref<80xi32, #tpu.memory_space<vmem>>) target_semaphore(%run_scoped3A : memref<!tpu.dma_semaphore, #tpu.memory_space<semaphore_mem>>)
      %dma_wait3A_545 = tpu.memref_slice %arg3[%add3A_115] : memref<320000xi32, #tpu.memory_space<hbm>> -> memref<80xi32, #tpu.memory_space<hbm>>
      %dma_wait3A_546 = tpu.memref_slice %arg3[%add3A_115] : memref<320000xi32, #tpu.memory_space<hbm>> -> memref<80xi32, #tpu.memory_space<hbm>>
      tpu.wait_dma2 semaphore(%run_scoped3A : memref<!tpu.dma_semaphore, #tpu.memory_space<semaphore_mem>>) src(%dma_wait3A_546 : memref<80xi32, #tpu.memory_space<hbm>>) dst(%arg9 : memref<80xi32, #tpu.memory_space<vmem>>)
      tpu.yield
    }) : () -> ()
    "tpu.region"() ({
      %run_scoped3A = tpu.sem_alloc : memref<!tpu.dma_semaphore, #tpu.memory_space<semaphore_mem>>
      %dma_start3A_543 = arith.constant 0 : i32
      %dma_start3A_544 = tpu.memref_slice %arg2[%add3A_115, %dma_start3A_543] : memref<320000x128xf32, #tpu.memory_space<hbm>> -> memref<80x128xf32, #tpu.memory_space<hbm>>
      %dma_start3A_545 = arith.constant 0 : i32
      %dma_start3A_546 = tpu.memref_slice %arg2[%add3A_115, %dma_start3A_545] : memref<320000x128xf32, #tpu.memory_space<hbm>> -> memref<80x128xf32, #tpu.memory_space<hbm>>
      tpu.enqueue_dma source(%dma_start3A_546 : memref<80x128xf32, #tpu.memory_space<hbm>>) target(%arg11 : memref<80x128xf32, #tpu.memory_space<vmem>>) target_semaphore(%run_scoped3A : memref<!tpu.dma_semaphore, #tpu.memory_space<semaphore_mem>>)
      %dma_wait3A_547 = arith.constant 0 : i32
      %dma_wait3A_548 = tpu.memref_slice %arg2[%add3A_115, %dma_wait3A_547] : memref<320000x128xf32, #tpu.memory_space<hbm>> -> memref<80x128xf32, #tpu.memory_space<hbm>>
      %dma_wait3A_549 = arith.constant 0 : i32
      %dma_wait3A_550 = tpu.memref_slice %arg2[%add3A_115, %dma_wait3A_549] : memref<320000x128xf32, #tpu.memory_space<hbm>> -> memref<80x128xf32, #tpu.memory_space<hbm>>
      tpu.wait_dma2 semaphore(%run_scoped3A : memref<!tpu.dma_semaphore, #tpu.memory_space<semaphore_mem>>) src(%dma_wait3A_550 : memref<80x128xf32, #tpu.memory_space<hbm>>) dst(%arg11 : memref<80x128xf32, #tpu.memory_space<vmem>>)
      tpu.yield
    }) : () -> ()
    %get3A_116 = arith.constant 0 : index
    %get3A_117 = tpu.vector_load %arg9[%get3A_116] {strides = array<i32>} : memref<80xi32, #tpu.memory_space<vmem>>, vector<16xi32>,
    %get3A_118 = vector.shape_cast %get3A_117 : vector<16xi32> to vector<16xi32>
    %sub3A_119 = vector.broadcast %mul3A_0 : i32 to vector<16xi32>
    %sub3A_120 = arith.subi %get3A_118, %sub3A_119 : vector<16xi32>
    %ge3A_121 = arith.constant 0 : i32
    %ge3A_122 = vector.broadcast %ge3A_121 : i32 to vector<16xi32>
    %ge3A_123 = arith.cmpi sge, %sub3A_120, %ge3A_122 : vector<16xi32>
    %lt3A_124 = arith.constant 5120 : i32
    %lt3A_125 = vector.broadcast %lt3A_124 : i32 to vector<16xi32>
    %lt3A_126 = arith.cmpi slt, %sub3A_120, %lt3A_125 : vector<16xi32>
    %and3A_127 = arith.andi %ge3A_123, %lt3A_126 : vector<16xi1>
    %jit3A_128 = arith.constant 5120 : i32
    %broadcast_in_dim3A_129 = vector.broadcast %jit3A_128 : i32 to vector<16xi32>
    %select_n3A_130 = arith.select %and3A_127, %sub3A_120, %broadcast_in_dim3A_129 : vector<16xi1>, vector<16xi32>
    %swap3A_131 = arith.constant 0 : index
    %swap3A_132 = tpu.vector_load %arg9[%swap3A_131] {strides = array<i32>} : memref<80xi32, #tpu.memory_space<vmem>>, vector<16xi32>,
    %swap3A_133 = vector.shape_cast %swap3A_132 : vector<16xi32> to vector<16xi32>
    %swap3A_134 = vector.shape_cast %select_n3A_130 : vector<16xi32> to vector<16xi32>
    tpu.vector_store %arg9[%swap3A_131], %swap3A_134 {strides = array<i32>} : memref<80xi32, #tpu.memory_space<vmem>>, vector<16xi32>,
    %get3A_135 = arith.constant 16 : index
    %get3A_136 = tpu.vector_load %arg9[%get3A_135] {strides = array<i32>} : memref<80xi32, #tpu.memory_space<vmem>>, vector<16xi32>,
    %get3A_137 = vector.shape_cast %get3A_136 : vector<16xi32> to vector<16xi32>
    %sub3A_138 = vector.broadcast %mul3A_0 : i32 to vector<16xi32>
    %sub3A_139 = arith.subi %get3A_137, %sub3A_138 : vector<16xi32>
    %ge3A_140 = arith.constant 0 : i32
    %ge3A_141 = vector.broadcast %ge3A_140 : i32 to vector<16xi32>
    %ge3A_142 = arith.cmpi sge, %sub3A_139, %ge3A_141 : vector<16xi32>
    %lt3A_143 = arith.constant 5120 : i32
    %lt3A_144 = vector.broadcast %lt3A_143 : i32 to vector<16xi32>
    %lt3A_145 = arith.cmpi slt, %sub3A_139, %lt3A_144 : vector<16xi32>
    %and3A_146 = arith.andi %ge3A_142, %lt3A_145 : vector<16xi1>
    %jit3A_147 = arith.constant 5120 : i32
    %broadcast_in_dim3A_148 = vector.broadcast %jit3A_147 : i32 to vector<16xi32>
    %select_n3A_149 = arith.select %and3A_146, %sub3A_139, %broadcast_in_dim3A_148 : vector<16xi1>, vector<16xi32>
    %swap3A_150 = arith.constant 16 : index
    %swap3A_151 = tpu.vector_load %arg9[%swap3A_150] {strides = array<i32>} : memref<80xi32, #tpu.memory_space<vmem>>, vector<16xi32>,
    %swap3A_152 = vector.shape_cast %swap3A_151 : vector<16xi32> to vector<16xi32>
    %swap3A_153 = vector.shape_cast %select_n3A_149 : vector<16xi32> to vector<16xi32>
    tpu.vector_store %arg9[%swap3A_150], %swap3A_153 {strides = array<i32>} : memref<80xi32, #tpu.memory_space<vmem>>, vector<16xi32>,
    %get3A_154 = arith.constant 32 : index
    %get3A_155 = tpu.vector_load %arg9[%get3A_154] {strides = array<i32>} : memref<80xi32, #tpu.memory_space<vmem>>, vector<16xi32>,
    %get3A_156 = vector.shape_cast %get3A_155 : vector<16xi32> to vector<16xi32>
    %sub3A_157 = vector.broadcast %mul3A_0 : i32 to vector<16xi32>
    %sub3A_158 = arith.subi %get3A_156, %sub3A_157 : vector<16xi32>
    %ge3A_159 = arith.constant 0 : i32
    %ge3A_160 = vector.broadcast %ge3A_159 : i32 to vector<16xi32>
    %ge3A_161 = arith.cmpi sge, %sub3A_158, %ge3A_160 : vector<16xi32>
    %lt3A_162 = arith.constant 5120 : i32
    %lt3A_163 = vector.broadcast %lt3A_162 : i32 to vector<16xi32>
    %lt3A_164 = arith.cmpi slt, %sub3A_158, %lt3A_163 : vector<16xi32>
    %and3A_165 = arith.andi %ge3A_161, %lt3A_164 : vector<16xi1>
    %jit3A_166 = arith.constant 5120 : i32
    %broadcast_in_dim3A_167 = vector.broadcast %jit3A_166 : i32 to vector<16xi32>
    %select_n3A_168 = arith.select %and3A_165, %sub3A_158, %broadcast_in_dim3A_167 : vector<16xi1>, vector<16xi32>
    %swap3A_169 = arith.constant 32 : index
    %swap3A_170 = tpu.vector_load %arg9[%swap3A_169] {strides = array<i32>} : memref<80xi32, #tpu.memory_space<vmem>>, vector<16xi32>,
    %swap3A_171 = vector.shape_cast %swap3A_170 : vector<16xi32> to vector<16xi32>
    %swap3A_172 = vector.shape_cast %select_n3A_168 : vector<16xi32> to vector<16xi32>
    tpu.vector_store %arg9[%swap3A_169], %swap3A_172 {strides = array<i32>} : memref<80xi32, #tpu.memory_space<vmem>>, vector<16xi32>,
    %get3A_173 = arith.constant 48 : index
    %get3A_174 = tpu.vector_load %arg9[%get3A_173] {strides = array<i32>} : memref<80xi32, #tpu.memory_space<vmem>>, vector<16xi32>,
    %get3A_175 = vector.shape_cast %get3A_174 : vector<16xi32> to vector<16xi32>
    %sub3A_176 = vector.broadcast %mul3A_0 : i32 to vector<16xi32>
    %sub3A_177 = arith.subi %get3A_175, %sub3A_176 : vector<16xi32>
    %ge3A_178 = arith.constant 0 : i32
    %ge3A_179 = vector.broadcast %ge3A_178 : i32 to vector<16xi32>
    %ge3A_180 = arith.cmpi sge, %sub3A_177, %ge3A_179 : vector<16xi32>
    %lt3A_181 = arith.constant 5120 : i32
    %lt3A_182 = vector.broadcast %lt3A_181 : i32 to vector<16xi32>
    %lt3A_183 = arith.cmpi slt, %sub3A_177, %lt3A_182 : vector<16xi32>
    %and3A_184 = arith.andi %ge3A_180, %lt3A_183 : vector<16xi1>
    %jit3A_185 = arith.constant 5120 : i32
    %broadcast_in_dim3A_186 = vector.broadcast %jit3A_185 : i32 to vector<16xi32>
    %select_n3A_187 = arith.select %and3A_184, %sub3A_177, %broadcast_in_dim3A_186 : vector<16xi1>, vector<16xi32>
    %swap3A_188 = arith.constant 48 : index
    %swap3A_189 = tpu.vector_load %arg9[%swap3A_188] {strides = array<i32>} : memref<80xi32, #tpu.memory_space<vmem>>, vector<16xi32>,
    %swap3A_190 = vector.shape_cast %swap3A_189 : vector<16xi32> to vector<16xi32>
    %swap3A_191 = vector.shape_cast %select_n3A_187 : vector<16xi32> to vector<16xi32>
    tpu.vector_store %arg9[%swap3A_188], %swap3A_191 {strides = array<i32>} : memref<80xi32, #tpu.memory_space<vmem>>, vector<16xi32>,
    %get3A_192 = arith.constant 64 : index
    %get3A_193 = tpu.vector_load %arg9[%get3A_192] {strides = array<i32>} : memref<80xi32, #tpu.memory_space<vmem>>, vector<16xi32>,
    %get3A_194 = vector.shape_cast %get3A_193 : vector<16xi32> to vector<16xi32>
    %sub3A_195 = vector.broadcast %mul3A_0 : i32 to vector<16xi32>
    %sub3A_196 = arith.subi %get3A_194, %sub3A_195 : vector<16xi32>
    %ge3A_197 = arith.constant 0 : i32
    %ge3A_198 = vector.broadcast %ge3A_197 : i32 to vector<16xi32>
    %ge3A_199 = arith.cmpi sge, %sub3A_196, %ge3A_198 : vector<16xi32>
    %lt3A_200 = arith.constant 5120 : i32
    %lt3A_201 = vector.broadcast %lt3A_200 : i32 to vector<16xi32>
    %lt3A_202 = arith.cmpi slt, %sub3A_196, %lt3A_201 : vector<16xi32>
    %and3A_203 = arith.andi %ge3A_199, %lt3A_202 : vector<16xi1>
    %jit3A_204 = arith.constant 5120 : i32
    %broadcast_in_dim3A_205 = vector.broadcast %jit3A_204 : i32 to vector<16xi32>
    %select_n3A_206 = arith.select %and3A_203, %sub3A_196, %broadcast_in_dim3A_205 : vector<16xi1>, vector<16xi32>
    %swap3A_207 = arith.constant 64 : index
    %swap3A_208 = tpu.vector_load %arg9[%swap3A_207] {strides = array<i32>} : memref<80xi32, #tpu.memory_space<vmem>>, vector<16xi32>,
    %swap3A_209 = vector.shape_cast %swap3A_208 : vector<16xi32> to vector<16xi32>
    %swap3A_210 = vector.shape_cast %select_n3A_206 : vector<16xi32> to vector<16xi32>
    tpu.vector_store %arg9[%swap3A_207], %swap3A_210 {strides = array<i32>} : memref<80xi32, #tpu.memory_space<vmem>>, vector<16xi32>,
    %dma_start3A_211 = arith.constant 0 : i32
    %dma_start3A_212 = arith.constant 0 : i32
    %dma_start3A_213 = tpu.memref_slice %arg13[%dma_start3A_211, %dma_start3A_212] : memref<5760x128xf32, #tpu.memory_space<vmem_shared>> -> memref<5760x128xf32, #tpu.memory_space<vmem_shared>>
    tpu.enqueue_indirect_dma source(%arg11 : memref<80x128xf32, #tpu.memory_space<vmem>>) target(%dma_start3A_213 : memref<5760x128xf32, #tpu.memory_space<vmem_shared>>) offsets(%arg9 : memref<80xi32, #tpu.memory_space<vmem>>) semaphore(%arg15 : memref<!tpu.dma_semaphore, #tpu.memory_space<semaphore_mem>>) {add = true}
    %scan3A = arith.constant 0 : i32
    %scan3A_214 = arith.constant 0 : i32
    %scan3A_215 = arith.constant 124 : i32
    %scan3A_216 = arith.addi %scan3A_214, %scan3A_215 : i32
    %scan3A_217 = arith.constant 1 : i32
    scf.for %scan3A_543 = %scan3A_214 to %scan3A_216 step %scan3A_217  : i32 {
      %mul3A_544 = arith.constant 2 : i32
      %mul3A_545 = arith.muli %mul3A_544, %scan3A_543 : i32
      %dma_wait3A_546 = arith.constant 0 : i32
      %dma_wait3A_547 = arith.constant 0 : i32
      %dma_wait3A_548 = tpu.memref_slice %arg13[%dma_wait3A_546, %dma_wait3A_547] : memref<5760x128xf32, #tpu.memory_space<vmem_shared>> -> memref<5760x128xf32, #tpu.memory_space<vmem_shared>>
      tpu.wait_indirect_dma semaphore(%arg14 : memref<!tpu.dma_semaphore, #tpu.memory_space<semaphore_mem>>) src(%arg10 : memref<80x128xf32, #tpu.memory_space<vmem>>) dst(%dma_wait3A_548 : memref<5760x128xf32, #tpu.memory_space<vmem_shared>>)
      %add3A_549 = arith.constant 2 : i32
      %add3A_550 = arith.addi %mul3A_545, %add3A_549 : i32
      %mul3A_551 = arith.constant 20000 : i32
      %mul3A_552 = arith.muli %arg1, %mul3A_551 : i32
      %mul3A_553 = arith.constant 80 : i32
      %mul3A_554 = arith.muli %add3A_550, %mul3A_553 : i32
      %add3A_555 = arith.addi %mul3A_552, %mul3A_554 : i32
      "tpu.region"() ({
        %run_scoped3A = tpu.sem_alloc : memref<!tpu.dma_semaphore, #tpu.memory_space<semaphore_mem>>
        %dma_start3A_762 = tpu.memref_slice %arg3[%add3A_555] : memref<320000xi32, #tpu.memory_space<hbm>> -> memref<80xi32, #tpu.memory_space<hbm>>
        %dma_start3A_763 = tpu.memref_slice %arg3[%add3A_555] : memref<320000xi32, #tpu.memory_space<hbm>> -> memref<80xi32, #tpu.memory_space<hbm>>
        tpu.enqueue_dma source(%dma_start3A_763 : memref<80xi32, #tpu.memory_space<hbm>>) target(%arg8 : memref<80xi32, #tpu.memory_space<vmem>>) target_semaphore(%run_scoped3A : memref<!tpu.dma_semaphore, #tpu.memory_space<semaphore_mem>>)
        %dma_wait3A_764 = tpu.memref_slice %arg3[%add3A_555] : memref<320000xi32, #tpu.memory_space<hbm>> -> memref<80xi32, #tpu.memory_space<hbm>>
        %dma_wait3A_765 = tpu.memref_slice %arg3[%add3A_555] : memref<320000xi32, #tpu.memory_space<hbm>> -> memref<80xi32, #tpu.memory_space<hbm>>
        tpu.wait_dma2 semaphore(%run_scoped3A : memref<!tpu.dma_semaphore, #tpu.memory_space<semaphore_mem>>) src(%dma_wait3A_765 : memref<80xi32, #tpu.memory_space<hbm>>) dst(%arg8 : memref<80xi32, #tpu.memory_space<vmem>>)
        tpu.yield
      }) : () -> ()
      "tpu.region"() ({
        %run_scoped3A = tpu.sem_alloc : memref<!tpu.dma_semaphore, #tpu.memory_space<semaphore_mem>>
        %dma_start3A_762 = arith.constant 0 : i32
        %dma_start3A_763 = tpu.memref_slice %arg2[%add3A_555, %dma_start3A_762] : memref<320000x128xf32, #tpu.memory_space<hbm>> -> memref<80x128xf32, #tpu.memory_space<hbm>>
        %dma_start3A_764 = arith.constant 0 : i32
        %dma_start3A_765 = tpu.memref_slice %arg2[%add3A_555, %dma_start3A_764] : memref<320000x128xf32, #tpu.memory_space<hbm>> -> memref<80x128xf32, #tpu.memory_space<hbm>>
        tpu.enqueue_dma source(%dma_start3A_765 : memref<80x128xf32, #tpu.memory_space<hbm>>) target(%arg10 : memref<80x128xf32, #tpu.memory_space<vmem>>) target_semaphore(%run_scoped3A : memref<!tpu.dma_semaphore, #tpu.memory_space<semaphore_mem>>)
        %dma_wait3A_766 = arith.constant 0 : i32
        %dma_wait3A_767 = tpu.memref_slice %arg2[%add3A_555, %dma_wait3A_766] : memref<320000x128xf32, #tpu.memory_space<hbm>> -> memref<80x128xf32, #tpu.memory_space<hbm>>
        %dma_wait3A_768 = arith.constant 0 : i32
        %dma_wait3A_769 = tpu.memref_slice %arg2[%add3A_555, %dma_wait3A_768] : memref<320000x128xf32, #tpu.memory_space<hbm>> -> memref<80x128xf32, #tpu.memory_space<hbm>>
        tpu.wait_dma2 semaphore(%run_scoped3A : memref<!tpu.dma_semaphore, #tpu.memory_space<semaphore_mem>>) src(%dma_wait3A_769 : memref<80x128xf32, #tpu.memory_space<hbm>>) dst(%arg10 : memref<80x128xf32, #tpu.memory_space<vmem>>)
        tpu.yield
      }) : () -> ()
      %get3A_556 = arith.constant 0 : index
      %get3A_557 = tpu.vector_load %arg8[%get3A_556] {strides = array<i32>} : memref<80xi32, #tpu.memory_space<vmem>>, vector<16xi32>,
      %get3A_558 = vector.shape_cast %get3A_557 : vector<16xi32> to vector<16xi32>
      %sub3A_559 = vector.broadcast %mul3A_0 : i32 to vector<16xi32>
      %sub3A_560 = arith.subi %get3A_558, %sub3A_559 : vector<16xi32>
      %ge3A_561 = arith.constant 0 : i32
      %ge3A_562 = vector.broadcast %ge3A_561 : i32 to vector<16xi32>
      %ge3A_563 = arith.cmpi sge, %sub3A_560, %ge3A_562 : vector<16xi32>
      %lt3A_564 = arith.constant 5120 : i32
      %lt3A_565 = vector.broadcast %lt3A_564 : i32 to vector<16xi32>
      %lt3A_566 = arith.cmpi slt, %sub3A_560, %lt3A_565 : vector<16xi32>
      %and3A_567 = arith.andi %ge3A_563, %lt3A_566 : vector<16xi1>
      %jit3A_568 = arith.constant 5120 : i32
      %broadcast_in_dim3A_569 = vector.broadcast %jit3A_568 : i32 to vector<16xi32>
      %select_n3A_570 = arith.select %and3A_567, %sub3A_560, %broadcast_in_dim3A_569 : vector<16xi1>, vector<16xi32>
      %swap3A_571 = arith.constant 0 : index
      %swap3A_572 = tpu.vector_load %arg8[%swap3A_571] {strides = array<i32>} : memref<80xi32, #tpu.memory_space<vmem>>, vector<16xi32>,
      %swap3A_573 = vector.shape_cast %swap3A_572 : vector<16xi32> to vector<16xi32>
      %swap3A_574 = vector.shape_cast %select_n3A_570 : vector<16xi32> to vector<16xi32>
      tpu.vector_store %arg8[%swap3A_571], %swap3A_574 {strides = array<i32>} : memref<80xi32, #tpu.memory_space<vmem>>, vector<16xi32>,
      %get3A_575 = arith.constant 16 : index
      %get3A_576 = tpu.vector_load %arg8[%get3A_575] {strides = array<i32>} : memref<80xi32, #tpu.memory_space<vmem>>, vector<16xi32>,
      %get3A_577 = vector.shape_cast %get3A_576 : vector<16xi32> to vector<16xi32>
      %sub3A_578 = vector.broadcast %mul3A_0 : i32 to vector<16xi32>
      %sub3A_579 = arith.subi %get3A_577, %sub3A_578 : vector<16xi32>
      %ge3A_580 = arith.constant 0 : i32
      %ge3A_581 = vector.broadcast %ge3A_580 : i32 to vector<16xi32>
      %ge3A_582 = arith.cmpi sge, %sub3A_579, %ge3A_581 : vector<16xi32>
      %lt3A_583 = arith.constant 5120 : i32
      %lt3A_584 = vector.broadcast %lt3A_583 : i32 to vector<16xi32>
      %lt3A_585 = arith.cmpi slt, %sub3A_579, %lt3A_584 : vector<16xi32>
      %and3A_586 = arith.andi %ge3A_582, %lt3A_585 : vector<16xi1>
      %jit3A_587 = arith.constant 5120 : i32
      %broadcast_in_dim3A_588 = vector.broadcast %jit3A_587 : i32 to vector<16xi32>
      %select_n3A_589 = arith.select %and3A_586, %sub3A_579, %broadcast_in_dim3A_588 : vector<16xi1>, vector<16xi32>
      %swap3A_590 = arith.constant 16 : index
      %swap3A_591 = tpu.vector_load %arg8[%swap3A_590] {strides = array<i32>} : memref<80xi32, #tpu.memory_space<vmem>>, vector<16xi32>,
      %swap3A_592 = vector.shape_cast %swap3A_591 : vector<16xi32> to vector<16xi32>
      %swap3A_593 = vector.shape_cast %select_n3A_589 : vector<16xi32> to vector<16xi32>
      tpu.vector_store %arg8[%swap3A_590], %swap3A_593 {strides = array<i32>} : memref<80xi32, #tpu.memory_space<vmem>>, vector<16xi32>,
      %get3A_594 = arith.constant 32 : index
      %get3A_595 = tpu.vector_load %arg8[%get3A_594] {strides = array<i32>} : memref<80xi32, #tpu.memory_space<vmem>>, vector<16xi32>,
      %get3A_596 = vector.shape_cast %get3A_595 : vector<16xi32> to vector<16xi32>
      %sub3A_597 = vector.broadcast %mul3A_0 : i32 to vector<16xi32>
      %sub3A_598 = arith.subi %get3A_596, %sub3A_597 : vector<16xi32>
      %ge3A_599 = arith.constant 0 : i32
      %ge3A_600 = vector.broadcast %ge3A_599 : i32 to vector<16xi32>
      %ge3A_601 = arith.cmpi sge, %sub3A_598, %ge3A_600 : vector<16xi32>
      %lt3A_602 = arith.constant 5120 : i32
      %lt3A_603 = vector.broadcast %lt3A_602 : i32 to vector<16xi32>
      %lt3A_604 = arith.cmpi slt, %sub3A_598, %lt3A_603 : vector<16xi32>
      %and3A_605 = arith.andi %ge3A_601, %lt3A_604 : vector<16xi1>
      %jit3A_606 = arith.constant 5120 : i32
      %broadcast_in_dim3A_607 = vector.broadcast %jit3A_606 : i32 to vector<16xi32>
      %select_n3A_608 = arith.select %and3A_605, %sub3A_598, %broadcast_in_dim3A_607 : vector<16xi1>, vector<16xi32>
      %swap3A_609 = arith.constant 32 : index
      %swap3A_610 = tpu.vector_load %arg8[%swap3A_609] {strides = array<i32>} : memref<80xi32, #tpu.memory_space<vmem>>, vector<16xi32>,
      %swap3A_611 = vector.shape_cast %swap3A_610 : vector<16xi32> to vector<16xi32>
      %swap3A_612 = vector.shape_cast %select_n3A_608 : vector<16xi32> to vector<16xi32>
      tpu.vector_store %arg8[%swap3A_609], %swap3A_612 {strides = array<i32>} : memref<80xi32, #tpu.memory_space<vmem>>, vector<16xi32>,
      %get3A_613 = arith.constant 48 : index
      %get3A_614 = tpu.vector_load %arg8[%get3A_613] {strides = array<i32>} : memref<80xi32, #tpu.memory_space<vmem>>, vector<16xi32>,
      %get3A_615 = vector.shape_cast %get3A_614 : vector<16xi32> to vector<16xi32>
      %sub3A_616 = vector.broadcast %mul3A_0 : i32 to vector<16xi32>
      %sub3A_617 = arith.subi %get3A_615, %sub3A_616 : vector<16xi32>
      %ge3A_618 = arith.constant 0 : i32
      %ge3A_619 = vector.broadcast %ge3A_618 : i32 to vector<16xi32>
      %ge3A_620 = arith.cmpi sge, %sub3A_617, %ge3A_619 : vector<16xi32>
      %lt3A_621 = arith.constant 5120 : i32
      %lt3A_622 = vector.broadcast %lt3A_621 : i32 to vector<16xi32>
      %lt3A_623 = arith.cmpi slt, %sub3A_617, %lt3A_622 : vector<16xi32>
      %and3A_624 = arith.andi %ge3A_620, %lt3A_623 : vector<16xi1>
      %jit3A_625 = arith.constant 5120 : i32
      %broadcast_in_dim3A_626 = vector.broadcast %jit3A_625 : i32 to vector<16xi32>
      %select_n3A_627 = arith.select %and3A_624, %sub3A_617, %broadcast_in_dim3A_626 : vector<16xi1>, vector<16xi32>
      %swap3A_628 = arith.constant 48 : index
      %swap3A_629 = tpu.vector_load %arg8[%swap3A_628] {strides = array<i32>} : memref<80xi32, #tpu.memory_space<vmem>>, vector<16xi32>,
      %swap3A_630 = vector.shape_cast %swap3A_629 : vector<16xi32> to vector<16xi32>
      %swap3A_631 = vector.shape_cast %select_n3A_627 : vector<16xi32> to vector<16xi32>
      tpu.vector_store %arg8[%swap3A_628], %swap3A_631 {strides = array<i32>} : memref<80xi32, #tpu.memory_space<vmem>>, vector<16xi32>,
      %get3A_632 = arith.constant 64 : index
      %get3A_633 = tpu.vector_load %arg8[%get3A_632] {strides = array<i32>} : memref<80xi32, #tpu.memory_space<vmem>>, vector<16xi32>,
      %get3A_634 = vector.shape_cast %get3A_633 : vector<16xi32> to vector<16xi32>
      %sub3A_635 = vector.broadcast %mul3A_0 : i32 to vector<16xi32>
      %sub3A_636 = arith.subi %get3A_634, %sub3A_635 : vector<16xi32>
      %ge3A_637 = arith.constant 0 : i32
      %ge3A_638 = vector.broadcast %ge3A_637 : i32 to vector<16xi32>
      %ge3A_639 = arith.cmpi sge, %sub3A_636, %ge3A_638 : vector<16xi32>
      %lt3A_640 = arith.constant 5120 : i32
      %lt3A_641 = vector.broadcast %lt3A_640 : i32 to vector<16xi32>
      %lt3A_642 = arith.cmpi slt, %sub3A_636, %lt3A_641 : vector<16xi32>
      %and3A_643 = arith.andi %ge3A_639, %lt3A_642 : vector<16xi1>
      %jit3A_644 = arith.constant 5120 : i32
      %broadcast_in_dim3A_645 = vector.broadcast %jit3A_644 : i32 to vector<16xi32>
      %select_n3A_646 = arith.select %and3A_643, %sub3A_636, %broadcast_in_dim3A_645 : vector<16xi1>, vector<16xi32>
      %swap3A_647 = arith.constant 64 : index
      %swap3A_648 = tpu.vector_load %arg8[%swap3A_647] {strides = array<i32>} : memref<80xi32, #tpu.memory_space<vmem>>, vector<16xi32>,
      %swap3A_649 = vector.shape_cast %swap3A_648 : vector<16xi32> to vector<16xi32>
      %swap3A_650 = vector.shape_cast %select_n3A_646 : vector<16xi32> to vector<16xi32>
      tpu.vector_store %arg8[%swap3A_647], %swap3A_650 {strides = array<i32>} : memref<80xi32, #tpu.memory_space<vmem>>, vector<16xi32>,
      %dma_start3A_651 = arith.constant 0 : i32
      %dma_start3A_652 = arith.constant 0 : i32
      %dma_start3A_653 = tpu.memref_slice %arg13[%dma_start3A_651, %dma_start3A_652] : memref<5760x128xf32, #tpu.memory_space<vmem_shared>> -> memref<5760x128xf32, #tpu.memory_space<vmem_shared>>
      tpu.enqueue_indirect_dma source(%arg10 : memref<80x128xf32, #tpu.memory_space<vmem>>) target(%dma_start3A_653 : memref<5760x128xf32, #tpu.memory_space<vmem_shared>>) offsets(%arg8 : memref<80xi32, #tpu.memory_space<vmem>>) semaphore(%arg14 : memref<!tpu.dma_semaphore, #tpu.memory_space<semaphore_mem>>) {add = true}
      %dma_wait3A_654 = arith.constant 0 : i32
      %dma_wait3A_655 = arith.constant 0 : i32
      %dma_wait3A_656 = tpu.memref_slice %arg13[%dma_wait3A_654, %dma_wait3A_655] : memref<5760x128xf32, #tpu.memory_space<vmem_shared>> -> memref<5760x128xf32, #tpu.memory_space<vmem_shared>>
      tpu.wait_indirect_dma semaphore(%arg15 : memref<!tpu.dma_semaphore, #tpu.memory_space<semaphore_mem>>) src(%arg11 : memref<80x128xf32, #tpu.memory_space<vmem>>) dst(%dma_wait3A_656 : memref<5760x128xf32, #tpu.memory_space<vmem_shared>>)
      %add3A_657 = arith.constant 3 : i32
      %add3A_658 = arith.addi %mul3A_545, %add3A_657 : i32
      %mul3A_659 = arith.constant 20000 : i32
      %mul3A_660 = arith.muli %arg1, %mul3A_659 : i32
      %mul3A_661 = arith.constant 80 : i32
      %mul3A_662 = arith.muli %add3A_658, %mul3A_661 : i32
      %add3A_663 = arith.addi %mul3A_660, %mul3A_662 : i32
      "tpu.region"() ({
        %run_scoped3A = tpu.sem_alloc : memref<!tpu.dma_semaphore, #tpu.memory_space<semaphore_mem>>
        %dma_start3A_762 = tpu.memref_slice %arg3[%add3A_663] : memref<320000xi32, #tpu.memory_space<hbm>> -> memref<80xi32, #tpu.memory_space<hbm>>
        %dma_start3A_763 = tpu.memref_slice %arg3[%add3A_663] : memref<320000xi32, #tpu.memory_space<hbm>> -> memref<80xi32, #tpu.memory_space<hbm>>
        tpu.enqueue_dma source(%dma_start3A_763 : memref<80xi32, #tpu.memory_space<hbm>>) target(%arg9 : memref<80xi32, #tpu.memory_space<vmem>>) target_semaphore(%run_scoped3A : memref<!tpu.dma_semaphore, #tpu.memory_space<semaphore_mem>>)
        %dma_wait3A_764 = tpu.memref_slice %arg3[%add3A_663] : memref<320000xi32, #tpu.memory_space<hbm>> -> memref<80xi32, #tpu.memory_space<hbm>>
        %dma_wait3A_765 = tpu.memref_slice %arg3[%add3A_663] : memref<320000xi32, #tpu.memory_space<hbm>> -> memref<80xi32, #tpu.memory_space<hbm>>
        tpu.wait_dma2 semaphore(%run_scoped3A : memref<!tpu.dma_semaphore, #tpu.memory_space<semaphore_mem>>) src(%dma_wait3A_765 : memref<80xi32, #tpu.memory_space<hbm>>) dst(%arg9 : memref<80xi32, #tpu.memory_space<vmem>>)
        tpu.yield
      }) : () -> ()
      "tpu.region"() ({
        %run_scoped3A = tpu.sem_alloc : memref<!tpu.dma_semaphore, #tpu.memory_space<semaphore_mem>>
        %dma_start3A_762 = arith.constant 0 : i32
        %dma_start3A_763 = tpu.memref_slice %arg2[%add3A_663, %dma_start3A_762] : memref<320000x128xf32, #tpu.memory_space<hbm>> -> memref<80x128xf32, #tpu.memory_space<hbm>>
        %dma_start3A_764 = arith.constant 0 : i32
        %dma_start3A_765 = tpu.memref_slice %arg2[%add3A_663, %dma_start3A_764] : memref<320000x128xf32, #tpu.memory_space<hbm>> -> memref<80x128xf32, #tpu.memory_space<hbm>>
        tpu.enqueue_dma source(%dma_start3A_765 : memref<80x128xf32, #tpu.memory_space<hbm>>) target(%arg11 : memref<80x128xf32, #tpu.memory_space<vmem>>) target_semaphore(%run_scoped3A : memref<!tpu.dma_semaphore, #tpu.memory_space<semaphore_mem>>)
        %dma_wait3A_766 = arith.constant 0 : i32
        %dma_wait3A_767 = tpu.memref_slice %arg2[%add3A_663, %dma_wait3A_766] : memref<320000x128xf32, #tpu.memory_space<hbm>> -> memref<80x128xf32, #tpu.memory_space<hbm>>
        %dma_wait3A_768 = arith.constant 0 : i32
        %dma_wait3A_769 = tpu.memref_slice %arg2[%add3A_663, %dma_wait3A_768] : memref<320000x128xf32, #tpu.memory_space<hbm>> -> memref<80x128xf32, #tpu.memory_space<hbm>>
        tpu.wait_dma2 semaphore(%run_scoped3A : memref<!tpu.dma_semaphore, #tpu.memory_space<semaphore_mem>>) src(%dma_wait3A_769 : memref<80x128xf32, #tpu.memory_space<hbm>>) dst(%arg11 : memref<80x128xf32, #tpu.memory_space<vmem>>)
        tpu.yield
      }) : () -> ()
      %get3A_664 = arith.constant 0 : index
      %get3A_665 = tpu.vector_load %arg9[%get3A_664] {strides = array<i32>} : memref<80xi32, #tpu.memory_space<vmem>>, vector<16xi32>,
      %get3A_666 = vector.shape_cast %get3A_665 : vector<16xi32> to vector<16xi32>
      %sub3A_667 = vector.broadcast %mul3A_0 : i32 to vector<16xi32>
      %sub3A_668 = arith.subi %get3A_666, %sub3A_667 : vector<16xi32>
      %ge3A_669 = arith.constant 0 : i32
      %ge3A_670 = vector.broadcast %ge3A_669 : i32 to vector<16xi32>
      %ge3A_671 = arith.cmpi sge, %sub3A_668, %ge3A_670 : vector<16xi32>
      %lt3A_672 = arith.constant 5120 : i32
      %lt3A_673 = vector.broadcast %lt3A_672 : i32 to vector<16xi32>
      %lt3A_674 = arith.cmpi slt, %sub3A_668, %lt3A_673 : vector<16xi32>
      %and3A_675 = arith.andi %ge3A_671, %lt3A_674 : vector<16xi1>
      %jit3A_676 = arith.constant 5120 : i32
      %broadcast_in_dim3A_677 = vector.broadcast %jit3A_676 : i32 to vector<16xi32>
      %select_n3A_678 = arith.select %and3A_675, %sub3A_668, %broadcast_in_dim3A_677 : vector<16xi1>, vector<16xi32>
      %swap3A_679 = arith.constant 0 : index
      %swap3A_680 = tpu.vector_load %arg9[%swap3A_679] {strides = array<i32>} : memref<80xi32, #tpu.memory_space<vmem>>, vector<16xi32>,
      %swap3A_681 = vector.shape_cast %swap3A_680 : vector<16xi32> to vector<16xi32>
      %swap3A_682 = vector.shape_cast %select_n3A_678 : vector<16xi32> to vector<16xi32>
      tpu.vector_store %arg9[%swap3A_679], %swap3A_682 {strides = array<i32>} : memref<80xi32, #tpu.memory_space<vmem>>, vector<16xi32>,
      %get3A_683 = arith.constant 16 : index
      %get3A_684 = tpu.vector_load %arg9[%get3A_683] {strides = array<i32>} : memref<80xi32, #tpu.memory_space<vmem>>, vector<16xi32>,
      %get3A_685 = vector.shape_cast %get3A_684 : vector<16xi32> to vector<16xi32>
      %sub3A_686 = vector.broadcast %mul3A_0 : i32 to vector<16xi32>
      %sub3A_687 = arith.subi %get3A_685, %sub3A_686 : vector<16xi32>
      %ge3A_688 = arith.constant 0 : i32
      %ge3A_689 = vector.broadcast %ge3A_688 : i32 to vector<16xi32>
      %ge3A_690 = arith.cmpi sge, %sub3A_687, %ge3A_689 : vector<16xi32>
      %lt3A_691 = arith.constant 5120 : i32
      %lt3A_692 = vector.broadcast %lt3A_691 : i32 to vector<16xi32>
      %lt3A_693 = arith.cmpi slt, %sub3A_687, %lt3A_692 : vector<16xi32>
      %and3A_694 = arith.andi %ge3A_690, %lt3A_693 : vector<16xi1>
      %jit3A_695 = arith.constant 5120 : i32
      %broadcast_in_dim3A_696 = vector.broadcast %jit3A_695 : i32 to vector<16xi32>
      %select_n3A_697 = arith.select %and3A_694, %sub3A_687, %broadcast_in_dim3A_696 : vector<16xi1>, vector<16xi32>
      %swap3A_698 = arith.constant 16 : index
      %swap3A_699 = tpu.vector_load %arg9[%swap3A_698] {strides = array<i32>} : memref<80xi32, #tpu.memory_space<vmem>>, vector<16xi32>,
      %swap3A_700 = vector.shape_cast %swap3A_699 : vector<16xi32> to vector<16xi32>
      %swap3A_701 = vector.shape_cast %select_n3A_697 : vector<16xi32> to vector<16xi32>
      tpu.vector_store %arg9[%swap3A_698], %swap3A_701 {strides = array<i32>} : memref<80xi32, #tpu.memory_space<vmem>>, vector<16xi32>,
      %get3A_702 = arith.constant 32 : index
      %get3A_703 = tpu.vector_load %arg9[%get3A_702] {strides = array<i32>} : memref<80xi32, #tpu.memory_space<vmem>>, vector<16xi32>,
      %get3A_704 = vector.shape_cast %get3A_703 : vector<16xi32> to vector<16xi32>
      %sub3A_705 = vector.broadcast %mul3A_0 : i32 to vector<16xi32>
      %sub3A_706 = arith.subi %get3A_704, %sub3A_705 : vector<16xi32>
      %ge3A_707 = arith.constant 0 : i32
      %ge3A_708 = vector.broadcast %ge3A_707 : i32 to vector<16xi32>
      %ge3A_709 = arith.cmpi sge, %sub3A_706, %ge3A_708 : vector<16xi32>
      %lt3A_710 = arith.constant 5120 : i32
      %lt3A_711 = vector.broadcast %lt3A_710 : i32 to vector<16xi32>
      %lt3A_712 = arith.cmpi slt, %sub3A_706, %lt3A_711 : vector<16xi32>
      %and3A_713 = arith.andi %ge3A_709, %lt3A_712 : vector<16xi1>
      %jit3A_714 = arith.constant 5120 : i32
      %broadcast_in_dim3A_715 = vector.broadcast %jit3A_714 : i32 to vector<16xi32>
      %select_n3A_716 = arith.select %and3A_713, %sub3A_706, %broadcast_in_dim3A_715 : vector<16xi1>, vector<16xi32>
      %swap3A_717 = arith.constant 32 : index
      %swap3A_718 = tpu.vector_load %arg9[%swap3A_717] {strides = array<i32>} : memref<80xi32, #tpu.memory_space<vmem>>, vector<16xi32>,
      %swap3A_719 = vector.shape_cast %swap3A_718 : vector<16xi32> to vector<16xi32>
      %swap3A_720 = vector.shape_cast %select_n3A_716 : vector<16xi32> to vector<16xi32>
      tpu.vector_store %arg9[%swap3A_717], %swap3A_720 {strides = array<i32>} : memref<80xi32, #tpu.memory_space<vmem>>, vector<16xi32>,
      %get3A_721 = arith.constant 48 : index
      %get3A_722 = tpu.vector_load %arg9[%get3A_721] {strides = array<i32>} : memref<80xi32, #tpu.memory_space<vmem>>, vector<16xi32>,
      %get3A_723 = vector.shape_cast %get3A_722 : vector<16xi32> to vector<16xi32>
      %sub3A_724 = vector.broadcast %mul3A_0 : i32 to vector<16xi32>
      %sub3A_725 = arith.subi %get3A_723, %sub3A_724 : vector<16xi32>
      %ge3A_726 = arith.constant 0 : i32
      %ge3A_727 = vector.broadcast %ge3A_726 : i32 to vector<16xi32>
      %ge3A_728 = arith.cmpi sge, %sub3A_725, %ge3A_727 : vector<16xi32>
      %lt3A_729 = arith.constant 5120 : i32
      %lt3A_730 = vector.broadcast %lt3A_729 : i32 to vector<16xi32>
      %lt3A_731 = arith.cmpi slt, %sub3A_725, %lt3A_730 : vector<16xi32>
      %and3A_732 = arith.andi %ge3A_728, %lt3A_731 : vector<16xi1>
      %jit3A_733 = arith.constant 5120 : i32
      %broadcast_in_dim3A_734 = vector.broadcast %jit3A_733 : i32 to vector<16xi32>
      %select_n3A_735 = arith.select %and3A_732, %sub3A_725, %broadcast_in_dim3A_734 : vector<16xi1>, vector<16xi32>
      %swap3A_736 = arith.constant 48 : index
      %swap3A_737 = tpu.vector_load %arg9[%swap3A_736] {strides = array<i32>} : memref<80xi32, #tpu.memory_space<vmem>>, vector<16xi32>,
      %swap3A_738 = vector.shape_cast %swap3A_737 : vector<16xi32> to vector<16xi32>
      %swap3A_739 = vector.shape_cast %select_n3A_735 : vector<16xi32> to vector<16xi32>
      tpu.vector_store %arg9[%swap3A_736], %swap3A_739 {strides = array<i32>} : memref<80xi32, #tpu.memory_space<vmem>>, vector<16xi32>,
      %get3A_740 = arith.constant 64 : index
      %get3A_741 = tpu.vector_load %arg9[%get3A_740] {strides = array<i32>} : memref<80xi32, #tpu.memory_space<vmem>>, vector<16xi32>,
      %get3A_742 = vector.shape_cast %get3A_741 : vector<16xi32> to vector<16xi32>
      %sub3A_743 = vector.broadcast %mul3A_0 : i32 to vector<16xi32>
      %sub3A_744 = arith.subi %get3A_742, %sub3A_743 : vector<16xi32>
      %ge3A_745 = arith.constant 0 : i32
      %ge3A_746 = vector.broadcast %ge3A_745 : i32 to vector<16xi32>
      %ge3A_747 = arith.cmpi sge, %sub3A_744, %ge3A_746 : vector<16xi32>
      %lt3A_748 = arith.constant 5120 : i32
      %lt3A_749 = vector.broadcast %lt3A_748 : i32 to vector<16xi32>
      %lt3A_750 = arith.cmpi slt, %sub3A_744, %lt3A_749 : vector<16xi32>
      %and3A_751 = arith.andi %ge3A_747, %lt3A_750 : vector<16xi1>
      %jit3A_752 = arith.constant 5120 : i32
      %broadcast_in_dim3A_753 = vector.broadcast %jit3A_752 : i32 to vector<16xi32>
      %select_n3A_754 = arith.select %and3A_751, %sub3A_744, %broadcast_in_dim3A_753 : vector<16xi1>, vector<16xi32>
      %swap3A_755 = arith.constant 64 : index
      %swap3A_756 = tpu.vector_load %arg9[%swap3A_755] {strides = array<i32>} : memref<80xi32, #tpu.memory_space<vmem>>, vector<16xi32>,
      %swap3A_757 = vector.shape_cast %swap3A_756 : vector<16xi32> to vector<16xi32>
      %swap3A_758 = vector.shape_cast %select_n3A_754 : vector<16xi32> to vector<16xi32>
      tpu.vector_store %arg9[%swap3A_755], %swap3A_758 {strides = array<i32>} : memref<80xi32, #tpu.memory_space<vmem>>, vector<16xi32>,
      %dma_start3A_759 = arith.constant 0 : i32
      %dma_start3A_760 = arith.constant 0 : i32
      %dma_start3A_761 = tpu.memref_slice %arg13[%dma_start3A_759, %dma_start3A_760] : memref<5760x128xf32, #tpu.memory_space<vmem_shared>> -> memref<5760x128xf32, #tpu.memory_space<vmem_shared>>
      tpu.enqueue_indirect_dma source(%arg11 : memref<80x128xf32, #tpu.memory_space<vmem>>) target(%dma_start3A_761 : memref<5760x128xf32, #tpu.memory_space<vmem_shared>>) offsets(%arg9 : memref<80xi32, #tpu.memory_space<vmem>>) semaphore(%arg15 : memref<!tpu.dma_semaphore, #tpu.memory_space<semaphore_mem>>) {add = true}
    }
    %scan3A_218 = arith.constant 124 : i32
    %dma_wait3A = arith.constant 0 : i32
    %dma_wait3A_219 = arith.constant 0 : i32
    %dma_wait3A_220 = tpu.memref_slice %arg13[%dma_wait3A, %dma_wait3A_219] : memref<5760x128xf32, #tpu.memory_space<vmem_shared>> -> memref<5760x128xf32, #tpu.memory_space<vmem_shared>>
    tpu.wait_indirect_dma semaphore(%arg14 : memref<!tpu.dma_semaphore, #tpu.memory_space<semaphore_mem>>) src(%arg10 : memref<80x128xf32, #tpu.memory_space<vmem>>) dst(%dma_wait3A_220 : memref<5760x128xf32, #tpu.memory_space<vmem_shared>>)
    %dma_wait3A_221 = arith.constant 0 : i32
    %dma_wait3A_222 = arith.constant 0 : i32
    %dma_wait3A_223 = tpu.memref_slice %arg13[%dma_wait3A_221, %dma_wait3A_222] : memref<5760x128xf32, #tpu.memory_space<vmem_shared>> -> memref<5760x128xf32, #tpu.memory_space<vmem_shared>>
    tpu.wait_indirect_dma semaphore(%arg15 : memref<!tpu.dma_semaphore, #tpu.memory_space<semaphore_mem>>) src(%arg11 : memref<80x128xf32, #tpu.memory_space<vmem>>) dst(%dma_wait3A_223 : memref<5760x128xf32, #tpu.memory_space<vmem_shared>>)
    %barrier3A_224 = arith.constant 0 : index
    tpu.barrier barrier_id(%barrier3A_224)
    %mul3A_225 = arith.constant 360 : i32
    %mul3A_226 = arith.muli %arg1, %mul3A_225 : i32
    %add3A_227 = arith.constant 0 : i32
    %add3A_228 = arith.addi %mul3A_226, %add3A_227 : i32
    "tpu.region"() ({
      %run_scoped3A = tpu.sem_alloc : memref<!tpu.dma_semaphore, #tpu.memory_space<semaphore_mem>>
      %dma_start3A_543 = arith.constant 0 : i32
      %dma_start3A_544 = arith.constant 0 : i32
      %dma_start3A_545 = tpu.memref_slice %arg10[%dma_start3A_543, %dma_start3A_544] : memref<80x128xf32, #tpu.memory_space<vmem>> -> memref<72x128xf32, #tpu.memory_space<vmem>>
      %dma_start3A_546 = arith.constant 0 : i32
      %dma_start3A_547 = tpu.memref_slice %arg13[%add3A_228, %dma_start3A_546] : memref<5760x128xf32, #tpu.memory_space<vmem_shared>> -> memref<72x128xf32, #tpu.memory_space<vmem_shared>>
      %dma_start3A_548 = arith.constant 0 : i32
      %dma_start3A_549 = arith.constant 0 : i32
      %dma_start3A_550 = tpu.memref_slice %arg10[%dma_start3A_548, %dma_start3A_549] : memref<80x128xf32, #tpu.memory_space<vmem>> -> memref<72x128xf32, #tpu.memory_space<vmem>>
      %dma_start3A_551 = arith.constant 0 : i32
      %dma_start3A_552 = tpu.memref_slice %arg13[%add3A_228, %dma_start3A_551] : memref<5760x128xf32, #tpu.memory_space<vmem_shared>> -> memref<72x128xf32, #tpu.memory_space<vmem_shared>>
      tpu.enqueue_dma source(%dma_start3A_552 : memref<72x128xf32, #tpu.memory_space<vmem_shared>>) target(%dma_start3A_550 : memref<72x128xf32, #tpu.memory_space<vmem>>) target_semaphore(%run_scoped3A : memref<!tpu.dma_semaphore, #tpu.memory_space<semaphore_mem>>)
      %dma_wait3A_553 = arith.constant 0 : i32
      %dma_wait3A_554 = arith.constant 0 : i32
      %dma_wait3A_555 = tpu.memref_slice %arg10[%dma_wait3A_553, %dma_wait3A_554] : memref<80x128xf32, #tpu.memory_space<vmem>> -> memref<72x128xf32, #tpu.memory_space<vmem>>
      %dma_wait3A_556 = arith.constant 0 : i32
      %dma_wait3A_557 = tpu.memref_slice %arg13[%add3A_228, %dma_wait3A_556] : memref<5760x128xf32, #tpu.memory_space<vmem_shared>> -> memref<72x128xf32, #tpu.memory_space<vmem_shared>>
      %dma_wait3A_558 = arith.constant 0 : i32
      %dma_wait3A_559 = arith.constant 0 : i32
      %dma_wait3A_560 = tpu.memref_slice %arg10[%dma_wait3A_558, %dma_wait3A_559] : memref<80x128xf32, #tpu.memory_space<vmem>> -> memref<72x128xf32, #tpu.memory_space<vmem>>
      %dma_wait3A_561 = arith.constant 0 : i32
      %dma_wait3A_562 = tpu.memref_slice %arg13[%add3A_228, %dma_wait3A_561] : memref<5760x128xf32, #tpu.memory_space<vmem_shared>> -> memref<72x128xf32, #tpu.memory_space<vmem_shared>>
      tpu.wait_dma2 semaphore(%run_scoped3A : memref<!tpu.dma_semaphore, #tpu.memory_space<semaphore_mem>>) src(%dma_wait3A_562 : memref<72x128xf32, #tpu.memory_space<vmem_shared>>) dst(%dma_wait3A_560 : memref<72x128xf32, #tpu.memory_space<vmem>>)
      tpu.yield
    }) : () -> ()
    %mul3A_229 = arith.constant 360 : i32
    %mul3A_230 = arith.muli %arg1, %mul3A_229 : i32
    %add3A_231 = arith.constant 0 : i32
    %add3A_232 = arith.addi %mul3A_230, %add3A_231 : i32
    "tpu.region"() ({
      %run_scoped3A = tpu.sem_alloc : memref<!tpu.dma_semaphore, #tpu.memory_space<semaphore_mem>>
      %dma_start3A_543 = arith.constant 0 : i32
      %dma_start3A_544 = arith.constant 0 : i32
      %dma_start3A_545 = tpu.memref_slice %arg10[%dma_start3A_543, %dma_start3A_544] : memref<80x128xf32, #tpu.memory_space<vmem>> -> memref<72x128xf32, #tpu.memory_space<vmem>>
      %dma_start3A_546 = arith.constant 0 : i32
      %dma_start3A_547 = tpu.memref_slice %arg6[%arg0, %add3A_232, %dma_start3A_546] : memref<2x5760x128xf32, #tpu.memory_space<hbm>> -> memref<1x72x128xf32, #tpu.memory_space<hbm>>
      %dma_start3A_548 = tpu.memref_squeeze %dma_start3A_547 : memref<1x72x128xf32, #tpu.memory_space<hbm>> -> memref<72x128xf32, #tpu.memory_space<hbm>>
      %dma_start3A_549 = arith.constant 0 : i32
      %dma_start3A_550 = tpu.memref_slice %arg6[%arg0, %add3A_232, %dma_start3A_549] : memref<2x5760x128xf32, #tpu.memory_space<hbm>> -> memref<1x72x128xf32, #tpu.memory_space<hbm>>
      %dma_start3A_551 = tpu.memref_squeeze %dma_start3A_550 : memref<1x72x128xf32, #tpu.memory_space<hbm>> -> memref<72x128xf32, #tpu.memory_space<hbm>>
      %dma_start3A_552 = arith.constant 0 : i32
      %dma_start3A_553 = arith.constant 0 : i32
      %dma_start3A_554 = tpu.memref_slice %arg10[%dma_start3A_552, %dma_start3A_553] : memref<80x128xf32, #tpu.memory_space<vmem>> -> memref<72x128xf32, #tpu.memory_space<vmem>>
      tpu.enqueue_dma source(%dma_start3A_554 : memref<72x128xf32, #tpu.memory_space<vmem>>) target(%dma_start3A_551 : memref<72x128xf32, #tpu.memory_space<hbm>>) target_semaphore(%run_scoped3A : memref<!tpu.dma_semaphore, #tpu.memory_space<semaphore_mem>>)
      %dma_wait3A_555 = arith.constant 0 : i32
      %dma_wait3A_556 = arith.constant 0 : i32
      %dma_wait3A_557 = tpu.memref_slice %arg10[%dma_wait3A_555, %dma_wait3A_556] : memref<80x128xf32, #tpu.memory_space<vmem>> -> memref<72x128xf32, #tpu.memory_space<vmem>>
      %dma_wait3A_558 = arith.constant 0 : i32
      %dma_wait3A_559 = tpu.memref_slice %arg6[%arg0, %add3A_232, %dma_wait3A_558] : memref<2x5760x128xf32, #tpu.memory_space<hbm>> -> memref<1x72x128xf32, #tpu.memory_space<hbm>>
      %dma_wait3A_560 = tpu.memref_squeeze %dma_wait3A_559 : memref<1x72x128xf32, #tpu.memory_space<hbm>> -> memref<72x128xf32, #tpu.memory_space<hbm>>
      %dma_wait3A_561 = arith.constant 0 : i32
      %dma_wait3A_562 = tpu.memref_slice %arg6[%arg0, %add3A_232, %dma_wait3A_561] : memref<2x5760x128xf32, #tpu.memory_space<hbm>> -> memref<1x72x128xf32, #tpu.memory_space<hbm>>
      %dma_wait3A_563 = tpu.memref_squeeze %dma_wait3A_562 : memref<1x72x128xf32, #tpu.memory_space<hbm>> -> memref<72x128xf32, #tpu.memory_space<hbm>>
      %dma_wait3A_564 = arith.constant 0 : i32
      %dma_wait3A_565 = arith.constant 0 : i32
      %dma_wait3A_566 = tpu.memref_slice %arg10[%dma_wait3A_564, %dma_wait3A_565] : memref<80x128xf32, #tpu.memory_space<vmem>> -> memref<72x128xf32, #tpu.memory_space<vmem>>
      tpu.wait_dma2 semaphore(%run_scoped3A : memref<!tpu.dma_semaphore, #tpu.memory_space<semaphore_mem>>) src(%dma_wait3A_566 : memref<72x128xf32, #tpu.memory_space<vmem>>) dst(%dma_wait3A_563 : memref<72x128xf32, #tpu.memory_space<hbm>>)
      tpu.yield
    }) : () -> ()
    %mul3A_233 = arith.constant 360 : i32
    %mul3A_234 = arith.muli %arg1, %mul3A_233 : i32
    %add3A_235 = arith.constant 72 : i32
    %add3A_236 = arith.addi %mul3A_234, %add3A_235 : i32
    "tpu.region"() ({
      %run_scoped3A = tpu.sem_alloc : memref<!tpu.dma_semaphore, #tpu.memory_space<semaphore_mem>>
      %dma_start3A_543 = arith.constant 0 : i32
      %dma_start3A_544 = arith.constant 0 : i32
      %dma_start3A_545 = tpu.memref_slice %arg10[%dma_start3A_543, %dma_start3A_544] : memref<80x128xf32, #tpu.memory_space<vmem>> -> memref<72x128xf32, #tpu.memory_space<vmem>>
      %dma_start3A_546 = arith.constant 0 : i32
      %dma_start3A_547 = tpu.memref_slice %arg13[%add3A_236, %dma_start3A_546] : memref<5760x128xf32, #tpu.memory_space<vmem_shared>> -> memref<72x128xf32, #tpu.memory_space<vmem_shared>>
      %dma_start3A_548 = arith.constant 0 : i32
      %dma_start3A_549 = arith.constant 0 : i32
      %dma_start3A_550 = tpu.memref_slice %arg10[%dma_start3A_548, %dma_start3A_549] : memref<80x128xf32, #tpu.memory_space<vmem>> -> memref<72x128xf32, #tpu.memory_space<vmem>>
      %dma_start3A_551 = arith.constant 0 : i32
      %dma_start3A_552 = tpu.memref_slice %arg13[%add3A_236, %dma_start3A_551] : memref<5760x128xf32, #tpu.memory_space<vmem_shared>> -> memref<72x128xf32, #tpu.memory_space<vmem_shared>>
      tpu.enqueue_dma source(%dma_start3A_552 : memref<72x128xf32, #tpu.memory_space<vmem_shared>>) target(%dma_start3A_550 : memref<72x128xf32, #tpu.memory_space<vmem>>) target_semaphore(%run_scoped3A : memref<!tpu.dma_semaphore, #tpu.memory_space<semaphore_mem>>)
      %dma_wait3A_553 = arith.constant 0 : i32
      %dma_wait3A_554 = arith.constant 0 : i32
      %dma_wait3A_555 = tpu.memref_slice %arg10[%dma_wait3A_553, %dma_wait3A_554] : memref<80x128xf32, #tpu.memory_space<vmem>> -> memref<72x128xf32, #tpu.memory_space<vmem>>
      %dma_wait3A_556 = arith.constant 0 : i32
      %dma_wait3A_557 = tpu.memref_slice %arg13[%add3A_236, %dma_wait3A_556] : memref<5760x128xf32, #tpu.memory_space<vmem_shared>> -> memref<72x128xf32, #tpu.memory_space<vmem_shared>>
      %dma_wait3A_558 = arith.constant 0 : i32
      %dma_wait3A_559 = arith.constant 0 : i32
      %dma_wait3A_560 = tpu.memref_slice %arg10[%dma_wait3A_558, %dma_wait3A_559] : memref<80x128xf32, #tpu.memory_space<vmem>> -> memref<72x128xf32, #tpu.memory_space<vmem>>
      %dma_wait3A_561 = arith.constant 0 : i32
      %dma_wait3A_562 = tpu.memref_slice %arg13[%add3A_236, %dma_wait3A_561] : memref<5760x128xf32, #tpu.memory_space<vmem_shared>> -> memref<72x128xf32, #tpu.memory_space<vmem_shared>>
      tpu.wait_dma2 semaphore(%run_scoped3A : memref<!tpu.dma_semaphore, #tpu.memory_space<semaphore_mem>>) src(%dma_wait3A_562 : memref<72x128xf32, #tpu.memory_space<vmem_shared>>) dst(%dma_wait3A_560 : memref<72x128xf32, #tpu.memory_space<vmem>>)
      tpu.yield
    }) : () -> ()
    %mul3A_237 = arith.constant 360 : i32
    %mul3A_238 = arith.muli %arg1, %mul3A_237 : i32
    %add3A_239 = arith.constant 72 : i32
    %add3A_240 = arith.addi %mul3A_238, %add3A_239 : i32
    "tpu.region"() ({
      %run_scoped3A = tpu.sem_alloc : memref<!tpu.dma_semaphore, #tpu.memory_space<semaphore_mem>>
      %dma_start3A_543 = arith.constant 0 : i32
      %dma_start3A_544 = arith.constant 0 : i32
      %dma_start3A_545 = tpu.memref_slice %arg10[%dma_start3A_543, %dma_start3A_544] : memref<80x128xf32, #tpu.memory_space<vmem>> -> memref<72x128xf32, #tpu.memory_space<vmem>>
      %dma_start3A_546 = arith.constant 0 : i32
      %dma_start3A_547 = tpu.memref_slice %arg6[%arg0, %add3A_240, %dma_start3A_546] : memref<2x5760x128xf32, #tpu.memory_space<hbm>> -> memref<1x72x128xf32, #tpu.memory_space<hbm>>
      %dma_start3A_548 = tpu.memref_squeeze %dma_start3A_547 : memref<1x72x128xf32, #tpu.memory_space<hbm>> -> memref<72x128xf32, #tpu.memory_space<hbm>>
      %dma_start3A_549 = arith.constant 0 : i32
      %dma_start3A_550 = tpu.memref_slice %arg6[%arg0, %add3A_240, %dma_start3A_549] : memref<2x5760x128xf32, #tpu.memory_space<hbm>> -> memref<1x72x128xf32, #tpu.memory_space<hbm>>
      %dma_start3A_551 = tpu.memref_squeeze %dma_start3A_550 : memref<1x72x128xf32, #tpu.memory_space<hbm>> -> memref<72x128xf32, #tpu.memory_space<hbm>>
      %dma_start3A_552 = arith.constant 0 : i32
      %dma_start3A_553 = arith.constant 0 : i32
      %dma_start3A_554 = tpu.memref_slice %arg10[%dma_start3A_552, %dma_start3A_553] : memref<80x128xf32, #tpu.memory_space<vmem>> -> memref<72x128xf32, #tpu.memory_space<vmem>>
      tpu.enqueue_dma source(%dma_start3A_554 : memref<72x128xf32, #tpu.memory_space<vmem>>) target(%dma_start3A_551 : memref<72x128xf32, #tpu.memory_space<hbm>>) target_semaphore(%run_scoped3A : memref<!tpu.dma_semaphore, #tpu.memory_space<semaphore_mem>>)
      %dma_wait3A_555 = arith.constant 0 : i32
      %dma_wait3A_556 = arith.constant 0 : i32
      %dma_wait3A_557 = tpu.memref_slice %arg10[%dma_wait3A_555, %dma_wait3A_556] : memref<80x128xf32, #tpu.memory_space<vmem>> -> memref<72x128xf32, #tpu.memory_space<vmem>>
      %dma_wait3A_558 = arith.constant 0 : i32
      %dma_wait3A_559 = tpu.memref_slice %arg6[%arg0, %add3A_240, %dma_wait3A_558] : memref<2x5760x128xf32, #tpu.memory_space<hbm>> -> memref<1x72x128xf32, #tpu.memory_space<hbm>>
      %dma_wait3A_560 = tpu.memref_squeeze %dma_wait3A_559 : memref<1x72x128xf32, #tpu.memory_space<hbm>> -> memref<72x128xf32, #tpu.memory_space<hbm>>
      %dma_wait3A_561 = arith.constant 0 : i32
      %dma_wait3A_562 = tpu.memref_slice %arg6[%arg0, %add3A_240, %dma_wait3A_561] : memref<2x5760x128xf32, #tpu.memory_space<hbm>> -> memref<1x72x128xf32, #tpu.memory_space<hbm>>
      %dma_wait3A_563 = tpu.memref_squeeze %dma_wait3A_562 : memref<1x72x128xf32, #tpu.memory_space<hbm>> -> memref<72x128xf32, #tpu.memory_space<hbm>>
      %dma_wait3A_564 = arith.constant 0 : i32
      %dma_wait3A_565 = arith.constant 0 : i32
      %dma_wait3A_566 = tpu.memref_slice %arg10[%dma_wait3A_564, %dma_wait3A_565] : memref<80x128xf32, #tpu.memory_space<vmem>> -> memref<72x128xf32, #tpu.memory_space<vmem>>
      tpu.wait_dma2 semaphore(%run_scoped3A : memref<!tpu.dma_semaphore, #tpu.memory_space<semaphore_mem>>) src(%dma_wait3A_566 : memref<72x128xf32, #tpu.memory_space<vmem>>) dst(%dma_wait3A_563 : memref<72x128xf32, #tpu.memory_space<hbm>>)
      tpu.yield
    }) : () -> ()
    %mul3A_241 = arith.constant 360 : i32
    %mul3A_242 = arith.muli %arg1, %mul3A_241 : i32
    %add3A_243 = arith.constant 144 : i32
    %add3A_244 = arith.addi %mul3A_242, %add3A_243 : i32
    "tpu.region"() ({
      %run_scoped3A = tpu.sem_alloc : memref<!tpu.dma_semaphore, #tpu.memory_space<semaphore_mem>>
      %dma_start3A_543 = arith.constant 0 : i32
      %dma_start3A_544 = arith.constant 0 : i32
      %dma_start3A_545 = tpu.memref_slice %arg10[%dma_start3A_543, %dma_start3A_544] : memref<80x128xf32, #tpu.memory_space<vmem>> -> memref<72x128xf32, #tpu.memory_space<vmem>>
      %dma_start3A_546 = arith.constant 0 : i32
      %dma_start3A_547 = tpu.memref_slice %arg13[%add3A_244, %dma_start3A_546] : memref<5760x128xf32, #tpu.memory_space<vmem_shared>> -> memref<72x128xf32, #tpu.memory_space<vmem_shared>>
      %dma_start3A_548 = arith.constant 0 : i32
      %dma_start3A_549 = arith.constant 0 : i32
      %dma_start3A_550 = tpu.memref_slice %arg10[%dma_start3A_548, %dma_start3A_549] : memref<80x128xf32, #tpu.memory_space<vmem>> -> memref<72x128xf32, #tpu.memory_space<vmem>>
      %dma_start3A_551 = arith.constant 0 : i32
      %dma_start3A_552 = tpu.memref_slice %arg13[%add3A_244, %dma_start3A_551] : memref<5760x128xf32, #tpu.memory_space<vmem_shared>> -> memref<72x128xf32, #tpu.memory_space<vmem_shared>>
      tpu.enqueue_dma source(%dma_start3A_552 : memref<72x128xf32, #tpu.memory_space<vmem_shared>>) target(%dma_start3A_550 : memref<72x128xf32, #tpu.memory_space<vmem>>) target_semaphore(%run_scoped3A : memref<!tpu.dma_semaphore, #tpu.memory_space<semaphore_mem>>)
      %dma_wait3A_553 = arith.constant 0 : i32
      %dma_wait3A_554 = arith.constant 0 : i32
      %dma_wait3A_555 = tpu.memref_slice %arg10[%dma_wait3A_553, %dma_wait3A_554] : memref<80x128xf32, #tpu.memory_space<vmem>> -> memref<72x128xf32, #tpu.memory_space<vmem>>
      %dma_wait3A_556 = arith.constant 0 : i32
      %dma_wait3A_557 = tpu.memref_slice %arg13[%add3A_244, %dma_wait3A_556] : memref<5760x128xf32, #tpu.memory_space<vmem_shared>> -> memref<72x128xf32, #tpu.memory_space<vmem_shared>>
      %dma_wait3A_558 = arith.constant 0 : i32
      %dma_wait3A_559 = arith.constant 0 : i32
      %dma_wait3A_560 = tpu.memref_slice %arg10[%dma_wait3A_558, %dma_wait3A_559] : memref<80x128xf32, #tpu.memory_space<vmem>> -> memref<72x128xf32, #tpu.memory_space<vmem>>
      %dma_wait3A_561 = arith.constant 0 : i32
      %dma_wait3A_562 = tpu.memref_slice %arg13[%add3A_244, %dma_wait3A_561] : memref<5760x128xf32, #tpu.memory_space<vmem_shared>> -> memref<72x128xf32, #tpu.memory_space<vmem_shared>>
      tpu.wait_dma2 semaphore(%run_scoped3A : memref<!tpu.dma_semaphore, #tpu.memory_space<semaphore_mem>>) src(%dma_wait3A_562 : memref<72x128xf32, #tpu.memory_space<vmem_shared>>) dst(%dma_wait3A_560 : memref<72x128xf32, #tpu.memory_space<vmem>>)
      tpu.yield
    }) : () -> ()
    %mul3A_245 = arith.constant 360 : i32
    %mul3A_246 = arith.muli %arg1, %mul3A_245 : i32
    %add3A_247 = arith.constant 144 : i32
    %add3A_248 = arith.addi %mul3A_246, %add3A_247 : i32
    "tpu.region"() ({
      %run_scoped3A = tpu.sem_alloc : memref<!tpu.dma_semaphore, #tpu.memory_space<semaphore_mem>>
      %dma_start3A_543 = arith.constant 0 : i32
      %dma_start3A_544 = arith.constant 0 : i32
      %dma_start3A_545 = tpu.memref_slice %arg10[%dma_start3A_543, %dma_start3A_544] : memref<80x128xf32, #tpu.memory_space<vmem>> -> memref<72x128xf32, #tpu.memory_space<vmem>>
      %dma_start3A_546 = arith.constant 0 : i32
      %dma_start3A_547 = tpu.memref_slice %arg6[%arg0, %add3A_248, %dma_start3A_546] : memref<2x5760x128xf32, #tpu.memory_space<hbm>> -> memref<1x72x128xf32, #tpu.memory_space<hbm>>
      %dma_start3A_548 = tpu.memref_squeeze %dma_start3A_547 : memref<1x72x128xf32, #tpu.memory_space<hbm>> -> memref<72x128xf32, #tpu.memory_space<hbm>>
      %dma_start3A_549 = arith.constant 0 : i32
      %dma_start3A_550 = tpu.memref_slice %arg6[%arg0, %add3A_248, %dma_start3A_549] : memref<2x5760x128xf32, #tpu.memory_space<hbm>> -> memref<1x72x128xf32, #tpu.memory_space<hbm>>
      %dma_start3A_551 = tpu.memref_squeeze %dma_start3A_550 : memref<1x72x128xf32, #tpu.memory_space<hbm>> -> memref<72x128xf32, #tpu.memory_space<hbm>>
      %dma_start3A_552 = arith.constant 0 : i32
      %dma_start3A_553 = arith.constant 0 : i32
      %dma_start3A_554 = tpu.memref_slice %arg10[%dma_start3A_552, %dma_start3A_553] : memref<80x128xf32, #tpu.memory_space<vmem>> -> memref<72x128xf32, #tpu.memory_space<vmem>>
      tpu.enqueue_dma source(%dma_start3A_554 : memref<72x128xf32, #tpu.memory_space<vmem>>) target(%dma_start3A_551 : memref<72x128xf32, #tpu.memory_space<hbm>>) target_semaphore(%run_scoped3A : memref<!tpu.dma_semaphore, #tpu.memory_space<semaphore_mem>>)
      %dma_wait3A_555 = arith.constant 0 : i32
      %dma_wait3A_556 = arith.constant 0 : i32
      %dma_wait3A_557 = tpu.memref_slice %arg10[%dma_wait3A_555, %dma_wait3A_556] : memref<80x128xf32, #tpu.memory_space<vmem>> -> memref<72x128xf32, #tpu.memory_space<vmem>>
      %dma_wait3A_558 = arith.constant 0 : i32
      %dma_wait3A_559 = tpu.memref_slice %arg6[%arg0, %add3A_248, %dma_wait3A_558] : memref<2x5760x128xf32, #tpu.memory_space<hbm>> -> memref<1x72x128xf32, #tpu.memory_space<hbm>>
      %dma_wait3A_560 = tpu.memref_squeeze %dma_wait3A_559 : memref<1x72x128xf32, #tpu.memory_space<hbm>> -> memref<72x128xf32, #tpu.memory_space<hbm>>
      %dma_wait3A_561 = arith.constant 0 : i32
      %dma_wait3A_562 = tpu.memref_slice %arg6[%arg0, %add3A_248, %dma_wait3A_561] : memref<2x5760x128xf32, #tpu.memory_space<hbm>> -> memref<1x72x128xf32, #tpu.memory_space<hbm>>
      %dma_wait3A_563 = tpu.memref_squeeze %dma_wait3A_562 : memref<1x72x128xf32, #tpu.memory_space<hbm>> -> memref<72x128xf32, #tpu.memory_space<hbm>>
      %dma_wait3A_564 = arith.constant 0 : i32
      %dma_wait3A_565 = arith.constant 0 : i32
      %dma_wait3A_566 = tpu.memref_slice %arg10[%dma_wait3A_564, %dma_wait3A_565] : memref<80x128xf32, #tpu.memory_space<vmem>> -> memref<72x128xf32, #tpu.memory_space<vmem>>
      tpu.wait_dma2 semaphore(%run_scoped3A : memref<!tpu.dma_semaphore, #tpu.memory_space<semaphore_mem>>) src(%dma_wait3A_566 : memref<72x128xf32, #tpu.memory_space<vmem>>) dst(%dma_wait3A_563 : memref<72x128xf32, #tpu.memory_space<hbm>>)
      tpu.yield
    }) : () -> ()
    %mul3A_249 = arith.constant 360 : i32
    %mul3A_250 = arith.muli %arg1, %mul3A_249 : i32
    %add3A_251 = arith.constant 216 : i32
    %add3A_252 = arith.addi %mul3A_250, %add3A_251 : i32
    "tpu.region"() ({
      %run_scoped3A = tpu.sem_alloc : memref<!tpu.dma_semaphore, #tpu.memory_space<semaphore_mem>>
      %dma_start3A_543 = arith.constant 0 : i32
      %dma_start3A_544 = arith.constant 0 : i32
      %dma_start3A_545 = tpu.memref_slice %arg10[%dma_start3A_543, %dma_start3A_544] : memref<80x128xf32, #tpu.memory_space<vmem>> -> memref<72x128xf32, #tpu.memory_space<vmem>>
      %dma_start3A_546 = arith.constant 0 : i32
      %dma_start3A_547 = tpu.memref_slice %arg13[%add3A_252, %dma_start3A_546] : memref<5760x128xf32, #tpu.memory_space<vmem_shared>> -> memref<72x128xf32, #tpu.memory_space<vmem_shared>>
      %dma_start3A_548 = arith.constant 0 : i32
      %dma_start3A_549 = arith.constant 0 : i32
      %dma_start3A_550 = tpu.memref_slice %arg10[%dma_start3A_548, %dma_start3A_549] : memref<80x128xf32, #tpu.memory_space<vmem>> -> memref<72x128xf32, #tpu.memory_space<vmem>>
      %dma_start3A_551 = arith.constant 0 : i32
      %dma_start3A_552 = tpu.memref_slice %arg13[%add3A_252, %dma_start3A_551] : memref<5760x128xf32, #tpu.memory_space<vmem_shared>> -> memref<72x128xf32, #tpu.memory_space<vmem_shared>>
      tpu.enqueue_dma source(%dma_start3A_552 : memref<72x128xf32, #tpu.memory_space<vmem_shared>>) target(%dma_start3A_550 : memref<72x128xf32, #tpu.memory_space<vmem>>) target_semaphore(%run_scoped3A : memref<!tpu.dma_semaphore, #tpu.memory_space<semaphore_mem>>)
      %dma_wait3A_553 = arith.constant 0 : i32
      %dma_wait3A_554 = arith.constant 0 : i32
      %dma_wait3A_555 = tpu.memref_slice %arg10[%dma_wait3A_553, %dma_wait3A_554] : memref<80x128xf32, #tpu.memory_space<vmem>> -> memref<72x128xf32, #tpu.memory_space<vmem>>
      %dma_wait3A_556 = arith.constant 0 : i32
      %dma_wait3A_557 = tpu.memref_slice %arg13[%add3A_252, %dma_wait3A_556] : memref<5760x128xf32, #tpu.memory_space<vmem_shared>> -> memref<72x128xf32, #tpu.memory_space<vmem_shared>>
      %dma_wait3A_558 = arith.constant 0 : i32
      %dma_wait3A_559 = arith.constant 0 : i32
      %dma_wait3A_560 = tpu.memref_slice %arg10[%dma_wait3A_558, %dma_wait3A_559] : memref<80x128xf32, #tpu.memory_space<vmem>> -> memref<72x128xf32, #tpu.memory_space<vmem>>
      %dma_wait3A_561 = arith.constant 0 : i32
      %dma_wait3A_562 = tpu.memref_slice %arg13[%add3A_252, %dma_wait3A_561] : memref<5760x128xf32, #tpu.memory_space<vmem_shared>> -> memref<72x128xf32, #tpu.memory_space<vmem_shared>>
      tpu.wait_dma2 semaphore(%run_scoped3A : memref<!tpu.dma_semaphore, #tpu.memory_space<semaphore_mem>>) src(%dma_wait3A_562 : memref<72x128xf32, #tpu.memory_space<vmem_shared>>) dst(%dma_wait3A_560 : memref<72x128xf32, #tpu.memory_space<vmem>>)
      tpu.yield
    }) : () -> ()
    %mul3A_253 = arith.constant 360 : i32
    %mul3A_254 = arith.muli %arg1, %mul3A_253 : i32
    %add3A_255 = arith.constant 216 : i32
    %add3A_256 = arith.addi %mul3A_254, %add3A_255 : i32
    "tpu.region"() ({
      %run_scoped3A = tpu.sem_alloc : memref<!tpu.dma_semaphore, #tpu.memory_space<semaphore_mem>>
      %dma_start3A_543 = arith.constant 0 : i32
      %dma_start3A_544 = arith.constant 0 : i32
      %dma_start3A_545 = tpu.memref_slice %arg10[%dma_start3A_543, %dma_start3A_544] : memref<80x128xf32, #tpu.memory_space<vmem>> -> memref<72x128xf32, #tpu.memory_space<vmem>>
      %dma_start3A_546 = arith.constant 0 : i32
      %dma_start3A_547 = tpu.memref_slice %arg6[%arg0, %add3A_256, %dma_start3A_546] : memref<2x5760x128xf32, #tpu.memory_space<hbm>> -> memref<1x72x128xf32, #tpu.memory_space<hbm>>
      %dma_start3A_548 = tpu.memref_squeeze %dma_start3A_547 : memref<1x72x128xf32, #tpu.memory_space<hbm>> -> memref<72x128xf32, #tpu.memory_space<hbm>>
      %dma_start3A_549 = arith.constant 0 : i32
      %dma_start3A_550 = tpu.memref_slice %arg6[%arg0, %add3A_256, %dma_start3A_549] : memref<2x5760x128xf32, #tpu.memory_space<hbm>> -> memref<1x72x128xf32, #tpu.memory_space<hbm>>
      %dma_start3A_551 = tpu.memref_squeeze %dma_start3A_550 : memref<1x72x128xf32, #tpu.memory_space<hbm>> -> memref<72x128xf32, #tpu.memory_space<hbm>>
      %dma_start3A_552 = arith.constant 0 : i32
      %dma_start3A_553 = arith.constant 0 : i32
      %dma_start3A_554 = tpu.memref_slice %arg10[%dma_start3A_552, %dma_start3A_553] : memref<80x128xf32, #tpu.memory_space<vmem>> -> memref<72x128xf32, #tpu.memory_space<vmem>>
      tpu.enqueue_dma source(%dma_start3A_554 : memref<72x128xf32, #tpu.memory_space<vmem>>) target(%dma_start3A_551 : memref<72x128xf32, #tpu.memory_space<hbm>>) target_semaphore(%run_scoped3A : memref<!tpu.dma_semaphore, #tpu.memory_space<semaphore_mem>>)
      %dma_wait3A_555 = arith.constant 0 : i32
      %dma_wait3A_556 = arith.constant 0 : i32
      %dma_wait3A_557 = tpu.memref_slice %arg10[%dma_wait3A_555, %dma_wait3A_556] : memref<80x128xf32, #tpu.memory_space<vmem>> -> memref<72x128xf32, #tpu.memory_space<vmem>>
      %dma_wait3A_558 = arith.constant 0 : i32
      %dma_wait3A_559 = tpu.memref_slice %arg6[%arg0, %add3A_256, %dma_wait3A_558] : memref<2x5760x128xf32, #tpu.memory_space<hbm>> -> memref<1x72x128xf32, #tpu.memory_space<hbm>>
      %dma_wait3A_560 = tpu.memref_squeeze %dma_wait3A_559 : memref<1x72x128xf32, #tpu.memory_space<hbm>> -> memref<72x128xf32, #tpu.memory_space<hbm>>
      %dma_wait3A_561 = arith.constant 0 : i32
      %dma_wait3A_562 = tpu.memref_slice %arg6[%arg0, %add3A_256, %dma_wait3A_561] : memref<2x5760x128xf32, #tpu.memory_space<hbm>> -> memref<1x72x128xf32, #tpu.memory_space<hbm>>
      %dma_wait3A_563 = tpu.memref_squeeze %dma_wait3A_562 : memref<1x72x128xf32, #tpu.memory_space<hbm>> -> memref<72x128xf32, #tpu.memory_space<hbm>>
      %dma_wait3A_564 = arith.constant 0 : i32
      %dma_wait3A_565 = arith.constant 0 : i32
      %dma_wait3A_566 = tpu.memref_slice %arg10[%dma_wait3A_564, %dma_wait3A_565] : memref<80x128xf32, #tpu.memory_space<vmem>> -> memref<72x128xf32, #tpu.memory_space<vmem>>
      tpu.wait_dma2 semaphore(%run_scoped3A : memref<!tpu.dma_semaphore, #tpu.memory_space<semaphore_mem>>) src(%dma_wait3A_566 : memref<72x128xf32, #tpu.memory_space<vmem>>) dst(%dma_wait3A_563 : memref<72x128xf32, #tpu.memory_space<hbm>>)
      tpu.yield
    }) : () -> ()
    %mul3A_257 = arith.constant 360 : i32
    %mul3A_258 = arith.muli %arg1, %mul3A_257 : i32
    %add3A_259 = arith.constant 288 : i32
    %add3A_260 = arith.addi %mul3A_258, %add3A_259 : i32
    "tpu.region"() ({
      %run_scoped3A = tpu.sem_alloc : memref<!tpu.dma_semaphore, #tpu.memory_space<semaphore_mem>>
      %dma_start3A_543 = arith.constant 0 : i32
      %dma_start3A_544 = arith.constant 0 : i32
      %dma_start3A_545 = tpu.memref_slice %arg10[%dma_start3A_543, %dma_start3A_544] : memref<80x128xf32, #tpu.memory_space<vmem>> -> memref<72x128xf32, #tpu.memory_space<vmem>>
      %dma_start3A_546 = arith.constant 0 : i32
      %dma_start3A_547 = tpu.memref_slice %arg13[%add3A_260, %dma_start3A_546] : memref<5760x128xf32, #tpu.memory_space<vmem_shared>> -> memref<72x128xf32, #tpu.memory_space<vmem_shared>>
      %dma_start3A_548 = arith.constant 0 : i32
      %dma_start3A_549 = arith.constant 0 : i32
      %dma_start3A_550 = tpu.memref_slice %arg10[%dma_start3A_548, %dma_start3A_549] : memref<80x128xf32, #tpu.memory_space<vmem>> -> memref<72x128xf32, #tpu.memory_space<vmem>>
      %dma_start3A_551 = arith.constant 0 : i32
      %dma_start3A_552 = tpu.memref_slice %arg13[%add3A_260, %dma_start3A_551] : memref<5760x128xf32, #tpu.memory_space<vmem_shared>> -> memref<72x128xf32, #tpu.memory_space<vmem_shared>>
      tpu.enqueue_dma source(%dma_start3A_552 : memref<72x128xf32, #tpu.memory_space<vmem_shared>>) target(%dma_start3A_550 : memref<72x128xf32, #tpu.memory_space<vmem>>) target_semaphore(%run_scoped3A : memref<!tpu.dma_semaphore, #tpu.memory_space<semaphore_mem>>)
      %dma_wait3A_553 = arith.constant 0 : i32
      %dma_wait3A_554 = arith.constant 0 : i32
      %dma_wait3A_555 = tpu.memref_slice %arg10[%dma_wait3A_553, %dma_wait3A_554] : memref<80x128xf32, #tpu.memory_space<vmem>> -> memref<72x128xf32, #tpu.memory_space<vmem>>
      %dma_wait3A_556 = arith.constant 0 : i32
      %dma_wait3A_557 = tpu.memref_slice %arg13[%add3A_260, %dma_wait3A_556] : memref<5760x128xf32, #tpu.memory_space<vmem_shared>> -> memref<72x128xf32, #tpu.memory_space<vmem_shared>>
      %dma_wait3A_558 = arith.constant 0 : i32
      %dma_wait3A_559 = arith.constant 0 : i32
      %dma_wait3A_560 = tpu.memref_slice %arg10[%dma_wait3A_558, %dma_wait3A_559] : memref<80x128xf32, #tpu.memory_space<vmem>> -> memref<72x128xf32, #tpu.memory_space<vmem>>
      %dma_wait3A_561 = arith.constant 0 : i32
      %dma_wait3A_562 = tpu.memref_slice %arg13[%add3A_260, %dma_wait3A_561] : memref<5760x128xf32, #tpu.memory_space<vmem_shared>> -> memref<72x128xf32, #tpu.memory_space<vmem_shared>>
      tpu.wait_dma2 semaphore(%run_scoped3A : memref<!tpu.dma_semaphore, #tpu.memory_space<semaphore_mem>>) src(%dma_wait3A_562 : memref<72x128xf32, #tpu.memory_space<vmem_shared>>) dst(%dma_wait3A_560 : memref<72x128xf32, #tpu.memory_space<vmem>>)
      tpu.yield
    }) : () -> ()
    %mul3A_261 = arith.constant 360 : i32
    %mul3A_262 = arith.muli %arg1, %mul3A_261 : i32
    %add3A_263 = arith.constant 288 : i32
    %add3A_264 = arith.addi %mul3A_262, %add3A_263 : i32
    "tpu.region"() ({
      %run_scoped3A = tpu.sem_alloc : memref<!tpu.dma_semaphore, #tpu.memory_space<semaphore_mem>>
      %dma_start3A_543 = arith.constant 0 : i32
      %dma_start3A_544 = arith.constant 0 : i32
      %dma_start3A_545 = tpu.memref_slice %arg10[%dma_start3A_543, %dma_start3A_544] : memref<80x128xf32, #tpu.memory_space<vmem>> -> memref<72x128xf32, #tpu.memory_space<vmem>>
      %dma_start3A_546 = arith.constant 0 : i32
      %dma_start3A_547 = tpu.memref_slice %arg6[%arg0, %add3A_264, %dma_start3A_546] : memref<2x5760x128xf32, #tpu.memory_space<hbm>> -> memref<1x72x128xf32, #tpu.memory_space<hbm>>
      %dma_start3A_548 = tpu.memref_squeeze %dma_start3A_547 : memref<1x72x128xf32, #tpu.memory_space<hbm>> -> memref<72x128xf32, #tpu.memory_space<hbm>>
      %dma_start3A_549 = arith.constant 0 : i32
      %dma_start3A_550 = tpu.memref_slice %arg6[%arg0, %add3A_264, %dma_start3A_549] : memref<2x5760x128xf32, #tpu.memory_space<hbm>> -> memref<1x72x128xf32, #tpu.memory_space<hbm>>
      %dma_start3A_551 = tpu.memref_squeeze %dma_start3A_550 : memref<1x72x128xf32, #tpu.memory_space<hbm>> -> memref<72x128xf32, #tpu.memory_space<hbm>>
      %dma_start3A_552 = arith.constant 0 : i32
      %dma_start3A_553 = arith.constant 0 : i32
      %dma_start3A_554 = tpu.memref_slice %arg10[%dma_start3A_552, %dma_start3A_553] : memref<80x128xf32, #tpu.memory_space<vmem>> -> memref<72x128xf32, #tpu.memory_space<vmem>>
      tpu.enqueue_dma source(%dma_start3A_554 : memref<72x128xf32, #tpu.memory_space<vmem>>) target(%dma_start3A_551 : memref<72x128xf32, #tpu.memory_space<hbm>>) target_semaphore(%run_scoped3A : memref<!tpu.dma_semaphore, #tpu.memory_space<semaphore_mem>>)
      %dma_wait3A_555 = arith.constant 0 : i32
      %dma_wait3A_556 = arith.constant 0 : i32
      %dma_wait3A_557 = tpu.memref_slice %arg10[%dma_wait3A_555, %dma_wait3A_556] : memref<80x128xf32, #tpu.memory_space<vmem>> -> memref<72x128xf32, #tpu.memory_space<vmem>>
      %dma_wait3A_558 = arith.constant 0 : i32
      %dma_wait3A_559 = tpu.memref_slice %arg6[%arg0, %add3A_264, %dma_wait3A_558] : memref<2x5760x128xf32, #tpu.memory_space<hbm>> -> memref<1x72x128xf32, #tpu.memory_space<hbm>>
      %dma_wait3A_560 = tpu.memref_squeeze %dma_wait3A_559 : memref<1x72x128xf32, #tpu.memory_space<hbm>> -> memref<72x128xf32, #tpu.memory_space<hbm>>
      %dma_wait3A_561 = arith.constant 0 : i32
      %dma_wait3A_562 = tpu.memref_slice %arg6[%arg0, %add3A_264, %dma_wait3A_561] : memref<2x5760x128xf32, #tpu.memory_space<hbm>> -> memref<1x72x128xf32, #tpu.memory_space<hbm>>
      %dma_wait3A_563 = tpu.memref_squeeze %dma_wait3A_562 : memref<1x72x128xf32, #tpu.memory_space<hbm>> -> memref<72x128xf32, #tpu.memory_space<hbm>>
      %dma_wait3A_564 = arith.constant 0 : i32
      %dma_wait3A_565 = arith.constant 0 : i32
      %dma_wait3A_566 = tpu.memref_slice %arg10[%dma_wait3A_564, %dma_wait3A_565] : memref<80x128xf32, #tpu.memory_space<vmem>> -> memref<72x128xf32, #tpu.memory_space<vmem>>
      tpu.wait_dma2 semaphore(%run_scoped3A : memref<!tpu.dma_semaphore, #tpu.memory_space<semaphore_mem>>) src(%dma_wait3A_566 : memref<72x128xf32, #tpu.memory_space<vmem>>) dst(%dma_wait3A_563 : memref<72x128xf32, #tpu.memory_space<hbm>>)
      tpu.yield
    }) : () -> ()
    "tpu.region"() ({
      %run_scoped3A = tpu.sem_alloc : memref<!tpu.dma_semaphore, #tpu.memory_space<semaphore_mem>>
      %dma_start3A_543 = arith.constant 0 : i32
      %dma_start3A_544 = arith.constant 0 : i32
      %dma_start3A_545 = tpu.memref_slice %arg10[%dma_start3A_543, %dma_start3A_544] : memref<80x128xf32, #tpu.memory_space<vmem>> -> memref<72x128xf32, #tpu.memory_space<vmem>>
      %dma_start3A_546 = arith.constant 0 : i32
      %dma_start3A_547 = arith.constant 0 : i32
      %dma_start3A_548 = tpu.memref_slice %arg10[%dma_start3A_546, %dma_start3A_547] : memref<80x128xf32, #tpu.memory_space<vmem>> -> memref<72x128xf32, #tpu.memory_space<vmem>>
      tpu.enqueue_dma source(%arg4 : memref<72x128xf32, #tpu.memory_space<hbm>>) target(%dma_start3A_548 : memref<72x128xf32, #tpu.memory_space<vmem>>) target_semaphore(%run_scoped3A : memref<!tpu.dma_semaphore, #tpu.memory_space<semaphore_mem>>)
      %dma_wait3A_549 = arith.constant 0 : i32
      %dma_wait3A_550 = arith.constant 0 : i32
      %dma_wait3A_551 = tpu.memref_slice %arg10[%dma_wait3A_549, %dma_wait3A_550] : memref<80x128xf32, #tpu.memory_space<vmem>> -> memref<72x128xf32, #tpu.memory_space<vmem>>
      %dma_wait3A_552 = arith.constant 0 : i32
      %dma_wait3A_553 = arith.constant 0 : i32
      %dma_wait3A_554 = tpu.memref_slice %arg10[%dma_wait3A_552, %dma_wait3A_553] : memref<80x128xf32, #tpu.memory_space<vmem>> -> memref<72x128xf32, #tpu.memory_space<vmem>>
      tpu.wait_dma2 semaphore(%run_scoped3A : memref<!tpu.dma_semaphore, #tpu.memory_space<semaphore_mem>>) src(%arg4 : memref<72x128xf32, #tpu.memory_space<hbm>>) dst(%dma_wait3A_554 : memref<72x128xf32, #tpu.memory_space<vmem>>)
      tpu.yield
    }) : () -> ()
    %mul3A_265 = arith.constant 360 : i32
    %mul3A_266 = arith.muli %arg1, %mul3A_265 : i32
    %add3A_267 = arith.constant 0 : i32
    %add3A_268 = arith.addi %mul3A_266, %add3A_267 : i32
    "tpu.region"() ({
      %run_scoped3A = tpu.sem_alloc : memref<!tpu.dma_semaphore, #tpu.memory_space<semaphore_mem>>
      %dma_start3A_543 = arith.constant 0 : i32
      %dma_start3A_544 = arith.constant 0 : i32
      %dma_start3A_545 = tpu.memref_slice %arg10[%dma_start3A_543, %dma_start3A_544] : memref<80x128xf32, #tpu.memory_space<vmem>> -> memref<72x128xf32, #tpu.memory_space<vmem>>
      %dma_start3A_546 = arith.constant 0 : i32
      %dma_start3A_547 = tpu.memref_slice %arg13[%add3A_268, %dma_start3A_546] : memref<5760x128xf32, #tpu.memory_space<vmem_shared>> -> memref<72x128xf32, #tpu.memory_space<vmem_shared>>
      %dma_start3A_548 = arith.constant 0 : i32
      %dma_start3A_549 = tpu.memref_slice %arg13[%add3A_268, %dma_start3A_548] : memref<5760x128xf32, #tpu.memory_space<vmem_shared>> -> memref<72x128xf32, #tpu.memory_space<vmem_shared>>
      %dma_start3A_550 = arith.constant 0 : i32
      %dma_start3A_551 = arith.constant 0 : i32
      %dma_start3A_552 = tpu.memref_slice %arg10[%dma_start3A_550, %dma_start3A_551] : memref<80x128xf32, #tpu.memory_space<vmem>> -> memref<72x128xf32, #tpu.memory_space<vmem>>
      tpu.enqueue_dma source(%dma_start3A_552 : memref<72x128xf32, #tpu.memory_space<vmem>>) target(%dma_start3A_549 : memref<72x128xf32, #tpu.memory_space<vmem_shared>>) target_semaphore(%run_scoped3A : memref<!tpu.dma_semaphore, #tpu.memory_space<semaphore_mem>>)
      %dma_wait3A_553 = arith.constant 0 : i32
      %dma_wait3A_554 = arith.constant 0 : i32
      %dma_wait3A_555 = tpu.memref_slice %arg10[%dma_wait3A_553, %dma_wait3A_554] : memref<80x128xf32, #tpu.memory_space<vmem>> -> memref<72x128xf32, #tpu.memory_space<vmem>>
      %dma_wait3A_556 = arith.constant 0 : i32
      %dma_wait3A_557 = tpu.memref_slice %arg13[%add3A_268, %dma_wait3A_556] : memref<5760x128xf32, #tpu.memory_space<vmem_shared>> -> memref<72x128xf32, #tpu.memory_space<vmem_shared>>
      %dma_wait3A_558 = arith.constant 0 : i32
      %dma_wait3A_559 = tpu.memref_slice %arg13[%add3A_268, %dma_wait3A_558] : memref<5760x128xf32, #tpu.memory_space<vmem_shared>> -> memref<72x128xf32, #tpu.memory_space<vmem_shared>>
      %dma_wait3A_560 = arith.constant 0 : i32
      %dma_wait3A_561 = arith.constant 0 : i32
      %dma_wait3A_562 = tpu.memref_slice %arg10[%dma_wait3A_560, %dma_wait3A_561] : memref<80x128xf32, #tpu.memory_space<vmem>> -> memref<72x128xf32, #tpu.memory_space<vmem>>
      tpu.wait_dma2 semaphore(%run_scoped3A : memref<!tpu.dma_semaphore, #tpu.memory_space<semaphore_mem>>) src(%dma_wait3A_562 : memref<72x128xf32, #tpu.memory_space<vmem>>) dst(%dma_wait3A_559 : memref<72x128xf32, #tpu.memory_space<vmem_shared>>)
      tpu.yield
    }) : () -> ()
    %mul3A_269 = arith.constant 360 : i32
    %mul3A_270 = arith.muli %arg1, %mul3A_269 : i32
    %add3A_271 = arith.constant 72 : i32
    %add3A_272 = arith.addi %mul3A_270, %add3A_271 : i32
    "tpu.region"() ({
      %run_scoped3A = tpu.sem_alloc : memref<!tpu.dma_semaphore, #tpu.memory_space<semaphore_mem>>
      %dma_start3A_543 = arith.constant 0 : i32
      %dma_start3A_544 = arith.constant 0 : i32
      %dma_start3A_545 = tpu.memref_slice %arg10[%dma_start3A_543, %dma_start3A_544] : memref<80x128xf32, #tpu.memory_space<vmem>> -> memref<72x128xf32, #tpu.memory_space<vmem>>
      %dma_start3A_546 = arith.constant 0 : i32
      %dma_start3A_547 = tpu.memref_slice %arg13[%add3A_272, %dma_start3A_546] : memref<5760x128xf32, #tpu.memory_space<vmem_shared>> -> memref<72x128xf32, #tpu.memory_space<vmem_shared>>
      %dma_start3A_548 = arith.constant 0 : i32
      %dma_start3A_549 = tpu.memref_slice %arg13[%add3A_272, %dma_start3A_548] : memref<5760x128xf32, #tpu.memory_space<vmem_shared>> -> memref<72x128xf32, #tpu.memory_space<vmem_shared>>
      %dma_start3A_550 = arith.constant 0 : i32
      %dma_start3A_551 = arith.constant 0 : i32
      %dma_start3A_552 = tpu.memref_slice %arg10[%dma_start3A_550, %dma_start3A_551] : memref<80x128xf32, #tpu.memory_space<vmem>> -> memref<72x128xf32, #tpu.memory_space<vmem>>
      tpu.enqueue_dma source(%dma_start3A_552 : memref<72x128xf32, #tpu.memory_space<vmem>>) target(%dma_start3A_549 : memref<72x128xf32, #tpu.memory_space<vmem_shared>>) target_semaphore(%run_scoped3A : memref<!tpu.dma_semaphore, #tpu.memory_space<semaphore_mem>>)
      %dma_wait3A_553 = arith.constant 0 : i32
      %dma_wait3A_554 = arith.constant 0 : i32
      %dma_wait3A_555 = tpu.memref_slice %arg10[%dma_wait3A_553, %dma_wait3A_554] : memref<80x128xf32, #tpu.memory_space<vmem>> -> memref<72x128xf32, #tpu.memory_space<vmem>>
      %dma_wait3A_556 = arith.constant 0 : i32
      %dma_wait3A_557 = tpu.memref_slice %arg13[%add3A_272, %dma_wait3A_556] : memref<5760x128xf32, #tpu.memory_space<vmem_shared>> -> memref<72x128xf32, #tpu.memory_space<vmem_shared>>
      %dma_wait3A_558 = arith.constant 0 : i32
      %dma_wait3A_559 = tpu.memref_slice %arg13[%add3A_272, %dma_wait3A_558] : memref<5760x128xf32, #tpu.memory_space<vmem_shared>> -> memref<72x128xf32, #tpu.memory_space<vmem_shared>>
      %dma_wait3A_560 = arith.constant 0 : i32
      %dma_wait3A_561 = arith.constant 0 : i32
      %dma_wait3A_562 = tpu.memref_slice %arg10[%dma_wait3A_560, %dma_wait3A_561] : memref<80x128xf32, #tpu.memory_space<vmem>> -> memref<72x128xf32, #tpu.memory_space<vmem>>
      tpu.wait_dma2 semaphore(%run_scoped3A : memref<!tpu.dma_semaphore, #tpu.memory_space<semaphore_mem>>) src(%dma_wait3A_562 : memref<72x128xf32, #tpu.memory_space<vmem>>) dst(%dma_wait3A_559 : memref<72x128xf32, #tpu.memory_space<vmem_shared>>)
      tpu.yield
    }) : () -> ()
    %mul3A_273 = arith.constant 360 : i32
    %mul3A_274 = arith.muli %arg1, %mul3A_273 : i32
    %add3A_275 = arith.constant 144 : i32
    %add3A_276 = arith.addi %mul3A_274, %add3A_275 : i32
    "tpu.region"() ({
      %run_scoped3A = tpu.sem_alloc : memref<!tpu.dma_semaphore, #tpu.memory_space<semaphore_mem>>
      %dma_start3A_543 = arith.constant 0 : i32
      %dma_start3A_544 = arith.constant 0 : i32
      %dma_start3A_545 = tpu.memref_slice %arg10[%dma_start3A_543, %dma_start3A_544] : memref<80x128xf32, #tpu.memory_space<vmem>> -> memref<72x128xf32, #tpu.memory_space<vmem>>
      %dma_start3A_546 = arith.constant 0 : i32
      %dma_start3A_547 = tpu.memref_slice %arg13[%add3A_276, %dma_start3A_546] : memref<5760x128xf32, #tpu.memory_space<vmem_shared>> -> memref<72x128xf32, #tpu.memory_space<vmem_shared>>
      %dma_start3A_548 = arith.constant 0 : i32
      %dma_start3A_549 = tpu.memref_slice %arg13[%add3A_276, %dma_start3A_548] : memref<5760x128xf32, #tpu.memory_space<vmem_shared>> -> memref<72x128xf32, #tpu.memory_space<vmem_shared>>
      %dma_start3A_550 = arith.constant 0 : i32
      %dma_start3A_551 = arith.constant 0 : i32
      %dma_start3A_552 = tpu.memref_slice %arg10[%dma_start3A_550, %dma_start3A_551] : memref<80x128xf32, #tpu.memory_space<vmem>> -> memref<72x128xf32, #tpu.memory_space<vmem>>
      tpu.enqueue_dma source(%dma_start3A_552 : memref<72x128xf32, #tpu.memory_space<vmem>>) target(%dma_start3A_549 : memref<72x128xf32, #tpu.memory_space<vmem_shared>>) target_semaphore(%run_scoped3A : memref<!tpu.dma_semaphore, #tpu.memory_space<semaphore_mem>>)
      %dma_wait3A_553 = arith.constant 0 : i32
      %dma_wait3A_554 = arith.constant 0 : i32
      %dma_wait3A_555 = tpu.memref_slice %arg10[%dma_wait3A_553, %dma_wait3A_554] : memref<80x128xf32, #tpu.memory_space<vmem>> -> memref<72x128xf32, #tpu.memory_space<vmem>>
      %dma_wait3A_556 = arith.constant 0 : i32
      %dma_wait3A_557 = tpu.memref_slice %arg13[%add3A_276, %dma_wait3A_556] : memref<5760x128xf32, #tpu.memory_space<vmem_shared>> -> memref<72x128xf32, #tpu.memory_space<vmem_shared>>
      %dma_wait3A_558 = arith.constant 0 : i32
      %dma_wait3A_559 = tpu.memref_slice %arg13[%add3A_276, %dma_wait3A_558] : memref<5760x128xf32, #tpu.memory_space<vmem_shared>> -> memref<72x128xf32, #tpu.memory_space<vmem_shared>>
      %dma_wait3A_560 = arith.constant 0 : i32
      %dma_wait3A_561 = arith.constant 0 : i32
      %dma_wait3A_562 = tpu.memref_slice %arg10[%dma_wait3A_560, %dma_wait3A_561] : memref<80x128xf32, #tpu.memory_space<vmem>> -> memref<72x128xf32, #tpu.memory_space<vmem>>
      tpu.wait_dma2 semaphore(%run_scoped3A : memref<!tpu.dma_semaphore, #tpu.memory_space<semaphore_mem>>) src(%dma_wait3A_562 : memref<72x128xf32, #tpu.memory_space<vmem>>) dst(%dma_wait3A_559 : memref<72x128xf32, #tpu.memory_space<vmem_shared>>)
      tpu.yield
    }) : () -> ()
    %mul3A_277 = arith.constant 360 : i32
    %mul3A_278 = arith.muli %arg1, %mul3A_277 : i32
    %add3A_279 = arith.constant 216 : i32
    %add3A_280 = arith.addi %mul3A_278, %add3A_279 : i32
    "tpu.region"() ({
      %run_scoped3A = tpu.sem_alloc : memref<!tpu.dma_semaphore, #tpu.memory_space<semaphore_mem>>
      %dma_start3A_543 = arith.constant 0 : i32
      %dma_start3A_544 = arith.constant 0 : i32
      %dma_start3A_545 = tpu.memref_slice %arg10[%dma_start3A_543, %dma_start3A_544] : memref<80x128xf32, #tpu.memory_space<vmem>> -> memref<72x128xf32, #tpu.memory_space<vmem>>
      %dma_start3A_546 = arith.constant 0 : i32
      %dma_start3A_547 = tpu.memref_slice %arg13[%add3A_280, %dma_start3A_546] : memref<5760x128xf32, #tpu.memory_space<vmem_shared>> -> memref<72x128xf32, #tpu.memory_space<vmem_shared>>
      %dma_start3A_548 = arith.constant 0 : i32
      %dma_start3A_549 = tpu.memref_slice %arg13[%add3A_280, %dma_start3A_548] : memref<5760x128xf32, #tpu.memory_space<vmem_shared>> -> memref<72x128xf32, #tpu.memory_space<vmem_shared>>
      %dma_start3A_550 = arith.constant 0 : i32
      %dma_start3A_551 = arith.constant 0 : i32
      %dma_start3A_552 = tpu.memref_slice %arg10[%dma_start3A_550, %dma_start3A_551] : memref<80x128xf32, #tpu.memory_space<vmem>> -> memref<72x128xf32, #tpu.memory_space<vmem>>
      tpu.enqueue_dma source(%dma_start3A_552 : memref<72x128xf32, #tpu.memory_space<vmem>>) target(%dma_start3A_549 : memref<72x128xf32, #tpu.memory_space<vmem_shared>>) target_semaphore(%run_scoped3A : memref<!tpu.dma_semaphore, #tpu.memory_space<semaphore_mem>>)
      %dma_wait3A_553 = arith.constant 0 : i32
      %dma_wait3A_554 = arith.constant 0 : i32
      %dma_wait3A_555 = tpu.memref_slice %arg10[%dma_wait3A_553, %dma_wait3A_554] : memref<80x128xf32, #tpu.memory_space<vmem>> -> memref<72x128xf32, #tpu.memory_space<vmem>>
      %dma_wait3A_556 = arith.constant 0 : i32
      %dma_wait3A_557 = tpu.memref_slice %arg13[%add3A_280, %dma_wait3A_556] : memref<5760x128xf32, #tpu.memory_space<vmem_shared>> -> memref<72x128xf32, #tpu.memory_space<vmem_shared>>
      %dma_wait3A_558 = arith.constant 0 : i32
      %dma_wait3A_559 = tpu.memref_slice %arg13[%add3A_280, %dma_wait3A_558] : memref<5760x128xf32, #tpu.memory_space<vmem_shared>> -> memref<72x128xf32, #tpu.memory_space<vmem_shared>>
      %dma_wait3A_560 = arith.constant 0 : i32
      %dma_wait3A_561 = arith.constant 0 : i32
      %dma_wait3A_562 = tpu.memref_slice %arg10[%dma_wait3A_560, %dma_wait3A_561] : memref<80x128xf32, #tpu.memory_space<vmem>> -> memref<72x128xf32, #tpu.memory_space<vmem>>
      tpu.wait_dma2 semaphore(%run_scoped3A : memref<!tpu.dma_semaphore, #tpu.memory_space<semaphore_mem>>) src(%dma_wait3A_562 : memref<72x128xf32, #tpu.memory_space<vmem>>) dst(%dma_wait3A_559 : memref<72x128xf32, #tpu.memory_space<vmem_shared>>)
      tpu.yield
    }) : () -> ()
    %mul3A_281 = arith.constant 360 : i32
    %mul3A_282 = arith.muli %arg1, %mul3A_281 : i32
    %add3A_283 = arith.constant 288 : i32
    %add3A_284 = arith.addi %mul3A_282, %add3A_283 : i32
    "tpu.region"() ({
      %run_scoped3A = tpu.sem_alloc : memref<!tpu.dma_semaphore, #tpu.memory_space<semaphore_mem>>
      %dma_start3A_543 = arith.constant 0 : i32
      %dma_start3A_544 = arith.constant 0 : i32
      %dma_start3A_545 = tpu.memref_slice %arg10[%dma_start3A_543, %dma_start3A_544] : memref<80x128xf32, #tpu.memory_space<vmem>> -> memref<72x128xf32, #tpu.memory_space<vmem>>
      %dma_start3A_546 = arith.constant 0 : i32
      %dma_start3A_547 = tpu.memref_slice %arg13[%add3A_284, %dma_start3A_546] : memref<5760x128xf32, #tpu.memory_space<vmem_shared>> -> memref<72x128xf32, #tpu.memory_space<vmem_shared>>
      %dma_start3A_548 = arith.constant 0 : i32
      %dma_start3A_549 = tpu.memref_slice %arg13[%add3A_284, %dma_start3A_548] : memref<5760x128xf32, #tpu.memory_space<vmem_shared>> -> memref<72x128xf32, #tpu.memory_space<vmem_shared>>
      %dma_start3A_550 = arith.constant 0 : i32
      %dma_start3A_551 = arith.constant 0 : i32
      %dma_start3A_552 = tpu.memref_slice %arg10[%dma_start3A_550, %dma_start3A_551] : memref<80x128xf32, #tpu.memory_space<vmem>> -> memref<72x128xf32, #tpu.memory_space<vmem>>
      tpu.enqueue_dma source(%dma_start3A_552 : memref<72x128xf32, #tpu.memory_space<vmem>>) target(%dma_start3A_549 : memref<72x128xf32, #tpu.memory_space<vmem_shared>>) target_semaphore(%run_scoped3A : memref<!tpu.dma_semaphore, #tpu.memory_space<semaphore_mem>>)
      %dma_wait3A_553 = arith.constant 0 : i32
      %dma_wait3A_554 = arith.constant 0 : i32
      %dma_wait3A_555 = tpu.memref_slice %arg10[%dma_wait3A_553, %dma_wait3A_554] : memref<80x128xf32, #tpu.memory_space<vmem>> -> memref<72x128xf32, #tpu.memory_space<vmem>>
      %dma_wait3A_556 = arith.constant 0 : i32
      %dma_wait3A_557 = tpu.memref_slice %arg13[%add3A_284, %dma_wait3A_556] : memref<5760x128xf32, #tpu.memory_space<vmem_shared>> -> memref<72x128xf32, #tpu.memory_space<vmem_shared>>
      %dma_wait3A_558 = arith.constant 0 : i32
      %dma_wait3A_559 = tpu.memref_slice %arg13[%add3A_284, %dma_wait3A_558] : memref<5760x128xf32, #tpu.memory_space<vmem_shared>> -> memref<72x128xf32, #tpu.memory_space<vmem_shared>>
      %dma_wait3A_560 = arith.constant 0 : i32
      %dma_wait3A_561 = arith.constant 0 : i32
      %dma_wait3A_562 = tpu.memref_slice %arg10[%dma_wait3A_560, %dma_wait3A_561] : memref<80x128xf32, #tpu.memory_space<vmem>> -> memref<72x128xf32, #tpu.memory_space<vmem>>
      tpu.wait_dma2 semaphore(%run_scoped3A : memref<!tpu.dma_semaphore, #tpu.memory_space<semaphore_mem>>) src(%dma_wait3A_562 : memref<72x128xf32, #tpu.memory_space<vmem>>) dst(%dma_wait3A_559 : memref<72x128xf32, #tpu.memory_space<vmem_shared>>)
      tpu.yield
    }) : () -> ()
    "tpu.region"() ({
      %run_scoped3A = tpu.sem_alloc : memref<!tpu.dma_semaphore, #tpu.memory_space<semaphore_mem>>
      tpu.enqueue_dma source(%arg5 : memref<80x128xf32, #tpu.memory_space<hbm>>) target(%arg12 : memref<80x128xf32, #tpu.memory_space<vmem>>) target_semaphore(%run_scoped3A : memref<!tpu.dma_semaphore, #tpu.memory_space<semaphore_mem>>)
      tpu.wait_dma2 semaphore(%run_scoped3A : memref<!tpu.dma_semaphore, #tpu.memory_space<semaphore_mem>>) src(%arg5 : memref<80x128xf32, #tpu.memory_space<hbm>>) dst(%arg12 : memref<80x128xf32, #tpu.memory_space<vmem>>)
      tpu.yield
    }) : () -> ()
    %barrier3A_285 = arith.constant 0 : index
    tpu.barrier barrier_id(%barrier3A_285)
    %mul3A_286 = arith.constant 20000 : i32
    %mul3A_287 = arith.muli %arg1, %mul3A_286 : i32
    %add3A_288 = arith.constant 0 : i32
    %add3A_289 = arith.addi %mul3A_287, %add3A_288 : i32
    "tpu.region"() ({
      %run_scoped3A = tpu.sem_alloc : memref<!tpu.dma_semaphore, #tpu.memory_space<semaphore_mem>>
      %dma_start3A_543 = tpu.memref_slice %arg3[%add3A_289] : memref<320000xi32, #tpu.memory_space<hbm>> -> memref<80xi32, #tpu.memory_space<hbm>>
      %dma_start3A_544 = tpu.memref_slice %arg3[%add3A_289] : memref<320000xi32, #tpu.memory_space<hbm>> -> memref<80xi32, #tpu.memory_space<hbm>>
      tpu.enqueue_dma source(%dma_start3A_544 : memref<80xi32, #tpu.memory_space<hbm>>) target(%arg8 : memref<80xi32, #tpu.memory_space<vmem>>) target_semaphore(%run_scoped3A : memref<!tpu.dma_semaphore, #tpu.memory_space<semaphore_mem>>)
      %dma_wait3A_545 = tpu.memref_slice %arg3[%add3A_289] : memref<320000xi32, #tpu.memory_space<hbm>> -> memref<80xi32, #tpu.memory_space<hbm>>
      %dma_wait3A_546 = tpu.memref_slice %arg3[%add3A_289] : memref<320000xi32, #tpu.memory_space<hbm>> -> memref<80xi32, #tpu.memory_space<hbm>>
      tpu.wait_dma2 semaphore(%run_scoped3A : memref<!tpu.dma_semaphore, #tpu.memory_space<semaphore_mem>>) src(%dma_wait3A_546 : memref<80xi32, #tpu.memory_space<hbm>>) dst(%arg8 : memref<80xi32, #tpu.memory_space<vmem>>)
      tpu.yield
    }) : () -> ()
    %get3A_290 = arith.constant 0 : index
    %get3A_291 = tpu.vector_load %arg8[%get3A_290] {strides = array<i32>} : memref<80xi32, #tpu.memory_space<vmem>>, vector<16xi32>,
    %get3A_292 = vector.shape_cast %get3A_291 : vector<16xi32> to vector<16xi32>
    %sub3A_293 = vector.broadcast %mul3A_0 : i32 to vector<16xi32>
    %sub3A_294 = arith.subi %get3A_292, %sub3A_293 : vector<16xi32>
    %ge3A_295 = arith.constant 0 : i32
    %ge3A_296 = vector.broadcast %ge3A_295 : i32 to vector<16xi32>
    %ge3A_297 = arith.cmpi sge, %sub3A_294, %ge3A_296 : vector<16xi32>
    %lt3A_298 = arith.constant 5120 : i32
    %lt3A_299 = vector.broadcast %lt3A_298 : i32 to vector<16xi32>
    %lt3A_300 = arith.cmpi slt, %sub3A_294, %lt3A_299 : vector<16xi32>
    %and3A_301 = arith.andi %ge3A_297, %lt3A_300 : vector<16xi1>
    %jit3A_302 = arith.constant 5120 : i32
    %broadcast_in_dim3A_303 = vector.broadcast %jit3A_302 : i32 to vector<16xi32>
    %select_n3A_304 = arith.select %and3A_301, %sub3A_294, %broadcast_in_dim3A_303 : vector<16xi1>, vector<16xi32>
    %swap3A_305 = arith.constant 0 : index
    %swap3A_306 = tpu.vector_load %arg8[%swap3A_305] {strides = array<i32>} : memref<80xi32, #tpu.memory_space<vmem>>, vector<16xi32>,
    %swap3A_307 = vector.shape_cast %swap3A_306 : vector<16xi32> to vector<16xi32>
    %swap3A_308 = vector.shape_cast %select_n3A_304 : vector<16xi32> to vector<16xi32>
    tpu.vector_store %arg8[%swap3A_305], %swap3A_308 {strides = array<i32>} : memref<80xi32, #tpu.memory_space<vmem>>, vector<16xi32>,
    %get3A_309 = arith.constant 16 : index
    %get3A_310 = tpu.vector_load %arg8[%get3A_309] {strides = array<i32>} : memref<80xi32, #tpu.memory_space<vmem>>, vector<16xi32>,
    %get3A_311 = vector.shape_cast %get3A_310 : vector<16xi32> to vector<16xi32>
    %sub3A_312 = vector.broadcast %mul3A_0 : i32 to vector<16xi32>
    %sub3A_313 = arith.subi %get3A_311, %sub3A_312 : vector<16xi32>
    %ge3A_314 = arith.constant 0 : i32
    %ge3A_315 = vector.broadcast %ge3A_314 : i32 to vector<16xi32>
    %ge3A_316 = arith.cmpi sge, %sub3A_313, %ge3A_315 : vector<16xi32>
    %lt3A_317 = arith.constant 5120 : i32
    %lt3A_318 = vector.broadcast %lt3A_317 : i32 to vector<16xi32>
    %lt3A_319 = arith.cmpi slt, %sub3A_313, %lt3A_318 : vector<16xi32>
    %and3A_320 = arith.andi %ge3A_316, %lt3A_319 : vector<16xi1>
    %jit3A_321 = arith.constant 5120 : i32
    %broadcast_in_dim3A_322 = vector.broadcast %jit3A_321 : i32 to vector<16xi32>
    %select_n3A_323 = arith.select %and3A_320, %sub3A_313, %broadcast_in_dim3A_322 : vector<16xi1>, vector<16xi32>
    %swap3A_324 = arith.constant 16 : index
    %swap3A_325 = tpu.vector_load %arg8[%swap3A_324] {strides = array<i32>} : memref<80xi32, #tpu.memory_space<vmem>>, vector<16xi32>,
    %swap3A_326 = vector.shape_cast %swap3A_325 : vector<16xi32> to vector<16xi32>
    %swap3A_327 = vector.shape_cast %select_n3A_323 : vector<16xi32> to vector<16xi32>
    tpu.vector_store %arg8[%swap3A_324], %swap3A_327 {strides = array<i32>} : memref<80xi32, #tpu.memory_space<vmem>>, vector<16xi32>,
    %get3A_328 = arith.constant 32 : index
    %get3A_329 = tpu.vector_load %arg8[%get3A_328] {strides = array<i32>} : memref<80xi32, #tpu.memory_space<vmem>>, vector<16xi32>,
    %get3A_330 = vector.shape_cast %get3A_329 : vector<16xi32> to vector<16xi32>
    %sub3A_331 = vector.broadcast %mul3A_0 : i32 to vector<16xi32>
    %sub3A_332 = arith.subi %get3A_330, %sub3A_331 : vector<16xi32>
    %ge3A_333 = arith.constant 0 : i32
    %ge3A_334 = vector.broadcast %ge3A_333 : i32 to vector<16xi32>
    %ge3A_335 = arith.cmpi sge, %sub3A_332, %ge3A_334 : vector<16xi32>
    %lt3A_336 = arith.constant 5120 : i32
    %lt3A_337 = vector.broadcast %lt3A_336 : i32 to vector<16xi32>
    %lt3A_338 = arith.cmpi slt, %sub3A_332, %lt3A_337 : vector<16xi32>
    %and3A_339 = arith.andi %ge3A_335, %lt3A_338 : vector<16xi1>
    %jit3A_340 = arith.constant 5120 : i32
    %broadcast_in_dim3A_341 = vector.broadcast %jit3A_340 : i32 to vector<16xi32>
    %select_n3A_342 = arith.select %and3A_339, %sub3A_332, %broadcast_in_dim3A_341 : vector<16xi1>, vector<16xi32>
    %swap3A_343 = arith.constant 32 : index
    %swap3A_344 = tpu.vector_load %arg8[%swap3A_343] {strides = array<i32>} : memref<80xi32, #tpu.memory_space<vmem>>, vector<16xi32>,
    %swap3A_345 = vector.shape_cast %swap3A_344 : vector<16xi32> to vector<16xi32>
    %swap3A_346 = vector.shape_cast %select_n3A_342 : vector<16xi32> to vector<16xi32>
    tpu.vector_store %arg8[%swap3A_343], %swap3A_346 {strides = array<i32>} : memref<80xi32, #tpu.memory_space<vmem>>, vector<16xi32>,
    %get3A_347 = arith.constant 48 : index
    %get3A_348 = tpu.vector_load %arg8[%get3A_347] {strides = array<i32>} : memref<80xi32, #tpu.memory_space<vmem>>, vector<16xi32>,
    %get3A_349 = vector.shape_cast %get3A_348 : vector<16xi32> to vector<16xi32>
    %sub3A_350 = vector.broadcast %mul3A_0 : i32 to vector<16xi32>
    %sub3A_351 = arith.subi %get3A_349, %sub3A_350 : vector<16xi32>
    %ge3A_352 = arith.constant 0 : i32
    %ge3A_353 = vector.broadcast %ge3A_352 : i32 to vector<16xi32>
    %ge3A_354 = arith.cmpi sge, %sub3A_351, %ge3A_353 : vector<16xi32>
    %lt3A_355 = arith.constant 5120 : i32
    %lt3A_356 = vector.broadcast %lt3A_355 : i32 to vector<16xi32>
    %lt3A_357 = arith.cmpi slt, %sub3A_351, %lt3A_356 : vector<16xi32>
    %and3A_358 = arith.andi %ge3A_354, %lt3A_357 : vector<16xi1>
    %jit3A_359 = arith.constant 5120 : i32
    %broadcast_in_dim3A_360 = vector.broadcast %jit3A_359 : i32 to vector<16xi32>
    %select_n3A_361 = arith.select %and3A_358, %sub3A_351, %broadcast_in_dim3A_360 : vector<16xi1>, vector<16xi32>
    %swap3A_362 = arith.constant 48 : index
    %swap3A_363 = tpu.vector_load %arg8[%swap3A_362] {strides = array<i32>} : memref<80xi32, #tpu.memory_space<vmem>>, vector<16xi32>,
    %swap3A_364 = vector.shape_cast %swap3A_363 : vector<16xi32> to vector<16xi32>
    %swap3A_365 = vector.shape_cast %select_n3A_361 : vector<16xi32> to vector<16xi32>
    tpu.vector_store %arg8[%swap3A_362], %swap3A_365 {strides = array<i32>} : memref<80xi32, #tpu.memory_space<vmem>>, vector<16xi32>,
    %get3A_366 = arith.constant 64 : index
    %get3A_367 = tpu.vector_load %arg8[%get3A_366] {strides = array<i32>} : memref<80xi32, #tpu.memory_space<vmem>>, vector<16xi32>,
    %get3A_368 = vector.shape_cast %get3A_367 : vector<16xi32> to vector<16xi32>
    %sub3A_369 = vector.broadcast %mul3A_0 : i32 to vector<16xi32>
    %sub3A_370 = arith.subi %get3A_368, %sub3A_369 : vector<16xi32>
    %ge3A_371 = arith.constant 0 : i32
    %ge3A_372 = vector.broadcast %ge3A_371 : i32 to vector<16xi32>
    %ge3A_373 = arith.cmpi sge, %sub3A_370, %ge3A_372 : vector<16xi32>
    %lt3A_374 = arith.constant 5120 : i32
    %lt3A_375 = vector.broadcast %lt3A_374 : i32 to vector<16xi32>
    %lt3A_376 = arith.cmpi slt, %sub3A_370, %lt3A_375 : vector<16xi32>
    %and3A_377 = arith.andi %ge3A_373, %lt3A_376 : vector<16xi1>
    %jit3A_378 = arith.constant 5120 : i32
    %broadcast_in_dim3A_379 = vector.broadcast %jit3A_378 : i32 to vector<16xi32>
    %select_n3A_380 = arith.select %and3A_377, %sub3A_370, %broadcast_in_dim3A_379 : vector<16xi1>, vector<16xi32>
    %swap3A_381 = arith.constant 64 : index
    %swap3A_382 = tpu.vector_load %arg8[%swap3A_381] {strides = array<i32>} : memref<80xi32, #tpu.memory_space<vmem>>, vector<16xi32>,
    %swap3A_383 = vector.shape_cast %swap3A_382 : vector<16xi32> to vector<16xi32>
    %swap3A_384 = vector.shape_cast %select_n3A_380 : vector<16xi32> to vector<16xi32>
    tpu.vector_store %arg8[%swap3A_381], %swap3A_384 {strides = array<i32>} : memref<80xi32, #tpu.memory_space<vmem>>, vector<16xi32>,
    %dma_start3A_385 = arith.constant 0 : i32
    %dma_start3A_386 = arith.constant 0 : i32
    %dma_start3A_387 = tpu.memref_slice %arg13[%dma_start3A_385, %dma_start3A_386] : memref<5760x128xf32, #tpu.memory_space<vmem_shared>> -> memref<5760x128xf32, #tpu.memory_space<vmem_shared>>
    tpu.enqueue_indirect_dma source(%arg12 : memref<80x128xf32, #tpu.memory_space<vmem>>) target(%dma_start3A_387 : memref<5760x128xf32, #tpu.memory_space<vmem_shared>>) offsets(%arg8 : memref<80xi32, #tpu.memory_space<vmem>>) semaphore(%arg14 : memref<!tpu.dma_semaphore, #tpu.memory_space<semaphore_mem>>) {add = true}
    %mul3A_388 = arith.constant 20000 : i32
    %mul3A_389 = arith.muli %arg1, %mul3A_388 : i32
    %add3A_390 = arith.constant 80 : i32
    %add3A_391 = arith.addi %mul3A_389, %add3A_390 : i32
    "tpu.region"() ({
      %run_scoped3A = tpu.sem_alloc : memref<!tpu.dma_semaphore, #tpu.memory_space<semaphore_mem>>
      %dma_start3A_543 = tpu.memref_slice %arg3[%add3A_391] : memref<320000xi32, #tpu.memory_space<hbm>> -> memref<80xi32, #tpu.memory_space<hbm>>
      %dma_start3A_544 = tpu.memref_slice %arg3[%add3A_391] : memref<320000xi32, #tpu.memory_space<hbm>> -> memref<80xi32, #tpu.memory_space<hbm>>
      tpu.enqueue_dma source(%dma_start3A_544 : memref<80xi32, #tpu.memory_space<hbm>>) target(%arg9 : memref<80xi32, #tpu.memory_space<vmem>>) target_semaphore(%run_scoped3A : memref<!tpu.dma_semaphore, #tpu.memory_space<semaphore_mem>>)
      %dma_wait3A_545 = tpu.memref_slice %arg3[%add3A_391] : memref<320000xi32, #tpu.memory_space<hbm>> -> memref<80xi32, #tpu.memory_space<hbm>>
      %dma_wait3A_546 = tpu.memref_slice %arg3[%add3A_391] : memref<320000xi32, #tpu.memory_space<hbm>> -> memref<80xi32, #tpu.memory_space<hbm>>
      tpu.wait_dma2 semaphore(%run_scoped3A : memref<!tpu.dma_semaphore, #tpu.memory_space<semaphore_mem>>) src(%dma_wait3A_546 : memref<80xi32, #tpu.memory_space<hbm>>) dst(%arg9 : memref<80xi32, #tpu.memory_space<vmem>>)
      tpu.yield
    }) : () -> ()
    %get3A_392 = arith.constant 0 : index
    %get3A_393 = tpu.vector_load %arg9[%get3A_392] {strides = array<i32>} : memref<80xi32, #tpu.memory_space<vmem>>, vector<16xi32>,
    %get3A_394 = vector.shape_cast %get3A_393 : vector<16xi32> to vector<16xi32>
    %sub3A_395 = vector.broadcast %mul3A_0 : i32 to vector<16xi32>
    %sub3A_396 = arith.subi %get3A_394, %sub3A_395 : vector<16xi32>
    %ge3A_397 = arith.constant 0 : i32
    %ge3A_398 = vector.broadcast %ge3A_397 : i32 to vector<16xi32>
    %ge3A_399 = arith.cmpi sge, %sub3A_396, %ge3A_398 : vector<16xi32>
    %lt3A_400 = arith.constant 5120 : i32
    %lt3A_401 = vector.broadcast %lt3A_400 : i32 to vector<16xi32>
    %lt3A_402 = arith.cmpi slt, %sub3A_396, %lt3A_401 : vector<16xi32>
    %and3A_403 = arith.andi %ge3A_399, %lt3A_402 : vector<16xi1>
    %jit3A_404 = arith.constant 5120 : i32
    %broadcast_in_dim3A_405 = vector.broadcast %jit3A_404 : i32 to vector<16xi32>
    %select_n3A_406 = arith.select %and3A_403, %sub3A_396, %broadcast_in_dim3A_405 : vector<16xi1>, vector<16xi32>
    %swap3A_407 = arith.constant 0 : index
    %swap3A_408 = tpu.vector_load %arg9[%swap3A_407] {strides = array<i32>} : memref<80xi32, #tpu.memory_space<vmem>>, vector<16xi32>,
    %swap3A_409 = vector.shape_cast %swap3A_408 : vector<16xi32> to vector<16xi32>
    %swap3A_410 = vector.shape_cast %select_n3A_406 : vector<16xi32> to vector<16xi32>
    tpu.vector_store %arg9[%swap3A_407], %swap3A_410 {strides = array<i32>} : memref<80xi32, #tpu.memory_space<vmem>>, vector<16xi32>,
    %get3A_411 = arith.constant 16 : index
    %get3A_412 = tpu.vector_load %arg9[%get3A_411] {strides = array<i32>} : memref<80xi32, #tpu.memory_space<vmem>>, vector<16xi32>,
    %get3A_413 = vector.shape_cast %get3A_412 : vector<16xi32> to vector<16xi32>
    %sub3A_414 = vector.broadcast %mul3A_0 : i32 to vector<16xi32>
    %sub3A_415 = arith.subi %get3A_413, %sub3A_414 : vector<16xi32>
    %ge3A_416 = arith.constant 0 : i32
    %ge3A_417 = vector.broadcast %ge3A_416 : i32 to vector<16xi32>
    %ge3A_418 = arith.cmpi sge, %sub3A_415, %ge3A_417 : vector<16xi32>
    %lt3A_419 = arith.constant 5120 : i32
    %lt3A_420 = vector.broadcast %lt3A_419 : i32 to vector<16xi32>
    %lt3A_421 = arith.cmpi slt, %sub3A_415, %lt3A_420 : vector<16xi32>
    %and3A_422 = arith.andi %ge3A_418, %lt3A_421 : vector<16xi1>
    %jit3A_423 = arith.constant 5120 : i32
    %broadcast_in_dim3A_424 = vector.broadcast %jit3A_423 : i32 to vector<16xi32>
    %select_n3A_425 = arith.select %and3A_422, %sub3A_415, %broadcast_in_dim3A_424 : vector<16xi1>, vector<16xi32>
    %swap3A_426 = arith.constant 16 : index
    %swap3A_427 = tpu.vector_load %arg9[%swap3A_426] {strides = array<i32>} : memref<80xi32, #tpu.memory_space<vmem>>, vector<16xi32>,
    %swap3A_428 = vector.shape_cast %swap3A_427 : vector<16xi32> to vector<16xi32>
    %swap3A_429 = vector.shape_cast %select_n3A_425 : vector<16xi32> to vector<16xi32>
    tpu.vector_store %arg9[%swap3A_426], %swap3A_429 {strides = array<i32>} : memref<80xi32, #tpu.memory_space<vmem>>, vector<16xi32>,
    %get3A_430 = arith.constant 32 : index
    %get3A_431 = tpu.vector_load %arg9[%get3A_430] {strides = array<i32>} : memref<80xi32, #tpu.memory_space<vmem>>, vector<16xi32>,
    %get3A_432 = vector.shape_cast %get3A_431 : vector<16xi32> to vector<16xi32>
    %sub3A_433 = vector.broadcast %mul3A_0 : i32 to vector<16xi32>
    %sub3A_434 = arith.subi %get3A_432, %sub3A_433 : vector<16xi32>
    %ge3A_435 = arith.constant 0 : i32
    %ge3A_436 = vector.broadcast %ge3A_435 : i32 to vector<16xi32>
    %ge3A_437 = arith.cmpi sge, %sub3A_434, %ge3A_436 : vector<16xi32>
    %lt3A_438 = arith.constant 5120 : i32
    %lt3A_439 = vector.broadcast %lt3A_438 : i32 to vector<16xi32>
    %lt3A_440 = arith.cmpi slt, %sub3A_434, %lt3A_439 : vector<16xi32>
    %and3A_441 = arith.andi %ge3A_437, %lt3A_440 : vector<16xi1>
    %jit3A_442 = arith.constant 5120 : i32
    %broadcast_in_dim3A_443 = vector.broadcast %jit3A_442 : i32 to vector<16xi32>
    %select_n3A_444 = arith.select %and3A_441, %sub3A_434, %broadcast_in_dim3A_443 : vector<16xi1>, vector<16xi32>
    %swap3A_445 = arith.constant 32 : index
    %swap3A_446 = tpu.vector_load %arg9[%swap3A_445] {strides = array<i32>} : memref<80xi32, #tpu.memory_space<vmem>>, vector<16xi32>,
    %swap3A_447 = vector.shape_cast %swap3A_446 : vector<16xi32> to vector<16xi32>
    %swap3A_448 = vector.shape_cast %select_n3A_444 : vector<16xi32> to vector<16xi32>
    tpu.vector_store %arg9[%swap3A_445], %swap3A_448 {strides = array<i32>} : memref<80xi32, #tpu.memory_space<vmem>>, vector<16xi32>,
    %get3A_449 = arith.constant 48 : index
    %get3A_450 = tpu.vector_load %arg9[%get3A_449] {strides = array<i32>} : memref<80xi32, #tpu.memory_space<vmem>>, vector<16xi32>,
    %get3A_451 = vector.shape_cast %get3A_450 : vector<16xi32> to vector<16xi32>
    %sub3A_452 = vector.broadcast %mul3A_0 : i32 to vector<16xi32>
    %sub3A_453 = arith.subi %get3A_451, %sub3A_452 : vector<16xi32>
    %ge3A_454 = arith.constant 0 : i32
    %ge3A_455 = vector.broadcast %ge3A_454 : i32 to vector<16xi32>
    %ge3A_456 = arith.cmpi sge, %sub3A_453, %ge3A_455 : vector<16xi32>
    %lt3A_457 = arith.constant 5120 : i32
    %lt3A_458 = vector.broadcast %lt3A_457 : i32 to vector<16xi32>
    %lt3A_459 = arith.cmpi slt, %sub3A_453, %lt3A_458 : vector<16xi32>
    %and3A_460 = arith.andi %ge3A_456, %lt3A_459 : vector<16xi1>
    %jit3A_461 = arith.constant 5120 : i32
    %broadcast_in_dim3A_462 = vector.broadcast %jit3A_461 : i32 to vector<16xi32>
    %select_n3A_463 = arith.select %and3A_460, %sub3A_453, %broadcast_in_dim3A_462 : vector<16xi1>, vector<16xi32>
    %swap3A_464 = arith.constant 48 : index
    %swap3A_465 = tpu.vector_load %arg9[%swap3A_464] {strides = array<i32>} : memref<80xi32, #tpu.memory_space<vmem>>, vector<16xi32>,
    %swap3A_466 = vector.shape_cast %swap3A_465 : vector<16xi32> to vector<16xi32>
    %swap3A_467 = vector.shape_cast %select_n3A_463 : vector<16xi32> to vector<16xi32>
    tpu.vector_store %arg9[%swap3A_464], %swap3A_467 {strides = array<i32>} : memref<80xi32, #tpu.memory_space<vmem>>, vector<16xi32>,
    %get3A_468 = arith.constant 64 : index
    %get3A_469 = tpu.vector_load %arg9[%get3A_468] {strides = array<i32>} : memref<80xi32, #tpu.memory_space<vmem>>, vector<16xi32>,
    %get3A_470 = vector.shape_cast %get3A_469 : vector<16xi32> to vector<16xi32>
    %sub3A_471 = vector.broadcast %mul3A_0 : i32 to vector<16xi32>
    %sub3A_472 = arith.subi %get3A_470, %sub3A_471 : vector<16xi32>
    %ge3A_473 = arith.constant 0 : i32
    %ge3A_474 = vector.broadcast %ge3A_473 : i32 to vector<16xi32>
    %ge3A_475 = arith.cmpi sge, %sub3A_472, %ge3A_474 : vector<16xi32>
    %lt3A_476 = arith.constant 5120 : i32
    %lt3A_477 = vector.broadcast %lt3A_476 : i32 to vector<16xi32>
    %lt3A_478 = arith.cmpi slt, %sub3A_472, %lt3A_477 : vector<16xi32>
    %and3A_479 = arith.andi %ge3A_475, %lt3A_478 : vector<16xi1>
    %jit3A_480 = arith.constant 5120 : i32
    %broadcast_in_dim3A_481 = vector.broadcast %jit3A_480 : i32 to vector<16xi32>
    %select_n3A_482 = arith.select %and3A_479, %sub3A_472, %broadcast_in_dim3A_481 : vector<16xi1>, vector<16xi32>
    %swap3A_483 = arith.constant 64 : index
    %swap3A_484 = tpu.vector_load %arg9[%swap3A_483] {strides = array<i32>} : memref<80xi32, #tpu.memory_space<vmem>>, vector<16xi32>,
    %swap3A_485 = vector.shape_cast %swap3A_484 : vector<16xi32> to vector<16xi32>
    %swap3A_486 = vector.shape_cast %select_n3A_482 : vector<16xi32> to vector<16xi32>
    tpu.vector_store %arg9[%swap3A_483], %swap3A_486 {strides = array<i32>} : memref<80xi32, #tpu.memory_space<vmem>>, vector<16xi32>,
    %dma_start3A_487 = arith.constant 0 : i32
    %dma_start3A_488 = arith.constant 0 : i32
    %dma_start3A_489 = tpu.memref_slice %arg13[%dma_start3A_487, %dma_start3A_488] : memref<5760x128xf32, #tpu.memory_space<vmem_shared>> -> memref<5760x128xf32, #tpu.memory_space<vmem_shared>>
    tpu.enqueue_indirect_dma source(%arg12 : memref<80x128xf32, #tpu.memory_space<vmem>>) target(%dma_start3A_489 : memref<5760x128xf32, #tpu.memory_space<vmem_shared>>) offsets(%arg9 : memref<80xi32, #tpu.memory_space<vmem>>) semaphore(%arg15 : memref<!tpu.dma_semaphore, #tpu.memory_space<semaphore_mem>>) {add = true}
    %scan3A_490 = arith.constant 0 : i32
    %scan3A_491 = arith.constant 0 : i32
    %scan3A_492 = arith.constant 124 : i32
    %scan3A_493 = arith.addi %scan3A_491, %scan3A_492 : i32
    %scan3A_494 = arith.constant 1 : i32
    scf.for %scan3A_543 = %scan3A_491 to %scan3A_493 step %scan3A_494  : i32 {
      %mul3A_544 = arith.constant 2 : i32
      %mul3A_545 = arith.muli %mul3A_544, %scan3A_543 : i32
      %dma_wait3A_546 = arith.constant 0 : i32
      %dma_wait3A_547 = arith.constant 0 : i32
      %dma_wait3A_548 = tpu.memref_slice %arg13[%dma_wait3A_546, %dma_wait3A_547] : memref<5760x128xf32, #tpu.memory_space<vmem_shared>> -> memref<5760x128xf32, #tpu.memory_space<vmem_shared>>
      tpu.wait_indirect_dma semaphore(%arg14 : memref<!tpu.dma_semaphore, #tpu.memory_space<semaphore_mem>>) src(%arg12 : memref<80x128xf32, #tpu.memory_space<vmem>>) dst(%dma_wait3A_548 : memref<5760x128xf32, #tpu.memory_space<vmem_shared>>)
      %add3A_549 = arith.constant 2 : i32
      %add3A_550 = arith.addi %mul3A_545, %add3A_549 : i32
      %mul3A_551 = arith.constant 20000 : i32
      %mul3A_552 = arith.muli %arg1, %mul3A_551 : i32
      %mul3A_553 = arith.constant 80 : i32
      %mul3A_554 = arith.muli %add3A_550, %mul3A_553 : i32
      %add3A_555 = arith.addi %mul3A_552, %mul3A_554 : i32
      "tpu.region"() ({
        %run_scoped3A = tpu.sem_alloc : memref<!tpu.dma_semaphore, #tpu.memory_space<semaphore_mem>>
        %dma_start3A_762 = tpu.memref_slice %arg3[%add3A_555] : memref<320000xi32, #tpu.memory_space<hbm>> -> memref<80xi32, #tpu.memory_space<hbm>>
        %dma_start3A_763 = tpu.memref_slice %arg3[%add3A_555] : memref<320000xi32, #tpu.memory_space<hbm>> -> memref<80xi32, #tpu.memory_space<hbm>>
        tpu.enqueue_dma source(%dma_start3A_763 : memref<80xi32, #tpu.memory_space<hbm>>) target(%arg8 : memref<80xi32, #tpu.memory_space<vmem>>) target_semaphore(%run_scoped3A : memref<!tpu.dma_semaphore, #tpu.memory_space<semaphore_mem>>)
        %dma_wait3A_764 = tpu.memref_slice %arg3[%add3A_555] : memref<320000xi32, #tpu.memory_space<hbm>> -> memref<80xi32, #tpu.memory_space<hbm>>
        %dma_wait3A_765 = tpu.memref_slice %arg3[%add3A_555] : memref<320000xi32, #tpu.memory_space<hbm>> -> memref<80xi32, #tpu.memory_space<hbm>>
        tpu.wait_dma2 semaphore(%run_scoped3A : memref<!tpu.dma_semaphore, #tpu.memory_space<semaphore_mem>>) src(%dma_wait3A_765 : memref<80xi32, #tpu.memory_space<hbm>>) dst(%arg8 : memref<80xi32, #tpu.memory_space<vmem>>)
        tpu.yield
      }) : () -> ()
      %get3A_556 = arith.constant 0 : index
      %get3A_557 = tpu.vector_load %arg8[%get3A_556] {strides = array<i32>} : memref<80xi32, #tpu.memory_space<vmem>>, vector<16xi32>,
      %get3A_558 = vector.shape_cast %get3A_557 : vector<16xi32> to vector<16xi32>
      %sub3A_559 = vector.broadcast %mul3A_0 : i32 to vector<16xi32>
      %sub3A_560 = arith.subi %get3A_558, %sub3A_559 : vector<16xi32>
      %ge3A_561 = arith.constant 0 : i32
      %ge3A_562 = vector.broadcast %ge3A_561 : i32 to vector<16xi32>
      %ge3A_563 = arith.cmpi sge, %sub3A_560, %ge3A_562 : vector<16xi32>
      %lt3A_564 = arith.constant 5120 : i32
      %lt3A_565 = vector.broadcast %lt3A_564 : i32 to vector<16xi32>
      %lt3A_566 = arith.cmpi slt, %sub3A_560, %lt3A_565 : vector<16xi32>
      %and3A_567 = arith.andi %ge3A_563, %lt3A_566 : vector<16xi1>
      %jit3A_568 = arith.constant 5120 : i32
      %broadcast_in_dim3A_569 = vector.broadcast %jit3A_568 : i32 to vector<16xi32>
      %select_n3A_570 = arith.select %and3A_567, %sub3A_560, %broadcast_in_dim3A_569 : vector<16xi1>, vector<16xi32>
      %swap3A_571 = arith.constant 0 : index
      %swap3A_572 = tpu.vector_load %arg8[%swap3A_571] {strides = array<i32>} : memref<80xi32, #tpu.memory_space<vmem>>, vector<16xi32>,
      %swap3A_573 = vector.shape_cast %swap3A_572 : vector<16xi32> to vector<16xi32>
      %swap3A_574 = vector.shape_cast %select_n3A_570 : vector<16xi32> to vector<16xi32>
      tpu.vector_store %arg8[%swap3A_571], %swap3A_574 {strides = array<i32>} : memref<80xi32, #tpu.memory_space<vmem>>, vector<16xi32>,
      %get3A_575 = arith.constant 16 : index
      %get3A_576 = tpu.vector_load %arg8[%get3A_575] {strides = array<i32>} : memref<80xi32, #tpu.memory_space<vmem>>, vector<16xi32>,
      %get3A_577 = vector.shape_cast %get3A_576 : vector<16xi32> to vector<16xi32>
      %sub3A_578 = vector.broadcast %mul3A_0 : i32 to vector<16xi32>
      %sub3A_579 = arith.subi %get3A_577, %sub3A_578 : vector<16xi32>
      %ge3A_580 = arith.constant 0 : i32
      %ge3A_581 = vector.broadcast %ge3A_580 : i32 to vector<16xi32>
      %ge3A_582 = arith.cmpi sge, %sub3A_579, %ge3A_581 : vector<16xi32>
      %lt3A_583 = arith.constant 5120 : i32
      %lt3A_584 = vector.broadcast %lt3A_583 : i32 to vector<16xi32>
      %lt3A_585 = arith.cmpi slt, %sub3A_579, %lt3A_584 : vector<16xi32>
      %and3A_586 = arith.andi %ge3A_582, %lt3A_585 : vector<16xi1>
      %jit3A_587 = arith.constant 5120 : i32
      %broadcast_in_dim3A_588 = vector.broadcast %jit3A_587 : i32 to vector<16xi32>
      %select_n3A_589 = arith.select %and3A_586, %sub3A_579, %broadcast_in_dim3A_588 : vector<16xi1>, vector<16xi32>
      %swap3A_590 = arith.constant 16 : index
      %swap3A_591 = tpu.vector_load %arg8[%swap3A_590] {strides = array<i32>} : memref<80xi32, #tpu.memory_space<vmem>>, vector<16xi32>,
      %swap3A_592 = vector.shape_cast %swap3A_591 : vector<16xi32> to vector<16xi32>
      %swap3A_593 = vector.shape_cast %select_n3A_589 : vector<16xi32> to vector<16xi32>
      tpu.vector_store %arg8[%swap3A_590], %swap3A_593 {strides = array<i32>} : memref<80xi32, #tpu.memory_space<vmem>>, vector<16xi32>,
      %get3A_594 = arith.constant 32 : index
      %get3A_595 = tpu.vector_load %arg8[%get3A_594] {strides = array<i32>} : memref<80xi32, #tpu.memory_space<vmem>>, vector<16xi32>,
      %get3A_596 = vector.shape_cast %get3A_595 : vector<16xi32> to vector<16xi32>
      %sub3A_597 = vector.broadcast %mul3A_0 : i32 to vector<16xi32>
      %sub3A_598 = arith.subi %get3A_596, %sub3A_597 : vector<16xi32>
      %ge3A_599 = arith.constant 0 : i32
      %ge3A_600 = vector.broadcast %ge3A_599 : i32 to vector<16xi32>
      %ge3A_601 = arith.cmpi sge, %sub3A_598, %ge3A_600 : vector<16xi32>
      %lt3A_602 = arith.constant 5120 : i32
      %lt3A_603 = vector.broadcast %lt3A_602 : i32 to vector<16xi32>
      %lt3A_604 = arith.cmpi slt, %sub3A_598, %lt3A_603 : vector<16xi32>
      %and3A_605 = arith.andi %ge3A_601, %lt3A_604 : vector<16xi1>
      %jit3A_606 = arith.constant 5120 : i32
      %broadcast_in_dim3A_607 = vector.broadcast %jit3A_606 : i32 to vector<16xi32>
      %select_n3A_608 = arith.select %and3A_605, %sub3A_598, %broadcast_in_dim3A_607 : vector<16xi1>, vector<16xi32>
      %swap3A_609 = arith.constant 32 : index
      %swap3A_610 = tpu.vector_load %arg8[%swap3A_609] {strides = array<i32>} : memref<80xi32, #tpu.memory_space<vmem>>, vector<16xi32>,
      %swap3A_611 = vector.shape_cast %swap3A_610 : vector<16xi32> to vector<16xi32>
      %swap3A_612 = vector.shape_cast %select_n3A_608 : vector<16xi32> to vector<16xi32>
      tpu.vector_store %arg8[%swap3A_609], %swap3A_612 {strides = array<i32>} : memref<80xi32, #tpu.memory_space<vmem>>, vector<16xi32>,
      %get3A_613 = arith.constant 48 : index
      %get3A_614 = tpu.vector_load %arg8[%get3A_613] {strides = array<i32>} : memref<80xi32, #tpu.memory_space<vmem>>, vector<16xi32>,
      %get3A_615 = vector.shape_cast %get3A_614 : vector<16xi32> to vector<16xi32>
      %sub3A_616 = vector.broadcast %mul3A_0 : i32 to vector<16xi32>
      %sub3A_617 = arith.subi %get3A_615, %sub3A_616 : vector<16xi32>
      %ge3A_618 = arith.constant 0 : i32
      %ge3A_619 = vector.broadcast %ge3A_618 : i32 to vector<16xi32>
      %ge3A_620 = arith.cmpi sge, %sub3A_617, %ge3A_619 : vector<16xi32>
      %lt3A_621 = arith.constant 5120 : i32
      %lt3A_622 = vector.broadcast %lt3A_621 : i32 to vector<16xi32>
      %lt3A_623 = arith.cmpi slt, %sub3A_617, %lt3A_622 : vector<16xi32>
      %and3A_624 = arith.andi %ge3A_620, %lt3A_623 : vector<16xi1>
      %jit3A_625 = arith.constant 5120 : i32
      %broadcast_in_dim3A_626 = vector.broadcast %jit3A_625 : i32 to vector<16xi32>
      %select_n3A_627 = arith.select %and3A_624, %sub3A_617, %broadcast_in_dim3A_626 : vector<16xi1>, vector<16xi32>
      %swap3A_628 = arith.constant 48 : index
      %swap3A_629 = tpu.vector_load %arg8[%swap3A_628] {strides = array<i32>} : memref<80xi32, #tpu.memory_space<vmem>>, vector<16xi32>,
      %swap3A_630 = vector.shape_cast %swap3A_629 : vector<16xi32> to vector<16xi32>
      %swap3A_631 = vector.shape_cast %select_n3A_627 : vector<16xi32> to vector<16xi32>
      tpu.vector_store %arg8[%swap3A_628], %swap3A_631 {strides = array<i32>} : memref<80xi32, #tpu.memory_space<vmem>>, vector<16xi32>,
      %get3A_632 = arith.constant 64 : index
      %get3A_633 = tpu.vector_load %arg8[%get3A_632] {strides = array<i32>} : memref<80xi32, #tpu.memory_space<vmem>>, vector<16xi32>,
      %get3A_634 = vector.shape_cast %get3A_633 : vector<16xi32> to vector<16xi32>
      %sub3A_635 = vector.broadcast %mul3A_0 : i32 to vector<16xi32>
      %sub3A_636 = arith.subi %get3A_634, %sub3A_635 : vector<16xi32>
      %ge3A_637 = arith.constant 0 : i32
      %ge3A_638 = vector.broadcast %ge3A_637 : i32 to vector<16xi32>
      %ge3A_639 = arith.cmpi sge, %sub3A_636, %ge3A_638 : vector<16xi32>
      %lt3A_640 = arith.constant 5120 : i32
      %lt3A_641 = vector.broadcast %lt3A_640 : i32 to vector<16xi32>
      %lt3A_642 = arith.cmpi slt, %sub3A_636, %lt3A_641 : vector<16xi32>
      %and3A_643 = arith.andi %ge3A_639, %lt3A_642 : vector<16xi1>
      %jit3A_644 = arith.constant 5120 : i32
      %broadcast_in_dim3A_645 = vector.broadcast %jit3A_644 : i32 to vector<16xi32>
      %select_n3A_646 = arith.select %and3A_643, %sub3A_636, %broadcast_in_dim3A_645 : vector<16xi1>, vector<16xi32>
      %swap3A_647 = arith.constant 64 : index
      %swap3A_648 = tpu.vector_load %arg8[%swap3A_647] {strides = array<i32>} : memref<80xi32, #tpu.memory_space<vmem>>, vector<16xi32>,
      %swap3A_649 = vector.shape_cast %swap3A_648 : vector<16xi32> to vector<16xi32>
      %swap3A_650 = vector.shape_cast %select_n3A_646 : vector<16xi32> to vector<16xi32>
      tpu.vector_store %arg8[%swap3A_647], %swap3A_650 {strides = array<i32>} : memref<80xi32, #tpu.memory_space<vmem>>, vector<16xi32>,
      %dma_start3A_651 = arith.constant 0 : i32
      %dma_start3A_652 = arith.constant 0 : i32
      %dma_start3A_653 = tpu.memref_slice %arg13[%dma_start3A_651, %dma_start3A_652] : memref<5760x128xf32, #tpu.memory_space<vmem_shared>> -> memref<5760x128xf32, #tpu.memory_space<vmem_shared>>
      tpu.enqueue_indirect_dma source(%arg12 : memref<80x128xf32, #tpu.memory_space<vmem>>) target(%dma_start3A_653 : memref<5760x128xf32, #tpu.memory_space<vmem_shared>>) offsets(%arg8 : memref<80xi32, #tpu.memory_space<vmem>>) semaphore(%arg14 : memref<!tpu.dma_semaphore, #tpu.memory_space<semaphore_mem>>) {add = true}
      %dma_wait3A_654 = arith.constant 0 : i32
      %dma_wait3A_655 = arith.constant 0 : i32
      %dma_wait3A_656 = tpu.memref_slice %arg13[%dma_wait3A_654, %dma_wait3A_655] : memref<5760x128xf32, #tpu.memory_space<vmem_shared>> -> memref<5760x128xf32, #tpu.memory_space<vmem_shared>>
      tpu.wait_indirect_dma semaphore(%arg15 : memref<!tpu.dma_semaphore, #tpu.memory_space<semaphore_mem>>) src(%arg12 : memref<80x128xf32, #tpu.memory_space<vmem>>) dst(%dma_wait3A_656 : memref<5760x128xf32, #tpu.memory_space<vmem_shared>>)
      %add3A_657 = arith.constant 3 : i32
      %add3A_658 = arith.addi %mul3A_545, %add3A_657 : i32
      %mul3A_659 = arith.constant 20000 : i32
      %mul3A_660 = arith.muli %arg1, %mul3A_659 : i32
      %mul3A_661 = arith.constant 80 : i32
      %mul3A_662 = arith.muli %add3A_658, %mul3A_661 : i32
      %add3A_663 = arith.addi %mul3A_660, %mul3A_662 : i32
      "tpu.region"() ({
        %run_scoped3A = tpu.sem_alloc : memref<!tpu.dma_semaphore, #tpu.memory_space<semaphore_mem>>
        %dma_start3A_762 = tpu.memref_slice %arg3[%add3A_663] : memref<320000xi32, #tpu.memory_space<hbm>> -> memref<80xi32, #tpu.memory_space<hbm>>
        %dma_start3A_763 = tpu.memref_slice %arg3[%add3A_663] : memref<320000xi32, #tpu.memory_space<hbm>> -> memref<80xi32, #tpu.memory_space<hbm>>
        tpu.enqueue_dma source(%dma_start3A_763 : memref<80xi32, #tpu.memory_space<hbm>>) target(%arg9 : memref<80xi32, #tpu.memory_space<vmem>>) target_semaphore(%run_scoped3A : memref<!tpu.dma_semaphore, #tpu.memory_space<semaphore_mem>>)
        %dma_wait3A_764 = tpu.memref_slice %arg3[%add3A_663] : memref<320000xi32, #tpu.memory_space<hbm>> -> memref<80xi32, #tpu.memory_space<hbm>>
        %dma_wait3A_765 = tpu.memref_slice %arg3[%add3A_663] : memref<320000xi32, #tpu.memory_space<hbm>> -> memref<80xi32, #tpu.memory_space<hbm>>
        tpu.wait_dma2 semaphore(%run_scoped3A : memref<!tpu.dma_semaphore, #tpu.memory_space<semaphore_mem>>) src(%dma_wait3A_765 : memref<80xi32, #tpu.memory_space<hbm>>) dst(%arg9 : memref<80xi32, #tpu.memory_space<vmem>>)
        tpu.yield
      }) : () -> ()
      %get3A_664 = arith.constant 0 : index
      %get3A_665 = tpu.vector_load %arg9[%get3A_664] {strides = array<i32>} : memref<80xi32, #tpu.memory_space<vmem>>, vector<16xi32>,
      %get3A_666 = vector.shape_cast %get3A_665 : vector<16xi32> to vector<16xi32>
      %sub3A_667 = vector.broadcast %mul3A_0 : i32 to vector<16xi32>
      %sub3A_668 = arith.subi %get3A_666, %sub3A_667 : vector<16xi32>
      %ge3A_669 = arith.constant 0 : i32
      %ge3A_670 = vector.broadcast %ge3A_669 : i32 to vector<16xi32>
      %ge3A_671 = arith.cmpi sge, %sub3A_668, %ge3A_670 : vector<16xi32>
      %lt3A_672 = arith.constant 5120 : i32
      %lt3A_673 = vector.broadcast %lt3A_672 : i32 to vector<16xi32>
      %lt3A_674 = arith.cmpi slt, %sub3A_668, %lt3A_673 : vector<16xi32>
      %and3A_675 = arith.andi %ge3A_671, %lt3A_674 : vector<16xi1>
      %jit3A_676 = arith.constant 5120 : i32
      %broadcast_in_dim3A_677 = vector.broadcast %jit3A_676 : i32 to vector<16xi32>
      %select_n3A_678 = arith.select %and3A_675, %sub3A_668, %broadcast_in_dim3A_677 : vector<16xi1>, vector<16xi32>
      %swap3A_679 = arith.constant 0 : index
      %swap3A_680 = tpu.vector_load %arg9[%swap3A_679] {strides = array<i32>} : memref<80xi32, #tpu.memory_space<vmem>>, vector<16xi32>,
      %swap3A_681 = vector.shape_cast %swap3A_680 : vector<16xi32> to vector<16xi32>
      %swap3A_682 = vector.shape_cast %select_n3A_678 : vector<16xi32> to vector<16xi32>
      tpu.vector_store %arg9[%swap3A_679], %swap3A_682 {strides = array<i32>} : memref<80xi32, #tpu.memory_space<vmem>>, vector<16xi32>,
      %get3A_683 = arith.constant 16 : index
      %get3A_684 = tpu.vector_load %arg9[%get3A_683] {strides = array<i32>} : memref<80xi32, #tpu.memory_space<vmem>>, vector<16xi32>,
      %get3A_685 = vector.shape_cast %get3A_684 : vector<16xi32> to vector<16xi32>
      %sub3A_686 = vector.broadcast %mul3A_0 : i32 to vector<16xi32>
      %sub3A_687 = arith.subi %get3A_685, %sub3A_686 : vector<16xi32>
      %ge3A_688 = arith.constant 0 : i32
      %ge3A_689 = vector.broadcast %ge3A_688 : i32 to vector<16xi32>
      %ge3A_690 = arith.cmpi sge, %sub3A_687, %ge3A_689 : vector<16xi32>
      %lt3A_691 = arith.constant 5120 : i32
      %lt3A_692 = vector.broadcast %lt3A_691 : i32 to vector<16xi32>
      %lt3A_693 = arith.cmpi slt, %sub3A_687, %lt3A_692 : vector<16xi32>
      %and3A_694 = arith.andi %ge3A_690, %lt3A_693 : vector<16xi1>
      %jit3A_695 = arith.constant 5120 : i32
      %broadcast_in_dim3A_696 = vector.broadcast %jit3A_695 : i32 to vector<16xi32>
      %select_n3A_697 = arith.select %and3A_694, %sub3A_687, %broadcast_in_dim3A_696 : vector<16xi1>, vector<16xi32>
      %swap3A_698 = arith.constant 16 : index
      %swap3A_699 = tpu.vector_load %arg9[%swap3A_698] {strides = array<i32>} : memref<80xi32, #tpu.memory_space<vmem>>, vector<16xi32>,
      %swap3A_700 = vector.shape_cast %swap3A_699 : vector<16xi32> to vector<16xi32>
      %swap3A_701 = vector.shape_cast %select_n3A_697 : vector<16xi32> to vector<16xi32>
      tpu.vector_store %arg9[%swap3A_698], %swap3A_701 {strides = array<i32>} : memref<80xi32, #tpu.memory_space<vmem>>, vector<16xi32>,
      %get3A_702 = arith.constant 32 : index
      %get3A_703 = tpu.vector_load %arg9[%get3A_702] {strides = array<i32>} : memref<80xi32, #tpu.memory_space<vmem>>, vector<16xi32>,
      %get3A_704 = vector.shape_cast %get3A_703 : vector<16xi32> to vector<16xi32>
      %sub3A_705 = vector.broadcast %mul3A_0 : i32 to vector<16xi32>
      %sub3A_706 = arith.subi %get3A_704, %sub3A_705 : vector<16xi32>
      %ge3A_707 = arith.constant 0 : i32
      %ge3A_708 = vector.broadcast %ge3A_707 : i32 to vector<16xi32>
      %ge3A_709 = arith.cmpi sge, %sub3A_706, %ge3A_708 : vector<16xi32>
      %lt3A_710 = arith.constant 5120 : i32
      %lt3A_711 = vector.broadcast %lt3A_710 : i32 to vector<16xi32>
      %lt3A_712 = arith.cmpi slt, %sub3A_706, %lt3A_711 : vector<16xi32>
      %and3A_713 = arith.andi %ge3A_709, %lt3A_712 : vector<16xi1>
      %jit3A_714 = arith.constant 5120 : i32
      %broadcast_in_dim3A_715 = vector.broadcast %jit3A_714 : i32 to vector<16xi32>
      %select_n3A_716 = arith.select %and3A_713, %sub3A_706, %broadcast_in_dim3A_715 : vector<16xi1>, vector<16xi32>
      %swap3A_717 = arith.constant 32 : index
      %swap3A_718 = tpu.vector_load %arg9[%swap3A_717] {strides = array<i32>} : memref<80xi32, #tpu.memory_space<vmem>>, vector<16xi32>,
      %swap3A_719 = vector.shape_cast %swap3A_718 : vector<16xi32> to vector<16xi32>
      %swap3A_720 = vector.shape_cast %select_n3A_716 : vector<16xi32> to vector<16xi32>
      tpu.vector_store %arg9[%swap3A_717], %swap3A_720 {strides = array<i32>} : memref<80xi32, #tpu.memory_space<vmem>>, vector<16xi32>,
      %get3A_721 = arith.constant 48 : index
      %get3A_722 = tpu.vector_load %arg9[%get3A_721] {strides = array<i32>} : memref<80xi32, #tpu.memory_space<vmem>>, vector<16xi32>,
      %get3A_723 = vector.shape_cast %get3A_722 : vector<16xi32> to vector<16xi32>
      %sub3A_724 = vector.broadcast %mul3A_0 : i32 to vector<16xi32>
      %sub3A_725 = arith.subi %get3A_723, %sub3A_724 : vector<16xi32>
      %ge3A_726 = arith.constant 0 : i32
      %ge3A_727 = vector.broadcast %ge3A_726 : i32 to vector<16xi32>
      %ge3A_728 = arith.cmpi sge, %sub3A_725, %ge3A_727 : vector<16xi32>
      %lt3A_729 = arith.constant 5120 : i32
      %lt3A_730 = vector.broadcast %lt3A_729 : i32 to vector<16xi32>
      %lt3A_731 = arith.cmpi slt, %sub3A_725, %lt3A_730 : vector<16xi32>
      %and3A_732 = arith.andi %ge3A_728, %lt3A_731 : vector<16xi1>
      %jit3A_733 = arith.constant 5120 : i32
      %broadcast_in_dim3A_734 = vector.broadcast %jit3A_733 : i32 to vector<16xi32>
      %select_n3A_735 = arith.select %and3A_732, %sub3A_725, %broadcast_in_dim3A_734 : vector<16xi1>, vector<16xi32>
      %swap3A_736 = arith.constant 48 : index
      %swap3A_737 = tpu.vector_load %arg9[%swap3A_736] {strides = array<i32>} : memref<80xi32, #tpu.memory_space<vmem>>, vector<16xi32>,
      %swap3A_738 = vector.shape_cast %swap3A_737 : vector<16xi32> to vector<16xi32>
      %swap3A_739 = vector.shape_cast %select_n3A_735 : vector<16xi32> to vector<16xi32>
      tpu.vector_store %arg9[%swap3A_736], %swap3A_739 {strides = array<i32>} : memref<80xi32, #tpu.memory_space<vmem>>, vector<16xi32>,
      %get3A_740 = arith.constant 64 : index
      %get3A_741 = tpu.vector_load %arg9[%get3A_740] {strides = array<i32>} : memref<80xi32, #tpu.memory_space<vmem>>, vector<16xi32>,
      %get3A_742 = vector.shape_cast %get3A_741 : vector<16xi32> to vector<16xi32>
      %sub3A_743 = vector.broadcast %mul3A_0 : i32 to vector<16xi32>
      %sub3A_744 = arith.subi %get3A_742, %sub3A_743 : vector<16xi32>
      %ge3A_745 = arith.constant 0 : i32
      %ge3A_746 = vector.broadcast %ge3A_745 : i32 to vector<16xi32>
      %ge3A_747 = arith.cmpi sge, %sub3A_744, %ge3A_746 : vector<16xi32>
      %lt3A_748 = arith.constant 5120 : i32
      %lt3A_749 = vector.broadcast %lt3A_748 : i32 to vector<16xi32>
      %lt3A_750 = arith.cmpi slt, %sub3A_744, %lt3A_749 : vector<16xi32>
      %and3A_751 = arith.andi %ge3A_747, %lt3A_750 : vector<16xi1>
      %jit3A_752 = arith.constant 5120 : i32
      %broadcast_in_dim3A_753 = vector.broadcast %jit3A_752 : i32 to vector<16xi32>
      %select_n3A_754 = arith.select %and3A_751, %sub3A_744, %broadcast_in_dim3A_753 : vector<16xi1>, vector<16xi32>
      %swap3A_755 = arith.constant 64 : index
      %swap3A_756 = tpu.vector_load %arg9[%swap3A_755] {strides = array<i32>} : memref<80xi32, #tpu.memory_space<vmem>>, vector<16xi32>,
      %swap3A_757 = vector.shape_cast %swap3A_756 : vector<16xi32> to vector<16xi32>
      %swap3A_758 = vector.shape_cast %select_n3A_754 : vector<16xi32> to vector<16xi32>
      tpu.vector_store %arg9[%swap3A_755], %swap3A_758 {strides = array<i32>} : memref<80xi32, #tpu.memory_space<vmem>>, vector<16xi32>,
      %dma_start3A_759 = arith.constant 0 : i32
      %dma_start3A_760 = arith.constant 0 : i32
      %dma_start3A_761 = tpu.memref_slice %arg13[%dma_start3A_759, %dma_start3A_760] : memref<5760x128xf32, #tpu.memory_space<vmem_shared>> -> memref<5760x128xf32, #tpu.memory_space<vmem_shared>>
      tpu.enqueue_indirect_dma source(%arg12 : memref<80x128xf32, #tpu.memory_space<vmem>>) target(%dma_start3A_761 : memref<5760x128xf32, #tpu.memory_space<vmem_shared>>) offsets(%arg9 : memref<80xi32, #tpu.memory_space<vmem>>) semaphore(%arg15 : memref<!tpu.dma_semaphore, #tpu.memory_space<semaphore_mem>>) {add = true}
    }
    %scan3A_495 = arith.constant 124 : i32
    %dma_wait3A_496 = arith.constant 0 : i32
    %dma_wait3A_497 = arith.constant 0 : i32
    %dma_wait3A_498 = tpu.memref_slice %arg13[%dma_wait3A_496, %dma_wait3A_497] : memref<5760x128xf32, #tpu.memory_space<vmem_shared>> -> memref<5760x128xf32, #tpu.memory_space<vmem_shared>>
    tpu.wait_indirect_dma semaphore(%arg14 : memref<!tpu.dma_semaphore, #tpu.memory_space<semaphore_mem>>) src(%arg12 : memref<80x128xf32, #tpu.memory_space<vmem>>) dst(%dma_wait3A_498 : memref<5760x128xf32, #tpu.memory_space<vmem_shared>>)
    %dma_wait3A_499 = arith.constant 0 : i32
    %dma_wait3A_500 = arith.constant 0 : i32
    %dma_wait3A_501 = tpu.memref_slice %arg13[%dma_wait3A_499, %dma_wait3A_500] : memref<5760x128xf32, #tpu.memory_space<vmem_shared>> -> memref<5760x128xf32, #tpu.memory_space<vmem_shared>>
    tpu.wait_indirect_dma semaphore(%arg15 : memref<!tpu.dma_semaphore, #tpu.memory_space<semaphore_mem>>) src(%arg12 : memref<80x128xf32, #tpu.memory_space<vmem>>) dst(%dma_wait3A_501 : memref<5760x128xf32, #tpu.memory_space<vmem_shared>>)
    %barrier3A_502 = arith.constant 0 : index
    tpu.barrier barrier_id(%barrier3A_502)
    %mul3A_503 = arith.constant 360 : i32
    %mul3A_504 = arith.muli %arg1, %mul3A_503 : i32
    %add3A_505 = arith.constant 0 : i32
    %add3A_506 = arith.addi %mul3A_504, %add3A_505 : i32
    "tpu.region"() ({
      %run_scoped3A = tpu.sem_alloc : memref<!tpu.dma_semaphore, #tpu.memory_space<semaphore_mem>>
      %dma_start3A_543 = arith.constant 0 : i32
      %dma_start3A_544 = arith.constant 0 : i32
      %dma_start3A_545 = tpu.memref_slice %arg10[%dma_start3A_543, %dma_start3A_544] : memref<80x128xf32, #tpu.memory_space<vmem>> -> memref<72x128xf32, #tpu.memory_space<vmem>>
      %dma_start3A_546 = arith.constant 0 : i32
      %dma_start3A_547 = tpu.memref_slice %arg13[%add3A_506, %dma_start3A_546] : memref<5760x128xf32, #tpu.memory_space<vmem_shared>> -> memref<72x128xf32, #tpu.memory_space<vmem_shared>>
      %dma_start3A_548 = arith.constant 0 : i32
      %dma_start3A_549 = arith.constant 0 : i32
      %dma_start3A_550 = tpu.memref_slice %arg10[%dma_start3A_548, %dma_start3A_549] : memref<80x128xf32, #tpu.memory_space<vmem>> -> memref<72x128xf32, #tpu.memory_space<vmem>>
      %dma_start3A_551 = arith.constant 0 : i32
      %dma_start3A_552 = tpu.memref_slice %arg13[%add3A_506, %dma_start3A_551] : memref<5760x128xf32, #tpu.memory_space<vmem_shared>> -> memref<72x128xf32, #tpu.memory_space<vmem_shared>>
      tpu.enqueue_dma source(%dma_start3A_552 : memref<72x128xf32, #tpu.memory_space<vmem_shared>>) target(%dma_start3A_550 : memref<72x128xf32, #tpu.memory_space<vmem>>) target_semaphore(%run_scoped3A : memref<!tpu.dma_semaphore, #tpu.memory_space<semaphore_mem>>)
      %dma_wait3A_553 = arith.constant 0 : i32
      %dma_wait3A_554 = arith.constant 0 : i32
      %dma_wait3A_555 = tpu.memref_slice %arg10[%dma_wait3A_553, %dma_wait3A_554] : memref<80x128xf32, #tpu.memory_space<vmem>> -> memref<72x128xf32, #tpu.memory_space<vmem>>
      %dma_wait3A_556 = arith.constant 0 : i32
      %dma_wait3A_557 = tpu.memref_slice %arg13[%add3A_506, %dma_wait3A_556] : memref<5760x128xf32, #tpu.memory_space<vmem_shared>> -> memref<72x128xf32, #tpu.memory_space<vmem_shared>>
      %dma_wait3A_558 = arith.constant 0 : i32
      %dma_wait3A_559 = arith.constant 0 : i32
      %dma_wait3A_560 = tpu.memref_slice %arg10[%dma_wait3A_558, %dma_wait3A_559] : memref<80x128xf32, #tpu.memory_space<vmem>> -> memref<72x128xf32, #tpu.memory_space<vmem>>
      %dma_wait3A_561 = arith.constant 0 : i32
      %dma_wait3A_562 = tpu.memref_slice %arg13[%add3A_506, %dma_wait3A_561] : memref<5760x128xf32, #tpu.memory_space<vmem_shared>> -> memref<72x128xf32, #tpu.memory_space<vmem_shared>>
      tpu.wait_dma2 semaphore(%run_scoped3A : memref<!tpu.dma_semaphore, #tpu.memory_space<semaphore_mem>>) src(%dma_wait3A_562 : memref<72x128xf32, #tpu.memory_space<vmem_shared>>) dst(%dma_wait3A_560 : memref<72x128xf32, #tpu.memory_space<vmem>>)
      tpu.yield
    }) : () -> ()
    %mul3A_507 = arith.constant 360 : i32
    %mul3A_508 = arith.muli %arg1, %mul3A_507 : i32
    %add3A_509 = arith.constant 0 : i32
    %add3A_510 = arith.addi %mul3A_508, %add3A_509 : i32
    "tpu.region"() ({
      %run_scoped3A = tpu.sem_alloc : memref<!tpu.dma_semaphore, #tpu.memory_space<semaphore_mem>>
      %dma_start3A_543 = arith.constant 0 : i32
      %dma_start3A_544 = arith.constant 0 : i32
      %dma_start3A_545 = tpu.memref_slice %arg10[%dma_start3A_543, %dma_start3A_544] : memref<80x128xf32, #tpu.memory_space<vmem>> -> memref<72x128xf32, #tpu.memory_space<vmem>>
      %dma_start3A_546 = arith.constant 0 : i32
      %dma_start3A_547 = tpu.memref_slice %arg7[%arg0, %add3A_510, %dma_start3A_546] : memref<2x5760x128xf32, #tpu.memory_space<hbm>> -> memref<1x72x128xf32, #tpu.memory_space<hbm>>
      %dma_start3A_548 = tpu.memref_squeeze %dma_start3A_547 : memref<1x72x128xf32, #tpu.memory_space<hbm>> -> memref<72x128xf32, #tpu.memory_space<hbm>>
      %dma_start3A_549 = arith.constant 0 : i32
      %dma_start3A_550 = tpu.memref_slice %arg7[%arg0, %add3A_510, %dma_start3A_549] : memref<2x5760x128xf32, #tpu.memory_space<hbm>> -> memref<1x72x128xf32, #tpu.memory_space<hbm>>
      %dma_start3A_551 = tpu.memref_squeeze %dma_start3A_550 : memref<1x72x128xf32, #tpu.memory_space<hbm>> -> memref<72x128xf32, #tpu.memory_space<hbm>>
      %dma_start3A_552 = arith.constant 0 : i32
      %dma_start3A_553 = arith.constant 0 : i32
      %dma_start3A_554 = tpu.memref_slice %arg10[%dma_start3A_552, %dma_start3A_553] : memref<80x128xf32, #tpu.memory_space<vmem>> -> memref<72x128xf32, #tpu.memory_space<vmem>>
      tpu.enqueue_dma source(%dma_start3A_554 : memref<72x128xf32, #tpu.memory_space<vmem>>) target(%dma_start3A_551 : memref<72x128xf32, #tpu.memory_space<hbm>>) target_semaphore(%run_scoped3A : memref<!tpu.dma_semaphore, #tpu.memory_space<semaphore_mem>>)
      %dma_wait3A_555 = arith.constant 0 : i32
      %dma_wait3A_556 = arith.constant 0 : i32
      %dma_wait3A_557 = tpu.memref_slice %arg10[%dma_wait3A_555, %dma_wait3A_556] : memref<80x128xf32, #tpu.memory_space<vmem>> -> memref<72x128xf32, #tpu.memory_space<vmem>>
      %dma_wait3A_558 = arith.constant 0 : i32
      %dma_wait3A_559 = tpu.memref_slice %arg7[%arg0, %add3A_510, %dma_wait3A_558] : memref<2x5760x128xf32, #tpu.memory_space<hbm>> -> memref<1x72x128xf32, #tpu.memory_space<hbm>>
      %dma_wait3A_560 = tpu.memref_squeeze %dma_wait3A_559 : memref<1x72x128xf32, #tpu.memory_space<hbm>> -> memref<72x128xf32, #tpu.memory_space<hbm>>
      %dma_wait3A_561 = arith.constant 0 : i32
      %dma_wait3A_562 = tpu.memref_slice %arg7[%arg0, %add3A_510, %dma_wait3A_561] : memref<2x5760x128xf32, #tpu.memory_space<hbm>> -> memref<1x72x128xf32, #tpu.memory_space<hbm>>
      %dma_wait3A_563 = tpu.memref_squeeze %dma_wait3A_562 : memref<1x72x128xf32, #tpu.memory_space<hbm>> -> memref<72x128xf32, #tpu.memory_space<hbm>>
      %dma_wait3A_564 = arith.constant 0 : i32
      %dma_wait3A_565 = arith.constant 0 : i32
      %dma_wait3A_566 = tpu.memref_slice %arg10[%dma_wait3A_564, %dma_wait3A_565] : memref<80x128xf32, #tpu.memory_space<vmem>> -> memref<72x128xf32, #tpu.memory_space<vmem>>
      tpu.wait_dma2 semaphore(%run_scoped3A : memref<!tpu.dma_semaphore, #tpu.memory_space<semaphore_mem>>) src(%dma_wait3A_566 : memref<72x128xf32, #tpu.memory_space<vmem>>) dst(%dma_wait3A_563 : memref<72x128xf32, #tpu.memory_space<hbm>>)
      tpu.yield
    }) : () -> ()
    %mul3A_511 = arith.constant 360 : i32
    %mul3A_512 = arith.muli %arg1, %mul3A_511 : i32
    %add3A_513 = arith.constant 72 : i32
    %add3A_514 = arith.addi %mul3A_512, %add3A_513 : i32
    "tpu.region"() ({
      %run_scoped3A = tpu.sem_alloc : memref<!tpu.dma_semaphore, #tpu.memory_space<semaphore_mem>>
      %dma_start3A_543 = arith.constant 0 : i32
      %dma_start3A_544 = arith.constant 0 : i32
      %dma_start3A_545 = tpu.memref_slice %arg10[%dma_start3A_543, %dma_start3A_544] : memref<80x128xf32, #tpu.memory_space<vmem>> -> memref<72x128xf32, #tpu.memory_space<vmem>>
      %dma_start3A_546 = arith.constant 0 : i32
      %dma_start3A_547 = tpu.memref_slice %arg13[%add3A_514, %dma_start3A_546] : memref<5760x128xf32, #tpu.memory_space<vmem_shared>> -> memref<72x128xf32, #tpu.memory_space<vmem_shared>>
      %dma_start3A_548 = arith.constant 0 : i32
      %dma_start3A_549 = arith.constant 0 : i32
      %dma_start3A_550 = tpu.memref_slice %arg10[%dma_start3A_548, %dma_start3A_549] : memref<80x128xf32, #tpu.memory_space<vmem>> -> memref<72x128xf32, #tpu.memory_space<vmem>>
      %dma_start3A_551 = arith.constant 0 : i32
      %dma_start3A_552 = tpu.memref_slice %arg13[%add3A_514, %dma_start3A_551] : memref<5760x128xf32, #tpu.memory_space<vmem_shared>> -> memref<72x128xf32, #tpu.memory_space<vmem_shared>>
      tpu.enqueue_dma source(%dma_start3A_552 : memref<72x128xf32, #tpu.memory_space<vmem_shared>>) target(%dma_start3A_550 : memref<72x128xf32, #tpu.memory_space<vmem>>) target_semaphore(%run_scoped3A : memref<!tpu.dma_semaphore, #tpu.memory_space<semaphore_mem>>)
      %dma_wait3A_553 = arith.constant 0 : i32
      %dma_wait3A_554 = arith.constant 0 : i32
      %dma_wait3A_555 = tpu.memref_slice %arg10[%dma_wait3A_553, %dma_wait3A_554] : memref<80x128xf32, #tpu.memory_space<vmem>> -> memref<72x128xf32, #tpu.memory_space<vmem>>
      %dma_wait3A_556 = arith.constant 0 : i32
      %dma_wait3A_557 = tpu.memref_slice %arg13[%add3A_514, %dma_wait3A_556] : memref<5760x128xf32, #tpu.memory_space<vmem_shared>> -> memref<72x128xf32, #tpu.memory_space<vmem_shared>>
      %dma_wait3A_558 = arith.constant 0 : i32
      %dma_wait3A_559 = arith.constant 0 : i32
      %dma_wait3A_560 = tpu.memref_slice %arg10[%dma_wait3A_558, %dma_wait3A_559] : memref<80x128xf32, #tpu.memory_space<vmem>> -> memref<72x128xf32, #tpu.memory_space<vmem>>
      %dma_wait3A_561 = arith.constant 0 : i32
      %dma_wait3A_562 = tpu.memref_slice %arg13[%add3A_514, %dma_wait3A_561] : memref<5760x128xf32, #tpu.memory_space<vmem_shared>> -> memref<72x128xf32, #tpu.memory_space<vmem_shared>>
      tpu.wait_dma2 semaphore(%run_scoped3A : memref<!tpu.dma_semaphore, #tpu.memory_space<semaphore_mem>>) src(%dma_wait3A_562 : memref<72x128xf32, #tpu.memory_space<vmem_shared>>) dst(%dma_wait3A_560 : memref<72x128xf32, #tpu.memory_space<vmem>>)
      tpu.yield
    }) : () -> ()
    %mul3A_515 = arith.constant 360 : i32
    %mul3A_516 = arith.muli %arg1, %mul3A_515 : i32
    %add3A_517 = arith.constant 72 : i32
    %add3A_518 = arith.addi %mul3A_516, %add3A_517 : i32
    "tpu.region"() ({
      %run_scoped3A = tpu.sem_alloc : memref<!tpu.dma_semaphore, #tpu.memory_space<semaphore_mem>>
      %dma_start3A_543 = arith.constant 0 : i32
      %dma_start3A_544 = arith.constant 0 : i32
      %dma_start3A_545 = tpu.memref_slice %arg10[%dma_start3A_543, %dma_start3A_544] : memref<80x128xf32, #tpu.memory_space<vmem>> -> memref<72x128xf32, #tpu.memory_space<vmem>>
      %dma_start3A_546 = arith.constant 0 : i32
      %dma_start3A_547 = tpu.memref_slice %arg7[%arg0, %add3A_518, %dma_start3A_546] : memref<2x5760x128xf32, #tpu.memory_space<hbm>> -> memref<1x72x128xf32, #tpu.memory_space<hbm>>
      %dma_start3A_548 = tpu.memref_squeeze %dma_start3A_547 : memref<1x72x128xf32, #tpu.memory_space<hbm>> -> memref<72x128xf32, #tpu.memory_space<hbm>>
      %dma_start3A_549 = arith.constant 0 : i32
      %dma_start3A_550 = tpu.memref_slice %arg7[%arg0, %add3A_518, %dma_start3A_549] : memref<2x5760x128xf32, #tpu.memory_space<hbm>> -> memref<1x72x128xf32, #tpu.memory_space<hbm>>
      %dma_start3A_551 = tpu.memref_squeeze %dma_start3A_550 : memref<1x72x128xf32, #tpu.memory_space<hbm>> -> memref<72x128xf32, #tpu.memory_space<hbm>>
      %dma_start3A_552 = arith.constant 0 : i32
      %dma_start3A_553 = arith.constant 0 : i32
      %dma_start3A_554 = tpu.memref_slice %arg10[%dma_start3A_552, %dma_start3A_553] : memref<80x128xf32, #tpu.memory_space<vmem>> -> memref<72x128xf32, #tpu.memory_space<vmem>>
      tpu.enqueue_dma source(%dma_start3A_554 : memref<72x128xf32, #tpu.memory_space<vmem>>) target(%dma_start3A_551 : memref<72x128xf32, #tpu.memory_space<hbm>>) target_semaphore(%run_scoped3A : memref<!tpu.dma_semaphore, #tpu.memory_space<semaphore_mem>>)
      %dma_wait3A_555 = arith.constant 0 : i32
      %dma_wait3A_556 = arith.constant 0 : i32
      %dma_wait3A_557 = tpu.memref_slice %arg10[%dma_wait3A_555, %dma_wait3A_556] : memref<80x128xf32, #tpu.memory_space<vmem>> -> memref<72x128xf32, #tpu.memory_space<vmem>>
      %dma_wait3A_558 = arith.constant 0 : i32
      %dma_wait3A_559 = tpu.memref_slice %arg7[%arg0, %add3A_518, %dma_wait3A_558] : memref<2x5760x128xf32, #tpu.memory_space<hbm>> -> memref<1x72x128xf32, #tpu.memory_space<hbm>>
      %dma_wait3A_560 = tpu.memref_squeeze %dma_wait3A_559 : memref<1x72x128xf32, #tpu.memory_space<hbm>> -> memref<72x128xf32, #tpu.memory_space<hbm>>
      %dma_wait3A_561 = arith.constant 0 : i32
      %dma_wait3A_562 = tpu.memref_slice %arg7[%arg0, %add3A_518, %dma_wait3A_561] : memref<2x5760x128xf32, #tpu.memory_space<hbm>> -> memref<1x72x128xf32, #tpu.memory_space<hbm>>
      %dma_wait3A_563 = tpu.memref_squeeze %dma_wait3A_562 : memref<1x72x128xf32, #tpu.memory_space<hbm>> -> memref<72x128xf32, #tpu.memory_space<hbm>>
      %dma_wait3A_564 = arith.constant 0 : i32
      %dma_wait3A_565 = arith.constant 0 : i32
      %dma_wait3A_566 = tpu.memref_slice %arg10[%dma_wait3A_564, %dma_wait3A_565] : memref<80x128xf32, #tpu.memory_space<vmem>> -> memref<72x128xf32, #tpu.memory_space<vmem>>
      tpu.wait_dma2 semaphore(%run_scoped3A : memref<!tpu.dma_semaphore, #tpu.memory_space<semaphore_mem>>) src(%dma_wait3A_566 : memref<72x128xf32, #tpu.memory_space<vmem>>) dst(%dma_wait3A_563 : memref<72x128xf32, #tpu.memory_space<hbm>>)
      tpu.yield
    }) : () -> ()
    %mul3A_519 = arith.constant 360 : i32
    %mul3A_520 = arith.muli %arg1, %mul3A_519 : i32
    %add3A_521 = arith.constant 144 : i32
    %add3A_522 = arith.addi %mul3A_520, %add3A_521 : i32
    "tpu.region"() ({
      %run_scoped3A = tpu.sem_alloc : memref<!tpu.dma_semaphore, #tpu.memory_space<semaphore_mem>>
      %dma_start3A_543 = arith.constant 0 : i32
      %dma_start3A_544 = arith.constant 0 : i32
      %dma_start3A_545 = tpu.memref_slice %arg10[%dma_start3A_543, %dma_start3A_544] : memref<80x128xf32, #tpu.memory_space<vmem>> -> memref<72x128xf32, #tpu.memory_space<vmem>>
      %dma_start3A_546 = arith.constant 0 : i32
      %dma_start3A_547 = tpu.memref_slice %arg13[%add3A_522, %dma_start3A_546] : memref<5760x128xf32, #tpu.memory_space<vmem_shared>> -> memref<72x128xf32, #tpu.memory_space<vmem_shared>>
      %dma_start3A_548 = arith.constant 0 : i32
      %dma_start3A_549 = arith.constant 0 : i32
      %dma_start3A_550 = tpu.memref_slice %arg10[%dma_start3A_548, %dma_start3A_549] : memref<80x128xf32, #tpu.memory_space<vmem>> -> memref<72x128xf32, #tpu.memory_space<vmem>>
      %dma_start3A_551 = arith.constant 0 : i32
      %dma_start3A_552 = tpu.memref_slice %arg13[%add3A_522, %dma_start3A_551] : memref<5760x128xf32, #tpu.memory_space<vmem_shared>> -> memref<72x128xf32, #tpu.memory_space<vmem_shared>>
      tpu.enqueue_dma source(%dma_start3A_552 : memref<72x128xf32, #tpu.memory_space<vmem_shared>>) target(%dma_start3A_550 : memref<72x128xf32, #tpu.memory_space<vmem>>) target_semaphore(%run_scoped3A : memref<!tpu.dma_semaphore, #tpu.memory_space<semaphore_mem>>)
      %dma_wait3A_553 = arith.constant 0 : i32
      %dma_wait3A_554 = arith.constant 0 : i32
      %dma_wait3A_555 = tpu.memref_slice %arg10[%dma_wait3A_553, %dma_wait3A_554] : memref<80x128xf32, #tpu.memory_space<vmem>> -> memref<72x128xf32, #tpu.memory_space<vmem>>
      %dma_wait3A_556 = arith.constant 0 : i32
      %dma_wait3A_557 = tpu.memref_slice %arg13[%add3A_522, %dma_wait3A_556] : memref<5760x128xf32, #tpu.memory_space<vmem_shared>> -> memref<72x128xf32, #tpu.memory_space<vmem_shared>>
      %dma_wait3A_558 = arith.constant 0 : i32
      %dma_wait3A_559 = arith.constant 0 : i32
      %dma_wait3A_560 = tpu.memref_slice %arg10[%dma_wait3A_558, %dma_wait3A_559] : memref<80x128xf32, #tpu.memory_space<vmem>> -> memref<72x128xf32, #tpu.memory_space<vmem>>
      %dma_wait3A_561 = arith.constant 0 : i32
      %dma_wait3A_562 = tpu.memref_slice %arg13[%add3A_522, %dma_wait3A_561] : memref<5760x128xf32, #tpu.memory_space<vmem_shared>> -> memref<72x128xf32, #tpu.memory_space<vmem_shared>>
      tpu.wait_dma2 semaphore(%run_scoped3A : memref<!tpu.dma_semaphore, #tpu.memory_space<semaphore_mem>>) src(%dma_wait3A_562 : memref<72x128xf32, #tpu.memory_space<vmem_shared>>) dst(%dma_wait3A_560 : memref<72x128xf32, #tpu.memory_space<vmem>>)
      tpu.yield
    }) : () -> ()
    %mul3A_523 = arith.constant 360 : i32
    %mul3A_524 = arith.muli %arg1, %mul3A_523 : i32
    %add3A_525 = arith.constant 144 : i32
    %add3A_526 = arith.addi %mul3A_524, %add3A_525 : i32
    "tpu.region"() ({
      %run_scoped3A = tpu.sem_alloc : memref<!tpu.dma_semaphore, #tpu.memory_space<semaphore_mem>>
      %dma_start3A_543 = arith.constant 0 : i32
      %dma_start3A_544 = arith.constant 0 : i32
      %dma_start3A_545 = tpu.memref_slice %arg10[%dma_start3A_543, %dma_start3A_544] : memref<80x128xf32, #tpu.memory_space<vmem>> -> memref<72x128xf32, #tpu.memory_space<vmem>>
      %dma_start3A_546 = arith.constant 0 : i32
      %dma_start3A_547 = tpu.memref_slice %arg7[%arg0, %add3A_526, %dma_start3A_546] : memref<2x5760x128xf32, #tpu.memory_space<hbm>> -> memref<1x72x128xf32, #tpu.memory_space<hbm>>
      %dma_start3A_548 = tpu.memref_squeeze %dma_start3A_547 : memref<1x72x128xf32, #tpu.memory_space<hbm>> -> memref<72x128xf32, #tpu.memory_space<hbm>>
      %dma_start3A_549 = arith.constant 0 : i32
      %dma_start3A_550 = tpu.memref_slice %arg7[%arg0, %add3A_526, %dma_start3A_549] : memref<2x5760x128xf32, #tpu.memory_space<hbm>> -> memref<1x72x128xf32, #tpu.memory_space<hbm>>
      %dma_start3A_551 = tpu.memref_squeeze %dma_start3A_550 : memref<1x72x128xf32, #tpu.memory_space<hbm>> -> memref<72x128xf32, #tpu.memory_space<hbm>>
      %dma_start3A_552 = arith.constant 0 : i32
      %dma_start3A_553 = arith.constant 0 : i32
      %dma_start3A_554 = tpu.memref_slice %arg10[%dma_start3A_552, %dma_start3A_553] : memref<80x128xf32, #tpu.memory_space<vmem>> -> memref<72x128xf32, #tpu.memory_space<vmem>>
      tpu.enqueue_dma source(%dma_start3A_554 : memref<72x128xf32, #tpu.memory_space<vmem>>) target(%dma_start3A_551 : memref<72x128xf32, #tpu.memory_space<hbm>>) target_semaphore(%run_scoped3A : memref<!tpu.dma_semaphore, #tpu.memory_space<semaphore_mem>>)
      %dma_wait3A_555 = arith.constant 0 : i32
      %dma_wait3A_556 = arith.constant 0 : i32
      %dma_wait3A_557 = tpu.memref_slice %arg10[%dma_wait3A_555, %dma_wait3A_556] : memref<80x128xf32, #tpu.memory_space<vmem>> -> memref<72x128xf32, #tpu.memory_space<vmem>>
      %dma_wait3A_558 = arith.constant 0 : i32
      %dma_wait3A_559 = tpu.memref_slice %arg7[%arg0, %add3A_526, %dma_wait3A_558] : memref<2x5760x128xf32, #tpu.memory_space<hbm>> -> memref<1x72x128xf32, #tpu.memory_space<hbm>>
      %dma_wait3A_560 = tpu.memref_squeeze %dma_wait3A_559 : memref<1x72x128xf32, #tpu.memory_space<hbm>> -> memref<72x128xf32, #tpu.memory_space<hbm>>
      %dma_wait3A_561 = arith.constant 0 : i32
      %dma_wait3A_562 = tpu.memref_slice %arg7[%arg0, %add3A_526, %dma_wait3A_561] : memref<2x5760x128xf32, #tpu.memory_space<hbm>> -> memref<1x72x128xf32, #tpu.memory_space<hbm>>
      %dma_wait3A_563 = tpu.memref_squeeze %dma_wait3A_562 : memref<1x72x128xf32, #tpu.memory_space<hbm>> -> memref<72x128xf32, #tpu.memory_space<hbm>>
      %dma_wait3A_564 = arith.constant 0 : i32
      %dma_wait3A_565 = arith.constant 0 : i32
      %dma_wait3A_566 = tpu.memref_slice %arg10[%dma_wait3A_564, %dma_wait3A_565] : memref<80x128xf32, #tpu.memory_space<vmem>> -> memref<72x128xf32, #tpu.memory_space<vmem>>
      tpu.wait_dma2 semaphore(%run_scoped3A : memref<!tpu.dma_semaphore, #tpu.memory_space<semaphore_mem>>) src(%dma_wait3A_566 : memref<72x128xf32, #tpu.memory_space<vmem>>) dst(%dma_wait3A_563 : memref<72x128xf32, #tpu.memory_space<hbm>>)
      tpu.yield
    }) : () -> ()
    %mul3A_527 = arith.constant 360 : i32
    %mul3A_528 = arith.muli %arg1, %mul3A_527 : i32
    %add3A_529 = arith.constant 216 : i32
    %add3A_530 = arith.addi %mul3A_528, %add3A_529 : i32
    "tpu.region"() ({
      %run_scoped3A = tpu.sem_alloc : memref<!tpu.dma_semaphore, #tpu.memory_space<semaphore_mem>>
      %dma_start3A_543 = arith.constant 0 : i32
      %dma_start3A_544 = arith.constant 0 : i32
      %dma_start3A_545 = tpu.memref_slice %arg10[%dma_start3A_543, %dma_start3A_544] : memref<80x128xf32, #tpu.memory_space<vmem>> -> memref<72x128xf32, #tpu.memory_space<vmem>>
      %dma_start3A_546 = arith.constant 0 : i32
      %dma_start3A_547 = tpu.memref_slice %arg13[%add3A_530, %dma_start3A_546] : memref<5760x128xf32, #tpu.memory_space<vmem_shared>> -> memref<72x128xf32, #tpu.memory_space<vmem_shared>>
      %dma_start3A_548 = arith.constant 0 : i32
      %dma_start3A_549 = arith.constant 0 : i32
      %dma_start3A_550 = tpu.memref_slice %arg10[%dma_start3A_548, %dma_start3A_549] : memref<80x128xf32, #tpu.memory_space<vmem>> -> memref<72x128xf32, #tpu.memory_space<vmem>>
      %dma_start3A_551 = arith.constant 0 : i32
      %dma_start3A_552 = tpu.memref_slice %arg13[%add3A_530, %dma_start3A_551] : memref<5760x128xf32, #tpu.memory_space<vmem_shared>> -> memref<72x128xf32, #tpu.memory_space<vmem_shared>>
      tpu.enqueue_dma source(%dma_start3A_552 : memref<72x128xf32, #tpu.memory_space<vmem_shared>>) target(%dma_start3A_550 : memref<72x128xf32, #tpu.memory_space<vmem>>) target_semaphore(%run_scoped3A : memref<!tpu.dma_semaphore, #tpu.memory_space<semaphore_mem>>)
      %dma_wait3A_553 = arith.constant 0 : i32
      %dma_wait3A_554 = arith.constant 0 : i32
      %dma_wait3A_555 = tpu.memref_slice %arg10[%dma_wait3A_553, %dma_wait3A_554] : memref<80x128xf32, #tpu.memory_space<vmem>> -> memref<72x128xf32, #tpu.memory_space<vmem>>
      %dma_wait3A_556 = arith.constant 0 : i32
      %dma_wait3A_557 = tpu.memref_slice %arg13[%add3A_530, %dma_wait3A_556] : memref<5760x128xf32, #tpu.memory_space<vmem_shared>> -> memref<72x128xf32, #tpu.memory_space<vmem_shared>>
      %dma_wait3A_558 = arith.constant 0 : i32
      %dma_wait3A_559 = arith.constant 0 : i32
      %dma_wait3A_560 = tpu.memref_slice %arg10[%dma_wait3A_558, %dma_wait3A_559] : memref<80x128xf32, #tpu.memory_space<vmem>> -> memref<72x128xf32, #tpu.memory_space<vmem>>
      %dma_wait3A_561 = arith.constant 0 : i32
      %dma_wait3A_562 = tpu.memref_slice %arg13[%add3A_530, %dma_wait3A_561] : memref<5760x128xf32, #tpu.memory_space<vmem_shared>> -> memref<72x128xf32, #tpu.memory_space<vmem_shared>>
      tpu.wait_dma2 semaphore(%run_scoped3A : memref<!tpu.dma_semaphore, #tpu.memory_space<semaphore_mem>>) src(%dma_wait3A_562 : memref<72x128xf32, #tpu.memory_space<vmem_shared>>) dst(%dma_wait3A_560 : memref<72x128xf32, #tpu.memory_space<vmem>>)
      tpu.yield
    }) : () -> ()
    %mul3A_531 = arith.constant 360 : i32
    %mul3A_532 = arith.muli %arg1, %mul3A_531 : i32
    %add3A_533 = arith.constant 216 : i32
    %add3A_534 = arith.addi %mul3A_532, %add3A_533 : i32
    "tpu.region"() ({
      %run_scoped3A = tpu.sem_alloc : memref<!tpu.dma_semaphore, #tpu.memory_space<semaphore_mem>>
      %dma_start3A_543 = arith.constant 0 : i32
      %dma_start3A_544 = arith.constant 0 : i32
      %dma_start3A_545 = tpu.memref_slice %arg10[%dma_start3A_543, %dma_start3A_544] : memref<80x128xf32, #tpu.memory_space<vmem>> -> memref<72x128xf32, #tpu.memory_space<vmem>>
      %dma_start3A_546 = arith.constant 0 : i32
      %dma_start3A_547 = tpu.memref_slice %arg7[%arg0, %add3A_534, %dma_start3A_546] : memref<2x5760x128xf32, #tpu.memory_space<hbm>> -> memref<1x72x128xf32, #tpu.memory_space<hbm>>
      %dma_start3A_548 = tpu.memref_squeeze %dma_start3A_547 : memref<1x72x128xf32, #tpu.memory_space<hbm>> -> memref<72x128xf32, #tpu.memory_space<hbm>>
      %dma_start3A_549 = arith.constant 0 : i32
      %dma_start3A_550 = tpu.memref_slice %arg7[%arg0, %add3A_534, %dma_start3A_549] : memref<2x5760x128xf32, #tpu.memory_space<hbm>> -> memref<1x72x128xf32, #tpu.memory_space<hbm>>
      %dma_start3A_551 = tpu.memref_squeeze %dma_start3A_550 : memref<1x72x128xf32, #tpu.memory_space<hbm>> -> memref<72x128xf32, #tpu.memory_space<hbm>>
      %dma_start3A_552 = arith.constant 0 : i32
      %dma_start3A_553 = arith.constant 0 : i32
      %dma_start3A_554 = tpu.memref_slice %arg10[%dma_start3A_552, %dma_start3A_553] : memref<80x128xf32, #tpu.memory_space<vmem>> -> memref<72x128xf32, #tpu.memory_space<vmem>>
      tpu.enqueue_dma source(%dma_start3A_554 : memref<72x128xf32, #tpu.memory_space<vmem>>) target(%dma_start3A_551 : memref<72x128xf32, #tpu.memory_space<hbm>>) target_semaphore(%run_scoped3A : memref<!tpu.dma_semaphore, #tpu.memory_space<semaphore_mem>>)
      %dma_wait3A_555 = arith.constant 0 : i32
      %dma_wait3A_556 = arith.constant 0 : i32
      %dma_wait3A_557 = tpu.memref_slice %arg10[%dma_wait3A_555, %dma_wait3A_556] : memref<80x128xf32, #tpu.memory_space<vmem>> -> memref<72x128xf32, #tpu.memory_space<vmem>>
      %dma_wait3A_558 = arith.constant 0 : i32
      %dma_wait3A_559 = tpu.memref_slice %arg7[%arg0, %add3A_534, %dma_wait3A_558] : memref<2x5760x128xf32, #tpu.memory_space<hbm>> -> memref<1x72x128xf32, #tpu.memory_space<hbm>>
      %dma_wait3A_560 = tpu.memref_squeeze %dma_wait3A_559 : memref<1x72x128xf32, #tpu.memory_space<hbm>> -> memref<72x128xf32, #tpu.memory_space<hbm>>
      %dma_wait3A_561 = arith.constant 0 : i32
      %dma_wait3A_562 = tpu.memref_slice %arg7[%arg0, %add3A_534, %dma_wait3A_561] : memref<2x5760x128xf32, #tpu.memory_space<hbm>> -> memref<1x72x128xf32, #tpu.memory_space<hbm>>
      %dma_wait3A_563 = tpu.memref_squeeze %dma_wait3A_562 : memref<1x72x128xf32, #tpu.memory_space<hbm>> -> memref<72x128xf32, #tpu.memory_space<hbm>>
      %dma_wait3A_564 = arith.constant 0 : i32
      %dma_wait3A_565 = arith.constant 0 : i32
      %dma_wait3A_566 = tpu.memref_slice %arg10[%dma_wait3A_564, %dma_wait3A_565] : memref<80x128xf32, #tpu.memory_space<vmem>> -> memref<72x128xf32, #tpu.memory_space<vmem>>
      tpu.wait_dma2 semaphore(%run_scoped3A : memref<!tpu.dma_semaphore, #tpu.memory_space<semaphore_mem>>) src(%dma_wait3A_566 : memref<72x128xf32, #tpu.memory_space<vmem>>) dst(%dma_wait3A_563 : memref<72x128xf32, #tpu.memory_space<hbm>>)
      tpu.yield
    }) : () -> ()
    %mul3A_535 = arith.constant 360 : i32
    %mul3A_536 = arith.muli %arg1, %mul3A_535 : i32
    %add3A_537 = arith.constant 288 : i32
    %add3A_538 = arith.addi %mul3A_536, %add3A_537 : i32
    "tpu.region"() ({
      %run_scoped3A = tpu.sem_alloc : memref<!tpu.dma_semaphore, #tpu.memory_space<semaphore_mem>>
      %dma_start3A_543 = arith.constant 0 : i32
      %dma_start3A_544 = arith.constant 0 : i32
      %dma_start3A_545 = tpu.memref_slice %arg10[%dma_start3A_543, %dma_start3A_544] : memref<80x128xf32, #tpu.memory_space<vmem>> -> memref<72x128xf32, #tpu.memory_space<vmem>>
      %dma_start3A_546 = arith.constant 0 : i32
      %dma_start3A_547 = tpu.memref_slice %arg13[%add3A_538, %dma_start3A_546] : memref<5760x128xf32, #tpu.memory_space<vmem_shared>> -> memref<72x128xf32, #tpu.memory_space<vmem_shared>>
      %dma_start3A_548 = arith.constant 0 : i32
      %dma_start3A_549 = arith.constant 0 : i32
      %dma_start3A_550 = tpu.memref_slice %arg10[%dma_start3A_548, %dma_start3A_549] : memref<80x128xf32, #tpu.memory_space<vmem>> -> memref<72x128xf32, #tpu.memory_space<vmem>>
      %dma_start3A_551 = arith.constant 0 : i32
      %dma_start3A_552 = tpu.memref_slice %arg13[%add3A_538, %dma_start3A_551] : memref<5760x128xf32, #tpu.memory_space<vmem_shared>> -> memref<72x128xf32, #tpu.memory_space<vmem_shared>>
      tpu.enqueue_dma source(%dma_start3A_552 : memref<72x128xf32, #tpu.memory_space<vmem_shared>>) target(%dma_start3A_550 : memref<72x128xf32, #tpu.memory_space<vmem>>) target_semaphore(%run_scoped3A : memref<!tpu.dma_semaphore, #tpu.memory_space<semaphore_mem>>)
      %dma_wait3A_553 = arith.constant 0 : i32
      %dma_wait3A_554 = arith.constant 0 : i32
      %dma_wait3A_555 = tpu.memref_slice %arg10[%dma_wait3A_553, %dma_wait3A_554] : memref<80x128xf32, #tpu.memory_space<vmem>> -> memref<72x128xf32, #tpu.memory_space<vmem>>
      %dma_wait3A_556 = arith.constant 0 : i32
      %dma_wait3A_557 = tpu.memref_slice %arg13[%add3A_538, %dma_wait3A_556] : memref<5760x128xf32, #tpu.memory_space<vmem_shared>> -> memref<72x128xf32, #tpu.memory_space<vmem_shared>>
      %dma_wait3A_558 = arith.constant 0 : i32
      %dma_wait3A_559 = arith.constant 0 : i32
      %dma_wait3A_560 = tpu.memref_slice %arg10[%dma_wait3A_558, %dma_wait3A_559] : memref<80x128xf32, #tpu.memory_space<vmem>> -> memref<72x128xf32, #tpu.memory_space<vmem>>
      %dma_wait3A_561 = arith.constant 0 : i32
      %dma_wait3A_562 = tpu.memref_slice %arg13[%add3A_538, %dma_wait3A_561] : memref<5760x128xf32, #tpu.memory_space<vmem_shared>> -> memref<72x128xf32, #tpu.memory_space<vmem_shared>>
      tpu.wait_dma2 semaphore(%run_scoped3A : memref<!tpu.dma_semaphore, #tpu.memory_space<semaphore_mem>>) src(%dma_wait3A_562 : memref<72x128xf32, #tpu.memory_space<vmem_shared>>) dst(%dma_wait3A_560 : memref<72x128xf32, #tpu.memory_space<vmem>>)
      tpu.yield
    }) : () -> ()
    %mul3A_539 = arith.constant 360 : i32
    %mul3A_540 = arith.muli %arg1, %mul3A_539 : i32
    %add3A_541 = arith.constant 288 : i32
    %add3A_542 = arith.addi %mul3A_540, %add3A_541 : i32
    "tpu.region"() ({
      %run_scoped3A = tpu.sem_alloc : memref<!tpu.dma_semaphore, #tpu.memory_space<semaphore_mem>>
      %dma_start3A_543 = arith.constant 0 : i32
      %dma_start3A_544 = arith.constant 0 : i32
      %dma_start3A_545 = tpu.memref_slice %arg10[%dma_start3A_543, %dma_start3A_544] : memref<80x128xf32, #tpu.memory_space<vmem>> -> memref<72x128xf32, #tpu.memory_space<vmem>>
      %dma_start3A_546 = arith.constant 0 : i32
      %dma_start3A_547 = tpu.memref_slice %arg7[%arg0, %add3A_542, %dma_start3A_546] : memref<2x5760x128xf32, #tpu.memory_space<hbm>> -> memref<1x72x128xf32, #tpu.memory_space<hbm>>
      %dma_start3A_548 = tpu.memref_squeeze %dma_start3A_547 : memref<1x72x128xf32, #tpu.memory_space<hbm>> -> memref<72x128xf32, #tpu.memory_space<hbm>>
      %dma_start3A_549 = arith.constant 0 : i32
      %dma_start3A_550 = tpu.memref_slice %arg7[%arg0, %add3A_542, %dma_start3A_549] : memref<2x5760x128xf32, #tpu.memory_space<hbm>> -> memref<1x72x128xf32, #tpu.memory_space<hbm>>
      %dma_start3A_551 = tpu.memref_squeeze %dma_start3A_550 : memref<1x72x128xf32, #tpu.memory_space<hbm>> -> memref<72x128xf32, #tpu.memory_space<hbm>>
      %dma_start3A_552 = arith.constant 0 : i32
      %dma_start3A_553 = arith.constant 0 : i32
      %dma_start3A_554 = tpu.memref_slice %arg10[%dma_start3A_552, %dma_start3A_553] : memref<80x128xf32, #tpu.memory_space<vmem>> -> memref<72x128xf32, #tpu.memory_space<vmem>>
      tpu.enqueue_dma source(%dma_start3A_554 : memref<72x128xf32, #tpu.memory_space<vmem>>) target(%dma_start3A_551 : memref<72x128xf32, #tpu.memory_space<hbm>>) target_semaphore(%run_scoped3A : memref<!tpu.dma_semaphore, #tpu.memory_space<semaphore_mem>>)
      %dma_wait3A_555 = arith.constant 0 : i32
      %dma_wait3A_556 = arith.constant 0 : i32
      %dma_wait3A_557 = tpu.memref_slice %arg10[%dma_wait3A_555, %dma_wait3A_556] : memref<80x128xf32, #tpu.memory_space<vmem>> -> memref<72x128xf32, #tpu.memory_space<vmem>>
      %dma_wait3A_558 = arith.constant 0 : i32
      %dma_wait3A_559 = tpu.memref_slice %arg7[%arg0, %add3A_542, %dma_wait3A_558] : memref<2x5760x128xf32, #tpu.memory_space<hbm>> -> memref<1x72x128xf32, #tpu.memory_space<hbm>>
      %dma_wait3A_560 = tpu.memref_squeeze %dma_wait3A_559 : memref<1x72x128xf32, #tpu.memory_space<hbm>> -> memref<72x128xf32, #tpu.memory_space<hbm>>
      %dma_wait3A_561 = arith.constant 0 : i32
      %dma_wait3A_562 = tpu.memref_slice %arg7[%arg0, %add3A_542, %dma_wait3A_561] : memref<2x5760x128xf32, #tpu.memory_space<hbm>> -> memref<1x72x128xf32, #tpu.memory_space<hbm>>
      %dma_wait3A_563 = tpu.memref_squeeze %dma_wait3A_562 : memref<1x72x128xf32, #tpu.memory_space<hbm>> -> memref<72x128xf32, #tpu.memory_space<hbm>>
      %dma_wait3A_564 = arith.constant 0 : i32
      %dma_wait3A_565 = arith.constant 0 : i32
      %dma_wait3A_566 = tpu.memref_slice %arg10[%dma_wait3A_564, %dma_wait3A_565] : memref<80x128xf32, #tpu.memory_space<vmem>> -> memref<72x128xf32, #tpu.memory_space<vmem>>
      tpu.wait_dma2 semaphore(%run_scoped3A : memref<!tpu.dma_semaphore, #tpu.memory_space<semaphore_mem>>) src(%dma_wait3A_566 : memref<72x128xf32, #tpu.memory_space<vmem>>) dst(%dma_wait3A_563 : memref<72x128xf32, #tpu.memory_space<hbm>>)
      tpu.yield
    }) : () -> ()
    return
  }
}

module attributes {stable_mosaic.version = 14 : i64} {
  func.func @_enc_body(%arg0: i32, %arg1: memref<1000x128xf32, #tpu.memory_space<vmem>>, %arg2: memref<128x128xf32, #tpu.memory_space<vmem>>, %arg3: memref<1x128xf32, #tpu.memory_space<vmem>>, %arg4: memref<128x128xf32, #tpu.memory_space<vmem>>, %arg5: memref<1x128xf32, #tpu.memory_space<vmem>>, %arg6: memref<128x128xf32, #tpu.memory_space<vmem>>, %arg7: memref<128x128xf32, #tpu.memory_space<vmem>>, %arg8: memref<1000x128xf32, #tpu.memory_space<vmem>>, %arg9: memref<1000x128xf32, #tpu.memory_space<vmem>>, %arg10: memref<1000x128xf32, #tpu.memory_space<vmem>>) attributes {dimension_semantics = [#tpu.dimension_semantics<arbitrary>], iteration_bounds = array<i64: 10>, scalar_prefetch = 0 : i64, scratch_operands = 0 : i64, tpu.core_type = #tpu.core_type<tc>, window_params = [{transform_indices = @transform_0, window_bounds = array<i64: 1000, 128>}, {pipeline_mode = #tpu.pipeline_mode<synchronous>, transform_indices = @transform_1, window_bounds = array<i64: 128, 128>}, {pipeline_mode = #tpu.pipeline_mode<synchronous>, transform_indices = @transform_2, window_bounds = array<i64: 1, 128>}, {pipeline_mode = #tpu.pipeline_mode<synchronous>, transform_indices = @transform_3, window_bounds = array<i64: 128, 128>}, {pipeline_mode = #tpu.pipeline_mode<synchronous>, transform_indices = @transform_4, window_bounds = array<i64: 1, 128>}, {pipeline_mode = #tpu.pipeline_mode<synchronous>, transform_indices = @transform_5, window_bounds = array<i64: 128, 128>}, {pipeline_mode = #tpu.pipeline_mode<synchronous>, transform_indices = @transform_6, window_bounds = array<i64: 128, 128>}, {transform_indices = @transform_7, window_bounds = array<i64: 1000, 128>}, {transform_indices = @transform_8, window_bounds = array<i64: 1000, 128>}, {transform_indices = @transform_9, window_bounds = array<i64: 1000, 128>}]} {
    %get3A = arith.constant 0 : index
    %get3A_0 = arith.constant 0 : index
    %get3A_1 = vector.load %arg1[%get3A, %get3A_0] : memref<1000x128xf32, #tpu.memory_space<vmem>>, vector<1000x128xf32>
    %get3A_2 = arith.constant 0 : index
    %get3A_3 = arith.constant 0 : index
    %get3A_4 = vector.load %arg2[%get3A_2, %get3A_3] : memref<128x128xf32, #tpu.memory_space<vmem>>, vector<128x128xf32>
    %dot_general3A = arith.constant dense<0.000000e+00> : vector<1000x128xf32>
    %dot_general3A_5 = tpu.matmul %get3A_1, %get3A_4, %dot_general3A {dimension_numbers = #tpu.dot_dimension_numbers<[1], [0], [0], [1], [0, 0, 1, 1], [], []>, transpose_lhs_hint = false} : vector<1000x128xf32>, vector<128x128xf32>, vector<1000x128xf32> -> vector<1000x128xf32>
    %get3A_6 = arith.constant 0 : index
    %get3A_7 = arith.constant 0 : index
    %get3A_8 = vector.load %arg3[%get3A_6, %get3A_7] : memref<1x128xf32, #tpu.memory_space<vmem>>, vector<1x128xf32>
    %add3A = vector.broadcast %get3A_8 : vector<1x128xf32> to vector<1000x128xf32>
    %add3A_9 = arith.addf %dot_general3A_5, %add3A : vector<1000x128xf32>
    %max3A = arith.constant 0.000000e+00 : f32
    %max3A_10 = vector.broadcast %max3A : f32 to vector<1000x128xf32>
    %max3A_11 = arith.maximumf %add3A_9, %max3A_10 : vector<1000x128xf32>
    %get3A_12 = arith.constant 0 : index
    %get3A_13 = arith.constant 0 : index
    %get3A_14 = vector.load %arg4[%get3A_12, %get3A_13] : memref<128x128xf32, #tpu.memory_space<vmem>>, vector<128x128xf32>
    %dot_general3A_15 = arith.constant dense<0.000000e+00> : vector<1000x128xf32>
    %dot_general3A_16 = tpu.matmul %max3A_11, %get3A_14, %dot_general3A_15 {dimension_numbers = #tpu.dot_dimension_numbers<[1], [0], [0], [1], [0, 0, 1, 1], [], []>, transpose_lhs_hint = false} : vector<1000x128xf32>, vector<128x128xf32>, vector<1000x128xf32> -> vector<1000x128xf32>
    %get3A_17 = arith.constant 0 : index
    %get3A_18 = arith.constant 0 : index
    %get3A_19 = vector.load %arg5[%get3A_17, %get3A_18] : memref<1x128xf32, #tpu.memory_space<vmem>>, vector<1x128xf32>
    %add3A_20 = vector.broadcast %get3A_19 : vector<1x128xf32> to vector<1000x128xf32>
    %add3A_21 = arith.addf %dot_general3A_16, %add3A_20 : vector<1000x128xf32>
    %swap3A = arith.constant 0 : index
    %swap3A_22 = arith.constant 0 : index
    %swap3A_23 = vector.load %arg8[%swap3A, %swap3A_22] : memref<1000x128xf32, #tpu.memory_space<vmem>>, vector<1000x128xf32>
    tpu.vector_store %arg8[%swap3A, %swap3A_22], %add3A_21 {strides = array<i32>} : memref<1000x128xf32, #tpu.memory_space<vmem>>, vector<1000x128xf32>,
    %get3A_24 = arith.constant 0 : index
    %get3A_25 = arith.constant 0 : index
    %get3A_26 = vector.load %arg6[%get3A_24, %get3A_25] : memref<128x128xf32, #tpu.memory_space<vmem>>, vector<128x128xf32>
    %dot_general3A_27 = arith.constant dense<0.000000e+00> : vector<1000x128xf32>
    %dot_general3A_28 = tpu.matmul %add3A_21, %get3A_26, %dot_general3A_27 {dimension_numbers = #tpu.dot_dimension_numbers<[1], [0], [0], [1], [0, 0, 1, 1], [], []>, transpose_lhs_hint = false} : vector<1000x128xf32>, vector<128x128xf32>, vector<1000x128xf32> -> vector<1000x128xf32>
    %swap3A_29 = arith.constant 0 : index
    %swap3A_30 = arith.constant 0 : index
    %swap3A_31 = vector.load %arg9[%swap3A_29, %swap3A_30] : memref<1000x128xf32, #tpu.memory_space<vmem>>, vector<1000x128xf32>
    tpu.vector_store %arg9[%swap3A_29, %swap3A_30], %dot_general3A_28 {strides = array<i32>} : memref<1000x128xf32, #tpu.memory_space<vmem>>, vector<1000x128xf32>,
    %get3A_32 = arith.constant 0 : index
    %get3A_33 = arith.constant 0 : index
    %get3A_34 = vector.load %arg7[%get3A_32, %get3A_33] : memref<128x128xf32, #tpu.memory_space<vmem>>, vector<128x128xf32>
    %dot_general3A_35 = arith.constant dense<0.000000e+00> : vector<1000x128xf32>
    %dot_general3A_36 = tpu.matmul %add3A_21, %get3A_34, %dot_general3A_35 {dimension_numbers = #tpu.dot_dimension_numbers<[1], [0], [0], [1], [0, 0, 1, 1], [], []>, transpose_lhs_hint = false} : vector<1000x128xf32>, vector<128x128xf32>, vector<1000x128xf32> -> vector<1000x128xf32>
    %swap3A_37 = arith.constant 0 : index
    %swap3A_38 = arith.constant 0 : index
    %swap3A_39 = vector.load %arg10[%swap3A_37, %swap3A_38] : memref<1000x128xf32, #tpu.memory_space<vmem>>, vector<1000x128xf32>
    tpu.vector_store %arg10[%swap3A_37, %swap3A_38], %dot_general3A_36 {strides = array<i32>} : memref<1000x128xf32, #tpu.memory_space<vmem>>, vector<1000x128xf32>,
    return
  }
  func.func @transform_0(%arg0: i32) -> (i32, i32) {
    %c0_i32 = arith.constant 0 : i32
    %c0_i32_0 = arith.constant 0 : i32
    return %arg0, %c0_i32 : i32, i32
  }
  func.func @transform_1(%arg0: i32) -> (i32, i32) {
    %c0_i32 = arith.constant 0 : i32
    %c0_i32_0 = arith.constant 0 : i32
    %c0_i32_1 = arith.constant 0 : i32
    return %c0_i32, %c0_i32_0 : i32, i32
  }
  func.func @transform_2(%arg0: i32) -> (i32, i32) {
    %c0_i32 = arith.constant 0 : i32
    %c0_i32_0 = arith.constant 0 : i32
    %c0_i32_1 = arith.constant 0 : i32
    return %c0_i32, %c0_i32_0 : i32, i32
  }
  func.func @transform_3(%arg0: i32) -> (i32, i32) {
    %c0_i32 = arith.constant 0 : i32
    %c0_i32_0 = arith.constant 0 : i32
    %c0_i32_1 = arith.constant 0 : i32
    return %c0_i32, %c0_i32_0 : i32, i32
  }
  func.func @transform_4(%arg0: i32) -> (i32, i32) {
    %c0_i32 = arith.constant 0 : i32
    %c0_i32_0 = arith.constant 0 : i32
    %c0_i32_1 = arith.constant 0 : i32
    return %c0_i32, %c0_i32_0 : i32, i32
  }
  func.func @transform_5(%arg0: i32) -> (i32, i32) {
    %c0_i32 = arith.constant 0 : i32
    %c0_i32_0 = arith.constant 0 : i32
    %c0_i32_1 = arith.constant 0 : i32
    return %c0_i32, %c0_i32_0 : i32, i32
  }
  func.func @transform_6(%arg0: i32) -> (i32, i32) {
    %c0_i32 = arith.constant 0 : i32
    %c0_i32_0 = arith.constant 0 : i32
    %c0_i32_1 = arith.constant 0 : i32
    return %c0_i32, %c0_i32_0 : i32, i32
  }
  func.func @transform_7(%arg0: i32) -> (i32, i32) {
    %c0_i32 = arith.constant 0 : i32
    %c0_i32_0 = arith.constant 0 : i32
    return %arg0, %c0_i32 : i32, i32
  }
  func.func @transform_8(%arg0: i32) -> (i32, i32) {
    %c0_i32 = arith.constant 0 : i32
    %c0_i32_0 = arith.constant 0 : i32
    return %arg0, %c0_i32 : i32, i32
  }
  func.func @transform_9(%arg0: i32) -> (i32, i32) {
    %c0_i32 = arith.constant 0 : i32
    %c0_i32_0 = arith.constant 0 : i32
    return %arg0, %c0_i32 : i32, i32
  }
}

module attributes {stable_mosaic.version = 14 : i64} {
  func.func @_edge_body(%arg0: i32, %arg1: memref<4000x128xf32, #tpu.memory_space<vmem>>, %arg2: memref<4000x128xf32, #tpu.memory_space<vmem>>, %arg3: memref<4000x4xf32, #tpu.memory_space<vmem>>, %arg4: memref<4x128xf32, #tpu.memory_space<vmem>>, %arg5: memref<1x128xf32, #tpu.memory_space<vmem>>, %arg6: memref<128x128xf32, #tpu.memory_space<vmem>>, %arg7: memref<1x128xf32, #tpu.memory_space<vmem>>, %arg8: memref<4000x128xf32, #tpu.memory_space<vmem>>) attributes {dimension_semantics = [#tpu.dimension_semantics<arbitrary>], iteration_bounds = array<i64: 80>, scalar_prefetch = 0 : i64, scratch_operands = 0 : i64, tpu.core_type = #tpu.core_type<tc>, window_params = [{transform_indices = @transform_0, window_bounds = array<i64: 4000, 128>}, {transform_indices = @transform_1, window_bounds = array<i64: 4000, 128>}, {transform_indices = @transform_2, window_bounds = array<i64: 4000, 4>}, {pipeline_mode = #tpu.pipeline_mode<synchronous>, transform_indices = @transform_3, window_bounds = array<i64: 4, 128>}, {pipeline_mode = #tpu.pipeline_mode<synchronous>, transform_indices = @transform_4, window_bounds = array<i64: 1, 128>}, {pipeline_mode = #tpu.pipeline_mode<synchronous>, transform_indices = @transform_5, window_bounds = array<i64: 128, 128>}, {pipeline_mode = #tpu.pipeline_mode<synchronous>, transform_indices = @transform_6, window_bounds = array<i64: 1, 128>}, {transform_indices = @transform_7, window_bounds = array<i64: 4000, 128>}]} {
    %get3A = arith.constant 0 : index
    %get3A_0 = arith.constant 0 : index
    %get3A_1 = vector.load %arg1[%get3A, %get3A_0] : memref<4000x128xf32, #tpu.memory_space<vmem>>, vector<4000x128xf32>
    %get3A_2 = arith.constant 0 : index
    %get3A_3 = arith.constant 0 : index
    %get3A_4 = vector.load %arg2[%get3A_2, %get3A_3] : memref<4000x128xf32, #tpu.memory_space<vmem>>, vector<4000x128xf32>
    %add3A = arith.addf %get3A_1, %get3A_4 : vector<4000x128xf32>
    %get3A_5 = arith.constant 0 : index
    %get3A_6 = arith.constant 0 : index
    %get3A_7 = vector.load %arg3[%get3A_5, %get3A_6] : memref<4000x4xf32, #tpu.memory_space<vmem>>, vector<4000x4xf32>
    %get3A_8 = arith.constant 0 : index
    %get3A_9 = arith.constant 0 : index
    %get3A_10 = vector.load %arg4[%get3A_8, %get3A_9] : memref<4x128xf32, #tpu.memory_space<vmem>>, vector<4x128xf32>
    %dot_general3A = arith.constant dense<0.000000e+00> : vector<4000x128xf32>
    %dot_general3A_11 = tpu.matmul %get3A_7, %get3A_10, %dot_general3A {dimension_numbers = #tpu.dot_dimension_numbers<[1], [0], [0], [1], [0, 0, 1, 1], [], []>, transpose_lhs_hint = false} : vector<4000x4xf32>, vector<4x128xf32>, vector<4000x128xf32> -> vector<4000x128xf32>
    %add3A_12 = arith.addf %add3A, %dot_general3A_11 : vector<4000x128xf32>
    %get3A_13 = arith.constant 0 : index
    %get3A_14 = arith.constant 0 : index
    %get3A_15 = vector.load %arg5[%get3A_13, %get3A_14] : memref<1x128xf32, #tpu.memory_space<vmem>>, vector<1x128xf32>
    %add3A_16 = vector.broadcast %get3A_15 : vector<1x128xf32> to vector<4000x128xf32>
    %add3A_17 = arith.addf %add3A_12, %add3A_16 : vector<4000x128xf32>
    %max3A = arith.constant 0.000000e+00 : f32
    %max3A_18 = vector.broadcast %max3A : f32 to vector<4000x128xf32>
    %max3A_19 = arith.maximumf %add3A_17, %max3A_18 : vector<4000x128xf32>
    %get3A_20 = arith.constant 0 : index
    %get3A_21 = arith.constant 0 : index
    %get3A_22 = vector.load %arg6[%get3A_20, %get3A_21] : memref<128x128xf32, #tpu.memory_space<vmem>>, vector<128x128xf32>
    %dot_general3A_23 = arith.constant dense<0.000000e+00> : vector<4000x128xf32>
    %dot_general3A_24 = tpu.matmul %max3A_19, %get3A_22, %dot_general3A_23 {dimension_numbers = #tpu.dot_dimension_numbers<[1], [0], [0], [1], [0, 0, 1, 1], [], []>, transpose_lhs_hint = false} : vector<4000x128xf32>, vector<128x128xf32>, vector<4000x128xf32> -> vector<4000x128xf32>
    %get3A_25 = arith.constant 0 : index
    %get3A_26 = arith.constant 0 : index
    %get3A_27 = vector.load %arg7[%get3A_25, %get3A_26] : memref<1x128xf32, #tpu.memory_space<vmem>>, vector<1x128xf32>
    %add3A_28 = vector.broadcast %get3A_27 : vector<1x128xf32> to vector<4000x128xf32>
    %add3A_29 = arith.addf %dot_general3A_24, %add3A_28 : vector<4000x128xf32>
    %max3A_30 = arith.constant 0.000000e+00 : f32
    %max3A_31 = vector.broadcast %max3A_30 : f32 to vector<4000x128xf32>
    %max3A_32 = arith.maximumf %add3A_29, %max3A_31 : vector<4000x128xf32>
    %swap3A = arith.constant 0 : index
    %swap3A_33 = arith.constant 0 : index
    %swap3A_34 = vector.load %arg8[%swap3A, %swap3A_33] : memref<4000x128xf32, #tpu.memory_space<vmem>>, vector<4000x128xf32>
    tpu.vector_store %arg8[%swap3A, %swap3A_33], %max3A_32 {strides = array<i32>} : memref<4000x128xf32, #tpu.memory_space<vmem>>, vector<4000x128xf32>,
    return
  }
  func.func @transform_0(%arg0: i32) -> (i32, i32) {
    %c0_i32 = arith.constant 0 : i32
    %c0_i32_0 = arith.constant 0 : i32
    return %arg0, %c0_i32 : i32, i32
  }
  func.func @transform_1(%arg0: i32) -> (i32, i32) {
    %c0_i32 = arith.constant 0 : i32
    %c0_i32_0 = arith.constant 0 : i32
    return %arg0, %c0_i32 : i32, i32
  }
  func.func @transform_2(%arg0: i32) -> (i32, i32) {
    %c0_i32 = arith.constant 0 : i32
    %c0_i32_0 = arith.constant 0 : i32
    return %arg0, %c0_i32 : i32, i32
  }
  func.func @transform_3(%arg0: i32) -> (i32, i32) {
    %c0_i32 = arith.constant 0 : i32
    %c0_i32_0 = arith.constant 0 : i32
    %c0_i32_1 = arith.constant 0 : i32
    return %c0_i32, %c0_i32_0 : i32, i32
  }
  func.func @transform_4(%arg0: i32) -> (i32, i32) {
    %c0_i32 = arith.constant 0 : i32
    %c0_i32_0 = arith.constant 0 : i32
    %c0_i32_1 = arith.constant 0 : i32
    return %c0_i32, %c0_i32_0 : i32, i32
  }
  func.func @transform_5(%arg0: i32) -> (i32, i32) {
    %c0_i32 = arith.constant 0 : i32
    %c0_i32_0 = arith.constant 0 : i32
    %c0_i32_1 = arith.constant 0 : i32
    return %c0_i32, %c0_i32_0 : i32, i32
  }
  func.func @transform_6(%arg0: i32) -> (i32, i32) {
    %c0_i32 = arith.constant 0 : i32
    %c0_i32_0 = arith.constant 0 : i32
    %c0_i32_1 = arith.constant 0 : i32
    return %c0_i32, %c0_i32_0 : i32, i32
  }
  func.func @transform_7(%arg0: i32) -> (i32, i32) {
    %c0_i32 = arith.constant 0 : i32
    %c0_i32_0 = arith.constant 0 : i32
    return %arg0, %c0_i32 : i32, i32
  }
}

module attributes {stable_mosaic.version = 14 : i64} {
  func.func @_node_body(%arg0: i32, %arg1: memref<1000x128xf32, #tpu.memory_space<vmem>>, %arg2: memref<1000x128xf32, #tpu.memory_space<vmem>>, %arg3: memref<1000x128xf32, #tpu.memory_space<vmem>>, %arg4: memref<128x128xf32, #tpu.memory_space<vmem>>, %arg5: memref<1x128xf32, #tpu.memory_space<vmem>>, %arg6: memref<128x128xf32, #tpu.memory_space<vmem>>, %arg7: memref<128x128xf32, #tpu.memory_space<vmem>>, %arg8: memref<1x128xf32, #tpu.memory_space<vmem>>, %arg9: memref<128x128xf32, #tpu.memory_space<vmem>>, %arg10: memref<1x128xf32, #tpu.memory_space<vmem>>, %arg11: memref<128x128xf32, #tpu.memory_space<vmem>>, %arg12: memref<1x128xf32, #tpu.memory_space<vmem>>, %arg13: memref<128x128xf32, #tpu.memory_space<vmem>>, %arg14: memref<1x128xf32, #tpu.memory_space<vmem>>, %arg15: memref<1000x128xf32, #tpu.memory_space<vmem>>) attributes {dimension_semantics = [#tpu.dimension_semantics<arbitrary>], iteration_bounds = array<i64: 10>, scalar_prefetch = 0 : i64, scratch_operands = 0 : i64, tpu.core_type = #tpu.core_type<tc>, window_params = [{transform_indices = @transform_0, window_bounds = array<i64: 1000, 128>}, {transform_indices = @transform_1, window_bounds = array<i64: 1000, 128>}, {transform_indices = @transform_2, window_bounds = array<i64: 1000, 128>}, {pipeline_mode = #tpu.pipeline_mode<synchronous>, transform_indices = @transform_3, window_bounds = array<i64: 128, 128>}, {pipeline_mode = #tpu.pipeline_mode<synchronous>, transform_indices = @transform_4, window_bounds = array<i64: 1, 128>}, {pipeline_mode = #tpu.pipeline_mode<synchronous>, transform_indices = @transform_5, window_bounds = array<i64: 128, 128>}, {pipeline_mode = #tpu.pipeline_mode<synchronous>, transform_indices = @transform_6, window_bounds = array<i64: 128, 128>}, {pipeline_mode = #tpu.pipeline_mode<synchronous>, transform_indices = @transform_7, window_bounds = array<i64: 1, 128>}, {pipeline_mode = #tpu.pipeline_mode<synchronous>, transform_indices = @transform_8, window_bounds = array<i64: 128, 128>}, {pipeline_mode = #tpu.pipeline_mode<synchronous>, transform_indices = @transform_9, window_bounds = array<i64: 1, 128>}, {pipeline_mode = #tpu.pipeline_mode<synchronous>, transform_indices = @transform_10, window_bounds = array<i64: 128, 128>}, {pipeline_mode = #tpu.pipeline_mode<synchronous>, transform_indices = @transform_11, window_bounds = array<i64: 1, 128>}, {pipeline_mode = #tpu.pipeline_mode<synchronous>, transform_indices = @transform_12, window_bounds = array<i64: 128, 128>}, {pipeline_mode = #tpu.pipeline_mode<synchronous>, transform_indices = @transform_13, window_bounds = array<i64: 1, 128>}, {transform_indices = @transform_14, window_bounds = array<i64: 1000, 128>}]} {
    %get3A = arith.constant 0 : index
    %get3A_0 = arith.constant 0 : index
    %get3A_1 = vector.load %arg2[%get3A, %get3A_0] : memref<1000x128xf32, #tpu.memory_space<vmem>>, vector<1000x128xf32>
    %get3A_2 = arith.constant 0 : index
    %get3A_3 = arith.constant 0 : index
    %get3A_4 = vector.load %arg3[%get3A_2, %get3A_3] : memref<1000x128xf32, #tpu.memory_space<vmem>>, vector<1000x128xf32>
    %slice3A = vector.extract_strided_slice %get3A_4 {offsets = [0, 0], sizes = [1000, 1], strides = [1, 1]} : vector<1000x128xf32> to vector<1000x1xf32>
    %max3A = arith.constant 1.000000e+00 : f32
    %max3A_5 = vector.broadcast %max3A : f32 to vector<1000x1xf32>
    %max3A_6 = arith.maximumf %slice3A, %max3A_5 : vector<1000x1xf32>
    %div3A = vector.broadcast %max3A_6 : vector<1000x1xf32> to vector<1000x128xf32>
    %div3A_7 = arith.divf %get3A_1, %div3A : vector<1000x128xf32>
    %get3A_8 = arith.constant 0 : index
    %get3A_9 = arith.constant 0 : index
    %get3A_10 = vector.load %arg4[%get3A_8, %get3A_9] : memref<128x128xf32, #tpu.memory_space<vmem>>, vector<128x128xf32>
    %dot_general3A = arith.constant dense<0.000000e+00> : vector<1000x128xf32>
    %dot_general3A_11 = tpu.matmul %div3A_7, %get3A_10, %dot_general3A {dimension_numbers = #tpu.dot_dimension_numbers<[1], [0], [0], [1], [0, 0, 1, 1], [], []>, transpose_lhs_hint = false} : vector<1000x128xf32>, vector<128x128xf32>, vector<1000x128xf32> -> vector<1000x128xf32>
    %get3A_12 = arith.constant 0 : index
    %get3A_13 = arith.constant 0 : index
    %get3A_14 = vector.load %arg5[%get3A_12, %get3A_13] : memref<1x128xf32, #tpu.memory_space<vmem>>, vector<1x128xf32>
    %gt3A = arith.constant 0.000000e+00 : f32
    %gt3A_15 = vector.broadcast %gt3A : f32 to vector<1000x1xf32>
    %gt3A_16 = arith.cmpf ogt, %slice3A, %gt3A_15 : vector<1000x1xf32>
    %convert_element_type3A = arith.extui %gt3A_16 : vector<1000x1xi1> to vector<1000x1xi32>
    %convert_element_type3A_17 = arith.sitofp %convert_element_type3A : vector<1000x1xi32> to vector<1000x1xf32>
    %mul3A = vector.broadcast %get3A_14 : vector<1x128xf32> to vector<1000x128xf32>
    %mul3A_18 = vector.broadcast %convert_element_type3A_17 : vector<1000x1xf32> to vector<1000x128xf32>
    %mul3A_19 = arith.mulf %mul3A, %mul3A_18 : vector<1000x128xf32>
    %add3A = arith.addf %dot_general3A_11, %mul3A_19 : vector<1000x128xf32>
    %get3A_20 = arith.constant 0 : index
    %get3A_21 = arith.constant 0 : index
    %get3A_22 = vector.load %arg1[%get3A_20, %get3A_21] : memref<1000x128xf32, #tpu.memory_space<vmem>>, vector<1000x128xf32>
    %get3A_23 = arith.constant 0 : index
    %get3A_24 = arith.constant 0 : index
    %get3A_25 = vector.load %arg6[%get3A_23, %get3A_24] : memref<128x128xf32, #tpu.memory_space<vmem>>, vector<128x128xf32>
    %dot_general3A_26 = arith.constant dense<0.000000e+00> : vector<1000x128xf32>
    %dot_general3A_27 = tpu.matmul %get3A_22, %get3A_25, %dot_general3A_26 {dimension_numbers = #tpu.dot_dimension_numbers<[1], [0], [0], [1], [0, 0, 1, 1], [], []>, transpose_lhs_hint = false} : vector<1000x128xf32>, vector<128x128xf32>, vector<1000x128xf32> -> vector<1000x128xf32>
    %get3A_28 = arith.constant 0 : index
    %get3A_29 = arith.constant 0 : index
    %get3A_30 = vector.load %arg7[%get3A_28, %get3A_29] : memref<128x128xf32, #tpu.memory_space<vmem>>, vector<128x128xf32>
    %dot_general3A_31 = arith.constant dense<0.000000e+00> : vector<1000x128xf32>
    %dot_general3A_32 = tpu.matmul %add3A, %get3A_30, %dot_general3A_31 {dimension_numbers = #tpu.dot_dimension_numbers<[1], [0], [0], [1], [0, 0, 1, 1], [], []>, transpose_lhs_hint = false} : vector<1000x128xf32>, vector<128x128xf32>, vector<1000x128xf32> -> vector<1000x128xf32>
    %add3A_33 = arith.addf %dot_general3A_27, %dot_general3A_32 : vector<1000x128xf32>
    %get3A_34 = arith.constant 0 : index
    %get3A_35 = arith.constant 0 : index
    %get3A_36 = vector.load %arg8[%get3A_34, %get3A_35] : memref<1x128xf32, #tpu.memory_space<vmem>>, vector<1x128xf32>
    %add3A_37 = vector.broadcast %get3A_36 : vector<1x128xf32> to vector<1000x128xf32>
    %add3A_38 = arith.addf %add3A_33, %add3A_37 : vector<1000x128xf32>
    %max3A_39 = arith.constant 0.000000e+00 : f32
    %max3A_40 = vector.broadcast %max3A_39 : f32 to vector<1000x128xf32>
    %max3A_41 = arith.maximumf %add3A_38, %max3A_40 : vector<1000x128xf32>
    %get3A_42 = arith.constant 0 : index
    %get3A_43 = arith.constant 0 : index
    %get3A_44 = vector.load %arg9[%get3A_42, %get3A_43] : memref<128x128xf32, #tpu.memory_space<vmem>>, vector<128x128xf32>
    %dot_general3A_45 = arith.constant dense<0.000000e+00> : vector<1000x128xf32>
    %dot_general3A_46 = tpu.matmul %max3A_41, %get3A_44, %dot_general3A_45 {dimension_numbers = #tpu.dot_dimension_numbers<[1], [0], [0], [1], [0, 0, 1, 1], [], []>, transpose_lhs_hint = false} : vector<1000x128xf32>, vector<128x128xf32>, vector<1000x128xf32> -> vector<1000x128xf32>
    %get3A_47 = arith.constant 0 : index
    %get3A_48 = arith.constant 0 : index
    %get3A_49 = vector.load %arg10[%get3A_47, %get3A_48] : memref<1x128xf32, #tpu.memory_space<vmem>>, vector<1x128xf32>
    %add3A_50 = vector.broadcast %get3A_49 : vector<1x128xf32> to vector<1000x128xf32>
    %add3A_51 = arith.addf %dot_general3A_46, %add3A_50 : vector<1000x128xf32>
    %get3A_52 = arith.constant 0 : index
    %get3A_53 = arith.constant 0 : index
    %get3A_54 = vector.load %arg11[%get3A_52, %get3A_53] : memref<128x128xf32, #tpu.memory_space<vmem>>, vector<128x128xf32>
    %dot_general3A_55 = arith.constant dense<0.000000e+00> : vector<1000x128xf32>
    %dot_general3A_56 = tpu.matmul %add3A_51, %get3A_54, %dot_general3A_55 {dimension_numbers = #tpu.dot_dimension_numbers<[1], [0], [0], [1], [0, 0, 1, 1], [], []>, transpose_lhs_hint = false} : vector<1000x128xf32>, vector<128x128xf32>, vector<1000x128xf32> -> vector<1000x128xf32>
    %get3A_57 = arith.constant 0 : index
    %get3A_58 = arith.constant 0 : index
    %get3A_59 = vector.load %arg12[%get3A_57, %get3A_58] : memref<1x128xf32, #tpu.memory_space<vmem>>, vector<1x128xf32>
    %add3A_60 = vector.broadcast %get3A_59 : vector<1x128xf32> to vector<1000x128xf32>
    %add3A_61 = arith.addf %dot_general3A_56, %add3A_60 : vector<1000x128xf32>
    %max3A_62 = arith.constant 0.000000e+00 : f32
    %max3A_63 = vector.broadcast %max3A_62 : f32 to vector<1000x128xf32>
    %max3A_64 = arith.maximumf %add3A_61, %max3A_63 : vector<1000x128xf32>
    %get3A_65 = arith.constant 0 : index
    %get3A_66 = arith.constant 0 : index
    %get3A_67 = vector.load %arg13[%get3A_65, %get3A_66] : memref<128x128xf32, #tpu.memory_space<vmem>>, vector<128x128xf32>
    %dot_general3A_68 = arith.constant dense<0.000000e+00> : vector<1000x128xf32>
    %dot_general3A_69 = tpu.matmul %max3A_64, %get3A_67, %dot_general3A_68 {dimension_numbers = #tpu.dot_dimension_numbers<[1], [0], [0], [1], [0, 0, 1, 1], [], []>, transpose_lhs_hint = false} : vector<1000x128xf32>, vector<128x128xf32>, vector<1000x128xf32> -> vector<1000x128xf32>
    %get3A_70 = arith.constant 0 : index
    %get3A_71 = arith.constant 0 : index
    %get3A_72 = vector.load %arg14[%get3A_70, %get3A_71] : memref<1x128xf32, #tpu.memory_space<vmem>>, vector<1x128xf32>
    %add3A_73 = vector.broadcast %get3A_72 : vector<1x128xf32> to vector<1000x128xf32>
    %add3A_74 = arith.addf %dot_general3A_69, %add3A_73 : vector<1000x128xf32>
    %swap3A = arith.constant 0 : index
    %swap3A_75 = arith.constant 0 : index
    %swap3A_76 = vector.load %arg15[%swap3A, %swap3A_75] : memref<1000x128xf32, #tpu.memory_space<vmem>>, vector<1000x128xf32>
    tpu.vector_store %arg15[%swap3A, %swap3A_75], %add3A_74 {strides = array<i32>} : memref<1000x128xf32, #tpu.memory_space<vmem>>, vector<1000x128xf32>,
    return
  }
  func.func @transform_0(%arg0: i32) -> (i32, i32) {
    %c0_i32 = arith.constant 0 : i32
    %c0_i32_0 = arith.constant 0 : i32
    return %arg0, %c0_i32 : i32, i32
  }
  func.func @transform_1(%arg0: i32) -> (i32, i32) {
    %c0_i32 = arith.constant 0 : i32
    %c0_i32_0 = arith.constant 0 : i32
    return %arg0, %c0_i32 : i32, i32
  }
  func.func @transform_2(%arg0: i32) -> (i32, i32) {
    %c0_i32 = arith.constant 0 : i32
    %c0_i32_0 = arith.constant 0 : i32
    return %arg0, %c0_i32 : i32, i32
  }
  func.func @transform_3(%arg0: i32) -> (i32, i32) {
    %c0_i32 = arith.constant 0 : i32
    %c0_i32_0 = arith.constant 0 : i32
    %c0_i32_1 = arith.constant 0 : i32
    return %c0_i32, %c0_i32_0 : i32, i32
  }
  func.func @transform_4(%arg0: i32) -> (i32, i32) {
    %c0_i32 = arith.constant 0 : i32
    %c0_i32_0 = arith.constant 0 : i32
    %c0_i32_1 = arith.constant 0 : i32
    return %c0_i32, %c0_i32_0 : i32, i32
  }
  func.func @transform_5(%arg0: i32) -> (i32, i32) {
    %c0_i32 = arith.constant 0 : i32
    %c0_i32_0 = arith.constant 0 : i32
    %c0_i32_1 = arith.constant 0 : i32
    return %c0_i32, %c0_i32_0 : i32, i32
  }
  func.func @transform_6(%arg0: i32) -> (i32, i32) {
    %c0_i32 = arith.constant 0 : i32
    %c0_i32_0 = arith.constant 0 : i32
    %c0_i32_1 = arith.constant 0 : i32
    return %c0_i32, %c0_i32_0 : i32, i32
  }
  func.func @transform_7(%arg0: i32) -> (i32, i32) {
    %c0_i32 = arith.constant 0 : i32
    %c0_i32_0 = arith.constant 0 : i32
    %c0_i32_1 = arith.constant 0 : i32
    return %c0_i32, %c0_i32_0 : i32, i32
  }
  func.func @transform_8(%arg0: i32) -> (i32, i32) {
    %c0_i32 = arith.constant 0 : i32
    %c0_i32_0 = arith.constant 0 : i32
    %c0_i32_1 = arith.constant 0 : i32
    return %c0_i32, %c0_i32_0 : i32, i32
  }
  func.func @transform_9(%arg0: i32) -> (i32, i32) {
    %c0_i32 = arith.constant 0 : i32
    %c0_i32_0 = arith.constant 0 : i32
    %c0_i32_1 = arith.constant 0 : i32
    return %c0_i32, %c0_i32_0 : i32, i32
  }
  func.func @transform_10(%arg0: i32) -> (i32, i32) {
    %c0_i32 = arith.constant 0 : i32
    %c0_i32_0 = arith.constant 0 : i32
    %c0_i32_1 = arith.constant 0 : i32
    return %c0_i32, %c0_i32_0 : i32, i32
  }
  func.func @transform_11(%arg0: i32) -> (i32, i32) {
    %c0_i32 = arith.constant 0 : i32
    %c0_i32_0 = arith.constant 0 : i32
    %c0_i32_1 = arith.constant 0 : i32
    return %c0_i32, %c0_i32_0 : i32, i32
  }
  func.func @transform_12(%arg0: i32) -> (i32, i32) {
    %c0_i32 = arith.constant 0 : i32
    %c0_i32_0 = arith.constant 0 : i32
    %c0_i32_1 = arith.constant 0 : i32
    return %c0_i32, %c0_i32_0 : i32, i32
  }
  func.func @transform_13(%arg0: i32) -> (i32, i32) {
    %c0_i32 = arith.constant 0 : i32
    %c0_i32_0 = arith.constant 0 : i32
    %c0_i32_1 = arith.constant 0 : i32
    return %c0_i32, %c0_i32_0 : i32, i32
  }
  func.func @transform_14(%arg0: i32) -> (i32, i32) {
    %c0_i32 = arith.constant 0 : i32
    %c0_i32_0 = arith.constant 0 : i32
    return %arg0, %c0_i32 : i32, i32
  }
}

</mosaic_0001>

<sc_bundles>
// kernel: kernel.10.cloned.1.call-start
scs
__scs_entry_jumppad:
0x0: {  	(pc) =	sbr.rel $0x88, $3  }
0x1: {  	(tag) =	ssettag $0x0;
	lr =	simm.s32 $0x1  }
0x2: {  	[smem:$0x3F8C] =	sst lr;
	_ =	strace $0xD0000000  }
0x3: {  	_ = 	snop  }
0x4: {  	_ = 	snop  }
0x5: {  	_ = 	snop  }
0x6: {  	_ = 	snop  }
0x7: {  	_ = 	snop  }
__scs_overlays_trampoline_lowered:
0x8: {  	[smem:$0x3F9B] =	sst s0  }
0x9: {  	[smem:$0x3F9C] =	sst s1  }
0xa: {  	[smem:$0x3F9D] =	sst s2  }
0xb: {  	[smem:$0x3F9E] =	sst s3  }
0xc: {  	[smem:$0x3F9F] =	sst s4  }
0xd: {  	[smem:$0x3FA0] =	sst s5  }
0xe: {  	[smem:$0x3FA1] =	sst s6  }
0xf: {  	[smem:$0x3FA2] =	sst s7  }
0x10: {  	[smem:$0x3FA3] =	sst s8  }
0x11: {  	[smem:$0x3FA4] =	sst s9;
	s0 =	simm.s32 @!p0 $0x0  }
0x12: {  	s1 =	sld [smem:$0x3F8A];
	s0 =	simm.s32 @p0 $0x1  }
0x13: {  	[smem:$0x3FA5] =	sst s0;
	s0 =	simm.s32 @!p1 $0x0  }
0x14: {  	s2 =	sld [smem:$0x3F89];
	s0 =	simm.s32 @p1 $0x1  }
0x15: {  	[smem:$0x3FA6] =	sst s0;
	s0 =	simm.s32 @!p2 $0x0  }
0x16: {  	s3 =	sld [smem:$0x3FDB];
	s0 =	simm.s32 @p2 $0x1  }
0x17: {  	s4 =	simm.s32 $0x1BF5;
	[smem:$0x3FA8] =	sst s0  }
0x18: {  	s0 =	sld [smem:$0x3F8B];
	_ =	swait.ge [sflag:s4], $0x0  }
0x19: {  	s7 =	sld [smem:$0x3F8C]  }
0x1a: {  	s8 =	sadd.s32 $0xFFFFE003, lr  }
0x1b: {  	s9 =	sadd.s32 $0xFFFFFEF7, lr;
	s5 =	simm.s32 $0xFFFFFFFF;
	p2 =	slt.u32 s8, $0xFFFFF086  }
0x1c: {  	p1 =	slt.u32 s9, $0xF7A;
	s5 =	simm.s32 @!p2 $0x0  }
0x1d: {  	s5 =	simm.s32 @p1 $0x1;
	p0 =	seq.s32 s7, s2  }
0x1e: {  	s7 =	smul.u32 @!p0 $0xF7A, s2;
	p2 =	seq.s32 @!p0 s5, $0x0  }
0x1f: {  	s9 =	smul.u32 $0xF7A, s1;
	s8 =	simm.s32 @!p0 $0x1BF5;
	p2 =	por !p2, p0  }
0x20: {  	[sflag:s8] =	ssyncset.s32 @!p0 $0xFFFFF086;
	s6 =	sadd.s32 @!p0 s3, s7;
	s7 =	simm.s32 @!p0 $0x108  }
0x21: {  	s3 =	sadd.s32 s3, s9;
	s6 =	sadd.s32 @!p0 $0x88, s6;
	s7 =	simm.s32 @p2 $0x1082  }
0x22: {  	[simem:s7], [sflag:s8] =	dma.local @!p0 [hbm:s6], $0xF7A  }
0x23: {  	s9 =	sor.u32 $0xD0000000, s2;
	s6 =	simm.s32 $0x108;
	_ =	swait.ge @!p0 [sflag:s8], $0x0  }
0x24: {  	s3 =	sadd.s32 $0x88, s3;
	s6 =	simm.s32 @!p1 $0x1082;
	[sflag:s4] =	ssyncset.s32 $0xFFFFF086  }
0x25: {  	[simem:s6], [sflag:s4] =	dma.local [hbm:s3], $0xF7A  }
0x26: {  	[smem:$0x3F8C] =	sst s1;
	(tag) =	ssettag s2;
	_ =	strace s9  }
0x27: {  	s1 =	sld [smem:$0x3F9C]  }
0x28: {  	s2 =	sld [smem:$0x3F9D]  }
0x29: {  	s4 =	sld [smem:$0x3F9F]  }
0x2a: {  	p0 =	seq.s32 s5, $0x0;
	s5 =	sld [smem:$0x3FA0]  }
0x2b: {  	s6 =	sld [smem:$0x3FA1]  }
0x2c: {  	s7 =	sld [smem:$0x3FA2]  }
0x2d: {  	s3 =	simm.s32 $0x108;
	s8 =	sld [smem:$0x3FA3]  }
0x2e: {  	s3 =	simm.s32 @!p0 $0x1082;
	s9 =	sld [smem:$0x3FA4]  }
0x2f: {  	lr =	sadd.s32 s0, s3;
	s0 =	sld [smem:$0x3F9B]  }
0x30: {  	s3 =	sld [smem:$0x3F9E]  }
0x31: {  	[smem:$0x3FA7] =	sst s10  }
0x32: {  	s10 =	sld [smem:$0x3FA5];
	_ =	sdelay $0x3  }
0x33: {  	p0 =	seq.s32 s10, $0x1;
	s10 =	sld [smem:$0x3FA7];
	_ =	sdelay $0x3  }
0x34: {  	[smem:$0x3FA7] =	sst s10  }
0x35: {  	s10 =	sld [smem:$0x3FA6];
	_ =	sdelay $0x3  }
0x36: {  	p1 =	seq.s32 s10, $0x1;
	s10 =	sld [smem:$0x3FA7];
	_ =	sdelay $0x3  }
0x37: {  	[smem:$0x3FA7] =	sst s10  }
0x38: {  	s10 =	sld [smem:$0x3FA8]  }
0x39: {  	_ = 	snop;
	(pc) =	sbr.ind lr, $3  }
0x3a: {  	_ = 	snop  }
0x3b: {  	_ = 	snop  }
0x3c: {  	p2 =	seq.s32 s10, $0x1;
	s10 =	sld [smem:$0x3FA7]  }
0x3d: {  	_ =	shalt  }
0x3e: {  	_ =	shalt  }
0x3f: {  	_ =	shalt  }
0x40: {  	_ =	shalt  }
0x41: {  	_ =	shalt  }
0x42: {  	_ =	shalt  }
0x43: {  	_ =	shalt  }
0x44: {  	_ =	shalt  }
0x45: {  	_ =	shalt  }
0x46: {  	_ =	shalt  }
0x47: {  	_ =	shalt  }
0x48: {  	_ =	shalt  }
0x49: {  	_ =	shalt  }
0x4a: {  	_ =	shalt  }
0x4b: {  	_ =	shalt  }
0x4c: {  	_ =	shalt  }
0x4d: {  	_ =	shalt  }
0x4e: {  	_ =	shalt  }
0x4f: {  	_ =	shalt  }
0x50: {  	_ =	shalt  }
0x51: {  	_ =	shalt  }
0x52: {  	_ =	shalt  }
0x53: {  	_ =	shalt  }
0x54: {  	_ =	shalt  }
0x55: {  	_ =	shalt  }
0x56: {  	_ =	shalt  }
0x57: {  	_ =	shalt  }
0x58: {  	_ =	shalt  }
0x59: {  	_ =	shalt  }
0x5a: {  	_ =	shalt  }
0x5b: {  	_ =	shalt  }
0x5c: {  	_ =	shalt  }
0x5d: {  	_ =	shalt  }
0x5e: {  	_ =	shalt  }
0x5f: {  	_ =	shalt  }
0x60: {  	_ =	shalt  }
0x61: {  	_ =	shalt  }
0x62: {  	_ =	shalt  }
0x63: {  	_ =	shalt  }
0x64: {  	_ =	shalt  }
0x65: {  	_ =	shalt  }
0x66: {  	_ =	shalt  }
0x67: {  	_ =	shalt  }
0x68: {  	_ =	shalt  }
0x69: {  	_ =	shalt  }
0x6a: {  	_ =	shalt  }
0x6b: {  	_ =	shalt  }
0x6c: {  	_ =	shalt  }
0x6d: {  	_ =	shalt  }
0x6e: {  	_ =	shalt  }
0x6f: {  	_ =	shalt  }
0x70: {  	_ =	shalt  }
0x71: {  	_ =	shalt  }
0x72: {  	_ =	shalt  }
0x73: {  	_ =	shalt  }
0x74: {  	_ =	shalt  }
0x75: {  	_ =	shalt  }
0x76: {  	_ =	shalt  }
0x77: {  	_ =	shalt  }
0x78: {  	_ =	shalt  }
0x79: {  	_ =	shalt  }
0x7a: {  	_ =	shalt  }
0x7b: {  	_ =	shalt  }
0x7c: {  	_ =	shalt  }
0x7d: {  	_ =	shalt  }
0x7e: {  	_ =	shalt  }
0x7f: {  	_ =	shalt  }
0x80: {  	_ =	shalt  }
0x81: {  	_ =	shalt  }
0x82: {  	_ =	shalt  }
0x83: {  	_ =	shalt  }
0x84: {  	_ =	shalt  }
0x85: {  	_ =	shalt  }
0x86: {  	_ =	shalt  }
0x87: {  	_ =	shalt  }
.Lfunc_end0:
.L_simem_size_0:
called_computation.1_lowered:
.L_overlay_start_0:
0x88: {  	s2 =	sld [smem:$0x3FD9]  }
0x89: {  	s3 =	sld [smem:$0x3FFE];
	_ =	sdelay $0x1  }
0x8a: {  	s1 =	srdreg.scid  }
0x8b: {  	s0 =	sand.u32 $0x1, s1  }
0x8c: {  	s16 =	sshll.u32 s0, $0xA;
	s2 =	sadd.s32 s3, s2  }
0x8d: {  	s2 =	sadd.s32 s2, s16  }
0x8e: {  	[smem:$0x3FB3] =	sst s2  }
0x8f: {  	_ = 	snop  }
0x90: {  	(tm) =	ssettm $0x1  }
0x91: {  	s17 =	sld [smem:$0x3FFB];
	_ =	sdelay $0x3  }
0x92: {  	_ =	strace s17  }
0x93: {  	s2 =	sld [smem:$0x3FFC];
	_ =	sdelay $0x3  }
0x94: {  	_ =	strace s2  }
0x95: {  	s2 =	sld [smem:$0x3FFD];
	_ =	sdelay $0x3  }
0x96: {  	_ =	strace s2  }
0x97: {  	_ =	strace $0x8FFFFFFF  }
0x98: {  	s18 =	sld [smem:$0x3FDB];
	_ =	sdelay $0x1  }
0x99: {  	s19 =	simm.s32 $_scs_section_size  }
0x9a: {  	s4 =	simm.s32 $_size__tile_overlayer_lowered;
	s5 =	simm.s32 $_tile_overlayer_lowered  }
0x9b: {  	s22 =	simm.s32 $0x1BFF;
	s21 =	sshll.u32 s5, $0x1;
	s2 =	sadd.s32 s19, s18  }
0x9c: {  	s6 =	simm.s32 $0x0;
	s20 =	sshll.u32 s4, $0x1;
	s4 =	sadd.s32 s21, s2  }
0x9d: {  	[timem:s6], [sflag:s22] =	dma.local [hbm:s4], s20  }
0x9e: {  	_ =	swait.ge [sflag:s22], s20  }
0x9f: {  	s3 =	ssub.s32 $0x0, s20;
	[sflag:s22] =	ssyncset.done $0x0  }
0xa0: {  	[sflag:s22] =	ssyncadd.s32 s3;
	_ =	sdelay $0x1  }
0xa1: {  	s23 =	simm.s32 $0x1B8B  }
0xa2: {  	_ =	swait.ge [sflag:s23], $0x1  }
0xa3: {  	[sflag:s23] =	ssyncset.done $0x0  }
0xa4: {  	s25 =	simm.s32 $0x1B8E;
	s24 =	sld [smem:$0x3FFE];
	[sflag:s23] =	ssyncadd.s32 $0xFFFFFFFF  }
0xa5: {  	s26 =	simm.s32 $execute0_lowered;
	[smem:$0x3FD2] =	sst s25  }
0xa6: {  	s4 =	sshll.u32 s26, $0x1;
	_ =	strace $0x80000049;
	[dreg:$0x1] =	wrdreg $0xFFFFFFFF  }
0xa7: {  	s28 =	simm.s32 $_size_execute0_lowered;
	s2 =	sadd.s32 s2, s4;
	[dreg:$0x0] =	wrdreg $0x0  }
0xa8: {  	s4 =	sshll.u32 s28, $0x1;
	[dreg:$0x2] =	wrdreg s2  }
0xa9: {  	[dreg:$0x3] =	wrdreg s4  }
0xaa: {  	[dreg:$0x4] =	wrdreg $0xC0  }
0xab: {  	_ =	task [dreg:s6], $0x5FFFF  }
0xac: {  	[dreg:$0x1] =	wrdreg $0xFFFFFFFF  }
0xad: {  	[dreg:$0x0] =	wrdreg $0x60  }
0xae: {  	[dreg:$0x2] =	wrdreg s24  }
0xaf: {  	[dreg:$0x3] =	wrdreg $0x79000  }
0xb0: {  	[dreg:$0x4] =	wrdreg $0x9  }
0xb1: {  	_ =	task.clear_ibuf [dreg:s6], $0x5FFFF;
	_ =	strace $0x90000049  }
0xb2: {  	s29 =	simm.s32 $0x9;
	_ =	strace $0x8000004B  }
0xb3: {  	_ =	swait.ge [sflag:s29], $0x1  }
0xb4: {  	[sflag:s29] =	ssyncadd.s32 $0xFFFFFFFF  }
0xb5: {  	_ =	strace $0x9000004B  }
0xb6: {  	_ =	sfence  }
0xb7: {  	s30 =	sld [smem:$0x0];
	_ =	sdelay $0x2  }
0xb8: {  	s31 =	sshll.u32 s1, $0xD;
	s1 =	sshrl.u32 s1, $0x2  }
0xb9: {  	s3 =	sand.u32 $0x4000, s31;
	s1 =	sadd.s32 s1, s30  }
0xba: {  	s0 =	sor.u32 s3, s0;
	s1 =	sshll.u32 s1, $0x11  }
0xbb: {  	s0 =	sor.u32 s1, s0  }
0xbc: {  	s0 =	sadd.s32 $0x8F2B, s0  }
0xbd: {  	[sflag:s0] =	ssyncadd.remote.s32 $0x1  }
0xbe: {  	_ =	sfence.sel $0xFFFF  }
0xbf: {  	[dreg:$0x0] =	wrdreg $0xFFFFFFFF;
	(pc) =	sbr.abs _section_cstart, $3  }
0xc0: {  	[dreg:$0x1] =	wrdreg $0xFFFFFFFF  }
0xc1: {  	_ =	task.clear_ibuf [dreg:s6], $0x2FFFF;
	_ =	strace $0x9FFFFFFF  }
0xc2: {  	(tm) =	ssettm $0x7FFFFFFF  }
0xc3: {  	_ =	shalt  }
tec
execute0_lowered:
.L_overlay_start_1:
0x0: {  	(tag) =	ssettag $0x1  }
0x1: {  	s2 =	rddreg [dreg:$0x0]  }
0x2: {  	s0 =	rddreg [dreg:$0x1];
	s1 =	simm.s32 $0x0;
	s3 =	srdreg.scid  }
0x3: {  	s18 =	stileid.u32;
	s29 =	simm.s32 $0x100;
	s30 =	simm.s32 $0x3  }
0x4: {  	s31 =	simm.s32 $0x50;
	[smem:$0x7FF] =	sst s1;
	s8 =	smul.u32 $0xB400, s18  }
0x5: {  	s4 =	sadd.s32 $0xF0CA00, s2;
	s5 =	sadd.s32 $0xE800, s2;
	s11 =	smul.u32 $0x4E20, s18  }
0x6: {  	s6 =	sand.u32 $0x1, s3;
	s7 =	sadd.s32 $0x18600, s2;
	s26 =	smul.u32 $0x4E200, s18  }
0x7: {  	s9 =	sadd.s32 $0x45600, s2;
	s3 =	ssub.s32 $0x2, s6;
	s28 =	smul.u32 $0xB4000, s6  }
0x8: {  	s10 =	sshrl.u32 s3, $0x1;
	s22 =	sadd.s32 $0x2400, s8;
	s23 =	sadd.s32 $0x4800, s8  }
0x9: {  	s24 =	sadd.s32 $0x6C00, s8;
	s25 =	sadd.s32 $0x9000, s8;
	s16 =	sshrl.u32 s11, $0x3  }
0xa: {  	s17 =	sadd.s32 $0x50, s11;
	s15 =	ssub.s32 s3, s10;
	s3 =	sadd.s32 s4, s26  }
0xb: {  	s8 =	sadd.s32 s8, s28;
	s13 =	sadd.s32 s28, s22;
	s12 =	sshll.u32 s17, $0x4  }
0xc: {  	s20 =	sadd.s32 s28, s23;
	s21 =	sadd.s32 s28, s24;
	s10 =	sadd.s32 s28, s25  }
0xd: {  	s16 =	sadd.s32 s5, s16;
	s22 =	sadd.s32 s22, s0;
	s23 =	sadd.s32 s23, s0  }
0xe: {  	s24 =	sadd.s32 s24, s0;
	s25 =	sadd.s32 s25, s0;
	s8 =	sshrl.u32 s8, $0x3  }
0xf: {  	s11 =	sshrl.u32 s13, $0x3;
	s4 =	sadd.s32 s4, s12;
	s13 =	sshrl.u32 s21, $0x3  }
0x10: {  	s21 =	smul.u32 $0x2D000, s18;
	[dreg:$0x3] =	wrdreg s4;
	s14 =	sadd.s32 s7, s8  }
0x11: {  	s19 =	sadd.s32 s7, s11;
	s4 =	sshrl.u32 s20, $0x3;
	s28 =	sadd.s32 s7, s13  }
0x12: {  	s12 =	sadd.s32 s9, s11;
	s13 =	sadd.s32 s9, s13;
	[dreg:$0x4] =	wrdreg s14  }
0x13: {  	s20 =	sshrl.u32 s17, $0x3;
	[dreg:$0x5] =	wrdreg s19;
	s14 =	sshrl.u32 s10, $0x3  }
0x14: {  	s26 =	sadd.s32 s7, s4;
	[dreg:$0x7] =	wrdreg s28;
	s10 =	sadd.s32 s9, s8  }
0x15: {  	[dreg:$0xa] =	wrdreg s12;
	s12 =	sadd.s32 s9, s4;
	s19 =	smul.u32 $0x9C4, s18  }
0x16: {  	s17 =	sadd.s32 s5, s20;
	s20 =	sadd.s32 $0x5000, s2;
	s28 =	smul.u32 $0x1400, s6  }
0x17: {  	s4 =	simm.s32 $0x1;
	s6 =	simm.s32 $0x5100;
	[dreg:$0x6] =	wrdreg s26  }
0x18: {  	s7 =	sadd.s32 s7, s14;
	[dreg:$0x9] =	wrdreg s10;
	s14 =	sadd.s32 s9, s14  }
0x19: {  	s26 =	sshrl.u32 s21, $0x2;
	[dreg:$0x8] =	wrdreg s7;
	s18 =	sadd.s32 s19, s5  }
0x1a: {  	s19 =	sadd.s32 $0x4A00, s2;
	s21 =	sadd.s32 s26, s0;
	s26 =	smax.u32 s15, $0x1  }
0x1b: {  	s15 =	simm.s32 $0x80;
	s2 =	simm.s32 $0x2900;
	s5 =	simm.s32 $0x2  }
0x1c: {  	v0 =	vmov s28;
	s7 =	simm.s32 $0x0;
	_ =	strace $0x8000004A;
	s9 =	sadd.s32 $0x1E, s18  }
.LBB2_1:
0x1d: {  	[tilespmem:s29], [sflag:$0x3] =	stream.linear.gather [hbm4b:s19+s1], $0x2400, $0x38;
	[tilespmem:$0x12D00] =	vst v63  }
0x1e: {  	_ =	swait.ge [sflag:s30], $0x2400  }
0x1f: {  	[sflag:s30] =	ssyncset.done $0x0  }
0x20: {  	[sflag:s30] =	ssyncadd.s32 $0xFFFFDC00  }
0x21: {  	[spmem:s21] =	stream.linear.scatter [tilespmem:s29], [sflag:$0x3], $0x2400, $0x38;
	[tilespmem:$0x12D00] =	vst v63  }
0x22: {  	_ =	swait.ge [sflag:s30], $0x2400  }
0x23: {  	[sflag:s30] =	ssyncset.done $0x0  }
0x24: {  	[sflag:s30] =	ssyncadd.s32 $0xFFFFDC00  }
0x25: {  	[spmem:s22] =	stream.linear.scatter [tilespmem:s29], [sflag:$0x3], $0x2400, $0x38;
	[tilespmem:$0x12D00] =	vst v63  }
0x26: {  	_ =	swait.ge [sflag:s30], $0x2400  }
0x27: {  	[sflag:s30] =	ssyncset.done $0x0  }
0x28: {  	[sflag:s30] =	ssyncadd.s32 $0xFFFFDC00  }
0x29: {  	[spmem:s23] =	stream.linear.scatter [tilespmem:s29], [sflag:$0x3], $0x2400, $0x38;
	[tilespmem:$0x12D00] =	vst v63  }
0x2a: {  	_ =	swait.ge [sflag:s30], $0x2400  }
0x2b: {  	[sflag:s30] =	ssyncset.done $0x0  }
0x2c: {  	[sflag:s30] =	ssyncadd.s32 $0xFFFFDC00  }
0x2d: {  	[spmem:s24] =	stream.linear.scatter [tilespmem:s29], [sflag:$0x3], $0x2400, $0x38;
	[tilespmem:$0x12D00] =	vst v63  }
0x2e: {  	_ =	swait.ge [sflag:s30], $0x2400  }
0x2f: {  	[sflag:s30] =	ssyncset.done $0x0  }
0x30: {  	[sflag:s30] =	ssyncadd.s32 $0xFFFFDC00  }
0x31: {  	[spmem:s25] =	stream.linear.scatter [tilespmem:s29], [sflag:$0x3], $0x2400, $0x38;
	[tilespmem:$0x12D00] =	vst v63  }
0x32: {  	_ =	swait.ge [sflag:s30], $0x2400  }
0x33: {  	[sflag:s30] =	ssyncset.done $0x0  }
0x34: {  	[sflag:s30] =	ssyncadd.s32 $0xFFFFDC00  }
0x35: {  	[bflag:$0x0] =	sbarrier.arrive $0xFFFF  }
0x36: {  	[tilespmem:s1], [sflag:$0x3] =	stream.linear.gather [hbm4b:s16+s1], $0x50, $0x38;
	[tilespmem:$0x12D00] =	vst v63  }
0x37: {  	_ =	swait.ge [sflag:s30], $0x50  }
0x38: {  	[sflag:s30] =	ssyncset.done $0x0  }
0x39: {  	[sflag:s30] =	ssyncadd.s32 $0xFFFFFFB0  }
0x3a: {  	[tilespmem:s29], [sflag:$0x3] =	stream.linear.gather [hbm4b:s3+s1], $0x2800, $0x38;
	[tilespmem:$0x12D00] =	vst v63  }
0x3b: {  	_ =	swait.ge [sflag:s30], $0x2800  }
0x3c: {  	[sflag:s30] =	ssyncset.done $0x0  }
0x3d: {  	[sflag:s30] =	ssyncadd.s32 $0xFFFFD800  }
0x3e: {  	v1 =	vld [tilespmem:$0x0]  }
0x3f: {  	v2 =	vld [tilespmem:$0x10]  }
0x40: {  	v3 =	vld [tilespmem:$0x20]  }
0x41: {  	v4 =	vld [tilespmem:$0x30]  }
0x42: {  	v5 =	vld [tilespmem:$0x40]  }
0x43: {  	v1 =	vsub.s32 v1, v0  }
0x44: {  	v2 =	vsub.s32 v2, v0;
	v1 =	vmin.u32 v1, $0x1400  }
0x45: {  	[tilespmem:$0x0] =	vst v1;
	v1 =	vmin.u32 v2, $0x1400;
	v2 =	vsub.s32 v3, v0  }
0x46: {  	[tilespmem:$0x10] =	vst v1;
	v1 =	vmin.u32 v2, $0x1400;
	v2 =	vsub.s32 v4, v0  }
0x47: {  	[tilespmem:$0x20] =	vst v1;
	v1 =	vmin.u32 v2, $0x1400;
	v2 =	vsub.s32 v5, v0  }
0x48: {  	[tilespmem:$0x30] =	vst v1;
	v1 =	vmin.u32 v2, $0x1400  }
0x49: {  	[tilespmem:$0x40] =	vst v1  }
0x4a: {  	[spmem:s0] =	stream.indirect.scatter.add.f32 [tilespmem:s29], [sflag:$0x1], $0x80, s1, s31, $0xb8;
	[tilespmem:$0x12D00] =	vst v63  }
0x4b: {  	_ = 	snop  }
0x4c: {  	[tilespmem:s15], [sflag:$0x3] =	stream.linear.gather [hbm4b:s17+s1], $0x50, $0x38;
	[tilespmem:$0x12D00] =	vst v63  }
0x4d: {  	_ =	swait.ge [sflag:s30], $0x50  }
0x4e: {  	[sflag:s30] =	ssyncset.done $0x0  }
0x4f: {  	s8 =	rddreg [dreg:$0x3];
	[sflag:s30] =	ssyncadd.s32 $0xFFFFFFB0  }
0x50: {  	[tilespmem:s2], [sflag:$0x3] =	stream.linear.gather [hbm4b:s8+s1], $0x2800, $0x38;
	[tilespmem:$0x12D00] =	vst v63  }
0x51: {  	_ =	swait.ge [sflag:s30], $0x2800  }
0x52: {  	[sflag:s30] =	ssyncset.done $0x0  }
0x53: {  	[sflag:s30] =	ssyncadd.s32 $0xFFFFD800  }
0x54: {  	v1 =	vld [tilespmem:$0x80]  }
0x55: {  	v2 =	vld [tilespmem:$0x90]  }
0x56: {  	v3 =	vld [tilespmem:$0xA0]  }
0x57: {  	v4 =	vld [tilespmem:$0xB0]  }
0x58: {  	v5 =	vld [tilespmem:$0xC0]  }
0x59: {  	v1 =	vsub.s32 v1, v0  }
0x5a: {  	v2 =	vsub.s32 v2, v0;
	v1 =	vmin.u32 v1, $0x1400  }
0x5b: {  	[tilespmem:$0x80] =	vst v1;
	v1 =	vmin.u32 v2, $0x1400;
	v2 =	vsub.s32 v3, v0  }
0x5c: {  	[tilespmem:$0x90] =	vst v1;
	v1 =	vmin.u32 v2, $0x1400;
	v2 =	vsub.s32 v4, v0  }
0x5d: {  	[tilespmem:$0xA0] =	vst v1;
	v1 =	vmin.u32 v2, $0x1400;
	v2 =	vsub.s32 v5, v0  }
0x5e: {  	[tilespmem:$0xB0] =	vst v1;
	v1 =	vmin.u32 v2, $0x1400  }
0x5f: {  	[tilespmem:$0xC0] =	vst v1  }
0x60: {  	[spmem:s0] =	stream.indirect.scatter.add.f32 [tilespmem:s2], [sflag:$0x2], $0x80, s15, s31, $0xb8;
	[tilespmem:$0x12D00] =	vst v63  }
0x61: {  	_ =	swait.ge [sflag:s4], $0x2800  }
0x62: {  	[sflag:s4] =	ssyncset.done $0x0  }
0x63: {  	s10 =	sadd.s32 $0xFFFFFFF6, s9;
	[sflag:s4] =	ssyncadd.s32 $0xFFFFD800  }
0x64: {  	[tilespmem:s1], [sflag:$0x3] =	stream.linear.gather [hbm4b:s10+s1], $0x50, $0x38;
	[tilespmem:$0x12D00] =	vst v63  }
0x65: {  	_ =	swait.ge [sflag:s30], $0x50  }
0x66: {  	s11 =	sadd.s32 $0x0, s3;
	[sflag:s30] =	ssyncset.done $0x0  }
0x67: {  	s28 =	sadd.s32 $0xA00, s11;
	[sflag:s30] =	ssyncadd.s32 $0xFFFFFFB0  }
0x68: {  	[tilespmem:s29], [sflag:$0x3] =	stream.linear.gather [hbm4b:s28+s1], $0x2800, $0x38;
	[tilespmem:$0x12D00] =	vst v63  }
0x69: {  	_ =	swait.ge [sflag:s30], $0x2800  }
0x6a: {  	[sflag:s30] =	ssyncset.done $0x0  }
0x6b: {  	[sflag:s30] =	ssyncadd.s32 $0xFFFFD800  }
0x6c: {  	v1 =	vld [tilespmem:$0x30]  }
0x6d: {  	v2 =	vld [tilespmem:$0x10]  }
0x6e: {  	v3 =	vld [tilespmem:$0x0]  }
0x6f: {  	v4 =	vld [tilespmem:$0x20]  }
0x70: {  	v5 =	vld [tilespmem:$0x40]  }
0x71: {  	v1 =	vsub.s32 v1, v0  }
0x72: {  	v2 =	vsub.s32 v2, v0;
	v1 =	vmin.u32 v1, $0x1400  }
0x73: {  	v3 =	vsub.s32 v3, v0;
	v2 =	vmin.u32 v2, $0x1400;
	[tilespmem:$0x30] =	vst v1  }
0x74: {  	v1 =	vmin.u32 v3, $0x1400;
	[tilespmem:$0x10] =	vst v2;
	v2 =	vsub.s32 v4, v0  }
0x75: {  	[tilespmem:$0x0] =	vst v1;
	v1 =	vmin.u32 v2, $0x1400;
	v2 =	vsub.s32 v5, v0  }
0x76: {  	[tilespmem:$0x20] =	vst v1;
	v1 =	vmin.u32 v2, $0x1400  }
0x77: {  	[tilespmem:$0x40] =	vst v1  }
0x78: {  	[spmem:s0] =	stream.indirect.scatter.add.f32 [tilespmem:s29], [sflag:$0x1], $0x80, s1, s31, $0xb8;
	[tilespmem:$0x12D00] =	vst v63  }
0x79: {  	_ =	swait.ge [sflag:s5], $0x2800  }
0x7a: {  	[sflag:s5] =	ssyncset.done $0x0  }
0x7b: {  	[sflag:s5] =	ssyncadd.s32 $0xFFFFD800  }
0x7c: {  	[tilespmem:s15], [sflag:$0x3] =	stream.linear.gather [hbm4b:s9+s1], $0x50, $0x38;
	[tilespmem:$0x12D00] =	vst v63  }
0x7d: {  	_ =	swait.ge [sflag:s30], $0x50  }
0x7e: {  	[sflag:s30] =	ssyncset.done $0x0  }
0x7f: {  	s8 =	sadd.s32 $0xF00, s11;
	[sflag:s30] =	ssyncadd.s32 $0xFFFFFFB0  }
0x80: {  	[tilespmem:s2], [sflag:$0x3] =	stream.linear.gather [hbm4b:s8+s1], $0x2800, $0x38;
	[tilespmem:$0x12D00] =	vst v63  }
0x81: {  	_ =	swait.ge [sflag:s30], $0x2800  }
0x82: {  	[sflag:s30] =	ssyncset.done $0x0  }
0x83: {  	[sflag:s30] =	ssyncadd.s32 $0xFFFFD800  }
0x84: {  	v3 =	vld [tilespmem:$0x80]  }
0x85: {  	v2 =	vld [tilespmem:$0xC0]  }
0x86: {  	s28 =	smov.u32 s9;
	s8 =	simm.s32 $0xA00;
	v1 =	vld [tilespmem:$0xB0]  }
.LBB2_2:
0x87: {  	p0 =	sne.s32 s8, $0x4CE00  }
0x88: {  	v4 =	vld [tilespmem:$0x90];
	s28 =	sadd.s32 $0x14, s28;
	s10 =	smov.u32 s8;
	s8 =	sadd.s32 $0xA00, s8  }
0x89: {  	v5 =	vld [tilespmem:$0xA0]  }
0x8a: {  	v3 =	vsub.s32 v3, v0  }
0x8b: {  	v3 =	vmin.u32 v3, $0x1400;
	v2 =	vsub.s32 v2, v0  }
0x8c: {  	[tilespmem:$0x80] =	vst v3;
	v1 =	vsub.s32 v1, v0;
	v2 =	vmin.u32 v2, $0x1400  }
0x8d: {  	v3 =	vsub.s32 v4, v0;
	v1 =	vmin.u32 v1, $0x1400;
	[tilespmem:$0xC0] =	vst v2  }
0x8e: {  	v2 =	vmin.u32 v3, $0x1400;
	v3 =	vsub.s32 v5, v0;
	[tilespmem:$0xB0] =	vst v1  }
0x8f: {  	[tilespmem:$0x90] =	vst v2;
	v1 =	vmin.u32 v3, $0x1400  }
0x90: {  	[tilespmem:$0xA0] =	vst v1  }
0x91: {  	[spmem:s0] =	stream.indirect.scatter.add.f32 [tilespmem:s2], [sflag:$0x2], $0x80, s15, s31, $0xb8;
	[tilespmem:$0x12D00] =	vst v63  }
0x92: {  	_ =	swait.ge [sflag:s4], $0x2800  }
0x93: {  	[sflag:s4] =	ssyncset.done $0x0  }
0x94: {  	s11 =	sadd.s32 $0xFFFFFFF6, s28;
	[sflag:s4] =	ssyncadd.s32 $0xFFFFD800  }
0x95: {  	[tilespmem:s1], [sflag:$0x3] =	stream.linear.gather [hbm4b:s11+s1], $0x50, $0x38;
	[tilespmem:$0x12D00] =	vst v63  }
0x96: {  	_ =	swait.ge [sflag:s30], $0x50  }
0x97: {  	s10 =	sadd.s32 s10, s3;
	[sflag:s30] =	ssyncset.done $0x0  }
0x98: {  	s11 =	sadd.s32 $0xA00, s10;
	[sflag:s30] =	ssyncadd.s32 $0xFFFFFFB0  }
0x99: {  	[tilespmem:s29], [sflag:$0x3] =	stream.linear.gather [hbm4b:s11+s1], $0x2800, $0x38;
	[tilespmem:$0x12D00] =	vst v63  }
0x9a: {  	_ =	swait.ge [sflag:s30], $0x2800  }
0x9b: {  	[sflag:s30] =	ssyncset.done $0x0  }
0x9c: {  	[sflag:s30] =	ssyncadd.s32 $0xFFFFD800  }
0x9d: {  	v1 =	vld [tilespmem:$0x30]  }
0x9e: {  	v2 =	vld [tilespmem:$0x10]  }
0x9f: {  	v3 =	vld [tilespmem:$0x0]  }
0xa0: {  	v4 =	vld [tilespmem:$0x20]  }
0xa1: {  	v5 =	vld [tilespmem:$0x40]  }
0xa2: {  	v1 =	vsub.s32 v1, v0  }
0xa3: {  	v2 =	vsub.s32 v2, v0;
	v1 =	vmin.u32 v1, $0x1400  }
0xa4: {  	v3 =	vsub.s32 v3, v0;
	v2 =	vmin.u32 v2, $0x1400;
	[tilespmem:$0x30] =	vst v1  }
0xa5: {  	v1 =	vmin.u32 v3, $0x1400;
	[tilespmem:$0x10] =	vst v2;
	v2 =	vsub.s32 v4, v0  }
0xa6: {  	[tilespmem:$0x0] =	vst v1;
	v1 =	vmin.u32 v2, $0x1400;
	v2 =	vsub.s32 v5, v0  }
0xa7: {  	[tilespmem:$0x20] =	vst v1;
	v1 =	vmin.u32 v2, $0x1400  }
0xa8: {  	[tilespmem:$0x40] =	vst v1  }
0xa9: {  	[spmem:s0] =	stream.indirect.scatter.add.f32 [tilespmem:s29], [sflag:$0x1], $0x80, s1, s31, $0xb8;
	[tilespmem:$0x12D00] =	vst v63  }
0xaa: {  	_ =	swait.ge [sflag:s5], $0x2800  }
0xab: {  	[sflag:s5] =	ssyncset.done $0x0  }
0xac: {  	[sflag:s5] =	ssyncadd.s32 $0xFFFFD800  }
0xad: {  	[tilespmem:s15], [sflag:$0x3] =	stream.linear.gather [hbm4b:s28+s1], $0x50, $0x38;
	[tilespmem:$0x12D00] =	vst v63  }
0xae: {  	_ =	swait.ge [sflag:s30], $0x50  }
0xaf: {  	[sflag:s30] =	ssyncset.done $0x0  }
0xb0: {  	s10 =	sadd.s32 $0xF00, s10;
	[sflag:s30] =	ssyncadd.s32 $0xFFFFFFB0  }
0xb1: {  	[tilespmem:s2], [sflag:$0x3] =	stream.linear.gather [hbm4b:s10+s1], $0x2800, $0x38;
	[tilespmem:$0x12D00] =	vst v63  }
0xb2: {  	_ =	swait.ge [sflag:s30], $0x2800  }
.Ltmp0:
0xb3: {  	[sflag:s30] =	ssyncset.done $0x0;
	(pc) =	sbr.rel @p0 .LBB2_2-.Ltmp0, $4  }
0xb4: {  	[sflag:s30] =	ssyncadd.s32 $0xFFFFD800  }
0xb5: {  	v3 =	vld [tilespmem:$0x80]  }
0xb6: {  	v2 =	vld [tilespmem:$0xC0]  }
0xb7: {  	v1 =	vld [tilespmem:$0xB0]  }
0xb8: {  	v4 =	vld [tilespmem:$0x90]  }
0xb9: {  	v5 =	vld [tilespmem:$0xA0]  }
0xba: {  	v3 =	vsub.s32 v3, v0  }
0xbb: {  	v3 =	vmin.u32 v3, $0x1400;
	v2 =	vsub.s32 v2, v0  }
0xbc: {  	[tilespmem:$0x80] =	vst v3;
	v1 =	vsub.s32 v1, v0;
	v2 =	vmin.u32 v2, $0x1400  }
0xbd: {  	v3 =	vsub.s32 v4, v0;
	v1 =	vmin.u32 v1, $0x1400;
	[tilespmem:$0xC0] =	vst v2  }
0xbe: {  	v2 =	vmin.u32 v3, $0x1400;
	v3 =	vsub.s32 v5, v0;
	[tilespmem:$0xB0] =	vst v1  }
0xbf: {  	[tilespmem:$0x90] =	vst v2;
	v1 =	vmin.u32 v3, $0x1400  }
0xc0: {  	[tilespmem:$0xA0] =	vst v1  }
0xc1: {  	[spmem:s0] =	stream.indirect.scatter.add.f32 [tilespmem:s2], [sflag:$0x2], $0x80, s15, s31, $0xb8;
	[tilespmem:$0x12D00] =	vst v63  }
0xc2: {  	_ =	swait.ge [sflag:s4], $0x2800  }
0xc3: {  	[sflag:s4] =	ssyncset.done $0x0  }
0xc4: {  	[sflag:s4] =	ssyncadd.s32 $0xFFFFD800  }
0xc5: {  	_ =	swait.ge [sflag:s5], $0x2800  }
0xc6: {  	[sflag:s5] =	ssyncset.done $0x0  }
0xc7: {  	[sflag:s5] =	ssyncadd.s32 $0xFFFFD800  }
0xc8: {  	[bflag:$0x0] =	sbarrier.arrive $0xFFFF  }
0xc9: {  	[tilespmem:s29], [sflag:$0x3] =	stream.linear.gather [spmem:s21], $0x2400, $0x38;
	[tilespmem:$0x12D00] =	vst v63  }
0xca: {  	_ =	swait.ge [sflag:s30], $0x2400  }
0xcb: {  	[sflag:s30] =	ssyncset.done $0x0  }
0xcc: {  	s8 =	rddreg [dreg:$0x4];
	[sflag:s30] =	ssyncadd.s32 $0xFFFFDC00  }
0xcd: {  	[hbm4b:s8+s1] =	stream.linear.scatter [tilespmem:s29], [sflag:$0x3], $0x2400, $0x38;
	[tilespmem:$0x12D00] =	vst v63  }
0xce: {  	_ =	swait.ge [sflag:s30], $0x2400  }
0xcf: {  	[sflag:s30] =	ssyncset.done $0x0  }
0xd0: {  	[sflag:s30] =	ssyncadd.s32 $0xFFFFDC00  }
0xd1: {  	[tilespmem:s29], [sflag:$0x3] =	stream.linear.gather [spmem:s22], $0x2400, $0x38;
	[tilespmem:$0x12D00] =	vst v63  }
0xd2: {  	_ =	swait.ge [sflag:s30], $0x2400  }
0xd3: {  	[sflag:s30] =	ssyncset.done $0x0  }
0xd4: {  	s11 =	rddreg [dreg:$0x5];
	[sflag:s30] =	ssyncadd.s32 $0xFFFFDC00  }
0xd5: {  	[hbm4b:s11+s1] =	stream.linear.scatter [tilespmem:s29], [sflag:$0x3], $0x2400, $0x38;
	[tilespmem:$0x12D00] =	vst v63  }
0xd6: {  	_ =	swait.ge [sflag:s30], $0x2400  }
0xd7: {  	[sflag:s30] =	ssyncset.done $0x0  }
0xd8: {  	[sflag:s30] =	ssyncadd.s32 $0xFFFFDC00  }
0xd9: {  	[tilespmem:s29], [sflag:$0x3] =	stream.linear.gather [spmem:s23], $0x2400, $0x38;
	[tilespmem:$0x12D00] =	vst v63  }
0xda: {  	_ =	swait.ge [sflag:s30], $0x2400  }
0xdb: {  	[sflag:s30] =	ssyncset.done $0x0  }
0xdc: {  	s10 =	rddreg [dreg:$0x6];
	[sflag:s30] =	ssyncadd.s32 $0xFFFFDC00  }
0xdd: {  	[hbm4b:s10+s1] =	stream.linear.scatter [tilespmem:s29], [sflag:$0x3], $0x2400, $0x38;
	[tilespmem:$0x12D00] =	vst v63  }
0xde: {  	_ =	swait.ge [sflag:s30], $0x2400  }
0xdf: {  	[sflag:s30] =	ssyncset.done $0x0  }
0xe0: {  	[sflag:s30] =	ssyncadd.s32 $0xFFFFDC00  }
0xe1: {  	[tilespmem:s29], [sflag:$0x3] =	stream.linear.gather [spmem:s24], $0x2400, $0x38;
	[tilespmem:$0x12D00] =	vst v63  }
0xe2: {  	_ =	swait.ge [sflag:s30], $0x2400  }
0xe3: {  	[sflag:s30] =	ssyncset.done $0x0  }
0xe4: {  	s11 =	rddreg [dreg:$0x7];
	[sflag:s30] =	ssyncadd.s32 $0xFFFFDC00  }
0xe5: {  	[hbm4b:s11+s1] =	stream.linear.scatter [tilespmem:s29], [sflag:$0x3], $0x2400, $0x38;
	[tilespmem:$0x12D00] =	vst v63  }
0xe6: {  	_ =	swait.ge [sflag:s30], $0x2400  }
0xe7: {  	[sflag:s30] =	ssyncset.done $0x0  }
0xe8: {  	[sflag:s30] =	ssyncadd.s32 $0xFFFFDC00  }
0xe9: {  	[tilespmem:s29], [sflag:$0x3] =	stream.linear.gather [spmem:s25], $0x2400, $0x38;
	[tilespmem:$0x12D00] =	vst v63  }
0xea: {  	_ =	swait.ge [sflag:s30], $0x2400  }
0xeb: {  	[sflag:s30] =	ssyncset.done $0x0  }
0xec: {  	s10 =	rddreg [dreg:$0x8];
	[sflag:s30] =	ssyncadd.s32 $0xFFFFDC00  }
0xed: {  	[hbm4b:s10+s1] =	stream.linear.scatter [tilespmem:s29], [sflag:$0x3], $0x2400, $0x38;
	[tilespmem:$0x12D00] =	vst v63  }
0xee: {  	_ =	swait.ge [sflag:s30], $0x2400  }
0xef: {  	[sflag:s30] =	ssyncset.done $0x0  }
0xf0: {  	[sflag:s30] =	ssyncadd.s32 $0xFFFFDC00  }
0xf1: {  	[tilespmem:s29], [sflag:$0x3] =	stream.linear.gather [hbm4b:s19+s1], $0x2400, $0x38;
	[tilespmem:$0x12D00] =	vst v63  }
0xf2: {  	_ =	swait.ge [sflag:s30], $0x2400  }
0xf3: {  	[sflag:s30] =	ssyncset.done $0x0  }
0xf4: {  	[sflag:s30] =	ssyncadd.s32 $0xFFFFDC00  }
0xf5: {  	[spmem:s21] =	stream.linear.scatter [tilespmem:s29], [sflag:$0x3], $0x2400, $0x38;
	[tilespmem:$0x12D00] =	vst v63  }
0xf6: {  	_ =	swait.ge [sflag:s30], $0x2400  }
0xf7: {  	[sflag:s30] =	ssyncset.done $0x0  }
0xf8: {  	[sflag:s30] =	ssyncadd.s32 $0xFFFFDC00  }
0xf9: {  	[spmem:s22] =	stream.linear.scatter [tilespmem:s29], [sflag:$0x3], $0x2400, $0x38;
	[tilespmem:$0x12D00] =	vst v63  }
0xfa: {  	_ =	swait.ge [sflag:s30], $0x2400  }
0xfb: {  	[sflag:s30] =	ssyncset.done $0x0  }
0xfc: {  	[sflag:s30] =	ssyncadd.s32 $0xFFFFDC00  }
0xfd: {  	[spmem:s23] =	stream.linear.scatter [tilespmem:s29], [sflag:$0x3], $0x2400, $0x38;
	[tilespmem:$0x12D00] =	vst v63  }
0xfe: {  	_ =	swait.ge [sflag:s30], $0x2400  }
0xff: {  	[sflag:s30] =	ssyncset.done $0x0  }
0x100: {  	[sflag:s30] =	ssyncadd.s32 $0xFFFFDC00  }
0x101: {  	[spmem:s24] =	stream.linear.scatter [tilespmem:s29], [sflag:$0x3], $0x2400, $0x38;
	[tilespmem:$0x12D00] =	vst v63  }
0x102: {  	_ =	swait.ge [sflag:s30], $0x2400  }
0x103: {  	[sflag:s30] =	ssyncset.done $0x0  }
0x104: {  	[sflag:s30] =	ssyncadd.s32 $0xFFFFDC00  }
0x105: {  	[spmem:s25] =	stream.linear.scatter [tilespmem:s29], [sflag:$0x3], $0x2400, $0x38;
	[tilespmem:$0x12D00] =	vst v63  }
0x106: {  	_ =	swait.ge [sflag:s30], $0x2400  }
0x107: {  	[sflag:s30] =	ssyncset.done $0x0  }
0x108: {  	[sflag:s30] =	ssyncadd.s32 $0xFFFFDC00  }
0x109: {  	[tilespmem:s6], [sflag:$0x3] =	stream.linear.gather [hbm4b:s20+s1], $0x2800, $0x38;
	[tilespmem:$0x12D00] =	vst v63  }
0x10a: {  	_ =	swait.ge [sflag:s30], $0x2800  }
0x10b: {  	[sflag:s30] =	ssyncset.done $0x0  }
0x10c: {  	[sflag:s30] =	ssyncadd.s32 $0xFFFFD800  }
0x10d: {  	[bflag:$0x0] =	sbarrier.arrive $0xFFFF  }
0x10e: {  	[tilespmem:s1], [sflag:$0x3] =	stream.linear.gather [hbm4b:s16+s1], $0x50, $0x38;
	[tilespmem:$0x12D00] =	vst v63  }
0x10f: {  	_ =	swait.ge [sflag:s30], $0x50  }
0x110: {  	[sflag:s30] =	ssyncset.done $0x0  }
0x111: {  	[sflag:s30] =	ssyncadd.s32 $0xFFFFFFB0  }
0x112: {  	v1 =	vld [tilespmem:$0x0]  }
0x113: {  	v2 =	vld [tilespmem:$0x10]  }
0x114: {  	v3 =	vld [tilespmem:$0x20]  }
0x115: {  	v58 =	vld [tilespmem:$0x30]  }
0x116: {  	v59 =	vld [tilespmem:$0x40]  }
0x117: {  	v1 =	vsub.s32 v1, v0  }
0x118: {  	v2 =	vsub.s32 v2, v0;
	v1 =	vmin.u32 v1, $0x1400  }
0x119: {  	[tilespmem:$0x0] =	vst v1;
	v1 =	vmin.u32 v2, $0x1400;
	v2 =	vsub.s32 v3, v0  }
0x11a: {  	[tilespmem:$0x10] =	vst v1;
	v1 =	vmin.u32 v2, $0x1400;
	v2 =	vsub.s32 v58, v0  }
0x11b: {  	[tilespmem:$0x20] =	vst v1;
	v1 =	vmin.u32 v2, $0x1400;
	v2 =	vsub.s32 v59, v0  }
0x11c: {  	[tilespmem:$0x30] =	vst v1;
	v1 =	vmin.u32 v2, $0x1400  }
0x11d: {  	[tilespmem:$0x40] =	vst v1  }
0x11e: {  	[spmem:s0] =	stream.indirect.scatter.add.f32 [tilespmem:s6], [sflag:$0x1], $0x80, s1, s31, $0xb8;
	[tilespmem:$0x12D00] =	vst v63  }
0x11f: {  	_ = 	snop  }
0x120: {  	[tilespmem:s15], [sflag:$0x3] =	stream.linear.gather [hbm4b:s17+s1], $0x50, $0x38;
	[tilespmem:$0x12D00] =	vst v63  }
0x121: {  	_ =	swait.ge [sflag:s30], $0x50  }
0x122: {  	[sflag:s30] =	ssyncset.done $0x0  }
0x123: {  	[sflag:s30] =	ssyncadd.s32 $0xFFFFFFB0  }
0x124: {  	v1 =	vld [tilespmem:$0x80]  }
0x125: {  	v2 =	vld [tilespmem:$0x90]  }
0x126: {  	v3 =	vld [tilespmem:$0xA0]  }
0x127: {  	v60 =	vld [tilespmem:$0xB0]  }
0x128: {  	v61 =	vld [tilespmem:$0xC0]  }
0x129: {  	v1 =	vsub.s32 v1, v0  }
0x12a: {  	v2 =	vsub.s32 v2, v0;
	v1 =	vmin.u32 v1, $0x1400  }
0x12b: {  	[tilespmem:$0x80] =	vst v1;
	v1 =	vmin.u32 v2, $0x1400;
	v2 =	vsub.s32 v3, v0  }
0x12c: {  	[tilespmem:$0x90] =	vst v1;
	v1 =	vmin.u32 v2, $0x1400;
	v2 =	vsub.s32 v60, v0  }
0x12d: {  	[tilespmem:$0xA0] =	vst v1;
	v1 =	vmin.u32 v2, $0x1400;
	v2 =	vsub.s32 v61, v0  }
0x12e: {  	[tilespmem:$0xB0] =	vst v1;
	v1 =	vmin.u32 v2, $0x1400  }
0x12f: {  	[tilespmem:$0xC0] =	vst v1  }
0x130: {  	[spmem:s0] =	stream.indirect.scatter.add.f32 [tilespmem:s6], [sflag:$0x2], $0x80, s15, s31, $0xb8;
	[tilespmem:$0x12D00] =	vst v63  }
0x131: {  	_ =	swait.ge [sflag:s4], $0x2800  }
0x132: {  	s28 =	sadd.s32 $0xFFFFF650, s18;
	[sflag:s4] =	ssyncset.done $0x0  }
0x133: {  	s11 =	sadd.s32 $0x9C4, s28;
	[sflag:s4] =	ssyncadd.s32 $0xFFFFD800  }
0x134: {  	[tilespmem:s1], [sflag:$0x3] =	stream.linear.gather [hbm4b:s11+s1], $0x50, $0x38;
	[tilespmem:$0x12D00] =	vst v63  }
0x135: {  	_ =	swait.ge [sflag:s30], $0x50  }
0x136: {  	[sflag:s30] =	ssyncset.done $0x0  }
0x137: {  	[sflag:s30] =	ssyncadd.s32 $0xFFFFFFB0  }
0x138: {  	v1 =	vld [tilespmem:$0x40]  }
0x139: {  	v2 =	vld [tilespmem:$0x20]  }
0x13a: {  	v3 =	vld [tilespmem:$0x0]  }
0x13b: {  	v62 =	vld [tilespmem:$0x10]  }
0x13c: {  	v63 =	vld [tilespmem:$0x30]  }
0x13d: {  	v1 =	vsub.s32 v1, v0  }
0x13e: {  	v2 =	vsub.s32 v2, v0;
	v1 =	vmin.u32 v1, $0x1400  }
0x13f: {  	v3 =	vsub.s32 v3, v0;
	v2 =	vmin.u32 v2, $0x1400;
	[tilespmem:$0x40] =	vst v1  }
0x140: {  	v1 =	vmin.u32 v3, $0x1400;
	v3 =	vsub.s32 v62, v0;
	[tilespmem:$0x20] =	vst v2  }
0x141: {  	v2 =	vsub.s32 v63, v0;
	[tilespmem:$0x0] =	vst v1;
	v1 =	vmin.u32 v3, $0x1400  }
0x142: {  	[tilespmem:$0x10] =	vst v1;
	v1 =	vmin.u32 v2, $0x1400  }
0x143: {  	[tilespmem:$0x30] =	vst v1  }
0x144: {  	[spmem:s0] =	stream.indirect.scatter.add.f32 [tilespmem:s6], [sflag:$0x1], $0x80, s1, s31, $0xb8;
	[tilespmem:$0x12D00] =	vst v63  }
0x145: {  	s8 =	simm.s32 $0xFFFFF664;
	_ =	swait.ge [sflag:s5], $0x2800  }
.LBB2_4:
0x146: {  	p0 =	sne.s32 s8, $0xFFFFFFEC  }
0x147: {  	[sflag:s5] =	ssyncset.done $0x0;
	s10 =	smov.u32 s8;
	s8 =	sadd.s32 $0x14, s8  }
0x148: {  	s11 =	sadd.s32 $0x9CE, s28;
	[sflag:s5] =	ssyncadd.s32 $0xFFFFD800  }
0x149: {  	[tilespmem:s15], [sflag:$0x3] =	stream.linear.gather [hbm4b:s11+s1], $0x50, $0x38;
	[tilespmem:$0x12D00] =	vst v63  }
0x14a: {  	_ =	swait.ge [sflag:s30], $0x50  }
0x14b: {  	[sflag:s30] =	ssyncset.done $0x0  }
0x14c: {  	[sflag:s30] =	ssyncadd.s32 $0xFFFFFFB0  }
0x14d: {  	v1 =	vld [tilespmem:$0xB0]  }
0x14e: {  	v2 =	vld [tilespmem:$0xC0]  }
0x14f: {  	v3 =	vld [tilespmem:$0x90]  }
0x150: {  	v4 =	vld [tilespmem:$0xA0]  }
0x151: {  	v5 =	vld [tilespmem:$0x80]  }
0x152: {  	v1 =	vsub.s32 v1, v0  }
0x153: {  	v1 =	vmin.u32 v1, $0x1400;
	v2 =	vsub.s32 v2, v0  }
0x154: {  	v3 =	vsub.s32 v3, v0;
	[tilespmem:$0xB0] =	vst v1;
	v1 =	vmin.u32 v2, $0x1400  }
0x155: {  	v2 =	vmin.u32 v3, $0x1400;
	v3 =	vsub.s32 v4, v0;
	[tilespmem:$0xC0] =	vst v1  }
0x156: {  	v1 =	vsub.s32 v5, v0;
	[tilespmem:$0x90] =	vst v2;
	v2 =	vmin.u32 v3, $0x1400  }
0x157: {  	v1 =	vmin.u32 v1, $0x1400;
	[tilespmem:$0xA0] =	vst v2  }
0x158: {  	[tilespmem:$0x80] =	vst v1  }
0x159: {  	[spmem:s0] =	stream.indirect.scatter.add.f32 [tilespmem:s6], [sflag:$0x2], $0x80, s15, s31, $0xb8;
	[tilespmem:$0x12D00] =	vst v63  }
0x15a: {  	_ =	swait.ge [sflag:s4], $0x2800  }
0x15b: {  	s28 =	sadd.s32 s10, s18;
	[sflag:s4] =	ssyncset.done $0x0  }
0x15c: {  	s10 =	sadd.s32 $0x9C4, s28;
	[sflag:s4] =	ssyncadd.s32 $0xFFFFD800  }
0x15d: {  	[tilespmem:s1], [sflag:$0x3] =	stream.linear.gather [hbm4b:s10+s1], $0x50, $0x38;
	[tilespmem:$0x12D00] =	vst v63  }
0x15e: {  	_ =	swait.ge [sflag:s30], $0x50  }
0x15f: {  	[sflag:s30] =	ssyncset.done $0x0  }
0x160: {  	[sflag:s30] =	ssyncadd.s32 $0xFFFFFFB0  }
0x161: {  	v1 =	vld [tilespmem:$0x40]  }
0x162: {  	v2 =	vld [tilespmem:$0x20]  }
0x163: {  	v3 =	vld [tilespmem:$0x0]  }
0x164: {  	v4 =	vld [tilespmem:$0x10]  }
0x165: {  	v5 =	vld [tilespmem:$0x30]  }
0x166: {  	v1 =	vsub.s32 v1, v0  }
0x167: {  	v2 =	vsub.s32 v2, v0;
	v1 =	vmin.u32 v1, $0x1400  }
0x168: {  	v3 =	vsub.s32 v3, v0;
	v2 =	vmin.u32 v2, $0x1400;
	[tilespmem:$0x40] =	vst v1  }
0x169: {  	v1 =	vmin.u32 v3, $0x1400;
	v3 =	vsub.s32 v4, v0;
	[tilespmem:$0x20] =	vst v2  }
.Ltmp1:
0x16a: {  	[tilespmem:$0x0] =	vst v1;
	v1 =	vmin.u32 v3, $0x1400;
	v2 =	vsub.s32 v5, v0;
	(pc) =	sbr.rel @p0 .LBB2_4-.Ltmp1, $4  }
0x16b: {  	[tilespmem:$0x10] =	vst v1;
	v1 =	vmin.u32 v2, $0x1400  }
0x16c: {  	[tilespmem:$0x30] =	vst v1  }
0x16d: {  	[spmem:s0] =	stream.indirect.scatter.add.f32 [tilespmem:s6], [sflag:$0x1], $0x80, s1, s31, $0xb8;
	[tilespmem:$0x12D00] =	vst v63  }
0x16e: {  	_ =	swait.ge [sflag:s5], $0x2800  }
0x16f: {  	[sflag:s5] =	ssyncset.done $0x0  }
0x170: {  	s8 =	sadd.s32 $0x9CE, s28;
	[sflag:s5] =	ssyncadd.s32 $0xFFFFD800  }
0x171: {  	[tilespmem:s15], [sflag:$0x3] =	stream.linear.gather [hbm4b:s8+s1], $0x50, $0x38;
	[tilespmem:$0x12D00] =	vst v63  }
0x172: {  	_ =	swait.ge [sflag:s30], $0x50  }
0x173: {  	[sflag:s30] =	ssyncset.done $0x0  }
0x174: {  	[sflag:s30] =	ssyncadd.s32 $0xFFFFFFB0  }
0x175: {  	v1 =	vld [tilespmem:$0xB0]  }
0x176: {  	v2 =	vld [tilespmem:$0xC0]  }
0x177: {  	v3 =	vld [tilespmem:$0x90]  }
0x178: {  	v4 =	vld [tilespmem:$0xA0]  }
0x179: {  	v5 =	vld [tilespmem:$0x80]  }
0x17a: {  	v1 =	vsub.s32 v1, v0  }
0x17b: {  	v2 =	vsub.s32 v2, v0;
	v1 =	vmin.u32 v1, $0x1400  }
0x17c: {  	v3 =	vsub.s32 v3, v0;
	[tilespmem:$0xB0] =	vst v1;
	v1 =	vmin.u32 v2, $0x1400  }
0x17d: {  	v2 =	vmin.u32 v3, $0x1400;
	v3 =	vsub.s32 v4, v0;
	[tilespmem:$0xC0] =	vst v1  }
0x17e: {  	v1 =	vsub.s32 v5, v0;
	[tilespmem:$0x90] =	vst v2;
	v2 =	vmin.u32 v3, $0x1400  }
0x17f: {  	v1 =	vmin.u32 v1, $0x1400;
	[tilespmem:$0xA0] =	vst v2  }
0x180: {  	[tilespmem:$0x80] =	vst v1  }
0x181: {  	[spmem:s0] =	stream.indirect.scatter.add.f32 [tilespmem:s6], [sflag:$0x2], $0x80, s15, s31, $0xb8;
	[tilespmem:$0x12D00] =	vst v63  }
0x182: {  	_ =	swait.ge [sflag:s4], $0x2800  }
0x183: {  	[sflag:s4] =	ssyncset.done $0x0  }
0x184: {  	[sflag:s4] =	ssyncadd.s32 $0xFFFFD800  }
0x185: {  	_ =	swait.ge [sflag:s5], $0x2800  }
0x186: {  	[sflag:s5] =	ssyncset.done $0x0  }
0x187: {  	[sflag:s5] =	ssyncadd.s32 $0xFFFFD800  }
0x188: {  	[bflag:$0x0] =	sbarrier.arrive $0xFFFF  }
0x189: {  	[tilespmem:s29], [sflag:$0x3] =	stream.linear.gather [spmem:s21], $0x2400, $0x38;
	[tilespmem:$0x12D00] =	vst v63  }
0x18a: {  	_ =	swait.ge [sflag:s30], $0x2400  }
0x18b: {  	[sflag:s30] =	ssyncset.done $0x0  }
0x18c: {  	s11 =	rddreg [dreg:$0x9];
	[sflag:s30] =	ssyncadd.s32 $0xFFFFDC00  }
0x18d: {  	[hbm4b:s11+s1] =	stream.linear.scatter [tilespmem:s29], [sflag:$0x3], $0x2400, $0x38;
	[tilespmem:$0x12D00] =	vst v63  }
0x18e: {  	_ =	swait.ge [sflag:s30], $0x2400  }
0x18f: {  	[sflag:s30] =	ssyncset.done $0x0  }
0x190: {  	[sflag:s30] =	ssyncadd.s32 $0xFFFFDC00  }
0x191: {  	[tilespmem:s29], [sflag:$0x3] =	stream.linear.gather [spmem:s22], $0x2400, $0x38;
	[tilespmem:$0x12D00] =	vst v63  }
0x192: {  	_ =	swait.ge [sflag:s30], $0x2400  }
0x193: {  	[sflag:s30] =	ssyncset.done $0x0  }
0x194: {  	s28 =	rddreg [dreg:$0xa];
	[sflag:s30] =	ssyncadd.s32 $0xFFFFDC00  }
0x195: {  	[hbm4b:s28+s1] =	stream.linear.scatter [tilespmem:s29], [sflag:$0x3], $0x2400, $0x38;
	[tilespmem:$0x12D00] =	vst v63  }
0x196: {  	_ =	swait.ge [sflag:s30], $0x2400  }
0x197: {  	[sflag:s30] =	ssyncset.done $0x0  }
0x198: {  	[sflag:s30] =	ssyncadd.s32 $0xFFFFDC00  }
0x199: {  	[tilespmem:s29], [sflag:$0x3] =	stream.linear.gather [spmem:s23], $0x2400, $0x38;
	[tilespmem:$0x12D00] =	vst v63  }
0x19a: {  	_ =	swait.ge [sflag:s30], $0x2400  }
0x19b: {  	[sflag:s30] =	ssyncset.done $0x0  }
0x19c: {  	[sflag:s30] =	ssyncadd.s32 $0xFFFFDC00  }
0x19d: {  	[hbm4b:s12+s1] =	stream.linear.scatter [tilespmem:s29], [sflag:$0x3], $0x2400, $0x38;
	[tilespmem:$0x12D00] =	vst v63  }
0x19e: {  	_ =	swait.ge [sflag:s30], $0x2400  }
0x19f: {  	[sflag:s30] =	ssyncset.done $0x0  }
0x1a0: {  	[sflag:s30] =	ssyncadd.s32 $0xFFFFDC00  }
0x1a1: {  	[tilespmem:s29], [sflag:$0x3] =	stream.linear.gather [spmem:s24], $0x2400, $0x38;
	[tilespmem:$0x12D00] =	vst v63  }
0x1a2: {  	_ =	swait.ge [sflag:s30], $0x2400  }
0x1a3: {  	[sflag:s30] =	ssyncset.done $0x0  }
0x1a4: {  	[sflag:s30] =	ssyncadd.s32 $0xFFFFDC00  }
0x1a5: {  	[hbm4b:s13+s1] =	stream.linear.scatter [tilespmem:s29], [sflag:$0x3], $0x2400, $0x38;
	[tilespmem:$0x12D00] =	vst v63  }
0x1a6: {  	_ =	swait.ge [sflag:s30], $0x2400  }
0x1a7: {  	[sflag:s30] =	ssyncset.done $0x0  }
0x1a8: {  	[sflag:s30] =	ssyncadd.s32 $0xFFFFDC00  }
0x1a9: {  	[tilespmem:s29], [sflag:$0x3] =	stream.linear.gather [spmem:s25], $0x2400, $0x38;
	[tilespmem:$0x12D00] =	vst v63  }
0x1aa: {  	s7 =	sadd.s32 $0x1, s7;
	_ =	swait.ge [sflag:s30], $0x2400  }
0x1ab: {  	p0 =	sne.s32 s7, s26;
	[sflag:s30] =	ssyncset.done $0x0  }
.Ltmp2:
0x1ac: {  	[sflag:s30] =	ssyncadd.s32 $0xFFFFDC00;
	(pc) =	sbr.rel @p0 .LBB2_1-.Ltmp2, $4  }
0x1ad: {  	[hbm4b:s14+s1] =	stream.linear.scatter [tilespmem:s29], [sflag:$0x3], $0x2400, $0x38;
	[tilespmem:$0x12D00] =	vst v63  }
0x1ae: {  	_ =	swait.ge [sflag:s30], $0x2400  }
0x1af: {  	[sflag:s30] =	ssyncset.done $0x0  }
0x1b0: {  	[sflag:s30] =	ssyncadd.s32 $0xFFFFDC00  }
0x1b1: {  	_ =	sfence.sel $0x180000  }
0x1b2: {  	[bflag:$0x0] =	sbarrier.arrive $0xFFFF  }
0x1b3: {  	_ =	strace $0x9000004A  }
0x1b4: {  	s0 =	stileid.u32;
	[bflag:$0x2] =	sbarrier.arrive $0xFFFF  }
0x1b5: {  	p0 =	sne.s32 s0, $0x0;
	s0 =	rddreg [dreg:$0x2]  }
0x1b6: {  	s0 =	sadd.s32 @!p0 $0x100000, s0  }
0x1b7: {  	[sflag:s0] =	ssyncadd.tile.s32 @!p0 $0x1;
	_ =	shalt  }
.Lfunc_end2:
_tile_overlayer_lowered:
.L_overlay_start_2:
0x1b8: {  	(tag) =	ssettag $0x2  }
0x1b9: {  	s0 =	rddreg [dreg:$0x0];
	s2 =	stileid.u32  }
0x1ba: {  	s1 =	rddreg [dreg:$0x1];
	p0 =	sne.s32 s2, $0x0  }
0x1bb: {  	s3 =	rddreg [dreg:$0x2];
	[bflag:$0x3] =	sbarrier.arrive $0xFFFF;
	s2 =	simm.s32 @!p0 $0x1C03  }
0x1bc: {  	[timem:s3], [sflag:s2] =	dma.local @!p0 [hbm:s0], s1  }
0x1bd: {  	s0 =	simm.s32 @!p0 $0x3  }
0x1be: {  	_ =	swait.ge @!p0 [sflag:s0], s1  }
0x1bf: {  	s1 =	ssub.s32 @!p0 $0x0, s1;
	[sflag:s0] =	ssyncset.done @!p0 $0x0  }
0x1c0: {  	[sflag:s0] =	ssyncadd.s32 @!p0 s1  }
0x1c1: {  	[bflag:$0x3] =	sbarrier.arrive $0xFFFF  }
0x1c2: {  	_ =	shalt  }

// kernel: kernel.7.cloned.1.call-start
scs
__scs_entry_jumppad:
0x0: {  	(pc) =	sbr.rel $0x88, $3  }
0x1: {  	(tag) =	ssettag $0x0;
	lr =	simm.s32 $0x1  }
0x2: {  	[smem:$0x3F8C] =	sst lr;
	_ =	strace $0xD0000000  }
0x3: {  	_ = 	snop  }
0x4: {  	_ = 	snop  }
0x5: {  	_ = 	snop  }
0x6: {  	_ = 	snop  }
0x7: {  	_ = 	snop  }
__scs_overlays_trampoline_lowered:
0x8: {  	[smem:$0x3F9B] =	sst s0  }
0x9: {  	[smem:$0x3F9C] =	sst s1  }
0xa: {  	[smem:$0x3F9D] =	sst s2  }
0xb: {  	[smem:$0x3F9E] =	sst s3  }
0xc: {  	[smem:$0x3F9F] =	sst s4  }
0xd: {  	[smem:$0x3FA0] =	sst s5  }
0xe: {  	[smem:$0x3FA1] =	sst s6  }
0xf: {  	[smem:$0x3FA2] =	sst s7  }
0x10: {  	[smem:$0x3FA3] =	sst s8  }
0x11: {  	[smem:$0x3FA4] =	sst s9;
	s0 =	simm.s32 @!p0 $0x0  }
0x12: {  	s1 =	sld [smem:$0x3F8A];
	s0 =	simm.s32 @p0 $0x1  }
0x13: {  	[smem:$0x3FA5] =	sst s0;
	s0 =	simm.s32 @!p1 $0x0  }
0x14: {  	s2 =	sld [smem:$0x3F89];
	s0 =	simm.s32 @p1 $0x1  }
0x15: {  	[smem:$0x3FA6] =	sst s0;
	s0 =	simm.s32 @!p2 $0x0  }
0x16: {  	s3 =	sld [smem:$0x3FDB];
	s0 =	simm.s32 @p2 $0x1  }
0x17: {  	s4 =	simm.s32 $0x1BF5;
	[smem:$0x3FA8] =	sst s0  }
0x18: {  	s0 =	sld [smem:$0x3F8B];
	_ =	swait.ge [sflag:s4], $0x0  }
0x19: {  	s7 =	sld [smem:$0x3F8C]  }
0x1a: {  	s8 =	sadd.s32 $0xFFFFE003, lr  }
0x1b: {  	s9 =	sadd.s32 $0xFFFFFEF7, lr;
	s5 =	simm.s32 $0xFFFFFFFF;
	p2 =	slt.u32 s8, $0xFFFFF086  }
0x1c: {  	p1 =	slt.u32 s9, $0xF7A;
	s5 =	simm.s32 @!p2 $0x0  }
0x1d: {  	s5 =	simm.s32 @p1 $0x1;
	p0 =	seq.s32 s7, s2  }
0x1e: {  	s7 =	smul.u32 @!p0 $0xF7A, s2;
	p2 =	seq.s32 @!p0 s5, $0x0  }
0x1f: {  	s9 =	smul.u32 $0xF7A, s1;
	s8 =	simm.s32 @!p0 $0x1BF5;
	p2 =	por !p2, p0  }
0x20: {  	[sflag:s8] =	ssyncset.s32 @!p0 $0xFFFFF086;
	s6 =	sadd.s32 @!p0 s3, s7;
	s7 =	simm.s32 @!p0 $0x108  }
0x21: {  	s3 =	sadd.s32 s3, s9;
	s6 =	sadd.s32 @!p0 $0x88, s6;
	s7 =	simm.s32 @p2 $0x1082  }
0x22: {  	[simem:s7], [sflag:s8] =	dma.local @!p0 [hbm:s6], $0xF7A  }
0x23: {  	s9 =	sor.u32 $0xD0000000, s2;
	s6 =	simm.s32 $0x108;
	_ =	swait.ge @!p0 [sflag:s8], $0x0  }
0x24: {  	s3 =	sadd.s32 $0x88, s3;
	s6 =	simm.s32 @!p1 $0x1082;
	[sflag:s4] =	ssyncset.s32 $0xFFFFF086  }
0x25: {  	[simem:s6], [sflag:s4] =	dma.local [hbm:s3], $0xF7A  }
0x26: {  	[smem:$0x3F8C] =	sst s1;
	(tag) =	ssettag s2;
	_ =	strace s9  }
0x27: {  	s1 =	sld [smem:$0x3F9C]  }
0x28: {  	s2 =	sld [smem:$0x3F9D]  }
0x29: {  	s4 =	sld [smem:$0x3F9F]  }
0x2a: {  	p0 =	seq.s32 s5, $0x0;
	s5 =	sld [smem:$0x3FA0]  }
0x2b: {  	s6 =	sld [smem:$0x3FA1]  }
0x2c: {  	s7 =	sld [smem:$0x3FA2]  }
0x2d: {  	s3 =	simm.s32 $0x108;
	s8 =	sld [smem:$0x3FA3]  }
0x2e: {  	s3 =	simm.s32 @!p0 $0x1082;
	s9 =	sld [smem:$0x3FA4]  }
0x2f: {  	lr =	sadd.s32 s0, s3;
	s0 =	sld [smem:$0x3F9B]  }
0x30: {  	s3 =	sld [smem:$0x3F9E]  }
0x31: {  	[smem:$0x3FA7] =	sst s10  }
0x32: {  	s10 =	sld [smem:$0x3FA5];
	_ =	sdelay $0x3  }
0x33: {  	p0 =	seq.s32 s10, $0x1;
	s10 =	sld [smem:$0x3FA7];
	_ =	sdelay $0x3  }
0x34: {  	[smem:$0x3FA7] =	sst s10  }
0x35: {  	s10 =	sld [smem:$0x3FA6];
	_ =	sdelay $0x3  }
0x36: {  	p1 =	seq.s32 s10, $0x1;
	s10 =	sld [smem:$0x3FA7];
	_ =	sdelay $0x3  }
0x37: {  	[smem:$0x3FA7] =	sst s10  }
0x38: {  	s10 =	sld [smem:$0x3FA8]  }
0x39: {  	_ = 	snop;
	(pc) =	sbr.ind lr, $3  }
0x3a: {  	_ = 	snop  }
0x3b: {  	_ = 	snop  }
0x3c: {  	p2 =	seq.s32 s10, $0x1;
	s10 =	sld [smem:$0x3FA7]  }
0x3d: {  	_ =	shalt  }
0x3e: {  	_ =	shalt  }
0x3f: {  	_ =	shalt  }
0x40: {  	_ =	shalt  }
0x41: {  	_ =	shalt  }
0x42: {  	_ =	shalt  }
0x43: {  	_ =	shalt  }
0x44: {  	_ =	shalt  }
0x45: {  	_ =	shalt  }
0x46: {  	_ =	shalt  }
0x47: {  	_ =	shalt  }
0x48: {  	_ =	shalt  }
0x49: {  	_ =	shalt  }
0x4a: {  	_ =	shalt  }
0x4b: {  	_ =	shalt  }
0x4c: {  	_ =	shalt  }
0x4d: {  	_ =	shalt  }
0x4e: {  	_ =	shalt  }
0x4f: {  	_ =	shalt  }
0x50: {  	_ =	shalt  }
0x51: {  	_ =	shalt  }
0x52: {  	_ =	shalt  }
0x53: {  	_ =	shalt  }
0x54: {  	_ =	shalt  }
0x55: {  	_ =	shalt  }
0x56: {  	_ =	shalt  }
0x57: {  	_ =	shalt  }
0x58: {  	_ =	shalt  }
0x59: {  	_ =	shalt  }
0x5a: {  	_ =	shalt  }
0x5b: {  	_ =	shalt  }
0x5c: {  	_ =	shalt  }
0x5d: {  	_ =	shalt  }
0x5e: {  	_ =	shalt  }
0x5f: {  	_ =	shalt  }
0x60: {  	_ =	shalt  }
0x61: {  	_ =	shalt  }
0x62: {  	_ =	shalt  }
0x63: {  	_ =	shalt  }
0x64: {  	_ =	shalt  }
0x65: {  	_ =	shalt  }
0x66: {  	_ =	shalt  }
0x67: {  	_ =	shalt  }
0x68: {  	_ =	shalt  }
0x69: {  	_ =	shalt  }
0x6a: {  	_ =	shalt  }
0x6b: {  	_ =	shalt  }
0x6c: {  	_ =	shalt  }
0x6d: {  	_ =	shalt  }
0x6e: {  	_ =	shalt  }
0x6f: {  	_ =	shalt  }
0x70: {  	_ =	shalt  }
0x71: {  	_ =	shalt  }
0x72: {  	_ =	shalt  }
0x73: {  	_ =	shalt  }
0x74: {  	_ =	shalt  }
0x75: {  	_ =	shalt  }
0x76: {  	_ =	shalt  }
0x77: {  	_ =	shalt  }
0x78: {  	_ =	shalt  }
0x79: {  	_ =	shalt  }
0x7a: {  	_ =	shalt  }
0x7b: {  	_ =	shalt  }
0x7c: {  	_ =	shalt  }
0x7d: {  	_ =	shalt  }
0x7e: {  	_ =	shalt  }
0x7f: {  	_ =	shalt  }
0x80: {  	_ =	shalt  }
0x81: {  	_ =	shalt  }
0x82: {  	_ =	shalt  }
0x83: {  	_ =	shalt  }
0x84: {  	_ =	shalt  }
0x85: {  	_ =	shalt  }
0x86: {  	_ =	shalt  }
0x87: {  	_ =	shalt  }
.Lfunc_end0:
.L_simem_size_0:
called_computation_lowered:
.L_overlay_start_0:
0x88: {  	s2 =	sld [smem:$0x3FD9]  }
0x89: {  	s3 =	sld [smem:$0x3FFE];
	_ =	sdelay $0x1  }
0x8a: {  	s1 =	srdreg.scid  }
0x8b: {  	s0 =	sand.u32 $0x1, s1  }
0x8c: {  	s16 =	sshll.u32 s0, $0xA;
	s2 =	sadd.s32 s3, s2  }
0x8d: {  	s2 =	sadd.s32 s2, s16  }
0x8e: {  	[smem:$0x3FB3] =	sst s2  }
0x8f: {  	_ = 	snop  }
0x90: {  	(tm) =	ssettm $0x1  }
0x91: {  	s17 =	sld [smem:$0x3FFB];
	_ =	sdelay $0x3  }
0x92: {  	_ =	strace s17  }
0x93: {  	s2 =	sld [smem:$0x3FFC];
	_ =	sdelay $0x3  }
0x94: {  	_ =	strace s2  }
0x95: {  	s2 =	sld [smem:$0x3FFD];
	_ =	sdelay $0x3  }
0x96: {  	_ =	strace s2  }
0x97: {  	_ =	strace $0x8FFFFFFF  }
0x98: {  	s18 =	sld [smem:$0x3FDB];
	_ =	sdelay $0x1  }
0x99: {  	s19 =	simm.s32 $_scs_section_size  }
0x9a: {  	s4 =	simm.s32 $_size__tile_overlayer_lowered;
	s5 =	simm.s32 $_tile_overlayer_lowered  }
0x9b: {  	s22 =	simm.s32 $0x1BFF;
	s21 =	sshll.u32 s5, $0x1;
	s2 =	sadd.s32 s19, s18  }
0x9c: {  	s6 =	simm.s32 $0x0;
	s20 =	sshll.u32 s4, $0x1;
	s4 =	sadd.s32 s21, s2  }
0x9d: {  	[timem:s6], [sflag:s22] =	dma.local [hbm:s4], s20  }
0x9e: {  	_ =	swait.ge [sflag:s22], s20  }
0x9f: {  	s3 =	ssub.s32 $0x0, s20;
	[sflag:s22] =	ssyncset.done $0x0  }
0xa0: {  	[sflag:s22] =	ssyncadd.s32 s3;
	_ =	sdelay $0x1  }
0xa1: {  	s23 =	simm.s32 $0x1B8B  }
0xa2: {  	_ =	swait.ge [sflag:s23], $0x1  }
0xa3: {  	[sflag:s23] =	ssyncset.done $0x0  }
0xa4: {  	s25 =	simm.s32 $0x1B8E;
	s24 =	sld [smem:$0x3FFE];
	[sflag:s23] =	ssyncadd.s32 $0xFFFFFFFF  }
0xa5: {  	s26 =	simm.s32 $execute0_lowered;
	[smem:$0x3FD2] =	sst s25  }
0xa6: {  	s4 =	sshll.u32 s26, $0x1;
	_ =	strace $0x80000046;
	[dreg:$0x1] =	wrdreg $0xFFFFFFFF  }
0xa7: {  	s28 =	simm.s32 $_size_execute0_lowered;
	s2 =	sadd.s32 s2, s4;
	[dreg:$0x0] =	wrdreg $0x0  }
0xa8: {  	s4 =	sshll.u32 s28, $0x1;
	[dreg:$0x2] =	wrdreg s2  }
0xa9: {  	[dreg:$0x3] =	wrdreg s4  }
0xaa: {  	[dreg:$0x4] =	wrdreg $0xC0  }
0xab: {  	_ =	task [dreg:s6], $0x5FFFF  }
0xac: {  	[dreg:$0x1] =	wrdreg $0xFFFFFFFF  }
0xad: {  	[dreg:$0x0] =	wrdreg $0x60  }
0xae: {  	[dreg:$0x2] =	wrdreg s24  }
0xaf: {  	[dreg:$0x3] =	wrdreg $0x9  }
0xb0: {  	_ =	task.clear_ibuf [dreg:s6], $0x4FFFF;
	_ =	strace $0x90000046  }
0xb1: {  	s29 =	simm.s32 $0x9;
	_ =	strace $0x80000048  }
0xb2: {  	_ =	swait.ge [sflag:s29], $0x1  }
0xb3: {  	[sflag:s29] =	ssyncadd.s32 $0xFFFFFFFF  }
0xb4: {  	_ =	strace $0x90000048  }
0xb5: {  	_ =	sfence  }
0xb6: {  	s30 =	sld [smem:$0x0];
	_ =	sdelay $0x2  }
0xb7: {  	s31 =	sshll.u32 s1, $0xD;
	s1 =	sshrl.u32 s1, $0x2  }
0xb8: {  	s3 =	sand.u32 $0x4000, s31;
	s1 =	sadd.s32 s1, s30  }
0xb9: {  	s0 =	sor.u32 s3, s0;
	s1 =	sshll.u32 s1, $0x11  }
0xba: {  	s0 =	sor.u32 s1, s0  }
0xbb: {  	s0 =	sadd.s32 $0x8F2B, s0  }
0xbc: {  	[sflag:s0] =	ssyncadd.remote.s32 $0x1  }
0xbd: {  	_ =	sfence.sel $0xFFFF  }
0xbe: {  	[dreg:$0x0] =	wrdreg $0xFFFFFFFF;
	(pc) =	sbr.abs _section_cstart, $3  }
0xbf: {  	[dreg:$0x1] =	wrdreg $0xFFFFFFFF  }
0xc0: {  	_ =	task.clear_ibuf [dreg:s6], $0x2FFFF;
	_ =	strace $0x9FFFFFFF  }
0xc1: {  	(tm) =	ssettm $0x7FFFFFFF  }
tec
execute0_lowered:
.L_overlay_start_1:
0x0: {  	(tag) =	ssettag $0x1  }
0x1: {  	s0 =	rddreg [dreg:$0x0];
	s2 =	simm.s32 $0x0;
	s1 =	srdreg.scid  }
0x2: {  	s6 =	stileid.u32;
	[smem:$0x7FF] =	sst s2  }
0x3: {  	s1 =	sand.u32 $0x1, s1;
	s3 =	sshll.u32 s6, $0x1;
	s4 =	sadd.s32 $0x3F800, s0  }
0x4: {  	s15 =	sadd.s32 $0x4A00, s0;
	s14 =	sadd.s32 $0xE800, s0;
	s20 =	smul.u32 $0x4E20, s6  }
0x5: {  	s8 =	sadd.s32 $0x66A00, s0;
	s23 =	smul.u32 $0x4E200, s6;
	s5 =	sor.u32 s1, s3  }
0x6: {  	_ =	strace $0x80000047;
	s7 =	smul.u32 $0x138800, s5  }
0x7: {  	s3 =	sadd.s32 $0x18600, s0;
	s9 =	ssub.s32 $0x2, s1;
	s5 =	smul.u32 $0x2710, s5  }
0x8: {  	s0 =	sadd.s32 $0x548A00, s0;
	s22 =	smul.u32 $0x2710, s1;
	s6 =	smov.u32 s14  }
0x9: {  	s1 =	smul.u32 $0x27100, s1;
	s7 =	sshrl.u32 s7, $0x3;
	s17 =	sshrl.u32 s5, $0x3  }
0xa: {  	s10 =	sshrl.u32 s9, $0x1;
	s11 =	sadd.s32 $0x25800, s7;
	s28 =	sadd.s32 s15, s17  }
0xb: {  	s9 =	ssub.s32 s9, s10;
	s12 =	sadd.s32 s8, s11;
	[dreg:$0xe] =	wrdreg s28  }
0xc: {  	s18 =	sadd.s32 $0x25D00, s7;
	s11 =	sadd.s32 s0, s11;
	[dreg:$0x4] =	wrdreg s12  }
0xd: {  	s7 =	sadd.s32 $0x26200, s7;
	s13 =	sadd.s32 s8, s18;
	[dreg:$0x5] =	wrdreg s11  }
0xe: {  	s14 =	sadd.s32 $0x14, s17;
	s19 =	sadd.s32 s8, s7;
	[dreg:$0x6] =	wrdreg s13  }
0xf: {  	s7 =	sadd.s32 s0, s7;
	s28 =	smax.u32 s9, $0x1;
	[dreg:$0x8] =	wrdreg s19  }
0x10: {  	s11 =	sadd.s32 $0x2670, s5;
	s12 =	sadd.s32 s0, s18;
	[dreg:$0x9] =	wrdreg s7  }
0x11: {  	s5 =	sadd.s32 $0x26C0, s5;
	s13 =	sadd.s32 $0xA, s17;
	[dreg:$0x18] =	wrdreg s28  }
0x12: {  	s18 =	sadd.s32 s15, s14;
	s19 =	sadd.s32 s6, s14;
	[dreg:$0x7] =	wrdreg s12  }
0x13: {  	s14 =	simm.s32 $0x100;
	s21 =	sshll.u32 s11, $0x4;
	[dreg:$0x12] =	wrdreg s18  }
0x14: {  	s24 =	sshll.u32 s5, $0x4;
	s12 =	sadd.s32 s22, s20;
	[dreg:$0x13] =	wrdreg s19  }
0x15: {  	s20 =	sshrl.u32 s11, $0x3;
	s18 =	simm.s32 $0x1;
	s16 =	sadd.s32 s8, s21  }
0x16: {  	s19 =	simm.s32 $0x4;
	s7 =	sadd.s32 s0, s21;
	[dreg:$0xa] =	wrdreg s16  }
0x17: {  	s25 =	sadd.s32 s8, s24;
	s26 =	sadd.s32 s0, s24;
	[dreg:$0xb] =	wrdreg s7  }
0x18: {  	s8 =	sadd.s32 s23, s8;
	s0 =	sadd.s32 s23, s0;
	[dreg:$0xc] =	wrdreg s25  }
0x19: {  	s21 =	sshrl.u32 s5, $0x3;
	s22 =	sadd.s32 s15, s20;
	[dreg:$0xd] =	wrdreg s26  }
0x1a: {  	s31 =	sadd.s32 s1, s8;
	s8 =	sadd.s32 s6, s17;
	[dreg:$0x14] =	wrdreg s22  }
0x1b: {  	s0 =	sadd.s32 s1, s0;
	s16 =	sadd.s32 s15, s13;
	[dreg:$0x2] =	wrdreg s31  }
0x1c: {  	s17 =	sadd.s32 s6, s13;
	s23 =	sadd.s32 s15, s21;
	[dreg:$0xf] =	wrdreg s8  }
0x1d: {  	s24 =	sadd.s32 s6, s21;
	s25 =	sadd.s32 $0x190, s12;
	[dreg:$0x3] =	wrdreg s0  }
0x1e: {  	s26 =	sadd.s32 $0x140, s12;
	s1 =	smov.u32 s15;
	[dreg:$0x10] =	wrdreg s16  }
0x1f: {  	s7 =	simm.s32 $0x50;
	s13 =	simm.s32 $0xA300;
	[dreg:$0x11] =	wrdreg s17  }
0x20: {  	s15 =	simm.s32 $0x280;
	s21 =	simm.s32 $0x5;
	[dreg:$0x16] =	wrdreg s23  }
0x21: {  	s22 =	simm.s32 $0x3;
	s0 =	sadd.s32 s6, s20;
	[dreg:$0x17] =	wrdreg s24  }
0x22: {  	s29 =	sshrl.u32 s25, $0x3;
	s30 =	sshrl.u32 s26, $0x3;
	s31 =	sadd.s32 $0xF0, s12  }
0x23: {  	s12 =	simm.s32 $0x2B00;
	s16 =	simm.s32 $0x5300;
	s17 =	simm.s32 $0xCB00  }
0x24: {  	s20 =	simm.s32 $0x2;
	s23 =	simm.s32 $0x6;
	[dreg:$0x15] =	wrdreg s0  }
0x25: {  	s8 =	simm.s32 $0x0;
	[dreg:$0x19] =	wrdreg s31;
	s0 =	simm.s32 $0x7  }
.LBB2_1:
0x26: {  	[dreg:$0x1a] =	wrdreg s8  }
0x27: {  	s5 =	rddreg [dreg:$0xe]  }
0x28: {  	[tilespmem:s2], [sflag:$0x7] =	stream.linear.gather [hbm4b:s5+s2], $0x50, $0x38;
	[tilespmem:$0xF300] =	vst v63  }
0x29: {  	_ =	swait.ge [sflag:s0], $0x50  }
0x2a: {  	[sflag:s0] =	ssyncset.done $0x0  }
0x2b: {  	s9 =	simm.s32 $0x180;
	s26 =	rddreg [dreg:$0xf];
	[sflag:s0] =	ssyncadd.s32 $0xFFFFFFB0  }
0x2c: {  	[tilespmem:s9], [sflag:$0x7] =	stream.linear.gather [hbm4b:s26+s2], $0x50, $0x38;
	[tilespmem:$0xF300] =	vst v63  }
0x2d: {  	_ =	swait.ge [sflag:s0], $0x50  }
0x2e: {  	[sflag:s0] =	ssyncset.done $0x0  }
0x2f: {  	s28 =	simm.s32 $0x300;
	[sflag:s0] =	ssyncadd.s32 $0xFFFFFFB0  }
0x30: {  	[tilespmem:s28], [sflag:$0x1] =	stream.indirect.gather [hbm4b:s3+s7], $0x80, s2, s7, $0xb8;
	[tilespmem:$0xF300] =	vst v63  }
0x31: {  	s10 =	simm.s32 $0x7B00  }
0x32: {  	[tilespmem:s10], [sflag:$0x4] =	stream.indirect.gather [hbm4b:s4+s7], $0x80, s9, s7, $0xb8;
	[tilespmem:$0xF300] =	vst v63  }
0x33: {  	s11 =	simm.s32 $0x80;
	s8 =	rddreg [dreg:$0x10]  }
0x34: {  	[tilespmem:s11], [sflag:$0x7] =	stream.linear.gather [hbm4b:s8+s2], $0x50, $0x38;
	[tilespmem:$0xF300] =	vst v63  }
0x35: {  	_ =	swait.ge [sflag:s0], $0x50  }
0x36: {  	[sflag:s0] =	ssyncset.done $0x0  }
0x37: {  	s31 =	simm.s32 $0x200;
	s24 =	rddreg [dreg:$0x11];
	[sflag:s0] =	ssyncadd.s32 $0xFFFFFFB0  }
0x38: {  	[tilespmem:s31], [sflag:$0x7] =	stream.linear.gather [hbm4b:s24+s2], $0x50, $0x38;
	[tilespmem:$0xF300] =	vst v63  }
0x39: {  	_ =	swait.ge [sflag:s0], $0x50  }
0x3a: {  	[sflag:s0] =	ssyncset.done $0x0  }
0x3b: {  	[sflag:s0] =	ssyncadd.s32 $0xFFFFFFB0  }
0x3c: {  	[tilespmem:s12], [sflag:$0x2] =	stream.indirect.gather [hbm4b:s3+s7], $0x80, s11, s7, $0xb8;
	[tilespmem:$0xF300] =	vst v63  }
0x3d: {  	_ = 	snop  }
0x3e: {  	[tilespmem:s13], [sflag:$0x5] =	stream.indirect.gather [hbm4b:s4+s7], $0x80, s31, s7, $0xb8;
	[tilespmem:$0xF300] =	vst v63  }
0x3f: {  	s25 =	rddreg [dreg:$0x12]  }
0x40: {  	[tilespmem:s14], [sflag:$0x7] =	stream.linear.gather [hbm4b:s25+s2], $0x50, $0x38;
	[tilespmem:$0xF300] =	vst v63  }
0x41: {  	_ =	swait.ge [sflag:s0], $0x50  }
0x42: {  	[sflag:s0] =	ssyncset.done $0x0  }
0x43: {  	s26 =	rddreg [dreg:$0x13];
	[sflag:s0] =	ssyncadd.s32 $0xFFFFFFB0  }
0x44: {  	[tilespmem:s15], [sflag:$0x7] =	stream.linear.gather [hbm4b:s26+s2], $0x50, $0x38;
	[tilespmem:$0xF300] =	vst v63  }
0x45: {  	_ =	swait.ge [sflag:s0], $0x50  }
0x46: {  	[sflag:s0] =	ssyncset.done $0x0  }
0x47: {  	[sflag:s0] =	ssyncadd.s32 $0xFFFFFFB0  }
0x48: {  	[tilespmem:s16], [sflag:$0x3] =	stream.indirect.gather [hbm4b:s3+s7], $0x80, s14, s7, $0xb8;
	[tilespmem:$0xF300] =	vst v63  }
0x49: {  	_ = 	snop  }
0x4a: {  	[tilespmem:s17], [sflag:$0x6] =	stream.indirect.gather [hbm4b:s4+s7], $0x80, s15, s7, $0xb8;
	[tilespmem:$0xF300] =	vst v63  }
0x4b: {  	_ =	swait.ge [sflag:s18], $0x2800  }
0x4c: {  	[sflag:s18] =	ssyncset.done $0x0  }
0x4d: {  	[sflag:s18] =	ssyncadd.s32 $0xFFFFD800  }
0x4e: {  	_ =	swait.ge [sflag:s19], $0x2800  }
0x4f: {  	s8 =	rddreg [dreg:$0x2];
	[sflag:s19] =	ssyncset.done $0x0  }
0x50: {  	[sflag:s19] =	ssyncadd.s32 $0xFFFFD800;
	s5 =	sadd.s32 $0x0, s8  }
0x51: {  	[hbm4b:s5+s2] =	stream.linear.scatter [tilespmem:s28], [sflag:$0x7], $0x2800, $0x38;
	[tilespmem:$0xF300] =	vst v63  }
0x52: {  	_ =	swait.ge [sflag:s0], $0x2800  }
0x53: {  	s24 =	rddreg [dreg:$0x3];
	[sflag:s0] =	ssyncset.done $0x0  }
0x54: {  	[sflag:s0] =	ssyncadd.s32 $0xFFFFD800;
	s24 =	sadd.s32 $0x0, s24  }
0x55: {  	[hbm4b:s24+s2] =	stream.linear.scatter [tilespmem:s10], [sflag:$0x7], $0x2800, $0x38;
	[tilespmem:$0xF300] =	vst v63  }
0x56: {  	_ =	swait.ge [sflag:s0], $0x2800  }
0x57: {  	s8 =	rddreg [dreg:$0x19]  }
0x58: {  	[sflag:s0] =	ssyncset.done $0x0;
	s25 =	sshrl.u32 s8, $0x3  }
0x59: {  	[sflag:s0] =	ssyncadd.s32 $0xFFFFD800;
	s26 =	sadd.s32 s1, s25  }
0x5a: {  	[tilespmem:s2], [sflag:$0x7] =	stream.linear.gather [hbm4b:s26+s2], $0x50, $0x38;
	[tilespmem:$0xF300] =	vst v63  }
0x5b: {  	_ =	swait.ge [sflag:s0], $0x50  }
0x5c: {  	[sflag:s0] =	ssyncset.done $0x0  }
0x5d: {  	s25 =	sadd.s32 s6, s25;
	[sflag:s0] =	ssyncadd.s32 $0xFFFFFFB0  }
0x5e: {  	[tilespmem:s9], [sflag:$0x7] =	stream.linear.gather [hbm4b:s25+s2], $0x50, $0x38;
	[tilespmem:$0xF300] =	vst v63  }
0x5f: {  	_ =	swait.ge [sflag:s0], $0x50  }
0x60: {  	[sflag:s0] =	ssyncset.done $0x0  }
0x61: {  	[sflag:s0] =	ssyncadd.s32 $0xFFFFFFB0  }
0x62: {  	[tilespmem:s28], [sflag:$0x1] =	stream.indirect.gather [hbm4b:s3+s7], $0x80, s2, s7, $0xb8;
	[tilespmem:$0xF300] =	vst v63  }
0x63: {  	_ = 	snop  }
0x64: {  	[tilespmem:s10], [sflag:$0x4] =	stream.indirect.gather [hbm4b:s4+s7], $0x80, s9, s7, $0xb8;
	[tilespmem:$0xF300] =	vst v63  }
0x65: {  	_ =	swait.ge [sflag:s20], $0x2800  }
0x66: {  	[sflag:s20] =	ssyncset.done $0x0  }
0x67: {  	[sflag:s20] =	ssyncadd.s32 $0xFFFFD800  }
0x68: {  	_ =	swait.ge [sflag:s21], $0x2800  }
0x69: {  	[sflag:s21] =	ssyncset.done $0x0  }
0x6a: {  	s10 =	sadd.s32 $0x500, s5;
	[sflag:s21] =	ssyncadd.s32 $0xFFFFD800  }
0x6b: {  	[hbm4b:s10+s2] =	stream.linear.scatter [tilespmem:s12], [sflag:$0x7], $0x2800, $0x38;
	[tilespmem:$0xF300] =	vst v63  }
0x6c: {  	_ =	swait.ge [sflag:s0], $0x2800  }
0x6d: {  	[sflag:s0] =	ssyncset.done $0x0  }
0x6e: {  	s26 =	sadd.s32 $0x500, s24;
	[sflag:s0] =	ssyncadd.s32 $0xFFFFD800  }
0x6f: {  	[hbm4b:s26+s2] =	stream.linear.scatter [tilespmem:s13], [sflag:$0x7], $0x2800, $0x38;
	[tilespmem:$0xF300] =	vst v63  }
0x70: {  	_ =	swait.ge [sflag:s0], $0x2800  }
0x71: {  	[sflag:s0] =	ssyncset.done $0x0  }
0x72: {  	s9 =	sadd.s32 s1, s30;
	[sflag:s0] =	ssyncadd.s32 $0xFFFFD800  }
0x73: {  	[tilespmem:s11], [sflag:$0x7] =	stream.linear.gather [hbm4b:s9+s2], $0x50, $0x38;
	[tilespmem:$0xF300] =	vst v63  }
0x74: {  	_ =	swait.ge [sflag:s0], $0x50  }
0x75: {  	[sflag:s0] =	ssyncset.done $0x0  }
0x76: {  	s10 =	sadd.s32 s6, s30;
	[sflag:s0] =	ssyncadd.s32 $0xFFFFFFB0  }
0x77: {  	[tilespmem:s31], [sflag:$0x7] =	stream.linear.gather [hbm4b:s10+s2], $0x50, $0x38;
	[tilespmem:$0xF300] =	vst v63  }
0x78: {  	_ =	swait.ge [sflag:s0], $0x50  }
0x79: {  	[sflag:s0] =	ssyncset.done $0x0  }
0x7a: {  	[sflag:s0] =	ssyncadd.s32 $0xFFFFFFB0  }
0x7b: {  	[tilespmem:s12], [sflag:$0x2] =	stream.indirect.gather [hbm4b:s3+s7], $0x80, s11, s7, $0xb8;
	[tilespmem:$0xF300] =	vst v63  }
0x7c: {  	_ = 	snop  }
0x7d: {  	[tilespmem:s13], [sflag:$0x5] =	stream.indirect.gather [hbm4b:s4+s7], $0x80, s31, s7, $0xb8;
	[tilespmem:$0xF300] =	vst v63  }
0x7e: {  	_ =	swait.ge [sflag:s22], $0x2800  }
0x7f: {  	[sflag:s22] =	ssyncset.done $0x0  }
0x80: {  	[sflag:s22] =	ssyncadd.s32 $0xFFFFD800  }
0x81: {  	_ =	swait.ge [sflag:s23], $0x2800  }
0x82: {  	[sflag:s23] =	ssyncset.done $0x0  }
0x83: {  	s5 =	sadd.s32 $0xA00, s5;
	[sflag:s23] =	ssyncadd.s32 $0xFFFFD800  }
0x84: {  	[hbm4b:s5+s2] =	stream.linear.scatter [tilespmem:s16], [sflag:$0x7], $0x2800, $0x38;
	[tilespmem:$0xF300] =	vst v63  }
0x85: {  	_ =	swait.ge [sflag:s0], $0x2800  }
0x86: {  	[sflag:s0] =	ssyncset.done $0x0  }
0x87: {  	s24 =	sadd.s32 $0xA00, s24;
	[sflag:s0] =	ssyncadd.s32 $0xFFFFD800  }
0x88: {  	[hbm4b:s24+s2] =	stream.linear.scatter [tilespmem:s17], [sflag:$0x7], $0x2800, $0x38;
	[tilespmem:$0xF300] =	vst v63  }
0x89: {  	_ =	swait.ge [sflag:s0], $0x2800  }
0x8a: {  	[sflag:s0] =	ssyncset.done $0x0  }
0x8b: {  	s25 =	sadd.s32 s1, s29;
	[sflag:s0] =	ssyncadd.s32 $0xFFFFD800  }
0x8c: {  	[tilespmem:s14], [sflag:$0x7] =	stream.linear.gather [hbm4b:s25+s2], $0x50, $0x38;
	[tilespmem:$0xF300] =	vst v63  }
0x8d: {  	_ =	swait.ge [sflag:s0], $0x50  }
0x8e: {  	[sflag:s0] =	ssyncset.done $0x0  }
0x8f: {  	s26 =	sadd.s32 s6, s29;
	[sflag:s0] =	ssyncadd.s32 $0xFFFFFFB0  }
0x90: {  	[tilespmem:s15], [sflag:$0x7] =	stream.linear.gather [hbm4b:s26+s2], $0x50, $0x38;
	[tilespmem:$0xF300] =	vst v63  }
0x91: {  	_ =	swait.ge [sflag:s0], $0x50  }
0x92: {  	s28 =	sadd.s32 $0x1E, s1;
	s31 =	sadd.s32 $0xF0, s8;
	[sflag:s0] =	ssyncset.done $0x0  }
0x93: {  	s25 =	simm.s32 $0xF00;
	s26 =	sadd.s32 $0x1E, s6;
	[sflag:s0] =	ssyncadd.s32 $0xFFFFFFB0  }
0x94: {  	[tilespmem:s16], [sflag:$0x3] =	stream.indirect.gather [hbm4b:s3+s7], $0x80, s14, s7, $0xb8;
	[tilespmem:$0xF300] =	vst v63  }
.LBB2_2:
0x95: {  	[tilespmem:s17], [sflag:$0x6] =	stream.indirect.gather [hbm4b:s4+s7], $0x80, s15, s7, $0xb8;
	[tilespmem:$0xF300] =	vst v63  }
0x96: {  	_ =	swait.ge [sflag:s18], $0x2800  }
0x97: {  	[sflag:s18] =	ssyncset.done $0x0  }
0x98: {  	[sflag:s18] =	ssyncadd.s32 $0xFFFFD800  }
0x99: {  	_ =	swait.ge [sflag:s19], $0x2800  }
0x9a: {  	s5 =	smov.u32 s25;
	s24 =	rddreg [dreg:$0x2];
	[sflag:s19] =	ssyncset.done $0x0  }
0x9b: {  	s10 =	simm.s32 $0x300;
	[sflag:s19] =	ssyncadd.s32 $0xFFFFD800;
	s24 =	sadd.s32 s5, s24  }
0x9c: {  	[hbm4b:s24+s2] =	stream.linear.scatter [tilespmem:s10], [sflag:$0x7], $0x2800, $0x38;
	[tilespmem:$0xF300] =	vst v63  }
0x9d: {  	_ =	swait.ge [sflag:s0], $0x2800  }
0x9e: {  	s8 =	rddreg [dreg:$0x3];
	[sflag:s0] =	ssyncset.done $0x0  }
0x9f: {  	s11 =	simm.s32 $0x7B00;
	[sflag:s0] =	ssyncadd.s32 $0xFFFFD800;
	s5 =	sadd.s32 s5, s8  }
0xa0: {  	[hbm4b:s5+s2] =	stream.linear.scatter [tilespmem:s11], [sflag:$0x7], $0x2800, $0x38;
	[tilespmem:$0xF300] =	vst v63  }
0xa1: {  	_ =	swait.ge [sflag:s0], $0x2800  }
0xa2: {  	s9 =	smov.u32 s6;
	s6 =	sshrl.u32 s31, $0x3;
	[sflag:s0] =	ssyncset.done $0x0  }
0xa3: {  	s8 =	smov.u32 s1;
	s1 =	sadd.s32 s1, s6;
	[sflag:s0] =	ssyncadd.s32 $0xFFFFD800  }
0xa4: {  	[tilespmem:s2], [sflag:$0x7] =	stream.linear.gather [hbm4b:s1+s2], $0x50, $0x38;
	[tilespmem:$0xF300] =	vst v63  }
0xa5: {  	_ =	swait.ge [sflag:s0], $0x50  }
0xa6: {  	s1 =	sadd.s32 s9, s6;
	[sflag:s0] =	ssyncset.done $0x0  }
0xa7: {  	s6 =	smov.u32 s9;
	s9 =	simm.s32 $0x180;
	[sflag:s0] =	ssyncadd.s32 $0xFFFFFFB0  }
0xa8: {  	[tilespmem:s9], [sflag:$0x7] =	stream.linear.gather [hbm4b:s1+s2], $0x50, $0x38;
	[tilespmem:$0xF300] =	vst v63  }
0xa9: {  	_ =	swait.ge [sflag:s0], $0x50  }
0xaa: {  	[sflag:s0] =	ssyncset.done $0x0  }
0xab: {  	[sflag:s0] =	ssyncadd.s32 $0xFFFFFFB0  }
0xac: {  	[tilespmem:s10], [sflag:$0x1] =	stream.indirect.gather [hbm4b:s3+s7], $0x80, s2, s7, $0xb8;
	[tilespmem:$0xF300] =	vst v63  }
0xad: {  	_ = 	snop  }
0xae: {  	[tilespmem:s11], [sflag:$0x4] =	stream.indirect.gather [hbm4b:s4+s7], $0x80, s9, s7, $0xb8;
	[tilespmem:$0xF300] =	vst v63  }
0xaf: {  	_ =	swait.ge [sflag:s20], $0x2800  }
0xb0: {  	[sflag:s20] =	ssyncset.done $0x0  }
0xb1: {  	[sflag:s20] =	ssyncadd.s32 $0xFFFFD800  }
0xb2: {  	_ =	swait.ge [sflag:s21], $0x2800  }
0xb3: {  	[sflag:s21] =	ssyncset.done $0x0  }
0xb4: {  	s9 =	sadd.s32 $0x500, s24;
	[sflag:s21] =	ssyncadd.s32 $0xFFFFD800  }
0xb5: {  	[hbm4b:s9+s2] =	stream.linear.scatter [tilespmem:s12], [sflag:$0x7], $0x2800, $0x38;
	[tilespmem:$0xF300] =	vst v63  }
0xb6: {  	_ =	swait.ge [sflag:s0], $0x2800  }
0xb7: {  	[sflag:s0] =	ssyncset.done $0x0  }
0xb8: {  	s10 =	sadd.s32 $0x500, s5;
	[sflag:s0] =	ssyncadd.s32 $0xFFFFD800  }
0xb9: {  	[hbm4b:s10+s2] =	stream.linear.scatter [tilespmem:s13], [sflag:$0x7], $0x2800, $0x38;
	[tilespmem:$0xF300] =	vst v63  }
0xba: {  	_ =	swait.ge [sflag:s0], $0x2800  }
0xbb: {  	[sflag:s0] =	ssyncset.done $0x0  }
0xbc: {  	s11 =	sadd.s32 s28, s30;
	s9 =	simm.s32 $0x80;
	[sflag:s0] =	ssyncadd.s32 $0xFFFFD800  }
0xbd: {  	[tilespmem:s9], [sflag:$0x7] =	stream.linear.gather [hbm4b:s11+s2], $0x50, $0x38;
	[tilespmem:$0xF300] =	vst v63  }
0xbe: {  	_ =	swait.ge [sflag:s0], $0x50  }
0xbf: {  	[sflag:s0] =	ssyncset.done $0x0  }
0xc0: {  	s10 =	sadd.s32 s26, s30;
	s11 =	simm.s32 $0x200;
	[sflag:s0] =	ssyncadd.s32 $0xFFFFFFB0  }
0xc1: {  	[tilespmem:s11], [sflag:$0x7] =	stream.linear.gather [hbm4b:s10+s2], $0x50, $0x38;
	[tilespmem:$0xF300] =	vst v63  }
0xc2: {  	_ =	swait.ge [sflag:s0], $0x50  }
0xc3: {  	[sflag:s0] =	ssyncset.done $0x0  }
0xc4: {  	[sflag:s0] =	ssyncadd.s32 $0xFFFFFFB0  }
0xc5: {  	[tilespmem:s12], [sflag:$0x2] =	stream.indirect.gather [hbm4b:s3+s7], $0x80, s9, s7, $0xb8;
	[tilespmem:$0xF300] =	vst v63  }
0xc6: {  	_ = 	snop  }
0xc7: {  	[tilespmem:s13], [sflag:$0x5] =	stream.indirect.gather [hbm4b:s4+s7], $0x80, s11, s7, $0xb8;
	[tilespmem:$0xF300] =	vst v63  }
0xc8: {  	_ =	swait.ge [sflag:s22], $0x2800  }
0xc9: {  	[sflag:s22] =	ssyncset.done $0x0  }
0xca: {  	[sflag:s22] =	ssyncadd.s32 $0xFFFFD800  }
0xcb: {  	_ =	swait.ge [sflag:s23], $0x2800  }
0xcc: {  	[sflag:s23] =	ssyncset.done $0x0  }
0xcd: {  	s9 =	sadd.s32 $0xA00, s24;
	[sflag:s23] =	ssyncadd.s32 $0xFFFFD800  }
0xce: {  	[hbm4b:s9+s2] =	stream.linear.scatter [tilespmem:s16], [sflag:$0x7], $0x2800, $0x38;
	[tilespmem:$0xF300] =	vst v63  }
0xcf: {  	_ =	swait.ge [sflag:s0], $0x2800  }
0xd0: {  	[sflag:s0] =	ssyncset.done $0x0  }
0xd1: {  	s10 =	sadd.s32 $0xA00, s5;
	[sflag:s0] =	ssyncadd.s32 $0xFFFFD800  }
0xd2: {  	[hbm4b:s10+s2] =	stream.linear.scatter [tilespmem:s17], [sflag:$0x7], $0x2800, $0x38;
	[tilespmem:$0xF300] =	vst v63  }
0xd3: {  	_ =	swait.ge [sflag:s0], $0x2800  }
0xd4: {  	[sflag:s0] =	ssyncset.done $0x0  }
0xd5: {  	s11 =	sadd.s32 s28, s29;
	[sflag:s0] =	ssyncadd.s32 $0xFFFFD800  }
0xd6: {  	[tilespmem:s14], [sflag:$0x7] =	stream.linear.gather [hbm4b:s11+s2], $0x50, $0x38;
	[tilespmem:$0xF300] =	vst v63  }
0xd7: {  	_ =	swait.ge [sflag:s0], $0x50  }
0xd8: {  	[sflag:s0] =	ssyncset.done $0x0  }
0xd9: {  	p0 =	sne.s32 s25, $0x24900;
	s24 =	sadd.s32 s26, s29;
	[sflag:s0] =	ssyncadd.s32 $0xFFFFFFB0  }
0xda: {  	[tilespmem:s15], [sflag:$0x7] =	stream.linear.gather [hbm4b:s24+s2], $0x50, $0x38;
	[tilespmem:$0xF300] =	vst v63  }
.Ltmp0:
0xdb: {  	_ = 	snop;
	(pc) =	sbr.rel @p0 .LBB2_2-.Ltmp0, $4  }
0xdc: {  	s25 =	sadd.s32 $0xF00, s25;
	_ =	swait.ge [sflag:s0], $0x50  }
0xdd: {  	s31 =	sadd.s32 $0xF0, s31;
	s1 =	smov.u32 s8;
	[sflag:s0] =	ssyncset.done $0x0  }
0xde: {  	s26 =	sadd.s32 $0x1E, s26;
	s28 =	sadd.s32 $0x1E, s28;
	[sflag:s0] =	ssyncadd.s32 $0xFFFFFFB0  }
0xdf: {  	[tilespmem:s16], [sflag:$0x3] =	stream.indirect.gather [hbm4b:s3+s7], $0x80, s14, s7, $0xb8;
	[tilespmem:$0xF300] =	vst v63  }
0xe0: {  	[tilespmem:s17], [sflag:$0x6] =	stream.indirect.gather [hbm4b:s4+s7], $0x80, s15, s7, $0xb8;
	[tilespmem:$0xF300] =	vst v63  }
0xe1: {  	_ =	swait.ge [sflag:s18], $0x2800  }
0xe2: {  	[sflag:s18] =	ssyncset.done $0x0  }
0xe3: {  	[sflag:s18] =	ssyncadd.s32 $0xFFFFD800  }
0xe4: {  	_ =	swait.ge [sflag:s19], $0x2800  }
0xe5: {  	[sflag:s19] =	ssyncset.done $0x0  }
0xe6: {  	s9 =	simm.s32 $0x300;
	s5 =	rddreg [dreg:$0x4];
	[sflag:s19] =	ssyncadd.s32 $0xFFFFD800  }
0xe7: {  	[hbm4b:s5+s2] =	stream.linear.scatter [tilespmem:s9], [sflag:$0x7], $0x2800, $0x38;
	[tilespmem:$0xF300] =	vst v63  }
0xe8: {  	_ =	swait.ge [sflag:s0], $0x2800  }
0xe9: {  	[sflag:s0] =	ssyncset.done $0x0  }
0xea: {  	s10 =	simm.s32 $0x7B00;
	s26 =	rddreg [dreg:$0x5];
	[sflag:s0] =	ssyncadd.s32 $0xFFFFD800  }
0xeb: {  	[hbm4b:s26+s2] =	stream.linear.scatter [tilespmem:s10], [sflag:$0x7], $0x2800, $0x38;
	[tilespmem:$0xF300] =	vst v63  }
0xec: {  	_ =	swait.ge [sflag:s0], $0x2800  }
0xed: {  	[sflag:s0] =	ssyncset.done $0x0  }
0xee: {  	s28 =	rddreg [dreg:$0x14];
	[sflag:s0] =	ssyncadd.s32 $0xFFFFD800  }
0xef: {  	[tilespmem:s2], [sflag:$0x7] =	stream.linear.gather [hbm4b:s28+s2], $0x50, $0x38;
	[tilespmem:$0xF300] =	vst v63  }
0xf0: {  	_ =	swait.ge [sflag:s0], $0x50  }
0xf1: {  	[sflag:s0] =	ssyncset.done $0x0  }
0xf2: {  	s8 =	simm.s32 $0x180;
	s31 =	rddreg [dreg:$0x15];
	[sflag:s0] =	ssyncadd.s32 $0xFFFFFFB0  }
0xf3: {  	[tilespmem:s8], [sflag:$0x7] =	stream.linear.gather [hbm4b:s31+s2], $0x50, $0x38;
	[tilespmem:$0xF300] =	vst v63  }
0xf4: {  	_ =	swait.ge [sflag:s0], $0x50  }
0xf5: {  	[sflag:s0] =	ssyncset.done $0x0  }
0xf6: {  	[sflag:s0] =	ssyncadd.s32 $0xFFFFFFB0  }
0xf7: {  	[tilespmem:s9], [sflag:$0x1] =	stream.indirect.gather [hbm4b:s3+s7], $0x80, s2, s7, $0xb8;
	[tilespmem:$0xF300] =	vst v63  }
0xf8: {  	_ = 	snop  }
0xf9: {  	[tilespmem:s10], [sflag:$0x4] =	stream.indirect.gather [hbm4b:s4+s7], $0x80, s8, s7, $0xb8;
	[tilespmem:$0xF300] =	vst v63  }
0xfa: {  	_ =	swait.ge [sflag:s20], $0x2800  }
0xfb: {  	[sflag:s20] =	ssyncset.done $0x0  }
0xfc: {  	[sflag:s20] =	ssyncadd.s32 $0xFFFFD800  }
0xfd: {  	_ =	swait.ge [sflag:s21], $0x2800  }
0xfe: {  	[sflag:s21] =	ssyncset.done $0x0  }
0xff: {  	s11 =	rddreg [dreg:$0x6];
	[sflag:s21] =	ssyncadd.s32 $0xFFFFD800  }
0x100: {  	[hbm4b:s11+s2] =	stream.linear.scatter [tilespmem:s12], [sflag:$0x7], $0x2800, $0x38;
	[tilespmem:$0xF300] =	vst v63  }
0x101: {  	_ =	swait.ge [sflag:s0], $0x2800  }
0x102: {  	[sflag:s0] =	ssyncset.done $0x0  }
0x103: {  	s24 =	rddreg [dreg:$0x7];
	[sflag:s0] =	ssyncadd.s32 $0xFFFFD800  }
0x104: {  	[hbm4b:s24+s2] =	stream.linear.scatter [tilespmem:s13], [sflag:$0x7], $0x2800, $0x38;
	[tilespmem:$0xF300] =	vst v63  }
0x105: {  	_ =	swait.ge [sflag:s0], $0x2800  }
0x106: {  	[sflag:s0] =	ssyncset.done $0x0  }
0x107: {  	s26 =	simm.s32 $0x80;
	s25 =	rddreg [dreg:$0x16];
	[sflag:s0] =	ssyncadd.s32 $0xFFFFD800  }
0x108: {  	[tilespmem:s26], [sflag:$0x7] =	stream.linear.gather [hbm4b:s25+s2], $0x50, $0x38;
	[tilespmem:$0xF300] =	vst v63  }
0x109: {  	_ =	swait.ge [sflag:s0], $0x50  }
0x10a: {  	[sflag:s0] =	ssyncset.done $0x0  }
0x10b: {  	s11 =	simm.s32 $0x200;
	s28 =	rddreg [dreg:$0x17];
	[sflag:s0] =	ssyncadd.s32 $0xFFFFFFB0  }
0x10c: {  	[tilespmem:s11], [sflag:$0x7] =	stream.linear.gather [hbm4b:s28+s2], $0x50, $0x38;
	[tilespmem:$0xF300] =	vst v63  }
0x10d: {  	_ =	swait.ge [sflag:s0], $0x50  }
0x10e: {  	[sflag:s0] =	ssyncset.done $0x0  }
0x10f: {  	[sflag:s0] =	ssyncadd.s32 $0xFFFFFFB0  }
0x110: {  	[tilespmem:s12], [sflag:$0x2] =	stream.indirect.gather [hbm4b:s3+s7], $0x80, s26, s7, $0xb8;
	[tilespmem:$0xF300] =	vst v63  }
0x111: {  	_ = 	snop  }
0x112: {  	[tilespmem:s13], [sflag:$0x5] =	stream.indirect.gather [hbm4b:s4+s7], $0x80, s11, s7, $0xb8;
	[tilespmem:$0xF300] =	vst v63  }
0x113: {  	_ =	swait.ge [sflag:s22], $0x2800  }
0x114: {  	[sflag:s22] =	ssyncset.done $0x0  }
0x115: {  	[sflag:s22] =	ssyncadd.s32 $0xFFFFD800  }
0x116: {  	_ =	swait.ge [sflag:s23], $0x2800  }
0x117: {  	[sflag:s23] =	ssyncset.done $0x0  }
0x118: {  	s31 =	rddreg [dreg:$0x8];
	[sflag:s23] =	ssyncadd.s32 $0xFFFFD800  }
0x119: {  	[hbm4b:s31+s2] =	stream.linear.scatter [tilespmem:s16], [sflag:$0x7], $0x2800, $0x38;
	[tilespmem:$0xF300] =	vst v63  }
0x11a: {  	_ =	swait.ge [sflag:s0], $0x2800  }
0x11b: {  	[sflag:s0] =	ssyncset.done $0x0  }
0x11c: {  	s8 =	rddreg [dreg:$0x9];
	[sflag:s0] =	ssyncadd.s32 $0xFFFFD800  }
0x11d: {  	[hbm4b:s8+s2] =	stream.linear.scatter [tilespmem:s17], [sflag:$0x7], $0x2800, $0x38;
	[tilespmem:$0xF300] =	vst v63  }
0x11e: {  	_ =	swait.ge [sflag:s0], $0x2800  }
0x11f: {  	[sflag:s0] =	ssyncset.done $0x0  }
0x120: {  	[sflag:s0] =	ssyncadd.s32 $0xFFFFD800  }
0x121: {  	_ =	swait.ge [sflag:s18], $0x2800  }
0x122: {  	[sflag:s18] =	ssyncset.done $0x0  }
0x123: {  	[sflag:s18] =	ssyncadd.s32 $0xFFFFD800  }
0x124: {  	_ =	swait.ge [sflag:s19], $0x2800  }
0x125: {  	[sflag:s19] =	ssyncset.done $0x0  }
0x126: {  	s11 =	rddreg [dreg:$0xa];
	[sflag:s19] =	ssyncadd.s32 $0xFFFFD800  }
0x127: {  	[hbm4b:s11+s2] =	stream.linear.scatter [tilespmem:s9], [sflag:$0x7], $0x2800, $0x38;
	[tilespmem:$0xF300] =	vst v63  }
0x128: {  	_ =	swait.ge [sflag:s0], $0x2800  }
0x129: {  	[sflag:s0] =	ssyncset.done $0x0  }
0x12a: {  	s24 =	rddreg [dreg:$0xb];
	[sflag:s0] =	ssyncadd.s32 $0xFFFFD800  }
0x12b: {  	[hbm4b:s24+s2] =	stream.linear.scatter [tilespmem:s10], [sflag:$0x7], $0x2800, $0x38;
	[tilespmem:$0xF300] =	vst v63  }
0x12c: {  	_ =	swait.ge [sflag:s0], $0x2800  }
0x12d: {  	[sflag:s0] =	ssyncset.done $0x0  }
0x12e: {  	[sflag:s0] =	ssyncadd.s32 $0xFFFFD800  }
0x12f: {  	_ =	swait.ge [sflag:s20], $0x2800  }
0x130: {  	[sflag:s20] =	ssyncset.done $0x0  }
0x131: {  	[sflag:s20] =	ssyncadd.s32 $0xFFFFD800  }
0x132: {  	_ =	swait.ge [sflag:s21], $0x2800  }
0x133: {  	[sflag:s21] =	ssyncset.done $0x0  }
0x134: {  	s25 =	rddreg [dreg:$0xc];
	[sflag:s21] =	ssyncadd.s32 $0xFFFFD800  }
0x135: {  	[hbm4b:s25+s2] =	stream.linear.scatter [tilespmem:s12], [sflag:$0x7], $0x2800, $0x38;
	[tilespmem:$0xF300] =	vst v63  }
0x136: {  	_ =	swait.ge [sflag:s0], $0x2800  }
0x137: {  	[sflag:s0] =	ssyncset.done $0x0  }
0x138: {  	s26 =	rddreg [dreg:$0xd];
	[sflag:s0] =	ssyncadd.s32 $0xFFFFD800  }
0x139: {  	[hbm4b:s26+s2] =	stream.linear.scatter [tilespmem:s13], [sflag:$0x7], $0x2800, $0x38;
	[tilespmem:$0xF300] =	vst v63  }
0x13a: {  	_ =	swait.ge [sflag:s0], $0x2800  }
0x13b: {  	s28 =	rddreg [dreg:$0x1a]  }
0x13c: {  	s31 =	rddreg [dreg:$0x18];
	s8 =	sadd.s32 $0x1, s28  }
0x13d: {  	p0 =	sne.s32 s8, s31  }
.Ltmp1:
0x13e: {  	_ = 	snop;
	(pc) =	sbr.rel @p0 .LBB2_1-.Ltmp1, $3  }
0x13f: {  	_ =	sdelay $0x1  }
0x140: {  	[sflag:s0] =	ssyncset.done $0x0  }
0x141: {  	[sflag:s0] =	ssyncadd.s32 $0xFFFFD800  }
0x142: {  	_ =	sfence.sel $0x180000  }
0x143: {  	[bflag:$0x0] =	sbarrier.arrive $0xFFFF  }
0x144: {  	_ =	strace $0x90000047  }
0x145: {  	s0 =	stileid.u32;
	[bflag:$0x2] =	sbarrier.arrive $0xFFFF  }
0x146: {  	p0 =	sne.s32 s0, $0x0;
	s0 =	rddreg [dreg:$0x1]  }
0x147: {  	s0 =	sadd.s32 @!p0 $0x100000, s0  }
0x148: {  	[sflag:s0] =	ssyncadd.tile.s32 @!p0 $0x1;
	_ =	shalt  }
.Lfunc_end2:
_tile_overlayer_lowered:
.L_overlay_start_2:
0x149: {  	(tag) =	ssettag $0x2  }
0x14a: {  	s0 =	rddreg [dreg:$0x0];
	s2 =	stileid.u32  }
0x14b: {  	s1 =	rddreg [dreg:$0x1];
	p0 =	sne.s32 s2, $0x0  }
0x14c: {  	s3 =	rddreg [dreg:$0x2];
	[bflag:$0x3] =	sbarrier.arrive $0xFFFF;
	s2 =	simm.s32 @!p0 $0x1C07  }
0x14d: {  	[timem:s3], [sflag:s2] =	dma.local @!p0 [hbm:s0], s1  }
0x14e: {  	s0 =	simm.s32 @!p0 $0x7  }
0x14f: {  	_ =	swait.ge @!p0 [sflag:s0], s1  }
0x150: {  	s1 =	ssub.s32 @!p0 $0x0, s1;
	[sflag:s0] =	ssyncset.done @!p0 $0x0  }
0x151: {  	[sflag:s0] =	ssyncadd.s32 @!p0 s1  }
0x152: {  	[bflag:$0x3] =	sbarrier.arrive $0xFFFF  }
0x153: {  	_ =	shalt  }

</sc_bundles>
